<compile_context>
chip_gen: v7x
topology: tpu7x:2x2x1
jax: 0.10.2.dev20260603
libtpu: 0.0.44.dev20260713+nightly
codegen_flags: <defaults>
</compile_context>

<pallas_src>
import functools
import math

import jax
import jax.numpy as jnp
from jax import lax
from jax.experimental import pallas as pl
from jax.experimental.pallas import tpu as pltpu
from jax.experimental.pallas import tpu_sc as plsc

_SCALE = 64.0
_INV_SCALE = 1.0 / 64.0
_MARGIN = 0.5
_COS_M = math.cos(_MARGIN)
_SIN_M = math.sin(_MARGIN)

_NC = 2
_NS = 16
_NW = _NC * _NS
_LANES = 16

_N = 1024
_C = 100000
_CR = 40
_NCHUNK = _C // _CR
_TSTEPS = 81
_NGRP = _N // _LANES


def _fix_from_x(x):
    a = jnp.maximum(1.0 - x * x, 1e-12)
    bits = lax.bitcast_convert_type(a, jnp.int32)
    y = lax.bitcast_convert_type((bits >> 1) + 0x1FBD1DF5, jnp.float32)
    for _ in range(3):
        y = 0.5 * (y + a / y)
    return _SCALE * (x * _COS_M - y * _SIN_M)


def _sc_arc_margin_t(xt, label):
    mesh = plsc.VectorSubcoreMesh(core_axis_name="c", subcore_axis_name="s")

    @functools.partial(
        pl.kernel,
        mesh=mesh,
        compiler_params=pltpu.CompilerParams(needs_layout_passes=False),
        out_type=jax.ShapeDtypeStruct((_C, _N), jnp.float32),
        scratch_types=[
            pltpu.VMEM((_N,), jnp.int32),
            pltpu.VMEM((_CR, _N), jnp.float32),
            pltpu.VMEM((_CR, _N), jnp.float32),
            pltpu.VMEM((_CR, _N), jnp.float32),
            pltpu.SemaphoreType.DMA,
            pltpu.SemaphoreType.DMA,
            pltpu.SemaphoreType.DMA,
            pltpu.SemaphoreType.DMA,
            pltpu.SemaphoreType.DMA,
            pltpu.SemaphoreType.DMA,
        ],
    )
    def k(x_hbm, lbl_hbm, out_hbm, lbl_v, buf0, buf1, buf2,
          si0, si1, si2, so0, so1, so2):
        wid = lax.axis_index("s") * _NC + lax.axis_index("c")

        pltpu.sync_copy(lbl_hbm, lbl_v)

        bufs = (buf0, buf1, buf2)
        sins = (si0, si1, si2)
        souts = (so0, so1, so2)

        def load(c, b):
            pltpu.async_copy(x_hbm.at[pl.ds(c * _CR, _CR), :], bufs[b], sins[b])

        def wait_load(c, b):
            pltpu.make_async_copy(x_hbm.at[pl.ds(c * _CR, _CR), :],
                                  bufs[b], sins[b]).wait()

        def store(c, b):
            pltpu.async_copy(bufs[b], out_hbm.at[pl.ds(c * _CR, _CR), :],
                             souts[b])

        def wait_store(c, b):
            pltpu.make_async_copy(bufs[b], out_hbm.at[pl.ds(c * _CR, _CR), :],
                                  souts[b]).wait()

        def process(c, b):
            buf = bufs[b]
            r0 = c * _CR

            @plsc.parallel_loop(0, _CR)
            def _row(r):
                for i in range(_N // _LANES):
                    buf[r, pl.ds(i * _LANES, _LANES)] = (
                        buf[r, pl.ds(i * _LANES, _LANES)] * _SCALE)

            @pl.loop(0, _NGRP)
            def _grp(jv):
                lbl = lbl_v[pl.ds(jv * _LANES, _LANES)]
                off = lbl - r0
                m = (off >= 0) & (off < _CR)
                hits = plsc.all_reduce_population_count(m)

                @pl.when(jnp.max(hits) > 0)
                def _():
                    colv = lax.iota(jnp.int32, _LANES) + jv * _LANES
                    offr = jnp.minimum(jnp.maximum(off, 0), _CR - 1)
                    y = plsc.load_gather(buf, [offr, colv], mask=m)
                    fx = _fix_from_x(y * _INV_SCALE)
                    plsc.store_scatter(buf, [offr, colv], fx, mask=m)

        start = 78 * wid + jnp.minimum(wid, 4)
        nw = jnp.where(wid < 4, 79, 78)

        load(start, 0)
        load(start + 1, 1)

        @pl.loop(0, _TSTEPS // 3)
        def _trip(g):
            for b3 in range(3):
                t = 3 * g + b3
                b = b3
                bp = (b3 + 2) % 3
                c = start + t

                @pl.when(t < nw)
                def _():
                    wait_load(c, b)
                    process(c, b)
                    store(c, b)

                @pl.when((t >= 1) & (t - 1 < nw))
                def _():
                    wait_store(c - 1, bp)

                @pl.when(t + 2 < nw)
                def _():
                    load(c + 2, bp)

    return k(xt, label)


def kernel(cosine, label):
    out_t = _sc_arc_margin_t(cosine.T, label.astype(jnp.int32))
    return out_t.T

# --- scband reference (transcript-rebuilt; emitter-appended) ---
"""Pipeline reference for scband-arc-margin-product-if-23175643529410 (READ-ONLY COPY).

The authoritative reference and input builder live on the scoring server;
editing this copy changes nothing except your own understanding.
"""

import jax, jax.numpy as jnp
import numpy as np

S = 64.0
M = 0.5


def setup_inputs(seed: int = 0) -> dict:
    key = jax.random.key(seed)
    k1, k2 = jax.random.split(key)
    # cosine must lie in [-1, 1] for acos; uniform [0, 1) is safe and realistic
    cosine = jax.random.uniform(k1, (1024, 100000), dtype=jnp.float32)
    label = jax.random.randint(k2, (1024,), 0, 100000, dtype=jnp.int64)
    return {"cosine": cosine, "label": label}


def reference(cosine, label):
    # index = torch.where(label != -1)[0]
    valid = label != -1
    N = cosine.shape[0]
    C = cosine.shape[1]
    # m_hot = zeros(n_valid, C); m_hot.scatter_(1, label[index, None], m)
    safe_label = jnp.where(valid, label, 0)
    m_hot = jnp.zeros((N, C), dtype=cosine.dtype)
    margin = jnp.where(valid, jnp.asarray(M, dtype=cosine.dtype), jnp.asarray(0.0, dtype=cosine.dtype))
    m_hot = m_hot.at[jnp.arange(N), safe_label].set(margin)
    # cosine.acos_(); cosine[index] += m_hot; cosine.cos_().mul_(s)
    theta = jnp.arccos(cosine)
    theta = theta + m_hot
    out = jnp.cos(theta) * S
    return out

if __name__ == "__main__":
    import jax
    _d = setup_inputs()
    print(jax.jit(kernel)(*tuple(_d.values())))

</pallas_src>

<mosaic_0001>
#map = affine_map<(d0, d1) -> (0, 0)>
#map1 = affine_map<(d0, d1) -> (0)>
module attributes {stable_mosaic.version = 14 : i64} {
  func.func @k(%arg0: i32, %arg1: i32, %arg2: memref<100000x1024xf32, #tpu.memory_space<hbm>>, %arg3: memref<1024xi32, #tpu.memory_space<hbm>>, %arg4: memref<100000x1024xf32, #tpu.memory_space<hbm>>, %arg5: memref<1024xi32, #tpu.memory_space<vmem>>, %arg6: memref<40x1024xf32, #tpu.memory_space<vmem>>, %arg7: memref<40x1024xf32, #tpu.memory_space<vmem>>, %arg8: memref<40x1024xf32, #tpu.memory_space<vmem>>, %arg9: memref<!tpu.dma_semaphore, #tpu.memory_space<semaphore_mem>>, %arg10: memref<!tpu.dma_semaphore, #tpu.memory_space<semaphore_mem>>, %arg11: memref<!tpu.dma_semaphore, #tpu.memory_space<semaphore_mem>>, %arg12: memref<!tpu.dma_semaphore, #tpu.memory_space<semaphore_mem>>, %arg13: memref<!tpu.dma_semaphore, #tpu.memory_space<semaphore_mem>>, %arg14: memref<!tpu.dma_semaphore, #tpu.memory_space<semaphore_mem>>) attributes {dimension_semantics = [#tpu.dimension_semantics<core_parallel>, #tpu.dimension_semantics<subcore_parallel>], iteration_bounds = array<i64: 2, 16>, scalar_prefetch = 0 : i64, scratch_operands = 10 : i64, tpu.core_type = #tpu.core_type<sc_vector_subcore>, window_params = [{transform_indices = #map}, {transform_indices = #map1}, {transform_indices = #map}]} {
    %mul3A = arith.constant 2 : i32
    %mul3A_0 = arith.muli %arg1, %mul3A : i32
    %add3A = arith.addi %mul3A_0, %arg0 : i32
    "tpu.region"() ({
      %run_scoped3A = tpu.sem_alloc : memref<!tpu.dma_semaphore, #tpu.memory_space<semaphore_mem>>
      tpu.enqueue_dma source(%arg3 : memref<1024xi32, #tpu.memory_space<hbm>>) target(%arg5 : memref<1024xi32, #tpu.memory_space<vmem>>) target_semaphore(%run_scoped3A : memref<!tpu.dma_semaphore, #tpu.memory_space<semaphore_mem>>)
      tpu.wait_dma2 semaphore(%run_scoped3A : memref<!tpu.dma_semaphore, #tpu.memory_space<semaphore_mem>>) src(%arg3 : memref<1024xi32, #tpu.memory_space<hbm>>) dst(%arg5 : memref<1024xi32, #tpu.memory_space<vmem>>)
      tpu.yield
    }) : () -> ()
    %mul3A_1 = arith.constant 78 : i32
    %mul3A_2 = arith.muli %mul3A_1, %add3A : i32
    %min3A = arith.constant 4 : i32
    %min3A_3 = arith.minsi %add3A, %min3A : i32
    %add3A_4 = arith.addi %mul3A_2, %min3A_3 : i32
    %lt3A = arith.constant 4 : i32
    %lt3A_5 = arith.cmpi slt, %add3A, %lt3A : i32
    %jit3A = arith.constant 79 : i32
    %jit3A_6 = arith.constant 78 : i32
    %select_n3A = arith.select %lt3A_5, %jit3A, %jit3A_6 : i32
    %mul3A_7 = arith.constant 40 : i32
    %mul3A_8 = arith.muli %add3A_4, %mul3A_7 : i32
    %dma_start3A = arith.constant 0 : i32
    %dma_start3A_9 = tpu.memref_slice %arg2[%mul3A_8, %dma_start3A] : memref<100000x1024xf32, #tpu.memory_space<hbm>> -> memref<40x1024xf32, #tpu.memory_space<hbm>>
    %dma_start3A_10 = arith.constant 0 : i32
    %dma_start3A_11 = tpu.memref_slice %arg2[%mul3A_8, %dma_start3A_10] : memref<100000x1024xf32, #tpu.memory_space<hbm>> -> memref<40x1024xf32, #tpu.memory_space<hbm>>
    tpu.enqueue_dma source(%dma_start3A_11 : memref<40x1024xf32, #tpu.memory_space<hbm>>) target(%arg6 : memref<40x1024xf32, #tpu.memory_space<vmem>>) target_semaphore(%arg9 : memref<!tpu.dma_semaphore, #tpu.memory_space<semaphore_mem>>)
    %add3A_12 = arith.constant 1 : i32
    %add3A_13 = arith.addi %add3A_4, %add3A_12 : i32
    %mul3A_14 = arith.constant 40 : i32
    %mul3A_15 = arith.muli %add3A_13, %mul3A_14 : i32
    %dma_start3A_16 = arith.constant 0 : i32
    %dma_start3A_17 = tpu.memref_slice %arg2[%mul3A_15, %dma_start3A_16] : memref<100000x1024xf32, #tpu.memory_space<hbm>> -> memref<40x1024xf32, #tpu.memory_space<hbm>>
    %dma_start3A_18 = arith.constant 0 : i32
    %dma_start3A_19 = tpu.memref_slice %arg2[%mul3A_15, %dma_start3A_18] : memref<100000x1024xf32, #tpu.memory_space<hbm>> -> memref<40x1024xf32, #tpu.memory_space<hbm>>
    tpu.enqueue_dma source(%dma_start3A_19 : memref<40x1024xf32, #tpu.memory_space<hbm>>) target(%arg7 : memref<40x1024xf32, #tpu.memory_space<vmem>>) target_semaphore(%arg10 : memref<!tpu.dma_semaphore, #tpu.memory_space<semaphore_mem>>)
    %scan3A = arith.constant 0 : i32
    %scan3A_20 = arith.constant 27 : i32
    %scan3A_21 = arith.addi %scan3A, %scan3A_20 : i32
    %scan3A_22 = arith.constant 1 : i32
    scf.for %scan3A_24 = %scan3A to %scan3A_21 step %scan3A_22  : i32 {
      %mul3A_25 = arith.constant 1 : i32
      %mul3A_26 = arith.muli %scan3A_24, %mul3A_25 : i32
      %add3A_27 = arith.constant 0 : i32
      %add3A_28 = arith.addi %add3A_27, %mul3A_26 : i32
      %mul3A_29 = arith.constant 3 : i32
      %mul3A_30 = arith.muli %mul3A_29, %add3A_28 : i32
      %add3A_31 = arith.constant 0 : i32
      %add3A_32 = arith.addi %mul3A_30, %add3A_31 : i32
      %add3A_33 = arith.addi %add3A_4, %add3A_32 : i32
      %lt3A_34 = arith.cmpi slt, %add3A_32, %select_n3A : i32
      %convert_element_type3A = arith.extui %lt3A_34 : i1 to i32
      %cond3A = arith.constant 0 : i32
      %cond3A_35 = arith.cmpi ne, %convert_element_type3A, %cond3A : i32
      scf.if %cond3A_35 {
        %mul3A_96 = arith.constant 40 : i32
        %mul3A_97 = arith.muli %add3A_33, %mul3A_96 : i32
        %dma_wait3A = arith.constant 0 : i32
        %dma_wait3A_98 = tpu.memref_slice %arg2[%mul3A_97, %dma_wait3A] : memref<100000x1024xf32, #tpu.memory_space<hbm>> -> memref<40x1024xf32, #tpu.memory_space<hbm>>
        %dma_wait3A_99 = arith.constant 0 : i32
        %dma_wait3A_100 = tpu.memref_slice %arg2[%mul3A_97, %dma_wait3A_99] : memref<100000x1024xf32, #tpu.memory_space<hbm>> -> memref<40x1024xf32, #tpu.memory_space<hbm>>
        tpu.wait_dma2 semaphore(%arg9 : memref<!tpu.dma_semaphore, #tpu.memory_space<semaphore_mem>>) src(%dma_wait3A_100 : memref<40x1024xf32, #tpu.memory_space<hbm>>) dst(%arg6 : memref<40x1024xf32, #tpu.memory_space<vmem>>)
        %mul3A_101 = arith.constant 40 : i32
        %mul3A_102 = arith.muli %add3A_33, %mul3A_101 : i32
        %parallel_loop3A = arith.constant 0 : i32
        %parallel_loop3A_103 = arith.constant 40 : i32
        %parallel_loop3A_104 = arith.constant 1 : i32
        scf.for %parallel_loop3A_116 = %parallel_loop3A to %parallel_loop3A_103 step %parallel_loop3A_104  : i32 {
          %parallel_loop3A_117 = arith.index_cast %parallel_loop3A_116 : i32 to index
          %parallel_loop3A_118 = arith.constant 0 : index
          %parallel_loop3A_119 = tpu.vector_load %arg6[%parallel_loop3A_117, %parallel_loop3A_118] {strides = array<i32>} : memref<40x1024xf32, #tpu.memory_space<vmem>>, vector<16xf32>,
          %parallel_loop3A_120 = arith.constant 6.400000e+01 : f32
          %parallel_loop3A_121 = vector.broadcast %parallel_loop3A_120 : f32 to vector<16xf32>
          %parallel_loop3A_122 = arith.mulf %parallel_loop3A_119, %parallel_loop3A_121 : vector<16xf32>
          %parallel_loop3A_123 = arith.index_cast %parallel_loop3A_116 : i32 to index
          %parallel_loop3A_124 = arith.constant 0 : index
          %parallel_loop3A_125 = tpu.vector_load %arg6[%parallel_loop3A_123, %parallel_loop3A_124] {strides = array<i32>} : memref<40x1024xf32, #tpu.memory_space<vmem>>, vector<16xf32>,
          tpu.vector_store %arg6[%parallel_loop3A_123, %parallel_loop3A_124], %parallel_loop3A_122 {strides = array<i32>} : memref<40x1024xf32, #tpu.memory_space<vmem>>, vector<16xf32>,
          %parallel_loop3A_126 = arith.index_cast %parallel_loop3A_116 : i32 to index
          %parallel_loop3A_127 = arith.constant 16 : index
          %parallel_loop3A_128 = tpu.vector_load %arg6[%parallel_loop3A_126, %parallel_loop3A_127] {strides = array<i32>} : memref<40x1024xf32, #tpu.memory_space<vmem>>, vector<16xf32>,
          %parallel_loop3A_129 = arith.constant 6.400000e+01 : f32
          %parallel_loop3A_130 = vector.broadcast %parallel_loop3A_129 : f32 to vector<16xf32>
          %parallel_loop3A_131 = arith.mulf %parallel_loop3A_128, %parallel_loop3A_130 : vector<16xf32>
          %parallel_loop3A_132 = arith.index_cast %parallel_loop3A_116 : i32 to index
          %parallel_loop3A_133 = arith.constant 16 : index
          %parallel_loop3A_134 = tpu.vector_load %arg6[%parallel_loop3A_132, %parallel_loop3A_133] {strides = array<i32>} : memref<40x1024xf32, #tpu.memory_space<vmem>>, vector<16xf32>,
          tpu.vector_store %arg6[%parallel_loop3A_132, %parallel_loop3A_133], %parallel_loop3A_131 {strides = array<i32>} : memref<40x1024xf32, #tpu.memory_space<vmem>>, vector<16xf32>,
          %parallel_loop3A_135 = arith.index_cast %parallel_loop3A_116 : i32 to index
          %parallel_loop3A_136 = arith.constant 32 : index
          %parallel_loop3A_137 = tpu.vector_load %arg6[%parallel_loop3A_135, %parallel_loop3A_136] {strides = array<i32>} : memref<40x1024xf32, #tpu.memory_space<vmem>>, vector<16xf32>,
          %parallel_loop3A_138 = arith.constant 6.400000e+01 : f32
          %parallel_loop3A_139 = vector.broadcast %parallel_loop3A_138 : f32 to vector<16xf32>
          %parallel_loop3A_140 = arith.mulf %parallel_loop3A_137, %parallel_loop3A_139 : vector<16xf32>
          %parallel_loop3A_141 = arith.index_cast %parallel_loop3A_116 : i32 to index
          %parallel_loop3A_142 = arith.constant 32 : index
          %parallel_loop3A_143 = tpu.vector_load %arg6[%parallel_loop3A_141, %parallel_loop3A_142] {strides = array<i32>} : memref<40x1024xf32, #tpu.memory_space<vmem>>, vector<16xf32>,
          tpu.vector_store %arg6[%parallel_loop3A_141, %parallel_loop3A_142], %parallel_loop3A_140 {strides = array<i32>} : memref<40x1024xf32, #tpu.memory_space<vmem>>, vector<16xf32>,
          %parallel_loop3A_144 = arith.index_cast %parallel_loop3A_116 : i32 to index
          %parallel_loop3A_145 = arith.constant 48 : index
          %parallel_loop3A_146 = tpu.vector_load %arg6[%parallel_loop3A_144, %parallel_loop3A_145] {strides = array<i32>} : memref<40x1024xf32, #tpu.memory_space<vmem>>, vector<16xf32>,
          %parallel_loop3A_147 = arith.constant 6.400000e+01 : f32
          %parallel_loop3A_148 = vector.broadcast %parallel_loop3A_147 : f32 to vector<16xf32>
          %parallel_loop3A_149 = arith.mulf %parallel_loop3A_146, %parallel_loop3A_148 : vector<16xf32>
          %parallel_loop3A_150 = arith.index_cast %parallel_loop3A_116 : i32 to index
          %parallel_loop3A_151 = arith.constant 48 : index
          %parallel_loop3A_152 = tpu.vector_load %arg6[%parallel_loop3A_150, %parallel_loop3A_151] {strides = array<i32>} : memref<40x1024xf32, #tpu.memory_space<vmem>>, vector<16xf32>,
          tpu.vector_store %arg6[%parallel_loop3A_150, %parallel_loop3A_151], %parallel_loop3A_149 {strides = array<i32>} : memref<40x1024xf32, #tpu.memory_space<vmem>>, vector<16xf32>,
          %parallel_loop3A_153 = arith.index_cast %parallel_loop3A_116 : i32 to index
          %parallel_loop3A_154 = arith.constant 64 : index
          %parallel_loop3A_155 = tpu.vector_load %arg6[%parallel_loop3A_153, %parallel_loop3A_154] {strides = array<i32>} : memref<40x1024xf32, #tpu.memory_space<vmem>>, vector<16xf32>,
          %parallel_loop3A_156 = arith.constant 6.400000e+01 : f32
          %parallel_loop3A_157 = vector.broadcast %parallel_loop3A_156 : f32 to vector<16xf32>
          %parallel_loop3A_158 = arith.mulf %parallel_loop3A_155, %parallel_loop3A_157 : vector<16xf32>
          %parallel_loop3A_159 = arith.index_cast %parallel_loop3A_116 : i32 to index
          %parallel_loop3A_160 = arith.constant 64 : index
          %parallel_loop3A_161 = tpu.vector_load %arg6[%parallel_loop3A_159, %parallel_loop3A_160] {strides = array<i32>} : memref<40x1024xf32, #tpu.memory_space<vmem>>, vector<16xf32>,
          tpu.vector_store %arg6[%parallel_loop3A_159, %parallel_loop3A_160], %parallel_loop3A_158 {strides = array<i32>} : memref<40x1024xf32, #tpu.memory_space<vmem>>, vector<16xf32>,
          %parallel_loop3A_162 = arith.index_cast %parallel_loop3A_116 : i32 to index
          %parallel_loop3A_163 = arith.constant 80 : index
          %parallel_loop3A_164 = tpu.vector_load %arg6[%parallel_loop3A_162, %parallel_loop3A_163] {strides = array<i32>} : memref<40x1024xf32, #tpu.memory_space<vmem>>, vector<16xf32>,
          %parallel_loop3A_165 = arith.constant 6.400000e+01 : f32
          %parallel_loop3A_166 = vector.broadcast %parallel_loop3A_165 : f32 to vector<16xf32>
          %parallel_loop3A_167 = arith.mulf %parallel_loop3A_164, %parallel_loop3A_166 : vector<16xf32>
          %parallel_loop3A_168 = arith.index_cast %parallel_loop3A_116 : i32 to index
          %parallel_loop3A_169 = arith.constant 80 : index
          %parallel_loop3A_170 = tpu.vector_load %arg6[%parallel_loop3A_168, %parallel_loop3A_169] {strides = array<i32>} : memref<40x1024xf32, #tpu.memory_space<vmem>>, vector<16xf32>,
          tpu.vector_store %arg6[%parallel_loop3A_168, %parallel_loop3A_169], %parallel_loop3A_167 {strides = array<i32>} : memref<40x1024xf32, #tpu.memory_space<vmem>>, vector<16xf32>,
          %parallel_loop3A_171 = arith.index_cast %parallel_loop3A_116 : i32 to index
          %parallel_loop3A_172 = arith.constant 96 : index
          %parallel_loop3A_173 = tpu.vector_load %arg6[%parallel_loop3A_171, %parallel_loop3A_172] {strides = array<i32>} : memref<40x1024xf32, #tpu.memory_space<vmem>>, vector<16xf32>,
          %parallel_loop3A_174 = arith.constant 6.400000e+01 : f32
          %parallel_loop3A_175 = vector.broadcast %parallel_loop3A_174 : f32 to vector<16xf32>
          %parallel_loop3A_176 = arith.mulf %parallel_loop3A_173, %parallel_loop3A_175 : vector<16xf32>
          %parallel_loop3A_177 = arith.index_cast %parallel_loop3A_116 : i32 to index
          %parallel_loop3A_178 = arith.constant 96 : index
          %parallel_loop3A_179 = tpu.vector_load %arg6[%parallel_loop3A_177, %parallel_loop3A_178] {strides = array<i32>} : memref<40x1024xf32, #tpu.memory_space<vmem>>, vector<16xf32>,
          tpu.vector_store %arg6[%parallel_loop3A_177, %parallel_loop3A_178], %parallel_loop3A_176 {strides = array<i32>} : memref<40x1024xf32, #tpu.memory_space<vmem>>, vector<16xf32>,
          %parallel_loop3A_180 = arith.index_cast %parallel_loop3A_116 : i32 to index
          %parallel_loop3A_181 = arith.constant 112 : index
          %parallel_loop3A_182 = tpu.vector_load %arg6[%parallel_loop3A_180, %parallel_loop3A_181] {strides = array<i32>} : memref<40x1024xf32, #tpu.memory_space<vmem>>, vector<16xf32>,
          %parallel_loop3A_183 = arith.constant 6.400000e+01 : f32
          %parallel_loop3A_184 = vector.broadcast %parallel_loop3A_183 : f32 to vector<16xf32>
          %parallel_loop3A_185 = arith.mulf %parallel_loop3A_182, %parallel_loop3A_184 : vector<16xf32>
          %parallel_loop3A_186 = arith.index_cast %parallel_loop3A_116 : i32 to index
          %parallel_loop3A_187 = arith.constant 112 : index
          %parallel_loop3A_188 = tpu.vector_load %arg6[%parallel_loop3A_186, %parallel_loop3A_187] {strides = array<i32>} : memref<40x1024xf32, #tpu.memory_space<vmem>>, vector<16xf32>,
          tpu.vector_store %arg6[%parallel_loop3A_186, %parallel_loop3A_187], %parallel_loop3A_185 {strides = array<i32>} : memref<40x1024xf32, #tpu.memory_space<vmem>>, vector<16xf32>,
          %parallel_loop3A_189 = arith.index_cast %parallel_loop3A_116 : i32 to index
          %parallel_loop3A_190 = arith.constant 128 : index
          %parallel_loop3A_191 = tpu.vector_load %arg6[%parallel_loop3A_189, %parallel_loop3A_190] {strides = array<i32>} : memref<40x1024xf32, #tpu.memory_space<vmem>>, vector<16xf32>,
          %parallel_loop3A_192 = arith.constant 6.400000e+01 : f32
          %parallel_loop3A_193 = vector.broadcast %parallel_loop3A_192 : f32 to vector<16xf32>
          %parallel_loop3A_194 = arith.mulf %parallel_loop3A_191, %parallel_loop3A_193 : vector<16xf32>
          %parallel_loop3A_195 = arith.index_cast %parallel_loop3A_116 : i32 to index
          %parallel_loop3A_196 = arith.constant 128 : index
          %parallel_loop3A_197 = tpu.vector_load %arg6[%parallel_loop3A_195, %parallel_loop3A_196] {strides = array<i32>} : memref<40x1024xf32, #tpu.memory_space<vmem>>, vector<16xf32>,
          tpu.vector_store %arg6[%parallel_loop3A_195, %parallel_loop3A_196], %parallel_loop3A_194 {strides = array<i32>} : memref<40x1024xf32, #tpu.memory_space<vmem>>, vector<16xf32>,
          %parallel_loop3A_198 = arith.index_cast %parallel_loop3A_116 : i32 to index
          %parallel_loop3A_199 = arith.constant 144 : index
          %parallel_loop3A_200 = tpu.vector_load %arg6[%parallel_loop3A_198, %parallel_loop3A_199] {strides = array<i32>} : memref<40x1024xf32, #tpu.memory_space<vmem>>, vector<16xf32>,
          %parallel_loop3A_201 = arith.constant 6.400000e+01 : f32
          %parallel_loop3A_202 = vector.broadcast %parallel_loop3A_201 : f32 to vector<16xf32>
          %parallel_loop3A_203 = arith.mulf %parallel_loop3A_200, %parallel_loop3A_202 : vector<16xf32>
          %parallel_loop3A_204 = arith.index_cast %parallel_loop3A_116 : i32 to index
          %parallel_loop3A_205 = arith.constant 144 : index
          %parallel_loop3A_206 = tpu.vector_load %arg6[%parallel_loop3A_204, %parallel_loop3A_205] {strides = array<i32>} : memref<40x1024xf32, #tpu.memory_space<vmem>>, vector<16xf32>,
          tpu.vector_store %arg6[%parallel_loop3A_204, %parallel_loop3A_205], %parallel_loop3A_203 {strides = array<i32>} : memref<40x1024xf32, #tpu.memory_space<vmem>>, vector<16xf32>,
          %parallel_loop3A_207 = arith.index_cast %parallel_loop3A_116 : i32 to index
          %parallel_loop3A_208 = arith.constant 160 : index
          %parallel_loop3A_209 = tpu.vector_load %arg6[%parallel_loop3A_207, %parallel_loop3A_208] {strides = array<i32>} : memref<40x1024xf32, #tpu.memory_space<vmem>>, vector<16xf32>,
          %parallel_loop3A_210 = arith.constant 6.400000e+01 : f32
          %parallel_loop3A_211 = vector.broadcast %parallel_loop3A_210 : f32 to vector<16xf32>
          %parallel_loop3A_212 = arith.mulf %parallel_loop3A_209, %parallel_loop3A_211 : vector<16xf32>
          %parallel_loop3A_213 = arith.index_cast %parallel_loop3A_116 : i32 to index
          %parallel_loop3A_214 = arith.constant 160 : index
          %parallel_loop3A_215 = tpu.vector_load %arg6[%parallel_loop3A_213, %parallel_loop3A_214] {strides = array<i32>} : memref<40x1024xf32, #tpu.memory_space<vmem>>, vector<16xf32>,
          tpu.vector_store %arg6[%parallel_loop3A_213, %parallel_loop3A_214], %parallel_loop3A_212 {strides = array<i32>} : memref<40x1024xf32, #tpu.memory_space<vmem>>, vector<16xf32>,
          %parallel_loop3A_216 = arith.index_cast %parallel_loop3A_116 : i32 to index
          %parallel_loop3A_217 = arith.constant 176 : index
          %parallel_loop3A_218 = tpu.vector_load %arg6[%parallel_loop3A_216, %parallel_loop3A_217] {strides = array<i32>} : memref<40x1024xf32, #tpu.memory_space<vmem>>, vector<16xf32>,
          %parallel_loop3A_219 = arith.constant 6.400000e+01 : f32
          %parallel_loop3A_220 = vector.broadcast %parallel_loop3A_219 : f32 to vector<16xf32>
          %parallel_loop3A_221 = arith.mulf %parallel_loop3A_218, %parallel_loop3A_220 : vector<16xf32>
          %parallel_loop3A_222 = arith.index_cast %parallel_loop3A_116 : i32 to index
          %parallel_loop3A_223 = arith.constant 176 : index
          %parallel_loop3A_224 = tpu.vector_load %arg6[%parallel_loop3A_222, %parallel_loop3A_223] {strides = array<i32>} : memref<40x1024xf32, #tpu.memory_space<vmem>>, vector<16xf32>,
          tpu.vector_store %arg6[%parallel_loop3A_222, %parallel_loop3A_223], %parallel_loop3A_221 {strides = array<i32>} : memref<40x1024xf32, #tpu.memory_space<vmem>>, vector<16xf32>,
          %parallel_loop3A_225 = arith.index_cast %parallel_loop3A_116 : i32 to index
          %parallel_loop3A_226 = arith.constant 192 : index
          %parallel_loop3A_227 = tpu.vector_load %arg6[%parallel_loop3A_225, %parallel_loop3A_226] {strides = array<i32>} : memref<40x1024xf32, #tpu.memory_space<vmem>>, vector<16xf32>,
          %parallel_loop3A_228 = arith.constant 6.400000e+01 : f32
          %parallel_loop3A_229 = vector.broadcast %parallel_loop3A_228 : f32 to vector<16xf32>
          %parallel_loop3A_230 = arith.mulf %parallel_loop3A_227, %parallel_loop3A_229 : vector<16xf32>
          %parallel_loop3A_231 = arith.index_cast %parallel_loop3A_116 : i32 to index
          %parallel_loop3A_232 = arith.constant 192 : index
          %parallel_loop3A_233 = tpu.vector_load %arg6[%parallel_loop3A_231, %parallel_loop3A_232] {strides = array<i32>} : memref<40x1024xf32, #tpu.memory_space<vmem>>, vector<16xf32>,
          tpu.vector_store %arg6[%parallel_loop3A_231, %parallel_loop3A_232], %parallel_loop3A_230 {strides = array<i32>} : memref<40x1024xf32, #tpu.memory_space<vmem>>, vector<16xf32>,
          %parallel_loop3A_234 = arith.index_cast %parallel_loop3A_116 : i32 to index
          %parallel_loop3A_235 = arith.constant 208 : index
          %parallel_loop3A_236 = tpu.vector_load %arg6[%parallel_loop3A_234, %parallel_loop3A_235] {strides = array<i32>} : memref<40x1024xf32, #tpu.memory_space<vmem>>, vector<16xf32>,
          %parallel_loop3A_237 = arith.constant 6.400000e+01 : f32
          %parallel_loop3A_238 = vector.broadcast %parallel_loop3A_237 : f32 to vector<16xf32>
          %parallel_loop3A_239 = arith.mulf %parallel_loop3A_236, %parallel_loop3A_238 : vector<16xf32>
          %parallel_loop3A_240 = arith.index_cast %parallel_loop3A_116 : i32 to index
          %parallel_loop3A_241 = arith.constant 208 : index
          %parallel_loop3A_242 = tpu.vector_load %arg6[%parallel_loop3A_240, %parallel_loop3A_241] {strides = array<i32>} : memref<40x1024xf32, #tpu.memory_space<vmem>>, vector<16xf32>,
          tpu.vector_store %arg6[%parallel_loop3A_240, %parallel_loop3A_241], %parallel_loop3A_239 {strides = array<i32>} : memref<40x1024xf32, #tpu.memory_space<vmem>>, vector<16xf32>,
          %parallel_loop3A_243 = arith.index_cast %parallel_loop3A_116 : i32 to index
          %parallel_loop3A_244 = arith.constant 224 : index
          %parallel_loop3A_245 = tpu.vector_load %arg6[%parallel_loop3A_243, %parallel_loop3A_244] {strides = array<i32>} : memref<40x1024xf32, #tpu.memory_space<vmem>>, vector<16xf32>,
          %parallel_loop3A_246 = arith.constant 6.400000e+01 : f32
          %parallel_loop3A_247 = vector.broadcast %parallel_loop3A_246 : f32 to vector<16xf32>
          %parallel_loop3A_248 = arith.mulf %parallel_loop3A_245, %parallel_loop3A_247 : vector<16xf32>
          %parallel_loop3A_249 = arith.index_cast %parallel_loop3A_116 : i32 to index
          %parallel_loop3A_250 = arith.constant 224 : index
          %parallel_loop3A_251 = tpu.vector_load %arg6[%parallel_loop3A_249, %parallel_loop3A_250] {strides = array<i32>} : memref<40x1024xf32, #tpu.memory_space<vmem>>, vector<16xf32>,
          tpu.vector_store %arg6[%parallel_loop3A_249, %parallel_loop3A_250], %parallel_loop3A_248 {strides = array<i32>} : memref<40x1024xf32, #tpu.memory_space<vmem>>, vector<16xf32>,
          %parallel_loop3A_252 = arith.index_cast %parallel_loop3A_116 : i32 to index
          %parallel_loop3A_253 = arith.constant 240 : index
          %parallel_loop3A_254 = tpu.vector_load %arg6[%parallel_loop3A_252, %parallel_loop3A_253] {strides = array<i32>} : memref<40x1024xf32, #tpu.memory_space<vmem>>, vector<16xf32>,
          %parallel_loop3A_255 = arith.constant 6.400000e+01 : f32
          %parallel_loop3A_256 = vector.broadcast %parallel_loop3A_255 : f32 to vector<16xf32>
          %parallel_loop3A_257 = arith.mulf %parallel_loop3A_254, %parallel_loop3A_256 : vector<16xf32>
          %parallel_loop3A_258 = arith.index_cast %parallel_loop3A_116 : i32 to index
          %parallel_loop3A_259 = arith.constant 240 : index
          %parallel_loop3A_260 = tpu.vector_load %arg6[%parallel_loop3A_258, %parallel_loop3A_259] {strides = array<i32>} : memref<40x1024xf32, #tpu.memory_space<vmem>>, vector<16xf32>,
          tpu.vector_store %arg6[%parallel_loop3A_258, %parallel_loop3A_259], %parallel_loop3A_257 {strides = array<i32>} : memref<40x1024xf32, #tpu.memory_space<vmem>>, vector<16xf32>,
          %parallel_loop3A_261 = arith.index_cast %parallel_loop3A_116 : i32 to index
          %parallel_loop3A_262 = arith.constant 256 : index
          %parallel_loop3A_263 = tpu.vector_load %arg6[%parallel_loop3A_261, %parallel_loop3A_262] {strides = array<i32>} : memref<40x1024xf32, #tpu.memory_space<vmem>>, vector<16xf32>,
          %parallel_loop3A_264 = arith.constant 6.400000e+01 : f32
          %parallel_loop3A_265 = vector.broadcast %parallel_loop3A_264 : f32 to vector<16xf32>
          %parallel_loop3A_266 = arith.mulf %parallel_loop3A_263, %parallel_loop3A_265 : vector<16xf32>
          %parallel_loop3A_267 = arith.index_cast %parallel_loop3A_116 : i32 to index
          %parallel_loop3A_268 = arith.constant 256 : index
          %parallel_loop3A_269 = tpu.vector_load %arg6[%parallel_loop3A_267, %parallel_loop3A_268] {strides = array<i32>} : memref<40x1024xf32, #tpu.memory_space<vmem>>, vector<16xf32>,
          tpu.vector_store %arg6[%parallel_loop3A_267, %parallel_loop3A_268], %parallel_loop3A_266 {strides = array<i32>} : memref<40x1024xf32, #tpu.memory_space<vmem>>, vector<16xf32>,
          %parallel_loop3A_270 = arith.index_cast %parallel_loop3A_116 : i32 to index
          %parallel_loop3A_271 = arith.constant 272 : index
          %parallel_loop3A_272 = tpu.vector_load %arg6[%parallel_loop3A_270, %parallel_loop3A_271] {strides = array<i32>} : memref<40x1024xf32, #tpu.memory_space<vmem>>, vector<16xf32>,
          %parallel_loop3A_273 = arith.constant 6.400000e+01 : f32
          %parallel_loop3A_274 = vector.broadcast %parallel_loop3A_273 : f32 to vector<16xf32>
          %parallel_loop3A_275 = arith.mulf %parallel_loop3A_272, %parallel_loop3A_274 : vector<16xf32>
          %parallel_loop3A_276 = arith.index_cast %parallel_loop3A_116 : i32 to index
          %parallel_loop3A_277 = arith.constant 272 : index
          %parallel_loop3A_278 = tpu.vector_load %arg6[%parallel_loop3A_276, %parallel_loop3A_277] {strides = array<i32>} : memref<40x1024xf32, #tpu.memory_space<vmem>>, vector<16xf32>,
          tpu.vector_store %arg6[%parallel_loop3A_276, %parallel_loop3A_277], %parallel_loop3A_275 {strides = array<i32>} : memref<40x1024xf32, #tpu.memory_space<vmem>>, vector<16xf32>,
          %parallel_loop3A_279 = arith.index_cast %parallel_loop3A_116 : i32 to index
          %parallel_loop3A_280 = arith.constant 288 : index
          %parallel_loop3A_281 = tpu.vector_load %arg6[%parallel_loop3A_279, %parallel_loop3A_280] {strides = array<i32>} : memref<40x1024xf32, #tpu.memory_space<vmem>>, vector<16xf32>,
          %parallel_loop3A_282 = arith.constant 6.400000e+01 : f32
          %parallel_loop3A_283 = vector.broadcast %parallel_loop3A_282 : f32 to vector<16xf32>
          %parallel_loop3A_284 = arith.mulf %parallel_loop3A_281, %parallel_loop3A_283 : vector<16xf32>
          %parallel_loop3A_285 = arith.index_cast %parallel_loop3A_116 : i32 to index
          %parallel_loop3A_286 = arith.constant 288 : index
          %parallel_loop3A_287 = tpu.vector_load %arg6[%parallel_loop3A_285, %parallel_loop3A_286] {strides = array<i32>} : memref<40x1024xf32, #tpu.memory_space<vmem>>, vector<16xf32>,
          tpu.vector_store %arg6[%parallel_loop3A_285, %parallel_loop3A_286], %parallel_loop3A_284 {strides = array<i32>} : memref<40x1024xf32, #tpu.memory_space<vmem>>, vector<16xf32>,
          %parallel_loop3A_288 = arith.index_cast %parallel_loop3A_116 : i32 to index
          %parallel_loop3A_289 = arith.constant 304 : index
          %parallel_loop3A_290 = tpu.vector_load %arg6[%parallel_loop3A_288, %parallel_loop3A_289] {strides = array<i32>} : memref<40x1024xf32, #tpu.memory_space<vmem>>, vector<16xf32>,
          %parallel_loop3A_291 = arith.constant 6.400000e+01 : f32
          %parallel_loop3A_292 = vector.broadcast %parallel_loop3A_291 : f32 to vector<16xf32>
          %parallel_loop3A_293 = arith.mulf %parallel_loop3A_290, %parallel_loop3A_292 : vector<16xf32>
          %parallel_loop3A_294 = arith.index_cast %parallel_loop3A_116 : i32 to index
          %parallel_loop3A_295 = arith.constant 304 : index
          %parallel_loop3A_296 = tpu.vector_load %arg6[%parallel_loop3A_294, %parallel_loop3A_295] {strides = array<i32>} : memref<40x1024xf32, #tpu.memory_space<vmem>>, vector<16xf32>,
          tpu.vector_store %arg6[%parallel_loop3A_294, %parallel_loop3A_295], %parallel_loop3A_293 {strides = array<i32>} : memref<40x1024xf32, #tpu.memory_space<vmem>>, vector<16xf32>,
          %parallel_loop3A_297 = arith.index_cast %parallel_loop3A_116 : i32 to index
          %parallel_loop3A_298 = arith.constant 320 : index
          %parallel_loop3A_299 = tpu.vector_load %arg6[%parallel_loop3A_297, %parallel_loop3A_298] {strides = array<i32>} : memref<40x1024xf32, #tpu.memory_space<vmem>>, vector<16xf32>,
          %parallel_loop3A_300 = arith.constant 6.400000e+01 : f32
          %parallel_loop3A_301 = vector.broadcast %parallel_loop3A_300 : f32 to vector<16xf32>
          %parallel_loop3A_302 = arith.mulf %parallel_loop3A_299, %parallel_loop3A_301 : vector<16xf32>
          %parallel_loop3A_303 = arith.index_cast %parallel_loop3A_116 : i32 to index
          %parallel_loop3A_304 = arith.constant 320 : index
          %parallel_loop3A_305 = tpu.vector_load %arg6[%parallel_loop3A_303, %parallel_loop3A_304] {strides = array<i32>} : memref<40x1024xf32, #tpu.memory_space<vmem>>, vector<16xf32>,
          tpu.vector_store %arg6[%parallel_loop3A_303, %parallel_loop3A_304], %parallel_loop3A_302 {strides = array<i32>} : memref<40x1024xf32, #tpu.memory_space<vmem>>, vector<16xf32>,
          %parallel_loop3A_306 = arith.index_cast %parallel_loop3A_116 : i32 to index
          %parallel_loop3A_307 = arith.constant 336 : index
          %parallel_loop3A_308 = tpu.vector_load %arg6[%parallel_loop3A_306, %parallel_loop3A_307] {strides = array<i32>} : memref<40x1024xf32, #tpu.memory_space<vmem>>, vector<16xf32>,
          %parallel_loop3A_309 = arith.constant 6.400000e+01 : f32
          %parallel_loop3A_310 = vector.broadcast %parallel_loop3A_309 : f32 to vector<16xf32>
          %parallel_loop3A_311 = arith.mulf %parallel_loop3A_308, %parallel_loop3A_310 : vector<16xf32>
          %parallel_loop3A_312 = arith.index_cast %parallel_loop3A_116 : i32 to index
          %parallel_loop3A_313 = arith.constant 336 : index
          %parallel_loop3A_314 = tpu.vector_load %arg6[%parallel_loop3A_312, %parallel_loop3A_313] {strides = array<i32>} : memref<40x1024xf32, #tpu.memory_space<vmem>>, vector<16xf32>,
          tpu.vector_store %arg6[%parallel_loop3A_312, %parallel_loop3A_313], %parallel_loop3A_311 {strides = array<i32>} : memref<40x1024xf32, #tpu.memory_space<vmem>>, vector<16xf32>,
          %parallel_loop3A_315 = arith.index_cast %parallel_loop3A_116 : i32 to index
          %parallel_loop3A_316 = arith.constant 352 : index
          %parallel_loop3A_317 = tpu.vector_load %arg6[%parallel_loop3A_315, %parallel_loop3A_316] {strides = array<i32>} : memref<40x1024xf32, #tpu.memory_space<vmem>>, vector<16xf32>,
          %parallel_loop3A_318 = arith.constant 6.400000e+01 : f32
          %parallel_loop3A_319 = vector.broadcast %parallel_loop3A_318 : f32 to vector<16xf32>
          %parallel_loop3A_320 = arith.mulf %parallel_loop3A_317, %parallel_loop3A_319 : vector<16xf32>
          %parallel_loop3A_321 = arith.index_cast %parallel_loop3A_116 : i32 to index
          %parallel_loop3A_322 = arith.constant 352 : index
          %parallel_loop3A_323 = tpu.vector_load %arg6[%parallel_loop3A_321, %parallel_loop3A_322] {strides = array<i32>} : memref<40x1024xf32, #tpu.memory_space<vmem>>, vector<16xf32>,
          tpu.vector_store %arg6[%parallel_loop3A_321, %parallel_loop3A_322], %parallel_loop3A_320 {strides = array<i32>} : memref<40x1024xf32, #tpu.memory_space<vmem>>, vector<16xf32>,
          %parallel_loop3A_324 = arith.index_cast %parallel_loop3A_116 : i32 to index
          %parallel_loop3A_325 = arith.constant 368 : index
          %parallel_loop3A_326 = tpu.vector_load %arg6[%parallel_loop3A_324, %parallel_loop3A_325] {strides = array<i32>} : memref<40x1024xf32, #tpu.memory_space<vmem>>, vector<16xf32>,
          %parallel_loop3A_327 = arith.constant 6.400000e+01 : f32
          %parallel_loop3A_328 = vector.broadcast %parallel_loop3A_327 : f32 to vector<16xf32>
          %parallel_loop3A_329 = arith.mulf %parallel_loop3A_326, %parallel_loop3A_328 : vector<16xf32>
          %parallel_loop3A_330 = arith.index_cast %parallel_loop3A_116 : i32 to index
          %parallel_loop3A_331 = arith.constant 368 : index
          %parallel_loop3A_332 = tpu.vector_load %arg6[%parallel_loop3A_330, %parallel_loop3A_331] {strides = array<i32>} : memref<40x1024xf32, #tpu.memory_space<vmem>>, vector<16xf32>,
          tpu.vector_store %arg6[%parallel_loop3A_330, %parallel_loop3A_331], %parallel_loop3A_329 {strides = array<i32>} : memref<40x1024xf32, #tpu.memory_space<vmem>>, vector<16xf32>,
          %parallel_loop3A_333 = arith.index_cast %parallel_loop3A_116 : i32 to index
          %parallel_loop3A_334 = arith.constant 384 : index
          %parallel_loop3A_335 = tpu.vector_load %arg6[%parallel_loop3A_333, %parallel_loop3A_334] {strides = array<i32>} : memref<40x1024xf32, #tpu.memory_space<vmem>>, vector<16xf32>,
          %parallel_loop3A_336 = arith.constant 6.400000e+01 : f32
          %parallel_loop3A_337 = vector.broadcast %parallel_loop3A_336 : f32 to vector<16xf32>
          %parallel_loop3A_338 = arith.mulf %parallel_loop3A_335, %parallel_loop3A_337 : vector<16xf32>
          %parallel_loop3A_339 = arith.index_cast %parallel_loop3A_116 : i32 to index
          %parallel_loop3A_340 = arith.constant 384 : index
          %parallel_loop3A_341 = tpu.vector_load %arg6[%parallel_loop3A_339, %parallel_loop3A_340] {strides = array<i32>} : memref<40x1024xf32, #tpu.memory_space<vmem>>, vector<16xf32>,
          tpu.vector_store %arg6[%parallel_loop3A_339, %parallel_loop3A_340], %parallel_loop3A_338 {strides = array<i32>} : memref<40x1024xf32, #tpu.memory_space<vmem>>, vector<16xf32>,
          %parallel_loop3A_342 = arith.index_cast %parallel_loop3A_116 : i32 to index
          %parallel_loop3A_343 = arith.constant 400 : index
          %parallel_loop3A_344 = tpu.vector_load %arg6[%parallel_loop3A_342, %parallel_loop3A_343] {strides = array<i32>} : memref<40x1024xf32, #tpu.memory_space<vmem>>, vector<16xf32>,
          %parallel_loop3A_345 = arith.constant 6.400000e+01 : f32
          %parallel_loop3A_346 = vector.broadcast %parallel_loop3A_345 : f32 to vector<16xf32>
          %parallel_loop3A_347 = arith.mulf %parallel_loop3A_344, %parallel_loop3A_346 : vector<16xf32>
          %parallel_loop3A_348 = arith.index_cast %parallel_loop3A_116 : i32 to index
          %parallel_loop3A_349 = arith.constant 400 : index
          %parallel_loop3A_350 = tpu.vector_load %arg6[%parallel_loop3A_348, %parallel_loop3A_349] {strides = array<i32>} : memref<40x1024xf32, #tpu.memory_space<vmem>>, vector<16xf32>,
          tpu.vector_store %arg6[%parallel_loop3A_348, %parallel_loop3A_349], %parallel_loop3A_347 {strides = array<i32>} : memref<40x1024xf32, #tpu.memory_space<vmem>>, vector<16xf32>,
          %parallel_loop3A_351 = arith.index_cast %parallel_loop3A_116 : i32 to index
          %parallel_loop3A_352 = arith.constant 416 : index
          %parallel_loop3A_353 = tpu.vector_load %arg6[%parallel_loop3A_351, %parallel_loop3A_352] {strides = array<i32>} : memref<40x1024xf32, #tpu.memory_space<vmem>>, vector<16xf32>,
          %parallel_loop3A_354 = arith.constant 6.400000e+01 : f32
          %parallel_loop3A_355 = vector.broadcast %parallel_loop3A_354 : f32 to vector<16xf32>
          %parallel_loop3A_356 = arith.mulf %parallel_loop3A_353, %parallel_loop3A_355 : vector<16xf32>
          %parallel_loop3A_357 = arith.index_cast %parallel_loop3A_116 : i32 to index
          %parallel_loop3A_358 = arith.constant 416 : index
          %parallel_loop3A_359 = tpu.vector_load %arg6[%parallel_loop3A_357, %parallel_loop3A_358] {strides = array<i32>} : memref<40x1024xf32, #tpu.memory_space<vmem>>, vector<16xf32>,
          tpu.vector_store %arg6[%parallel_loop3A_357, %parallel_loop3A_358], %parallel_loop3A_356 {strides = array<i32>} : memref<40x1024xf32, #tpu.memory_space<vmem>>, vector<16xf32>,
          %parallel_loop3A_360 = arith.index_cast %parallel_loop3A_116 : i32 to index
          %parallel_loop3A_361 = arith.constant 432 : index
          %parallel_loop3A_362 = tpu.vector_load %arg6[%parallel_loop3A_360, %parallel_loop3A_361] {strides = array<i32>} : memref<40x1024xf32, #tpu.memory_space<vmem>>, vector<16xf32>,
          %parallel_loop3A_363 = arith.constant 6.400000e+01 : f32
          %parallel_loop3A_364 = vector.broadcast %parallel_loop3A_363 : f32 to vector<16xf32>
          %parallel_loop3A_365 = arith.mulf %parallel_loop3A_362, %parallel_loop3A_364 : vector<16xf32>
          %parallel_loop3A_366 = arith.index_cast %parallel_loop3A_116 : i32 to index
          %parallel_loop3A_367 = arith.constant 432 : index
          %parallel_loop3A_368 = tpu.vector_load %arg6[%parallel_loop3A_366, %parallel_loop3A_367] {strides = array<i32>} : memref<40x1024xf32, #tpu.memory_space<vmem>>, vector<16xf32>,
          tpu.vector_store %arg6[%parallel_loop3A_366, %parallel_loop3A_367], %parallel_loop3A_365 {strides = array<i32>} : memref<40x1024xf32, #tpu.memory_space<vmem>>, vector<16xf32>,
          %parallel_loop3A_369 = arith.index_cast %parallel_loop3A_116 : i32 to index
          %parallel_loop3A_370 = arith.constant 448 : index
          %parallel_loop3A_371 = tpu.vector_load %arg6[%parallel_loop3A_369, %parallel_loop3A_370] {strides = array<i32>} : memref<40x1024xf32, #tpu.memory_space<vmem>>, vector<16xf32>,
          %parallel_loop3A_372 = arith.constant 6.400000e+01 : f32
          %parallel_loop3A_373 = vector.broadcast %parallel_loop3A_372 : f32 to vector<16xf32>
          %parallel_loop3A_374 = arith.mulf %parallel_loop3A_371, %parallel_loop3A_373 : vector<16xf32>
          %parallel_loop3A_375 = arith.index_cast %parallel_loop3A_116 : i32 to index
          %parallel_loop3A_376 = arith.constant 448 : index
          %parallel_loop3A_377 = tpu.vector_load %arg6[%parallel_loop3A_375, %parallel_loop3A_376] {strides = array<i32>} : memref<40x1024xf32, #tpu.memory_space<vmem>>, vector<16xf32>,
          tpu.vector_store %arg6[%parallel_loop3A_375, %parallel_loop3A_376], %parallel_loop3A_374 {strides = array<i32>} : memref<40x1024xf32, #tpu.memory_space<vmem>>, vector<16xf32>,
          %parallel_loop3A_378 = arith.index_cast %parallel_loop3A_116 : i32 to index
          %parallel_loop3A_379 = arith.constant 464 : index
          %parallel_loop3A_380 = tpu.vector_load %arg6[%parallel_loop3A_378, %parallel_loop3A_379] {strides = array<i32>} : memref<40x1024xf32, #tpu.memory_space<vmem>>, vector<16xf32>,
          %parallel_loop3A_381 = arith.constant 6.400000e+01 : f32
          %parallel_loop3A_382 = vector.broadcast %parallel_loop3A_381 : f32 to vector<16xf32>
          %parallel_loop3A_383 = arith.mulf %parallel_loop3A_380, %parallel_loop3A_382 : vector<16xf32>
          %parallel_loop3A_384 = arith.index_cast %parallel_loop3A_116 : i32 to index
          %parallel_loop3A_385 = arith.constant 464 : index
          %parallel_loop3A_386 = tpu.vector_load %arg6[%parallel_loop3A_384, %parallel_loop3A_385] {strides = array<i32>} : memref<40x1024xf32, #tpu.memory_space<vmem>>, vector<16xf32>,
          tpu.vector_store %arg6[%parallel_loop3A_384, %parallel_loop3A_385], %parallel_loop3A_383 {strides = array<i32>} : memref<40x1024xf32, #tpu.memory_space<vmem>>, vector<16xf32>,
          %parallel_loop3A_387 = arith.index_cast %parallel_loop3A_116 : i32 to index
          %parallel_loop3A_388 = arith.constant 480 : index
          %parallel_loop3A_389 = tpu.vector_load %arg6[%parallel_loop3A_387, %parallel_loop3A_388] {strides = array<i32>} : memref<40x1024xf32, #tpu.memory_space<vmem>>, vector<16xf32>,
          %parallel_loop3A_390 = arith.constant 6.400000e+01 : f32
          %parallel_loop3A_391 = vector.broadcast %parallel_loop3A_390 : f32 to vector<16xf32>
          %parallel_loop3A_392 = arith.mulf %parallel_loop3A_389, %parallel_loop3A_391 : vector<16xf32>
          %parallel_loop3A_393 = arith.index_cast %parallel_loop3A_116 : i32 to index
          %parallel_loop3A_394 = arith.constant 480 : index
          %parallel_loop3A_395 = tpu.vector_load %arg6[%parallel_loop3A_393, %parallel_loop3A_394] {strides = array<i32>} : memref<40x1024xf32, #tpu.memory_space<vmem>>, vector<16xf32>,
          tpu.vector_store %arg6[%parallel_loop3A_393, %parallel_loop3A_394], %parallel_loop3A_392 {strides = array<i32>} : memref<40x1024xf32, #tpu.memory_space<vmem>>, vector<16xf32>,
          %parallel_loop3A_396 = arith.index_cast %parallel_loop3A_116 : i32 to index
          %parallel_loop3A_397 = arith.constant 496 : index
          %parallel_loop3A_398 = tpu.vector_load %arg6[%parallel_loop3A_396, %parallel_loop3A_397] {strides = array<i32>} : memref<40x1024xf32, #tpu.memory_space<vmem>>, vector<16xf32>,
          %parallel_loop3A_399 = arith.constant 6.400000e+01 : f32
          %parallel_loop3A_400 = vector.broadcast %parallel_loop3A_399 : f32 to vector<16xf32>
          %parallel_loop3A_401 = arith.mulf %parallel_loop3A_398, %parallel_loop3A_400 : vector<16xf32>
          %parallel_loop3A_402 = arith.index_cast %parallel_loop3A_116 : i32 to index
          %parallel_loop3A_403 = arith.constant 496 : index
          %parallel_loop3A_404 = tpu.vector_load %arg6[%parallel_loop3A_402, %parallel_loop3A_403] {strides = array<i32>} : memref<40x1024xf32, #tpu.memory_space<vmem>>, vector<16xf32>,
          tpu.vector_store %arg6[%parallel_loop3A_402, %parallel_loop3A_403], %parallel_loop3A_401 {strides = array<i32>} : memref<40x1024xf32, #tpu.memory_space<vmem>>, vector<16xf32>,
          %parallel_loop3A_405 = arith.index_cast %parallel_loop3A_116 : i32 to index
          %parallel_loop3A_406 = arith.constant 512 : index
          %parallel_loop3A_407 = tpu.vector_load %arg6[%parallel_loop3A_405, %parallel_loop3A_406] {strides = array<i32>} : memref<40x1024xf32, #tpu.memory_space<vmem>>, vector<16xf32>,
          %parallel_loop3A_408 = arith.constant 6.400000e+01 : f32
          %parallel_loop3A_409 = vector.broadcast %parallel_loop3A_408 : f32 to vector<16xf32>
          %parallel_loop3A_410 = arith.mulf %parallel_loop3A_407, %parallel_loop3A_409 : vector<16xf32>
          %parallel_loop3A_411 = arith.index_cast %parallel_loop3A_116 : i32 to index
          %parallel_loop3A_412 = arith.constant 512 : index
          %parallel_loop3A_413 = tpu.vector_load %arg6[%parallel_loop3A_411, %parallel_loop3A_412] {strides = array<i32>} : memref<40x1024xf32, #tpu.memory_space<vmem>>, vector<16xf32>,
          tpu.vector_store %arg6[%parallel_loop3A_411, %parallel_loop3A_412], %parallel_loop3A_410 {strides = array<i32>} : memref<40x1024xf32, #tpu.memory_space<vmem>>, vector<16xf32>,
          %parallel_loop3A_414 = arith.index_cast %parallel_loop3A_116 : i32 to index
          %parallel_loop3A_415 = arith.constant 528 : index
          %parallel_loop3A_416 = tpu.vector_load %arg6[%parallel_loop3A_414, %parallel_loop3A_415] {strides = array<i32>} : memref<40x1024xf32, #tpu.memory_space<vmem>>, vector<16xf32>,
          %parallel_loop3A_417 = arith.constant 6.400000e+01 : f32
          %parallel_loop3A_418 = vector.broadcast %parallel_loop3A_417 : f32 to vector<16xf32>
          %parallel_loop3A_419 = arith.mulf %parallel_loop3A_416, %parallel_loop3A_418 : vector<16xf32>
          %parallel_loop3A_420 = arith.index_cast %parallel_loop3A_116 : i32 to index
          %parallel_loop3A_421 = arith.constant 528 : index
          %parallel_loop3A_422 = tpu.vector_load %arg6[%parallel_loop3A_420, %parallel_loop3A_421] {strides = array<i32>} : memref<40x1024xf32, #tpu.memory_space<vmem>>, vector<16xf32>,
          tpu.vector_store %arg6[%parallel_loop3A_420, %parallel_loop3A_421], %parallel_loop3A_419 {strides = array<i32>} : memref<40x1024xf32, #tpu.memory_space<vmem>>, vector<16xf32>,
          %parallel_loop3A_423 = arith.index_cast %parallel_loop3A_116 : i32 to index
          %parallel_loop3A_424 = arith.constant 544 : index
          %parallel_loop3A_425 = tpu.vector_load %arg6[%parallel_loop3A_423, %parallel_loop3A_424] {strides = array<i32>} : memref<40x1024xf32, #tpu.memory_space<vmem>>, vector<16xf32>,
          %parallel_loop3A_426 = arith.constant 6.400000e+01 : f32
          %parallel_loop3A_427 = vector.broadcast %parallel_loop3A_426 : f32 to vector<16xf32>
          %parallel_loop3A_428 = arith.mulf %parallel_loop3A_425, %parallel_loop3A_427 : vector<16xf32>
          %parallel_loop3A_429 = arith.index_cast %parallel_loop3A_116 : i32 to index
          %parallel_loop3A_430 = arith.constant 544 : index
          %parallel_loop3A_431 = tpu.vector_load %arg6[%parallel_loop3A_429, %parallel_loop3A_430] {strides = array<i32>} : memref<40x1024xf32, #tpu.memory_space<vmem>>, vector<16xf32>,
          tpu.vector_store %arg6[%parallel_loop3A_429, %parallel_loop3A_430], %parallel_loop3A_428 {strides = array<i32>} : memref<40x1024xf32, #tpu.memory_space<vmem>>, vector<16xf32>,
          %parallel_loop3A_432 = arith.index_cast %parallel_loop3A_116 : i32 to index
          %parallel_loop3A_433 = arith.constant 560 : index
          %parallel_loop3A_434 = tpu.vector_load %arg6[%parallel_loop3A_432, %parallel_loop3A_433] {strides = array<i32>} : memref<40x1024xf32, #tpu.memory_space<vmem>>, vector<16xf32>,
          %parallel_loop3A_435 = arith.constant 6.400000e+01 : f32
          %parallel_loop3A_436 = vector.broadcast %parallel_loop3A_435 : f32 to vector<16xf32>
          %parallel_loop3A_437 = arith.mulf %parallel_loop3A_434, %parallel_loop3A_436 : vector<16xf32>
          %parallel_loop3A_438 = arith.index_cast %parallel_loop3A_116 : i32 to index
          %parallel_loop3A_439 = arith.constant 560 : index
          %parallel_loop3A_440 = tpu.vector_load %arg6[%parallel_loop3A_438, %parallel_loop3A_439] {strides = array<i32>} : memref<40x1024xf32, #tpu.memory_space<vmem>>, vector<16xf32>,
          tpu.vector_store %arg6[%parallel_loop3A_438, %parallel_loop3A_439], %parallel_loop3A_437 {strides = array<i32>} : memref<40x1024xf32, #tpu.memory_space<vmem>>, vector<16xf32>,
          %parallel_loop3A_441 = arith.index_cast %parallel_loop3A_116 : i32 to index
          %parallel_loop3A_442 = arith.constant 576 : index
          %parallel_loop3A_443 = tpu.vector_load %arg6[%parallel_loop3A_441, %parallel_loop3A_442] {strides = array<i32>} : memref<40x1024xf32, #tpu.memory_space<vmem>>, vector<16xf32>,
          %parallel_loop3A_444 = arith.constant 6.400000e+01 : f32
          %parallel_loop3A_445 = vector.broadcast %parallel_loop3A_444 : f32 to vector<16xf32>
          %parallel_loop3A_446 = arith.mulf %parallel_loop3A_443, %parallel_loop3A_445 : vector<16xf32>
          %parallel_loop3A_447 = arith.index_cast %parallel_loop3A_116 : i32 to index
          %parallel_loop3A_448 = arith.constant 576 : index
          %parallel_loop3A_449 = tpu.vector_load %arg6[%parallel_loop3A_447, %parallel_loop3A_448] {strides = array<i32>} : memref<40x1024xf32, #tpu.memory_space<vmem>>, vector<16xf32>,
          tpu.vector_store %arg6[%parallel_loop3A_447, %parallel_loop3A_448], %parallel_loop3A_446 {strides = array<i32>} : memref<40x1024xf32, #tpu.memory_space<vmem>>, vector<16xf32>,
          %parallel_loop3A_450 = arith.index_cast %parallel_loop3A_116 : i32 to index
          %parallel_loop3A_451 = arith.constant 592 : index
          %parallel_loop3A_452 = tpu.vector_load %arg6[%parallel_loop3A_450, %parallel_loop3A_451] {strides = array<i32>} : memref<40x1024xf32, #tpu.memory_space<vmem>>, vector<16xf32>,
          %parallel_loop3A_453 = arith.constant 6.400000e+01 : f32
          %parallel_loop3A_454 = vector.broadcast %parallel_loop3A_453 : f32 to vector<16xf32>
          %parallel_loop3A_455 = arith.mulf %parallel_loop3A_452, %parallel_loop3A_454 : vector<16xf32>
          %parallel_loop3A_456 = arith.index_cast %parallel_loop3A_116 : i32 to index
          %parallel_loop3A_457 = arith.constant 592 : index
          %parallel_loop3A_458 = tpu.vector_load %arg6[%parallel_loop3A_456, %parallel_loop3A_457] {strides = array<i32>} : memref<40x1024xf32, #tpu.memory_space<vmem>>, vector<16xf32>,
          tpu.vector_store %arg6[%parallel_loop3A_456, %parallel_loop3A_457], %parallel_loop3A_455 {strides = array<i32>} : memref<40x1024xf32, #tpu.memory_space<vmem>>, vector<16xf32>,
          %parallel_loop3A_459 = arith.index_cast %parallel_loop3A_116 : i32 to index
          %parallel_loop3A_460 = arith.constant 608 : index
          %parallel_loop3A_461 = tpu.vector_load %arg6[%parallel_loop3A_459, %parallel_loop3A_460] {strides = array<i32>} : memref<40x1024xf32, #tpu.memory_space<vmem>>, vector<16xf32>,
          %parallel_loop3A_462 = arith.constant 6.400000e+01 : f32
          %parallel_loop3A_463 = vector.broadcast %parallel_loop3A_462 : f32 to vector<16xf32>
          %parallel_loop3A_464 = arith.mulf %parallel_loop3A_461, %parallel_loop3A_463 : vector<16xf32>
          %parallel_loop3A_465 = arith.index_cast %parallel_loop3A_116 : i32 to index
          %parallel_loop3A_466 = arith.constant 608 : index
          %parallel_loop3A_467 = tpu.vector_load %arg6[%parallel_loop3A_465, %parallel_loop3A_466] {strides = array<i32>} : memref<40x1024xf32, #tpu.memory_space<vmem>>, vector<16xf32>,
          tpu.vector_store %arg6[%parallel_loop3A_465, %parallel_loop3A_466], %parallel_loop3A_464 {strides = array<i32>} : memref<40x1024xf32, #tpu.memory_space<vmem>>, vector<16xf32>,
          %parallel_loop3A_468 = arith.index_cast %parallel_loop3A_116 : i32 to index
          %parallel_loop3A_469 = arith.constant 624 : index
          %parallel_loop3A_470 = tpu.vector_load %arg6[%parallel_loop3A_468, %parallel_loop3A_469] {strides = array<i32>} : memref<40x1024xf32, #tpu.memory_space<vmem>>, vector<16xf32>,
          %parallel_loop3A_471 = arith.constant 6.400000e+01 : f32
          %parallel_loop3A_472 = vector.broadcast %parallel_loop3A_471 : f32 to vector<16xf32>
          %parallel_loop3A_473 = arith.mulf %parallel_loop3A_470, %parallel_loop3A_472 : vector<16xf32>
          %parallel_loop3A_474 = arith.index_cast %parallel_loop3A_116 : i32 to index
          %parallel_loop3A_475 = arith.constant 624 : index
          %parallel_loop3A_476 = tpu.vector_load %arg6[%parallel_loop3A_474, %parallel_loop3A_475] {strides = array<i32>} : memref<40x1024xf32, #tpu.memory_space<vmem>>, vector<16xf32>,
          tpu.vector_store %arg6[%parallel_loop3A_474, %parallel_loop3A_475], %parallel_loop3A_473 {strides = array<i32>} : memref<40x1024xf32, #tpu.memory_space<vmem>>, vector<16xf32>,
          %parallel_loop3A_477 = arith.index_cast %parallel_loop3A_116 : i32 to index
          %parallel_loop3A_478 = arith.constant 640 : index
          %parallel_loop3A_479 = tpu.vector_load %arg6[%parallel_loop3A_477, %parallel_loop3A_478] {strides = array<i32>} : memref<40x1024xf32, #tpu.memory_space<vmem>>, vector<16xf32>,
          %parallel_loop3A_480 = arith.constant 6.400000e+01 : f32
          %parallel_loop3A_481 = vector.broadcast %parallel_loop3A_480 : f32 to vector<16xf32>
          %parallel_loop3A_482 = arith.mulf %parallel_loop3A_479, %parallel_loop3A_481 : vector<16xf32>
          %parallel_loop3A_483 = arith.index_cast %parallel_loop3A_116 : i32 to index
          %parallel_loop3A_484 = arith.constant 640 : index
          %parallel_loop3A_485 = tpu.vector_load %arg6[%parallel_loop3A_483, %parallel_loop3A_484] {strides = array<i32>} : memref<40x1024xf32, #tpu.memory_space<vmem>>, vector<16xf32>,
          tpu.vector_store %arg6[%parallel_loop3A_483, %parallel_loop3A_484], %parallel_loop3A_482 {strides = array<i32>} : memref<40x1024xf32, #tpu.memory_space<vmem>>, vector<16xf32>,
          %parallel_loop3A_486 = arith.index_cast %parallel_loop3A_116 : i32 to index
          %parallel_loop3A_487 = arith.constant 656 : index
          %parallel_loop3A_488 = tpu.vector_load %arg6[%parallel_loop3A_486, %parallel_loop3A_487] {strides = array<i32>} : memref<40x1024xf32, #tpu.memory_space<vmem>>, vector<16xf32>,
          %parallel_loop3A_489 = arith.constant 6.400000e+01 : f32
          %parallel_loop3A_490 = vector.broadcast %parallel_loop3A_489 : f32 to vector<16xf32>
          %parallel_loop3A_491 = arith.mulf %parallel_loop3A_488, %parallel_loop3A_490 : vector<16xf32>
          %parallel_loop3A_492 = arith.index_cast %parallel_loop3A_116 : i32 to index
          %parallel_loop3A_493 = arith.constant 656 : index
          %parallel_loop3A_494 = tpu.vector_load %arg6[%parallel_loop3A_492, %parallel_loop3A_493] {strides = array<i32>} : memref<40x1024xf32, #tpu.memory_space<vmem>>, vector<16xf32>,
          tpu.vector_store %arg6[%parallel_loop3A_492, %parallel_loop3A_493], %parallel_loop3A_491 {strides = array<i32>} : memref<40x1024xf32, #tpu.memory_space<vmem>>, vector<16xf32>,
          %parallel_loop3A_495 = arith.index_cast %parallel_loop3A_116 : i32 to index
          %parallel_loop3A_496 = arith.constant 672 : index
          %parallel_loop3A_497 = tpu.vector_load %arg6[%parallel_loop3A_495, %parallel_loop3A_496] {strides = array<i32>} : memref<40x1024xf32, #tpu.memory_space<vmem>>, vector<16xf32>,
          %parallel_loop3A_498 = arith.constant 6.400000e+01 : f32
          %parallel_loop3A_499 = vector.broadcast %parallel_loop3A_498 : f32 to vector<16xf32>
          %parallel_loop3A_500 = arith.mulf %parallel_loop3A_497, %parallel_loop3A_499 : vector<16xf32>
          %parallel_loop3A_501 = arith.index_cast %parallel_loop3A_116 : i32 to index
          %parallel_loop3A_502 = arith.constant 672 : index
          %parallel_loop3A_503 = tpu.vector_load %arg6[%parallel_loop3A_501, %parallel_loop3A_502] {strides = array<i32>} : memref<40x1024xf32, #tpu.memory_space<vmem>>, vector<16xf32>,
          tpu.vector_store %arg6[%parallel_loop3A_501, %parallel_loop3A_502], %parallel_loop3A_500 {strides = array<i32>} : memref<40x1024xf32, #tpu.memory_space<vmem>>, vector<16xf32>,
          %parallel_loop3A_504 = arith.index_cast %parallel_loop3A_116 : i32 to index
          %parallel_loop3A_505 = arith.constant 688 : index
          %parallel_loop3A_506 = tpu.vector_load %arg6[%parallel_loop3A_504, %parallel_loop3A_505] {strides = array<i32>} : memref<40x1024xf32, #tpu.memory_space<vmem>>, vector<16xf32>,
          %parallel_loop3A_507 = arith.constant 6.400000e+01 : f32
          %parallel_loop3A_508 = vector.broadcast %parallel_loop3A_507 : f32 to vector<16xf32>
          %parallel_loop3A_509 = arith.mulf %parallel_loop3A_506, %parallel_loop3A_508 : vector<16xf32>
          %parallel_loop3A_510 = arith.index_cast %parallel_loop3A_116 : i32 to index
          %parallel_loop3A_511 = arith.constant 688 : index
          %parallel_loop3A_512 = tpu.vector_load %arg6[%parallel_loop3A_510, %parallel_loop3A_511] {strides = array<i32>} : memref<40x1024xf32, #tpu.memory_space<vmem>>, vector<16xf32>,
          tpu.vector_store %arg6[%parallel_loop3A_510, %parallel_loop3A_511], %parallel_loop3A_509 {strides = array<i32>} : memref<40x1024xf32, #tpu.memory_space<vmem>>, vector<16xf32>,
          %parallel_loop3A_513 = arith.index_cast %parallel_loop3A_116 : i32 to index
          %parallel_loop3A_514 = arith.constant 704 : index
          %parallel_loop3A_515 = tpu.vector_load %arg6[%parallel_loop3A_513, %parallel_loop3A_514] {strides = array<i32>} : memref<40x1024xf32, #tpu.memory_space<vmem>>, vector<16xf32>,
          %parallel_loop3A_516 = arith.constant 6.400000e+01 : f32
          %parallel_loop3A_517 = vector.broadcast %parallel_loop3A_516 : f32 to vector<16xf32>
          %parallel_loop3A_518 = arith.mulf %parallel_loop3A_515, %parallel_loop3A_517 : vector<16xf32>
          %parallel_loop3A_519 = arith.index_cast %parallel_loop3A_116 : i32 to index
          %parallel_loop3A_520 = arith.constant 704 : index
          %parallel_loop3A_521 = tpu.vector_load %arg6[%parallel_loop3A_519, %parallel_loop3A_520] {strides = array<i32>} : memref<40x1024xf32, #tpu.memory_space<vmem>>, vector<16xf32>,
          tpu.vector_store %arg6[%parallel_loop3A_519, %parallel_loop3A_520], %parallel_loop3A_518 {strides = array<i32>} : memref<40x1024xf32, #tpu.memory_space<vmem>>, vector<16xf32>,
          %parallel_loop3A_522 = arith.index_cast %parallel_loop3A_116 : i32 to index
          %parallel_loop3A_523 = arith.constant 720 : index
          %parallel_loop3A_524 = tpu.vector_load %arg6[%parallel_loop3A_522, %parallel_loop3A_523] {strides = array<i32>} : memref<40x1024xf32, #tpu.memory_space<vmem>>, vector<16xf32>,
          %parallel_loop3A_525 = arith.constant 6.400000e+01 : f32
          %parallel_loop3A_526 = vector.broadcast %parallel_loop3A_525 : f32 to vector<16xf32>
          %parallel_loop3A_527 = arith.mulf %parallel_loop3A_524, %parallel_loop3A_526 : vector<16xf32>
          %parallel_loop3A_528 = arith.index_cast %parallel_loop3A_116 : i32 to index
          %parallel_loop3A_529 = arith.constant 720 : index
          %parallel_loop3A_530 = tpu.vector_load %arg6[%parallel_loop3A_528, %parallel_loop3A_529] {strides = array<i32>} : memref<40x1024xf32, #tpu.memory_space<vmem>>, vector<16xf32>,
          tpu.vector_store %arg6[%parallel_loop3A_528, %parallel_loop3A_529], %parallel_loop3A_527 {strides = array<i32>} : memref<40x1024xf32, #tpu.memory_space<vmem>>, vector<16xf32>,
          %parallel_loop3A_531 = arith.index_cast %parallel_loop3A_116 : i32 to index
          %parallel_loop3A_532 = arith.constant 736 : index
          %parallel_loop3A_533 = tpu.vector_load %arg6[%parallel_loop3A_531, %parallel_loop3A_532] {strides = array<i32>} : memref<40x1024xf32, #tpu.memory_space<vmem>>, vector<16xf32>,
          %parallel_loop3A_534 = arith.constant 6.400000e+01 : f32
          %parallel_loop3A_535 = vector.broadcast %parallel_loop3A_534 : f32 to vector<16xf32>
          %parallel_loop3A_536 = arith.mulf %parallel_loop3A_533, %parallel_loop3A_535 : vector<16xf32>
          %parallel_loop3A_537 = arith.index_cast %parallel_loop3A_116 : i32 to index
          %parallel_loop3A_538 = arith.constant 736 : index
          %parallel_loop3A_539 = tpu.vector_load %arg6[%parallel_loop3A_537, %parallel_loop3A_538] {strides = array<i32>} : memref<40x1024xf32, #tpu.memory_space<vmem>>, vector<16xf32>,
          tpu.vector_store %arg6[%parallel_loop3A_537, %parallel_loop3A_538], %parallel_loop3A_536 {strides = array<i32>} : memref<40x1024xf32, #tpu.memory_space<vmem>>, vector<16xf32>,
          %parallel_loop3A_540 = arith.index_cast %parallel_loop3A_116 : i32 to index
          %parallel_loop3A_541 = arith.constant 752 : index
          %parallel_loop3A_542 = tpu.vector_load %arg6[%parallel_loop3A_540, %parallel_loop3A_541] {strides = array<i32>} : memref<40x1024xf32, #tpu.memory_space<vmem>>, vector<16xf32>,
          %parallel_loop3A_543 = arith.constant 6.400000e+01 : f32
          %parallel_loop3A_544 = vector.broadcast %parallel_loop3A_543 : f32 to vector<16xf32>
          %parallel_loop3A_545 = arith.mulf %parallel_loop3A_542, %parallel_loop3A_544 : vector<16xf32>
          %parallel_loop3A_546 = arith.index_cast %parallel_loop3A_116 : i32 to index
          %parallel_loop3A_547 = arith.constant 752 : index
          %parallel_loop3A_548 = tpu.vector_load %arg6[%parallel_loop3A_546, %parallel_loop3A_547] {strides = array<i32>} : memref<40x1024xf32, #tpu.memory_space<vmem>>, vector<16xf32>,
          tpu.vector_store %arg6[%parallel_loop3A_546, %parallel_loop3A_547], %parallel_loop3A_545 {strides = array<i32>} : memref<40x1024xf32, #tpu.memory_space<vmem>>, vector<16xf32>,
          %parallel_loop3A_549 = arith.index_cast %parallel_loop3A_116 : i32 to index
          %parallel_loop3A_550 = arith.constant 768 : index
          %parallel_loop3A_551 = tpu.vector_load %arg6[%parallel_loop3A_549, %parallel_loop3A_550] {strides = array<i32>} : memref<40x1024xf32, #tpu.memory_space<vmem>>, vector<16xf32>,
          %parallel_loop3A_552 = arith.constant 6.400000e+01 : f32
          %parallel_loop3A_553 = vector.broadcast %parallel_loop3A_552 : f32 to vector<16xf32>
          %parallel_loop3A_554 = arith.mulf %parallel_loop3A_551, %parallel_loop3A_553 : vector<16xf32>
          %parallel_loop3A_555 = arith.index_cast %parallel_loop3A_116 : i32 to index
          %parallel_loop3A_556 = arith.constant 768 : index
          %parallel_loop3A_557 = tpu.vector_load %arg6[%parallel_loop3A_555, %parallel_loop3A_556] {strides = array<i32>} : memref<40x1024xf32, #tpu.memory_space<vmem>>, vector<16xf32>,
          tpu.vector_store %arg6[%parallel_loop3A_555, %parallel_loop3A_556], %parallel_loop3A_554 {strides = array<i32>} : memref<40x1024xf32, #tpu.memory_space<vmem>>, vector<16xf32>,
          %parallel_loop3A_558 = arith.index_cast %parallel_loop3A_116 : i32 to index
          %parallel_loop3A_559 = arith.constant 784 : index
          %parallel_loop3A_560 = tpu.vector_load %arg6[%parallel_loop3A_558, %parallel_loop3A_559] {strides = array<i32>} : memref<40x1024xf32, #tpu.memory_space<vmem>>, vector<16xf32>,
          %parallel_loop3A_561 = arith.constant 6.400000e+01 : f32
          %parallel_loop3A_562 = vector.broadcast %parallel_loop3A_561 : f32 to vector<16xf32>
          %parallel_loop3A_563 = arith.mulf %parallel_loop3A_560, %parallel_loop3A_562 : vector<16xf32>
          %parallel_loop3A_564 = arith.index_cast %parallel_loop3A_116 : i32 to index
          %parallel_loop3A_565 = arith.constant 784 : index
          %parallel_loop3A_566 = tpu.vector_load %arg6[%parallel_loop3A_564, %parallel_loop3A_565] {strides = array<i32>} : memref<40x1024xf32, #tpu.memory_space<vmem>>, vector<16xf32>,
          tpu.vector_store %arg6[%parallel_loop3A_564, %parallel_loop3A_565], %parallel_loop3A_563 {strides = array<i32>} : memref<40x1024xf32, #tpu.memory_space<vmem>>, vector<16xf32>,
          %parallel_loop3A_567 = arith.index_cast %parallel_loop3A_116 : i32 to index
          %parallel_loop3A_568 = arith.constant 800 : index
          %parallel_loop3A_569 = tpu.vector_load %arg6[%parallel_loop3A_567, %parallel_loop3A_568] {strides = array<i32>} : memref<40x1024xf32, #tpu.memory_space<vmem>>, vector<16xf32>,
          %parallel_loop3A_570 = arith.constant 6.400000e+01 : f32
          %parallel_loop3A_571 = vector.broadcast %parallel_loop3A_570 : f32 to vector<16xf32>
          %parallel_loop3A_572 = arith.mulf %parallel_loop3A_569, %parallel_loop3A_571 : vector<16xf32>
          %parallel_loop3A_573 = arith.index_cast %parallel_loop3A_116 : i32 to index
          %parallel_loop3A_574 = arith.constant 800 : index
          %parallel_loop3A_575 = tpu.vector_load %arg6[%parallel_loop3A_573, %parallel_loop3A_574] {strides = array<i32>} : memref<40x1024xf32, #tpu.memory_space<vmem>>, vector<16xf32>,
          tpu.vector_store %arg6[%parallel_loop3A_573, %parallel_loop3A_574], %parallel_loop3A_572 {strides = array<i32>} : memref<40x1024xf32, #tpu.memory_space<vmem>>, vector<16xf32>,
          %parallel_loop3A_576 = arith.index_cast %parallel_loop3A_116 : i32 to index
          %parallel_loop3A_577 = arith.constant 816 : index
          %parallel_loop3A_578 = tpu.vector_load %arg6[%parallel_loop3A_576, %parallel_loop3A_577] {strides = array<i32>} : memref<40x1024xf32, #tpu.memory_space<vmem>>, vector<16xf32>,
          %parallel_loop3A_579 = arith.constant 6.400000e+01 : f32
          %parallel_loop3A_580 = vector.broadcast %parallel_loop3A_579 : f32 to vector<16xf32>
          %parallel_loop3A_581 = arith.mulf %parallel_loop3A_578, %parallel_loop3A_580 : vector<16xf32>
          %parallel_loop3A_582 = arith.index_cast %parallel_loop3A_116 : i32 to index
          %parallel_loop3A_583 = arith.constant 816 : index
          %parallel_loop3A_584 = tpu.vector_load %arg6[%parallel_loop3A_582, %parallel_loop3A_583] {strides = array<i32>} : memref<40x1024xf32, #tpu.memory_space<vmem>>, vector<16xf32>,
          tpu.vector_store %arg6[%parallel_loop3A_582, %parallel_loop3A_583], %parallel_loop3A_581 {strides = array<i32>} : memref<40x1024xf32, #tpu.memory_space<vmem>>, vector<16xf32>,
          %parallel_loop3A_585 = arith.index_cast %parallel_loop3A_116 : i32 to index
          %parallel_loop3A_586 = arith.constant 832 : index
          %parallel_loop3A_587 = tpu.vector_load %arg6[%parallel_loop3A_585, %parallel_loop3A_586] {strides = array<i32>} : memref<40x1024xf32, #tpu.memory_space<vmem>>, vector<16xf32>,
          %parallel_loop3A_588 = arith.constant 6.400000e+01 : f32
          %parallel_loop3A_589 = vector.broadcast %parallel_loop3A_588 : f32 to vector<16xf32>
          %parallel_loop3A_590 = arith.mulf %parallel_loop3A_587, %parallel_loop3A_589 : vector<16xf32>
          %parallel_loop3A_591 = arith.index_cast %parallel_loop3A_116 : i32 to index
          %parallel_loop3A_592 = arith.constant 832 : index
          %parallel_loop3A_593 = tpu.vector_load %arg6[%parallel_loop3A_591, %parallel_loop3A_592] {strides = array<i32>} : memref<40x1024xf32, #tpu.memory_space<vmem>>, vector<16xf32>,
          tpu.vector_store %arg6[%parallel_loop3A_591, %parallel_loop3A_592], %parallel_loop3A_590 {strides = array<i32>} : memref<40x1024xf32, #tpu.memory_space<vmem>>, vector<16xf32>,
          %parallel_loop3A_594 = arith.index_cast %parallel_loop3A_116 : i32 to index
          %parallel_loop3A_595 = arith.constant 848 : index
          %parallel_loop3A_596 = tpu.vector_load %arg6[%parallel_loop3A_594, %parallel_loop3A_595] {strides = array<i32>} : memref<40x1024xf32, #tpu.memory_space<vmem>>, vector<16xf32>,
          %parallel_loop3A_597 = arith.constant 6.400000e+01 : f32
          %parallel_loop3A_598 = vector.broadcast %parallel_loop3A_597 : f32 to vector<16xf32>
          %parallel_loop3A_599 = arith.mulf %parallel_loop3A_596, %parallel_loop3A_598 : vector<16xf32>
          %parallel_loop3A_600 = arith.index_cast %parallel_loop3A_116 : i32 to index
          %parallel_loop3A_601 = arith.constant 848 : index
          %parallel_loop3A_602 = tpu.vector_load %arg6[%parallel_loop3A_600, %parallel_loop3A_601] {strides = array<i32>} : memref<40x1024xf32, #tpu.memory_space<vmem>>, vector<16xf32>,
          tpu.vector_store %arg6[%parallel_loop3A_600, %parallel_loop3A_601], %parallel_loop3A_599 {strides = array<i32>} : memref<40x1024xf32, #tpu.memory_space<vmem>>, vector<16xf32>,
          %parallel_loop3A_603 = arith.index_cast %parallel_loop3A_116 : i32 to index
          %parallel_loop3A_604 = arith.constant 864 : index
          %parallel_loop3A_605 = tpu.vector_load %arg6[%parallel_loop3A_603, %parallel_loop3A_604] {strides = array<i32>} : memref<40x1024xf32, #tpu.memory_space<vmem>>, vector<16xf32>,
          %parallel_loop3A_606 = arith.constant 6.400000e+01 : f32
          %parallel_loop3A_607 = vector.broadcast %parallel_loop3A_606 : f32 to vector<16xf32>
          %parallel_loop3A_608 = arith.mulf %parallel_loop3A_605, %parallel_loop3A_607 : vector<16xf32>
          %parallel_loop3A_609 = arith.index_cast %parallel_loop3A_116 : i32 to index
          %parallel_loop3A_610 = arith.constant 864 : index
          %parallel_loop3A_611 = tpu.vector_load %arg6[%parallel_loop3A_609, %parallel_loop3A_610] {strides = array<i32>} : memref<40x1024xf32, #tpu.memory_space<vmem>>, vector<16xf32>,
          tpu.vector_store %arg6[%parallel_loop3A_609, %parallel_loop3A_610], %parallel_loop3A_608 {strides = array<i32>} : memref<40x1024xf32, #tpu.memory_space<vmem>>, vector<16xf32>,
          %parallel_loop3A_612 = arith.index_cast %parallel_loop3A_116 : i32 to index
          %parallel_loop3A_613 = arith.constant 880 : index
          %parallel_loop3A_614 = tpu.vector_load %arg6[%parallel_loop3A_612, %parallel_loop3A_613] {strides = array<i32>} : memref<40x1024xf32, #tpu.memory_space<vmem>>, vector<16xf32>,
          %parallel_loop3A_615 = arith.constant 6.400000e+01 : f32
          %parallel_loop3A_616 = vector.broadcast %parallel_loop3A_615 : f32 to vector<16xf32>
          %parallel_loop3A_617 = arith.mulf %parallel_loop3A_614, %parallel_loop3A_616 : vector<16xf32>
          %parallel_loop3A_618 = arith.index_cast %parallel_loop3A_116 : i32 to index
          %parallel_loop3A_619 = arith.constant 880 : index
          %parallel_loop3A_620 = tpu.vector_load %arg6[%parallel_loop3A_618, %parallel_loop3A_619] {strides = array<i32>} : memref<40x1024xf32, #tpu.memory_space<vmem>>, vector<16xf32>,
          tpu.vector_store %arg6[%parallel_loop3A_618, %parallel_loop3A_619], %parallel_loop3A_617 {strides = array<i32>} : memref<40x1024xf32, #tpu.memory_space<vmem>>, vector<16xf32>,
          %parallel_loop3A_621 = arith.index_cast %parallel_loop3A_116 : i32 to index
          %parallel_loop3A_622 = arith.constant 896 : index
          %parallel_loop3A_623 = tpu.vector_load %arg6[%parallel_loop3A_621, %parallel_loop3A_622] {strides = array<i32>} : memref<40x1024xf32, #tpu.memory_space<vmem>>, vector<16xf32>,
          %parallel_loop3A_624 = arith.constant 6.400000e+01 : f32
          %parallel_loop3A_625 = vector.broadcast %parallel_loop3A_624 : f32 to vector<16xf32>
          %parallel_loop3A_626 = arith.mulf %parallel_loop3A_623, %parallel_loop3A_625 : vector<16xf32>
          %parallel_loop3A_627 = arith.index_cast %parallel_loop3A_116 : i32 to index
          %parallel_loop3A_628 = arith.constant 896 : index
          %parallel_loop3A_629 = tpu.vector_load %arg6[%parallel_loop3A_627, %parallel_loop3A_628] {strides = array<i32>} : memref<40x1024xf32, #tpu.memory_space<vmem>>, vector<16xf32>,
          tpu.vector_store %arg6[%parallel_loop3A_627, %parallel_loop3A_628], %parallel_loop3A_626 {strides = array<i32>} : memref<40x1024xf32, #tpu.memory_space<vmem>>, vector<16xf32>,
          %parallel_loop3A_630 = arith.index_cast %parallel_loop3A_116 : i32 to index
          %parallel_loop3A_631 = arith.constant 912 : index
          %parallel_loop3A_632 = tpu.vector_load %arg6[%parallel_loop3A_630, %parallel_loop3A_631] {strides = array<i32>} : memref<40x1024xf32, #tpu.memory_space<vmem>>, vector<16xf32>,
          %parallel_loop3A_633 = arith.constant 6.400000e+01 : f32
          %parallel_loop3A_634 = vector.broadcast %parallel_loop3A_633 : f32 to vector<16xf32>
          %parallel_loop3A_635 = arith.mulf %parallel_loop3A_632, %parallel_loop3A_634 : vector<16xf32>
          %parallel_loop3A_636 = arith.index_cast %parallel_loop3A_116 : i32 to index
          %parallel_loop3A_637 = arith.constant 912 : index
          %parallel_loop3A_638 = tpu.vector_load %arg6[%parallel_loop3A_636, %parallel_loop3A_637] {strides = array<i32>} : memref<40x1024xf32, #tpu.memory_space<vmem>>, vector<16xf32>,
          tpu.vector_store %arg6[%parallel_loop3A_636, %parallel_loop3A_637], %parallel_loop3A_635 {strides = array<i32>} : memref<40x1024xf32, #tpu.memory_space<vmem>>, vector<16xf32>,
          %parallel_loop3A_639 = arith.index_cast %parallel_loop3A_116 : i32 to index
          %parallel_loop3A_640 = arith.constant 928 : index
          %parallel_loop3A_641 = tpu.vector_load %arg6[%parallel_loop3A_639, %parallel_loop3A_640] {strides = array<i32>} : memref<40x1024xf32, #tpu.memory_space<vmem>>, vector<16xf32>,
          %parallel_loop3A_642 = arith.constant 6.400000e+01 : f32
          %parallel_loop3A_643 = vector.broadcast %parallel_loop3A_642 : f32 to vector<16xf32>
          %parallel_loop3A_644 = arith.mulf %parallel_loop3A_641, %parallel_loop3A_643 : vector<16xf32>
          %parallel_loop3A_645 = arith.index_cast %parallel_loop3A_116 : i32 to index
          %parallel_loop3A_646 = arith.constant 928 : index
          %parallel_loop3A_647 = tpu.vector_load %arg6[%parallel_loop3A_645, %parallel_loop3A_646] {strides = array<i32>} : memref<40x1024xf32, #tpu.memory_space<vmem>>, vector<16xf32>,
          tpu.vector_store %arg6[%parallel_loop3A_645, %parallel_loop3A_646], %parallel_loop3A_644 {strides = array<i32>} : memref<40x1024xf32, #tpu.memory_space<vmem>>, vector<16xf32>,
          %parallel_loop3A_648 = arith.index_cast %parallel_loop3A_116 : i32 to index
          %parallel_loop3A_649 = arith.constant 944 : index
          %parallel_loop3A_650 = tpu.vector_load %arg6[%parallel_loop3A_648, %parallel_loop3A_649] {strides = array<i32>} : memref<40x1024xf32, #tpu.memory_space<vmem>>, vector<16xf32>,
          %parallel_loop3A_651 = arith.constant 6.400000e+01 : f32
          %parallel_loop3A_652 = vector.broadcast %parallel_loop3A_651 : f32 to vector<16xf32>
          %parallel_loop3A_653 = arith.mulf %parallel_loop3A_650, %parallel_loop3A_652 : vector<16xf32>
          %parallel_loop3A_654 = arith.index_cast %parallel_loop3A_116 : i32 to index
          %parallel_loop3A_655 = arith.constant 944 : index
          %parallel_loop3A_656 = tpu.vector_load %arg6[%parallel_loop3A_654, %parallel_loop3A_655] {strides = array<i32>} : memref<40x1024xf32, #tpu.memory_space<vmem>>, vector<16xf32>,
          tpu.vector_store %arg6[%parallel_loop3A_654, %parallel_loop3A_655], %parallel_loop3A_653 {strides = array<i32>} : memref<40x1024xf32, #tpu.memory_space<vmem>>, vector<16xf32>,
          %parallel_loop3A_657 = arith.index_cast %parallel_loop3A_116 : i32 to index
          %parallel_loop3A_658 = arith.constant 960 : index
          %parallel_loop3A_659 = tpu.vector_load %arg6[%parallel_loop3A_657, %parallel_loop3A_658] {strides = array<i32>} : memref<40x1024xf32, #tpu.memory_space<vmem>>, vector<16xf32>,
          %parallel_loop3A_660 = arith.constant 6.400000e+01 : f32
          %parallel_loop3A_661 = vector.broadcast %parallel_loop3A_660 : f32 to vector<16xf32>
          %parallel_loop3A_662 = arith.mulf %parallel_loop3A_659, %parallel_loop3A_661 : vector<16xf32>
          %parallel_loop3A_663 = arith.index_cast %parallel_loop3A_116 : i32 to index
          %parallel_loop3A_664 = arith.constant 960 : index
          %parallel_loop3A_665 = tpu.vector_load %arg6[%parallel_loop3A_663, %parallel_loop3A_664] {strides = array<i32>} : memref<40x1024xf32, #tpu.memory_space<vmem>>, vector<16xf32>,
          tpu.vector_store %arg6[%parallel_loop3A_663, %parallel_loop3A_664], %parallel_loop3A_662 {strides = array<i32>} : memref<40x1024xf32, #tpu.memory_space<vmem>>, vector<16xf32>,
          %parallel_loop3A_666 = arith.index_cast %parallel_loop3A_116 : i32 to index
          %parallel_loop3A_667 = arith.constant 976 : index
          %parallel_loop3A_668 = tpu.vector_load %arg6[%parallel_loop3A_666, %parallel_loop3A_667] {strides = array<i32>} : memref<40x1024xf32, #tpu.memory_space<vmem>>, vector<16xf32>,
          %parallel_loop3A_669 = arith.constant 6.400000e+01 : f32
          %parallel_loop3A_670 = vector.broadcast %parallel_loop3A_669 : f32 to vector<16xf32>
          %parallel_loop3A_671 = arith.mulf %parallel_loop3A_668, %parallel_loop3A_670 : vector<16xf32>
          %parallel_loop3A_672 = arith.index_cast %parallel_loop3A_116 : i32 to index
          %parallel_loop3A_673 = arith.constant 976 : index
          %parallel_loop3A_674 = tpu.vector_load %arg6[%parallel_loop3A_672, %parallel_loop3A_673] {strides = array<i32>} : memref<40x1024xf32, #tpu.memory_space<vmem>>, vector<16xf32>,
          tpu.vector_store %arg6[%parallel_loop3A_672, %parallel_loop3A_673], %parallel_loop3A_671 {strides = array<i32>} : memref<40x1024xf32, #tpu.memory_space<vmem>>, vector<16xf32>,
          %parallel_loop3A_675 = arith.index_cast %parallel_loop3A_116 : i32 to index
          %parallel_loop3A_676 = arith.constant 992 : index
          %parallel_loop3A_677 = tpu.vector_load %arg6[%parallel_loop3A_675, %parallel_loop3A_676] {strides = array<i32>} : memref<40x1024xf32, #tpu.memory_space<vmem>>, vector<16xf32>,
          %parallel_loop3A_678 = arith.constant 6.400000e+01 : f32
          %parallel_loop3A_679 = vector.broadcast %parallel_loop3A_678 : f32 to vector<16xf32>
          %parallel_loop3A_680 = arith.mulf %parallel_loop3A_677, %parallel_loop3A_679 : vector<16xf32>
          %parallel_loop3A_681 = arith.index_cast %parallel_loop3A_116 : i32 to index
          %parallel_loop3A_682 = arith.constant 992 : index
          %parallel_loop3A_683 = tpu.vector_load %arg6[%parallel_loop3A_681, %parallel_loop3A_682] {strides = array<i32>} : memref<40x1024xf32, #tpu.memory_space<vmem>>, vector<16xf32>,
          tpu.vector_store %arg6[%parallel_loop3A_681, %parallel_loop3A_682], %parallel_loop3A_680 {strides = array<i32>} : memref<40x1024xf32, #tpu.memory_space<vmem>>, vector<16xf32>,
          %parallel_loop3A_684 = arith.index_cast %parallel_loop3A_116 : i32 to index
          %parallel_loop3A_685 = arith.constant 1008 : index
          %parallel_loop3A_686 = tpu.vector_load %arg6[%parallel_loop3A_684, %parallel_loop3A_685] {strides = array<i32>} : memref<40x1024xf32, #tpu.memory_space<vmem>>, vector<16xf32>,
          %parallel_loop3A_687 = arith.constant 6.400000e+01 : f32
          %parallel_loop3A_688 = vector.broadcast %parallel_loop3A_687 : f32 to vector<16xf32>
          %parallel_loop3A_689 = arith.mulf %parallel_loop3A_686, %parallel_loop3A_688 : vector<16xf32>
          %parallel_loop3A_690 = arith.index_cast %parallel_loop3A_116 : i32 to index
          %parallel_loop3A_691 = arith.constant 1008 : index
          %parallel_loop3A_692 = tpu.vector_load %arg6[%parallel_loop3A_690, %parallel_loop3A_691] {strides = array<i32>} : memref<40x1024xf32, #tpu.memory_space<vmem>>, vector<16xf32>,
          tpu.vector_store %arg6[%parallel_loop3A_690, %parallel_loop3A_691], %parallel_loop3A_689 {strides = array<i32>} : memref<40x1024xf32, #tpu.memory_space<vmem>>, vector<16xf32>,
        } {sc.loop_unroll_factor = 1 : i64, sc.parallel_access}
        %scan3A_105 = arith.constant 0 : i32
        %scan3A_106 = arith.constant 64 : i32
        %scan3A_107 = arith.addi %scan3A_105, %scan3A_106 : i32
        %scan3A_108 = arith.constant 1 : i32
        scf.for %scan3A_116 = %scan3A_105 to %scan3A_107 step %scan3A_108  : i32 {
          %mul3A_117 = arith.constant 1 : i32
          %mul3A_118 = arith.muli %scan3A_116, %mul3A_117 : i32
          %add3A_119 = arith.constant 0 : i32
          %add3A_120 = arith.addi %add3A_119, %mul3A_118 : i32
          %mul3A_121 = arith.constant 16 : i32
          %mul3A_122 = arith.muli %add3A_120, %mul3A_121 : i32
          %get3A = arith.index_cast %mul3A_122 : i32 to index
          %get3A_123 = tpu.vector_load %arg5[%get3A] {strides = array<i32>} : memref<1024xi32, #tpu.memory_space<vmem>>, vector<16xi32>,
          %sub3A_124 = vector.broadcast %mul3A_102 : i32 to vector<16xi32>
          %sub3A_125 = arith.subi %get3A_123, %sub3A_124 : vector<16xi32>
          %ge3A_126 = arith.constant 0 : i32
          %ge3A_127 = vector.broadcast %ge3A_126 : i32 to vector<16xi32>
          %ge3A_128 = arith.cmpi sge, %sub3A_125, %ge3A_127 : vector<16xi32>
          %lt3A_129 = arith.constant 40 : i32
          %lt3A_130 = vector.broadcast %lt3A_129 : i32 to vector<16xi32>
          %lt3A_131 = arith.cmpi slt, %sub3A_125, %lt3A_130 : vector<16xi32>
          %and3A_132 = arith.andi %ge3A_128, %lt3A_131 : vector<16xi1>
          %all_reduce_population_count3A = tpu.all_reduce %and3A_132 {dim = 0 : i64, kind = #tpu.reduction_kind<sum>} : vector<16xi1> -> vector<16xi32>
          %reduce_max3A = arith.constant true
          %reduce_max3A_133 = vector.broadcast %reduce_max3A : i1 to vector<16xi1>
          %reduce_max3A_134 = arith.constant -2147483648 : i32
          %reduce_max3A_135 = vector.broadcast %reduce_max3A_134 : i32 to vector<16xi32>
          %reduce_max3A_136 = arith.xori %all_reduce_population_count3A, %reduce_max3A_135 : vector<16xi32>
          %reduce_max3A_137 = tpu.scan <max>, %reduce_max3A_136 masked %reduce_max3A_133 : vector<16xi32>, vector<16xi1> -> vector<16xi32>
          %reduce_max3A_138 = arith.xori %reduce_max3A_137, %reduce_max3A_135 : vector<16xi32>
          %reduce_max3A_139 = vector.extract %reduce_max3A_138[15] : i32 from vector<16xi32>
          %gt3A = arith.constant 0 : i32
          %gt3A_140 = arith.cmpi sgt, %reduce_max3A_139, %gt3A : i32
          %convert_element_type3A_141 = arith.extui %gt3A_140 : i1 to i32
          %cond3A_142 = arith.constant 0 : i32
          %cond3A_143 = arith.cmpi ne, %convert_element_type3A_141, %cond3A_142 : i32
          scf.if %cond3A_143 {
            %iota3A = tpu.iota {dimensions = array<i32: 0>} : vector<16xi32>
            %mul3A_144 = arith.constant 16 : i32
            %mul3A_145 = arith.muli %add3A_120, %mul3A_144 : i32
            %add3A_146 = vector.broadcast %mul3A_145 : i32 to vector<16xi32>
            %add3A_147 = arith.addi %iota3A, %add3A_146 : vector<16xi32>
            %max3A = arith.constant 0 : i32
            %max3A_148 = vector.broadcast %max3A : i32 to vector<16xi32>
            %max3A_149 = arith.maxsi %sub3A_125, %max3A_148 : vector<16xi32>
            %min3A_150 = arith.constant 39 : i32
            %min3A_151 = vector.broadcast %min3A_150 : i32 to vector<16xi32>
            %min3A_152 = arith.minsi %max3A_149, %min3A_151 : vector<16xi32>
            %gather3A = tpu.vector_load_idx %arg6[%min3A_152, %add3A_147] masked %and3A_132 : memref<40x1024xf32, #tpu.memory_space<vmem>>[vector<16xi32>, vector<16xi32>], vector<16xf32>, vector<16xi1>
            %mul3A_153 = arith.constant 1.562500e-02 : f32
            %mul3A_154 = vector.broadcast %mul3A_153 : f32 to vector<16xf32>
            %mul3A_155 = arith.mulf %gather3A, %mul3A_154 : vector<16xf32>
            %mul3A_156 = arith.mulf %mul3A_155, %mul3A_155 : vector<16xf32>
            %sub3A_157 = arith.constant 1.000000e+00 : f32
            %sub3A_158 = vector.broadcast %sub3A_157 : f32 to vector<16xf32>
            %sub3A_159 = arith.subf %sub3A_158, %mul3A_156 : vector<16xf32>
            %max3A_160 = arith.constant 9.99999996E-13 : f32
            %max3A_161 = vector.broadcast %max3A_160 : f32 to vector<16xf32>
            %max3A_162 = arith.maximumf %sub3A_159, %max3A_161 : vector<16xf32>
            %bitcast_convert_type3A = tpu.bitcast %max3A_162 : vector<16xf32> -> vector<16xi32>
            %shift_right_arithmetic3A = arith.constant 1 : i32
            %shift_right_arithmetic3A_163 = vector.broadcast %shift_right_arithmetic3A : i32 to vector<16xi32>
            %shift_right_arithmetic3A_164 = arith.shrsi %bitcast_convert_type3A, %shift_right_arithmetic3A_163 : vector<16xi32>
            %add3A_165 = arith.constant 532487669 : i32
            %add3A_166 = vector.broadcast %add3A_165 : i32 to vector<16xi32>
            %add3A_167 = arith.addi %shift_right_arithmetic3A_164, %add3A_166 : vector<16xi32>
            %bitcast_convert_type3A_168 = tpu.bitcast %add3A_167 : vector<16xi32> -> vector<16xf32>
            %div3A = arith.divf %max3A_162, %bitcast_convert_type3A_168 : vector<16xf32>
            %add3A_169 = arith.addf %bitcast_convert_type3A_168, %div3A : vector<16xf32>
            %mul3A_170 = arith.constant 5.000000e-01 : f32
            %mul3A_171 = vector.broadcast %mul3A_170 : f32 to vector<16xf32>
            %mul3A_172 = arith.mulf %mul3A_171, %add3A_169 : vector<16xf32>
            %div3A_173 = arith.divf %max3A_162, %mul3A_172 : vector<16xf32>
            %add3A_174 = arith.addf %mul3A_172, %div3A_173 : vector<16xf32>
            %mul3A_175 = arith.constant 5.000000e-01 : f32
            %mul3A_176 = vector.broadcast %mul3A_175 : f32 to vector<16xf32>
            %mul3A_177 = arith.mulf %mul3A_176, %add3A_174 : vector<16xf32>
            %div3A_178 = arith.divf %max3A_162, %mul3A_177 : vector<16xf32>
            %add3A_179 = arith.addf %mul3A_177, %div3A_178 : vector<16xf32>
            %mul3A_180 = arith.constant 5.000000e-01 : f32
            %mul3A_181 = vector.broadcast %mul3A_180 : f32 to vector<16xf32>
            %mul3A_182 = arith.mulf %mul3A_181, %add3A_179 : vector<16xf32>
            %mul3A_183 = arith.constant 0.87758255 : f32
            %mul3A_184 = vector.broadcast %mul3A_183 : f32 to vector<16xf32>
            %mul3A_185 = arith.mulf %mul3A_155, %mul3A_184 : vector<16xf32>
            %mul3A_186 = arith.constant 0.47942555 : f32
            %mul3A_187 = vector.broadcast %mul3A_186 : f32 to vector<16xf32>
            %mul3A_188 = arith.mulf %mul3A_182, %mul3A_187 : vector<16xf32>
            %sub3A_189 = arith.subf %mul3A_185, %mul3A_188 : vector<16xf32>
            %mul3A_190 = arith.constant 6.400000e+01 : f32
            %mul3A_191 = vector.broadcast %mul3A_190 : f32 to vector<16xf32>
            %mul3A_192 = arith.mulf %mul3A_191, %sub3A_189 : vector<16xf32>
            tpu.vector_store_idx %arg6[%min3A_152, %add3A_147], %mul3A_192 masked %and3A_132 : memref<40x1024xf32, #tpu.memory_space<vmem>>[vector<16xi32>, vector<16xi32>], vector<16xf32>, vector<16xi1>
          } else {
          }
        }
        %scan3A_109 = arith.constant 64 : i32
        %mul3A_110 = arith.constant 40 : i32
        %mul3A_111 = arith.muli %add3A_33, %mul3A_110 : i32
        %dma_start3A_112 = arith.constant 0 : i32
        %dma_start3A_113 = tpu.memref_slice %arg4[%mul3A_111, %dma_start3A_112] : memref<100000x1024xf32, #tpu.memory_space<hbm>> -> memref<40x1024xf32, #tpu.memory_space<hbm>>
        %dma_start3A_114 = arith.constant 0 : i32
        %dma_start3A_115 = tpu.memref_slice %arg4[%mul3A_111, %dma_start3A_114] : memref<100000x1024xf32, #tpu.memory_space<hbm>> -> memref<40x1024xf32, #tpu.memory_space<hbm>>
        tpu.enqueue_dma source(%arg6 : memref<40x1024xf32, #tpu.memory_space<vmem>>) target(%dma_start3A_115 : memref<40x1024xf32, #tpu.memory_space<hbm>>) target_semaphore(%arg12 : memref<!tpu.dma_semaphore, #tpu.memory_space<semaphore_mem>>)
      } else {
      }
      %ge3A = arith.constant 1 : i32
      %ge3A_36 = arith.cmpi sge, %add3A_32, %ge3A : i32
      %sub3A = arith.constant 1 : i32
      %sub3A_37 = arith.subi %add3A_32, %sub3A : i32
      %lt3A_38 = arith.cmpi slt, %sub3A_37, %select_n3A : i32
      %and3A = arith.andi %ge3A_36, %lt3A_38 : i1
      %convert_element_type3A_39 = arith.extui %and3A : i1 to i32
      %cond3A_40 = arith.constant 0 : i32
      %cond3A_41 = arith.cmpi ne, %convert_element_type3A_39, %cond3A_40 : i32
      scf.if %cond3A_41 {
        %sub3A_96 = arith.constant 1 : i32
        %sub3A_97 = arith.subi %add3A_33, %sub3A_96 : i32
        %mul3A_98 = arith.constant 40 : i32
        %mul3A_99 = arith.muli %sub3A_97, %mul3A_98 : i32
        %dma_wait3A = arith.constant 0 : i32
        %dma_wait3A_100 = tpu.memref_slice %arg4[%mul3A_99, %dma_wait3A] : memref<100000x1024xf32, #tpu.memory_space<hbm>> -> memref<40x1024xf32, #tpu.memory_space<hbm>>
        %dma_wait3A_101 = arith.constant 0 : i32
        %dma_wait3A_102 = tpu.memref_slice %arg4[%mul3A_99, %dma_wait3A_101] : memref<100000x1024xf32, #tpu.memory_space<hbm>> -> memref<40x1024xf32, #tpu.memory_space<hbm>>
        tpu.wait_dma2 semaphore(%arg14 : memref<!tpu.dma_semaphore, #tpu.memory_space<semaphore_mem>>) src(%arg8 : memref<40x1024xf32, #tpu.memory_space<vmem>>) dst(%dma_wait3A_102 : memref<40x1024xf32, #tpu.memory_space<hbm>>)
      } else {
      }
      %add3A_42 = arith.constant 2 : i32
      %add3A_43 = arith.addi %add3A_32, %add3A_42 : i32
      %lt3A_44 = arith.cmpi slt, %add3A_43, %select_n3A : i32
      %convert_element_type3A_45 = arith.extui %lt3A_44 : i1 to i32
      %cond3A_46 = arith.constant 0 : i32
      %cond3A_47 = arith.cmpi ne, %convert_element_type3A_45, %cond3A_46 : i32
      scf.if %cond3A_47 {
        %add3A_96 = arith.constant 2 : i32
        %add3A_97 = arith.addi %add3A_33, %add3A_96 : i32
        %mul3A_98 = arith.constant 40 : i32
        %mul3A_99 = arith.muli %add3A_97, %mul3A_98 : i32
        %dma_start3A_100 = arith.constant 0 : i32
        %dma_start3A_101 = tpu.memref_slice %arg2[%mul3A_99, %dma_start3A_100] : memref<100000x1024xf32, #tpu.memory_space<hbm>> -> memref<40x1024xf32, #tpu.memory_space<hbm>>
        %dma_start3A_102 = arith.constant 0 : i32
        %dma_start3A_103 = tpu.memref_slice %arg2[%mul3A_99, %dma_start3A_102] : memref<100000x1024xf32, #tpu.memory_space<hbm>> -> memref<40x1024xf32, #tpu.memory_space<hbm>>
        tpu.enqueue_dma source(%dma_start3A_103 : memref<40x1024xf32, #tpu.memory_space<hbm>>) target(%arg8 : memref<40x1024xf32, #tpu.memory_space<vmem>>) target_semaphore(%arg11 : memref<!tpu.dma_semaphore, #tpu.memory_space<semaphore_mem>>)
      } else {
      }
      %mul3A_48 = arith.constant 3 : i32
      %mul3A_49 = arith.muli %mul3A_48, %add3A_28 : i32
      %add3A_50 = arith.constant 1 : i32
      %add3A_51 = arith.addi %mul3A_49, %add3A_50 : i32
      %add3A_52 = arith.addi %add3A_4, %add3A_51 : i32
      %lt3A_53 = arith.cmpi slt, %add3A_51, %select_n3A : i32
      %convert_element_type3A_54 = arith.extui %lt3A_53 : i1 to i32
      %cond3A_55 = arith.constant 0 : i32
      %cond3A_56 = arith.cmpi ne, %convert_element_type3A_54, %cond3A_55 : i32
      scf.if %cond3A_56 {
        %mul3A_96 = arith.constant 40 : i32
        %mul3A_97 = arith.muli %add3A_52, %mul3A_96 : i32
        %dma_wait3A = arith.constant 0 : i32
        %dma_wait3A_98 = tpu.memref_slice %arg2[%mul3A_97, %dma_wait3A] : memref<100000x1024xf32, #tpu.memory_space<hbm>> -> memref<40x1024xf32, #tpu.memory_space<hbm>>
        %dma_wait3A_99 = arith.constant 0 : i32
        %dma_wait3A_100 = tpu.memref_slice %arg2[%mul3A_97, %dma_wait3A_99] : memref<100000x1024xf32, #tpu.memory_space<hbm>> -> memref<40x1024xf32, #tpu.memory_space<hbm>>
        tpu.wait_dma2 semaphore(%arg10 : memref<!tpu.dma_semaphore, #tpu.memory_space<semaphore_mem>>) src(%dma_wait3A_100 : memref<40x1024xf32, #tpu.memory_space<hbm>>) dst(%arg7 : memref<40x1024xf32, #tpu.memory_space<vmem>>)
        %mul3A_101 = arith.constant 40 : i32
        %mul3A_102 = arith.muli %add3A_52, %mul3A_101 : i32
        %parallel_loop3A = arith.constant 0 : i32
        %parallel_loop3A_103 = arith.constant 40 : i32
        %parallel_loop3A_104 = arith.constant 1 : i32
        scf.for %parallel_loop3A_116 = %parallel_loop3A to %parallel_loop3A_103 step %parallel_loop3A_104  : i32 {
          %parallel_loop3A_117 = arith.index_cast %parallel_loop3A_116 : i32 to index
          %parallel_loop3A_118 = arith.constant 0 : index
          %parallel_loop3A_119 = tpu.vector_load %arg7[%parallel_loop3A_117, %parallel_loop3A_118] {strides = array<i32>} : memref<40x1024xf32, #tpu.memory_space<vmem>>, vector<16xf32>,
          %parallel_loop3A_120 = arith.constant 6.400000e+01 : f32
          %parallel_loop3A_121 = vector.broadcast %parallel_loop3A_120 : f32 to vector<16xf32>
          %parallel_loop3A_122 = arith.mulf %parallel_loop3A_119, %parallel_loop3A_121 : vector<16xf32>
          %parallel_loop3A_123 = arith.index_cast %parallel_loop3A_116 : i32 to index
          %parallel_loop3A_124 = arith.constant 0 : index
          %parallel_loop3A_125 = tpu.vector_load %arg7[%parallel_loop3A_123, %parallel_loop3A_124] {strides = array<i32>} : memref<40x1024xf32, #tpu.memory_space<vmem>>, vector<16xf32>,
          tpu.vector_store %arg7[%parallel_loop3A_123, %parallel_loop3A_124], %parallel_loop3A_122 {strides = array<i32>} : memref<40x1024xf32, #tpu.memory_space<vmem>>, vector<16xf32>,
          %parallel_loop3A_126 = arith.index_cast %parallel_loop3A_116 : i32 to index
          %parallel_loop3A_127 = arith.constant 16 : index
          %parallel_loop3A_128 = tpu.vector_load %arg7[%parallel_loop3A_126, %parallel_loop3A_127] {strides = array<i32>} : memref<40x1024xf32, #tpu.memory_space<vmem>>, vector<16xf32>,
          %parallel_loop3A_129 = arith.constant 6.400000e+01 : f32
          %parallel_loop3A_130 = vector.broadcast %parallel_loop3A_129 : f32 to vector<16xf32>
          %parallel_loop3A_131 = arith.mulf %parallel_loop3A_128, %parallel_loop3A_130 : vector<16xf32>
          %parallel_loop3A_132 = arith.index_cast %parallel_loop3A_116 : i32 to index
          %parallel_loop3A_133 = arith.constant 16 : index
          %parallel_loop3A_134 = tpu.vector_load %arg7[%parallel_loop3A_132, %parallel_loop3A_133] {strides = array<i32>} : memref<40x1024xf32, #tpu.memory_space<vmem>>, vector<16xf32>,
          tpu.vector_store %arg7[%parallel_loop3A_132, %parallel_loop3A_133], %parallel_loop3A_131 {strides = array<i32>} : memref<40x1024xf32, #tpu.memory_space<vmem>>, vector<16xf32>,
          %parallel_loop3A_135 = arith.index_cast %parallel_loop3A_116 : i32 to index
          %parallel_loop3A_136 = arith.constant 32 : index
          %parallel_loop3A_137 = tpu.vector_load %arg7[%parallel_loop3A_135, %parallel_loop3A_136] {strides = array<i32>} : memref<40x1024xf32, #tpu.memory_space<vmem>>, vector<16xf32>,
          %parallel_loop3A_138 = arith.constant 6.400000e+01 : f32
          %parallel_loop3A_139 = vector.broadcast %parallel_loop3A_138 : f32 to vector<16xf32>
          %parallel_loop3A_140 = arith.mulf %parallel_loop3A_137, %parallel_loop3A_139 : vector<16xf32>
          %parallel_loop3A_141 = arith.index_cast %parallel_loop3A_116 : i32 to index
          %parallel_loop3A_142 = arith.constant 32 : index
          %parallel_loop3A_143 = tpu.vector_load %arg7[%parallel_loop3A_141, %parallel_loop3A_142] {strides = array<i32>} : memref<40x1024xf32, #tpu.memory_space<vmem>>, vector<16xf32>,
          tpu.vector_store %arg7[%parallel_loop3A_141, %parallel_loop3A_142], %parallel_loop3A_140 {strides = array<i32>} : memref<40x1024xf32, #tpu.memory_space<vmem>>, vector<16xf32>,
          %parallel_loop3A_144 = arith.index_cast %parallel_loop3A_116 : i32 to index
          %parallel_loop3A_145 = arith.constant 48 : index
          %parallel_loop3A_146 = tpu.vector_load %arg7[%parallel_loop3A_144, %parallel_loop3A_145] {strides = array<i32>} : memref<40x1024xf32, #tpu.memory_space<vmem>>, vector<16xf32>,
          %parallel_loop3A_147 = arith.constant 6.400000e+01 : f32
          %parallel_loop3A_148 = vector.broadcast %parallel_loop3A_147 : f32 to vector<16xf32>
          %parallel_loop3A_149 = arith.mulf %parallel_loop3A_146, %parallel_loop3A_148 : vector<16xf32>
          %parallel_loop3A_150 = arith.index_cast %parallel_loop3A_116 : i32 to index
          %parallel_loop3A_151 = arith.constant 48 : index
          %parallel_loop3A_152 = tpu.vector_load %arg7[%parallel_loop3A_150, %parallel_loop3A_151] {strides = array<i32>} : memref<40x1024xf32, #tpu.memory_space<vmem>>, vector<16xf32>,
          tpu.vector_store %arg7[%parallel_loop3A_150, %parallel_loop3A_151], %parallel_loop3A_149 {strides = array<i32>} : memref<40x1024xf32, #tpu.memory_space<vmem>>, vector<16xf32>,
          %parallel_loop3A_153 = arith.index_cast %parallel_loop3A_116 : i32 to index
          %parallel_loop3A_154 = arith.constant 64 : index
          %parallel_loop3A_155 = tpu.vector_load %arg7[%parallel_loop3A_153, %parallel_loop3A_154] {strides = array<i32>} : memref<40x1024xf32, #tpu.memory_space<vmem>>, vector<16xf32>,
          %parallel_loop3A_156 = arith.constant 6.400000e+01 : f32
          %parallel_loop3A_157 = vector.broadcast %parallel_loop3A_156 : f32 to vector<16xf32>
          %parallel_loop3A_158 = arith.mulf %parallel_loop3A_155, %parallel_loop3A_157 : vector<16xf32>
          %parallel_loop3A_159 = arith.index_cast %parallel_loop3A_116 : i32 to index
          %parallel_loop3A_160 = arith.constant 64 : index
          %parallel_loop3A_161 = tpu.vector_load %arg7[%parallel_loop3A_159, %parallel_loop3A_160] {strides = array<i32>} : memref<40x1024xf32, #tpu.memory_space<vmem>>, vector<16xf32>,
          tpu.vector_store %arg7[%parallel_loop3A_159, %parallel_loop3A_160], %parallel_loop3A_158 {strides = array<i32>} : memref<40x1024xf32, #tpu.memory_space<vmem>>, vector<16xf32>,
          %parallel_loop3A_162 = arith.index_cast %parallel_loop3A_116 : i32 to index
          %parallel_loop3A_163 = arith.constant 80 : index
          %parallel_loop3A_164 = tpu.vector_load %arg7[%parallel_loop3A_162, %parallel_loop3A_163] {strides = array<i32>} : memref<40x1024xf32, #tpu.memory_space<vmem>>, vector<16xf32>,
          %parallel_loop3A_165 = arith.constant 6.400000e+01 : f32
          %parallel_loop3A_166 = vector.broadcast %parallel_loop3A_165 : f32 to vector<16xf32>
          %parallel_loop3A_167 = arith.mulf %parallel_loop3A_164, %parallel_loop3A_166 : vector<16xf32>
          %parallel_loop3A_168 = arith.index_cast %parallel_loop3A_116 : i32 to index
          %parallel_loop3A_169 = arith.constant 80 : index
          %parallel_loop3A_170 = tpu.vector_load %arg7[%parallel_loop3A_168, %parallel_loop3A_169] {strides = array<i32>} : memref<40x1024xf32, #tpu.memory_space<vmem>>, vector<16xf32>,
          tpu.vector_store %arg7[%parallel_loop3A_168, %parallel_loop3A_169], %parallel_loop3A_167 {strides = array<i32>} : memref<40x1024xf32, #tpu.memory_space<vmem>>, vector<16xf32>,
          %parallel_loop3A_171 = arith.index_cast %parallel_loop3A_116 : i32 to index
          %parallel_loop3A_172 = arith.constant 96 : index
          %parallel_loop3A_173 = tpu.vector_load %arg7[%parallel_loop3A_171, %parallel_loop3A_172] {strides = array<i32>} : memref<40x1024xf32, #tpu.memory_space<vmem>>, vector<16xf32>,
          %parallel_loop3A_174 = arith.constant 6.400000e+01 : f32
          %parallel_loop3A_175 = vector.broadcast %parallel_loop3A_174 : f32 to vector<16xf32>
          %parallel_loop3A_176 = arith.mulf %parallel_loop3A_173, %parallel_loop3A_175 : vector<16xf32>
          %parallel_loop3A_177 = arith.index_cast %parallel_loop3A_116 : i32 to index
          %parallel_loop3A_178 = arith.constant 96 : index
          %parallel_loop3A_179 = tpu.vector_load %arg7[%parallel_loop3A_177, %parallel_loop3A_178] {strides = array<i32>} : memref<40x1024xf32, #tpu.memory_space<vmem>>, vector<16xf32>,
          tpu.vector_store %arg7[%parallel_loop3A_177, %parallel_loop3A_178], %parallel_loop3A_176 {strides = array<i32>} : memref<40x1024xf32, #tpu.memory_space<vmem>>, vector<16xf32>,
          %parallel_loop3A_180 = arith.index_cast %parallel_loop3A_116 : i32 to index
          %parallel_loop3A_181 = arith.constant 112 : index
          %parallel_loop3A_182 = tpu.vector_load %arg7[%parallel_loop3A_180, %parallel_loop3A_181] {strides = array<i32>} : memref<40x1024xf32, #tpu.memory_space<vmem>>, vector<16xf32>,
          %parallel_loop3A_183 = arith.constant 6.400000e+01 : f32
          %parallel_loop3A_184 = vector.broadcast %parallel_loop3A_183 : f32 to vector<16xf32>
          %parallel_loop3A_185 = arith.mulf %parallel_loop3A_182, %parallel_loop3A_184 : vector<16xf32>
          %parallel_loop3A_186 = arith.index_cast %parallel_loop3A_116 : i32 to index
          %parallel_loop3A_187 = arith.constant 112 : index
          %parallel_loop3A_188 = tpu.vector_load %arg7[%parallel_loop3A_186, %parallel_loop3A_187] {strides = array<i32>} : memref<40x1024xf32, #tpu.memory_space<vmem>>, vector<16xf32>,
          tpu.vector_store %arg7[%parallel_loop3A_186, %parallel_loop3A_187], %parallel_loop3A_185 {strides = array<i32>} : memref<40x1024xf32, #tpu.memory_space<vmem>>, vector<16xf32>,
          %parallel_loop3A_189 = arith.index_cast %parallel_loop3A_116 : i32 to index
          %parallel_loop3A_190 = arith.constant 128 : index
          %parallel_loop3A_191 = tpu.vector_load %arg7[%parallel_loop3A_189, %parallel_loop3A_190] {strides = array<i32>} : memref<40x1024xf32, #tpu.memory_space<vmem>>, vector<16xf32>,
          %parallel_loop3A_192 = arith.constant 6.400000e+01 : f32
          %parallel_loop3A_193 = vector.broadcast %parallel_loop3A_192 : f32 to vector<16xf32>
          %parallel_loop3A_194 = arith.mulf %parallel_loop3A_191, %parallel_loop3A_193 : vector<16xf32>
          %parallel_loop3A_195 = arith.index_cast %parallel_loop3A_116 : i32 to index
          %parallel_loop3A_196 = arith.constant 128 : index
          %parallel_loop3A_197 = tpu.vector_load %arg7[%parallel_loop3A_195, %parallel_loop3A_196] {strides = array<i32>} : memref<40x1024xf32, #tpu.memory_space<vmem>>, vector<16xf32>,
          tpu.vector_store %arg7[%parallel_loop3A_195, %parallel_loop3A_196], %parallel_loop3A_194 {strides = array<i32>} : memref<40x1024xf32, #tpu.memory_space<vmem>>, vector<16xf32>,
          %parallel_loop3A_198 = arith.index_cast %parallel_loop3A_116 : i32 to index
          %parallel_loop3A_199 = arith.constant 144 : index
          %parallel_loop3A_200 = tpu.vector_load %arg7[%parallel_loop3A_198, %parallel_loop3A_199] {strides = array<i32>} : memref<40x1024xf32, #tpu.memory_space<vmem>>, vector<16xf32>,
          %parallel_loop3A_201 = arith.constant 6.400000e+01 : f32
          %parallel_loop3A_202 = vector.broadcast %parallel_loop3A_201 : f32 to vector<16xf32>
          %parallel_loop3A_203 = arith.mulf %parallel_loop3A_200, %parallel_loop3A_202 : vector<16xf32>
          %parallel_loop3A_204 = arith.index_cast %parallel_loop3A_116 : i32 to index
          %parallel_loop3A_205 = arith.constant 144 : index
          %parallel_loop3A_206 = tpu.vector_load %arg7[%parallel_loop3A_204, %parallel_loop3A_205] {strides = array<i32>} : memref<40x1024xf32, #tpu.memory_space<vmem>>, vector<16xf32>,
          tpu.vector_store %arg7[%parallel_loop3A_204, %parallel_loop3A_205], %parallel_loop3A_203 {strides = array<i32>} : memref<40x1024xf32, #tpu.memory_space<vmem>>, vector<16xf32>,
          %parallel_loop3A_207 = arith.index_cast %parallel_loop3A_116 : i32 to index
          %parallel_loop3A_208 = arith.constant 160 : index
          %parallel_loop3A_209 = tpu.vector_load %arg7[%parallel_loop3A_207, %parallel_loop3A_208] {strides = array<i32>} : memref<40x1024xf32, #tpu.memory_space<vmem>>, vector<16xf32>,
          %parallel_loop3A_210 = arith.constant 6.400000e+01 : f32
          %parallel_loop3A_211 = vector.broadcast %parallel_loop3A_210 : f32 to vector<16xf32>
          %parallel_loop3A_212 = arith.mulf %parallel_loop3A_209, %parallel_loop3A_211 : vector<16xf32>
          %parallel_loop3A_213 = arith.index_cast %parallel_loop3A_116 : i32 to index
          %parallel_loop3A_214 = arith.constant 160 : index
          %parallel_loop3A_215 = tpu.vector_load %arg7[%parallel_loop3A_213, %parallel_loop3A_214] {strides = array<i32>} : memref<40x1024xf32, #tpu.memory_space<vmem>>, vector<16xf32>,
          tpu.vector_store %arg7[%parallel_loop3A_213, %parallel_loop3A_214], %parallel_loop3A_212 {strides = array<i32>} : memref<40x1024xf32, #tpu.memory_space<vmem>>, vector<16xf32>,
          %parallel_loop3A_216 = arith.index_cast %parallel_loop3A_116 : i32 to index
          %parallel_loop3A_217 = arith.constant 176 : index
          %parallel_loop3A_218 = tpu.vector_load %arg7[%parallel_loop3A_216, %parallel_loop3A_217] {strides = array<i32>} : memref<40x1024xf32, #tpu.memory_space<vmem>>, vector<16xf32>,
          %parallel_loop3A_219 = arith.constant 6.400000e+01 : f32
          %parallel_loop3A_220 = vector.broadcast %parallel_loop3A_219 : f32 to vector<16xf32>
          %parallel_loop3A_221 = arith.mulf %parallel_loop3A_218, %parallel_loop3A_220 : vector<16xf32>
          %parallel_loop3A_222 = arith.index_cast %parallel_loop3A_116 : i32 to index
          %parallel_loop3A_223 = arith.constant 176 : index
          %parallel_loop3A_224 = tpu.vector_load %arg7[%parallel_loop3A_222, %parallel_loop3A_223] {strides = array<i32>} : memref<40x1024xf32, #tpu.memory_space<vmem>>, vector<16xf32>,
          tpu.vector_store %arg7[%parallel_loop3A_222, %parallel_loop3A_223], %parallel_loop3A_221 {strides = array<i32>} : memref<40x1024xf32, #tpu.memory_space<vmem>>, vector<16xf32>,
          %parallel_loop3A_225 = arith.index_cast %parallel_loop3A_116 : i32 to index
          %parallel_loop3A_226 = arith.constant 192 : index
          %parallel_loop3A_227 = tpu.vector_load %arg7[%parallel_loop3A_225, %parallel_loop3A_226] {strides = array<i32>} : memref<40x1024xf32, #tpu.memory_space<vmem>>, vector<16xf32>,
          %parallel_loop3A_228 = arith.constant 6.400000e+01 : f32
          %parallel_loop3A_229 = vector.broadcast %parallel_loop3A_228 : f32 to vector<16xf32>
          %parallel_loop3A_230 = arith.mulf %parallel_loop3A_227, %parallel_loop3A_229 : vector<16xf32>
          %parallel_loop3A_231 = arith.index_cast %parallel_loop3A_116 : i32 to index
          %parallel_loop3A_232 = arith.constant 192 : index
          %parallel_loop3A_233 = tpu.vector_load %arg7[%parallel_loop3A_231, %parallel_loop3A_232] {strides = array<i32>} : memref<40x1024xf32, #tpu.memory_space<vmem>>, vector<16xf32>,
          tpu.vector_store %arg7[%parallel_loop3A_231, %parallel_loop3A_232], %parallel_loop3A_230 {strides = array<i32>} : memref<40x1024xf32, #tpu.memory_space<vmem>>, vector<16xf32>,
          %parallel_loop3A_234 = arith.index_cast %parallel_loop3A_116 : i32 to index
          %parallel_loop3A_235 = arith.constant 208 : index
          %parallel_loop3A_236 = tpu.vector_load %arg7[%parallel_loop3A_234, %parallel_loop3A_235] {strides = array<i32>} : memref<40x1024xf32, #tpu.memory_space<vmem>>, vector<16xf32>,
          %parallel_loop3A_237 = arith.constant 6.400000e+01 : f32
          %parallel_loop3A_238 = vector.broadcast %parallel_loop3A_237 : f32 to vector<16xf32>
          %parallel_loop3A_239 = arith.mulf %parallel_loop3A_236, %parallel_loop3A_238 : vector<16xf32>
          %parallel_loop3A_240 = arith.index_cast %parallel_loop3A_116 : i32 to index
          %parallel_loop3A_241 = arith.constant 208 : index
          %parallel_loop3A_242 = tpu.vector_load %arg7[%parallel_loop3A_240, %parallel_loop3A_241] {strides = array<i32>} : memref<40x1024xf32, #tpu.memory_space<vmem>>, vector<16xf32>,
          tpu.vector_store %arg7[%parallel_loop3A_240, %parallel_loop3A_241], %parallel_loop3A_239 {strides = array<i32>} : memref<40x1024xf32, #tpu.memory_space<vmem>>, vector<16xf32>,
          %parallel_loop3A_243 = arith.index_cast %parallel_loop3A_116 : i32 to index
          %parallel_loop3A_244 = arith.constant 224 : index
          %parallel_loop3A_245 = tpu.vector_load %arg7[%parallel_loop3A_243, %parallel_loop3A_244] {strides = array<i32>} : memref<40x1024xf32, #tpu.memory_space<vmem>>, vector<16xf32>,
          %parallel_loop3A_246 = arith.constant 6.400000e+01 : f32
          %parallel_loop3A_247 = vector.broadcast %parallel_loop3A_246 : f32 to vector<16xf32>
          %parallel_loop3A_248 = arith.mulf %parallel_loop3A_245, %parallel_loop3A_247 : vector<16xf32>
          %parallel_loop3A_249 = arith.index_cast %parallel_loop3A_116 : i32 to index
          %parallel_loop3A_250 = arith.constant 224 : index
          %parallel_loop3A_251 = tpu.vector_load %arg7[%parallel_loop3A_249, %parallel_loop3A_250] {strides = array<i32>} : memref<40x1024xf32, #tpu.memory_space<vmem>>, vector<16xf32>,
          tpu.vector_store %arg7[%parallel_loop3A_249, %parallel_loop3A_250], %parallel_loop3A_248 {strides = array<i32>} : memref<40x1024xf32, #tpu.memory_space<vmem>>, vector<16xf32>,
          %parallel_loop3A_252 = arith.index_cast %parallel_loop3A_116 : i32 to index
          %parallel_loop3A_253 = arith.constant 240 : index
          %parallel_loop3A_254 = tpu.vector_load %arg7[%parallel_loop3A_252, %parallel_loop3A_253] {strides = array<i32>} : memref<40x1024xf32, #tpu.memory_space<vmem>>, vector<16xf32>,
          %parallel_loop3A_255 = arith.constant 6.400000e+01 : f32
          %parallel_loop3A_256 = vector.broadcast %parallel_loop3A_255 : f32 to vector<16xf32>
          %parallel_loop3A_257 = arith.mulf %parallel_loop3A_254, %parallel_loop3A_256 : vector<16xf32>
          %parallel_loop3A_258 = arith.index_cast %parallel_loop3A_116 : i32 to index
          %parallel_loop3A_259 = arith.constant 240 : index
          %parallel_loop3A_260 = tpu.vector_load %arg7[%parallel_loop3A_258, %parallel_loop3A_259] {strides = array<i32>} : memref<40x1024xf32, #tpu.memory_space<vmem>>, vector<16xf32>,
          tpu.vector_store %arg7[%parallel_loop3A_258, %parallel_loop3A_259], %parallel_loop3A_257 {strides = array<i32>} : memref<40x1024xf32, #tpu.memory_space<vmem>>, vector<16xf32>,
          %parallel_loop3A_261 = arith.index_cast %parallel_loop3A_116 : i32 to index
          %parallel_loop3A_262 = arith.constant 256 : index
          %parallel_loop3A_263 = tpu.vector_load %arg7[%parallel_loop3A_261, %parallel_loop3A_262] {strides = array<i32>} : memref<40x1024xf32, #tpu.memory_space<vmem>>, vector<16xf32>,
          %parallel_loop3A_264 = arith.constant 6.400000e+01 : f32
          %parallel_loop3A_265 = vector.broadcast %parallel_loop3A_264 : f32 to vector<16xf32>
          %parallel_loop3A_266 = arith.mulf %parallel_loop3A_263, %parallel_loop3A_265 : vector<16xf32>
          %parallel_loop3A_267 = arith.index_cast %parallel_loop3A_116 : i32 to index
          %parallel_loop3A_268 = arith.constant 256 : index
          %parallel_loop3A_269 = tpu.vector_load %arg7[%parallel_loop3A_267, %parallel_loop3A_268] {strides = array<i32>} : memref<40x1024xf32, #tpu.memory_space<vmem>>, vector<16xf32>,
          tpu.vector_store %arg7[%parallel_loop3A_267, %parallel_loop3A_268], %parallel_loop3A_266 {strides = array<i32>} : memref<40x1024xf32, #tpu.memory_space<vmem>>, vector<16xf32>,
          %parallel_loop3A_270 = arith.index_cast %parallel_loop3A_116 : i32 to index
          %parallel_loop3A_271 = arith.constant 272 : index
          %parallel_loop3A_272 = tpu.vector_load %arg7[%parallel_loop3A_270, %parallel_loop3A_271] {strides = array<i32>} : memref<40x1024xf32, #tpu.memory_space<vmem>>, vector<16xf32>,
          %parallel_loop3A_273 = arith.constant 6.400000e+01 : f32
          %parallel_loop3A_274 = vector.broadcast %parallel_loop3A_273 : f32 to vector<16xf32>
          %parallel_loop3A_275 = arith.mulf %parallel_loop3A_272, %parallel_loop3A_274 : vector<16xf32>
          %parallel_loop3A_276 = arith.index_cast %parallel_loop3A_116 : i32 to index
          %parallel_loop3A_277 = arith.constant 272 : index
          %parallel_loop3A_278 = tpu.vector_load %arg7[%parallel_loop3A_276, %parallel_loop3A_277] {strides = array<i32>} : memref<40x1024xf32, #tpu.memory_space<vmem>>, vector<16xf32>,
          tpu.vector_store %arg7[%parallel_loop3A_276, %parallel_loop3A_277], %parallel_loop3A_275 {strides = array<i32>} : memref<40x1024xf32, #tpu.memory_space<vmem>>, vector<16xf32>,
          %parallel_loop3A_279 = arith.index_cast %parallel_loop3A_116 : i32 to index
          %parallel_loop3A_280 = arith.constant 288 : index
          %parallel_loop3A_281 = tpu.vector_load %arg7[%parallel_loop3A_279, %parallel_loop3A_280] {strides = array<i32>} : memref<40x1024xf32, #tpu.memory_space<vmem>>, vector<16xf32>,
          %parallel_loop3A_282 = arith.constant 6.400000e+01 : f32
          %parallel_loop3A_283 = vector.broadcast %parallel_loop3A_282 : f32 to vector<16xf32>
          %parallel_loop3A_284 = arith.mulf %parallel_loop3A_281, %parallel_loop3A_283 : vector<16xf32>
          %parallel_loop3A_285 = arith.index_cast %parallel_loop3A_116 : i32 to index
          %parallel_loop3A_286 = arith.constant 288 : index
          %parallel_loop3A_287 = tpu.vector_load %arg7[%parallel_loop3A_285, %parallel_loop3A_286] {strides = array<i32>} : memref<40x1024xf32, #tpu.memory_space<vmem>>, vector<16xf32>,
          tpu.vector_store %arg7[%parallel_loop3A_285, %parallel_loop3A_286], %parallel_loop3A_284 {strides = array<i32>} : memref<40x1024xf32, #tpu.memory_space<vmem>>, vector<16xf32>,
          %parallel_loop3A_288 = arith.index_cast %parallel_loop3A_116 : i32 to index
          %parallel_loop3A_289 = arith.constant 304 : index
          %parallel_loop3A_290 = tpu.vector_load %arg7[%parallel_loop3A_288, %parallel_loop3A_289] {strides = array<i32>} : memref<40x1024xf32, #tpu.memory_space<vmem>>, vector<16xf32>,
          %parallel_loop3A_291 = arith.constant 6.400000e+01 : f32
          %parallel_loop3A_292 = vector.broadcast %parallel_loop3A_291 : f32 to vector<16xf32>
          %parallel_loop3A_293 = arith.mulf %parallel_loop3A_290, %parallel_loop3A_292 : vector<16xf32>
          %parallel_loop3A_294 = arith.index_cast %parallel_loop3A_116 : i32 to index
          %parallel_loop3A_295 = arith.constant 304 : index
          %parallel_loop3A_296 = tpu.vector_load %arg7[%parallel_loop3A_294, %parallel_loop3A_295] {strides = array<i32>} : memref<40x1024xf32, #tpu.memory_space<vmem>>, vector<16xf32>,
          tpu.vector_store %arg7[%parallel_loop3A_294, %parallel_loop3A_295], %parallel_loop3A_293 {strides = array<i32>} : memref<40x1024xf32, #tpu.memory_space<vmem>>, vector<16xf32>,
          %parallel_loop3A_297 = arith.index_cast %parallel_loop3A_116 : i32 to index
          %parallel_loop3A_298 = arith.constant 320 : index
          %parallel_loop3A_299 = tpu.vector_load %arg7[%parallel_loop3A_297, %parallel_loop3A_298] {strides = array<i32>} : memref<40x1024xf32, #tpu.memory_space<vmem>>, vector<16xf32>,
          %parallel_loop3A_300 = arith.constant 6.400000e+01 : f32
          %parallel_loop3A_301 = vector.broadcast %parallel_loop3A_300 : f32 to vector<16xf32>
          %parallel_loop3A_302 = arith.mulf %parallel_loop3A_299, %parallel_loop3A_301 : vector<16xf32>
          %parallel_loop3A_303 = arith.index_cast %parallel_loop3A_116 : i32 to index
          %parallel_loop3A_304 = arith.constant 320 : index
          %parallel_loop3A_305 = tpu.vector_load %arg7[%parallel_loop3A_303, %parallel_loop3A_304] {strides = array<i32>} : memref<40x1024xf32, #tpu.memory_space<vmem>>, vector<16xf32>,
          tpu.vector_store %arg7[%parallel_loop3A_303, %parallel_loop3A_304], %parallel_loop3A_302 {strides = array<i32>} : memref<40x1024xf32, #tpu.memory_space<vmem>>, vector<16xf32>,
          %parallel_loop3A_306 = arith.index_cast %parallel_loop3A_116 : i32 to index
          %parallel_loop3A_307 = arith.constant 336 : index
          %parallel_loop3A_308 = tpu.vector_load %arg7[%parallel_loop3A_306, %parallel_loop3A_307] {strides = array<i32>} : memref<40x1024xf32, #tpu.memory_space<vmem>>, vector<16xf32>,
          %parallel_loop3A_309 = arith.constant 6.400000e+01 : f32
          %parallel_loop3A_310 = vector.broadcast %parallel_loop3A_309 : f32 to vector<16xf32>
          %parallel_loop3A_311 = arith.mulf %parallel_loop3A_308, %parallel_loop3A_310 : vector<16xf32>
          %parallel_loop3A_312 = arith.index_cast %parallel_loop3A_116 : i32 to index
          %parallel_loop3A_313 = arith.constant 336 : index
          %parallel_loop3A_314 = tpu.vector_load %arg7[%parallel_loop3A_312, %parallel_loop3A_313] {strides = array<i32>} : memref<40x1024xf32, #tpu.memory_space<vmem>>, vector<16xf32>,
          tpu.vector_store %arg7[%parallel_loop3A_312, %parallel_loop3A_313], %parallel_loop3A_311 {strides = array<i32>} : memref<40x1024xf32, #tpu.memory_space<vmem>>, vector<16xf32>,
          %parallel_loop3A_315 = arith.index_cast %parallel_loop3A_116 : i32 to index
          %parallel_loop3A_316 = arith.constant 352 : index
          %parallel_loop3A_317 = tpu.vector_load %arg7[%parallel_loop3A_315, %parallel_loop3A_316] {strides = array<i32>} : memref<40x1024xf32, #tpu.memory_space<vmem>>, vector<16xf32>,
          %parallel_loop3A_318 = arith.constant 6.400000e+01 : f32
          %parallel_loop3A_319 = vector.broadcast %parallel_loop3A_318 : f32 to vector<16xf32>
          %parallel_loop3A_320 = arith.mulf %parallel_loop3A_317, %parallel_loop3A_319 : vector<16xf32>
          %parallel_loop3A_321 = arith.index_cast %parallel_loop3A_116 : i32 to index
          %parallel_loop3A_322 = arith.constant 352 : index
          %parallel_loop3A_323 = tpu.vector_load %arg7[%parallel_loop3A_321, %parallel_loop3A_322] {strides = array<i32>} : memref<40x1024xf32, #tpu.memory_space<vmem>>, vector<16xf32>,
          tpu.vector_store %arg7[%parallel_loop3A_321, %parallel_loop3A_322], %parallel_loop3A_320 {strides = array<i32>} : memref<40x1024xf32, #tpu.memory_space<vmem>>, vector<16xf32>,
          %parallel_loop3A_324 = arith.index_cast %parallel_loop3A_116 : i32 to index
          %parallel_loop3A_325 = arith.constant 368 : index
          %parallel_loop3A_326 = tpu.vector_load %arg7[%parallel_loop3A_324, %parallel_loop3A_325] {strides = array<i32>} : memref<40x1024xf32, #tpu.memory_space<vmem>>, vector<16xf32>,
          %parallel_loop3A_327 = arith.constant 6.400000e+01 : f32
          %parallel_loop3A_328 = vector.broadcast %parallel_loop3A_327 : f32 to vector<16xf32>
          %parallel_loop3A_329 = arith.mulf %parallel_loop3A_326, %parallel_loop3A_328 : vector<16xf32>
          %parallel_loop3A_330 = arith.index_cast %parallel_loop3A_116 : i32 to index
          %parallel_loop3A_331 = arith.constant 368 : index
          %parallel_loop3A_332 = tpu.vector_load %arg7[%parallel_loop3A_330, %parallel_loop3A_331] {strides = array<i32>} : memref<40x1024xf32, #tpu.memory_space<vmem>>, vector<16xf32>,
          tpu.vector_store %arg7[%parallel_loop3A_330, %parallel_loop3A_331], %parallel_loop3A_329 {strides = array<i32>} : memref<40x1024xf32, #tpu.memory_space<vmem>>, vector<16xf32>,
          %parallel_loop3A_333 = arith.index_cast %parallel_loop3A_116 : i32 to index
          %parallel_loop3A_334 = arith.constant 384 : index
          %parallel_loop3A_335 = tpu.vector_load %arg7[%parallel_loop3A_333, %parallel_loop3A_334] {strides = array<i32>} : memref<40x1024xf32, #tpu.memory_space<vmem>>, vector<16xf32>,
          %parallel_loop3A_336 = arith.constant 6.400000e+01 : f32
          %parallel_loop3A_337 = vector.broadcast %parallel_loop3A_336 : f32 to vector<16xf32>
          %parallel_loop3A_338 = arith.mulf %parallel_loop3A_335, %parallel_loop3A_337 : vector<16xf32>
          %parallel_loop3A_339 = arith.index_cast %parallel_loop3A_116 : i32 to index
          %parallel_loop3A_340 = arith.constant 384 : index
          %parallel_loop3A_341 = tpu.vector_load %arg7[%parallel_loop3A_339, %parallel_loop3A_340] {strides = array<i32>} : memref<40x1024xf32, #tpu.memory_space<vmem>>, vector<16xf32>,
          tpu.vector_store %arg7[%parallel_loop3A_339, %parallel_loop3A_340], %parallel_loop3A_338 {strides = array<i32>} : memref<40x1024xf32, #tpu.memory_space<vmem>>, vector<16xf32>,
          %parallel_loop3A_342 = arith.index_cast %parallel_loop3A_116 : i32 to index
          %parallel_loop3A_343 = arith.constant 400 : index
          %parallel_loop3A_344 = tpu.vector_load %arg7[%parallel_loop3A_342, %parallel_loop3A_343] {strides = array<i32>} : memref<40x1024xf32, #tpu.memory_space<vmem>>, vector<16xf32>,
          %parallel_loop3A_345 = arith.constant 6.400000e+01 : f32
          %parallel_loop3A_346 = vector.broadcast %parallel_loop3A_345 : f32 to vector<16xf32>
          %parallel_loop3A_347 = arith.mulf %parallel_loop3A_344, %parallel_loop3A_346 : vector<16xf32>
          %parallel_loop3A_348 = arith.index_cast %parallel_loop3A_116 : i32 to index
          %parallel_loop3A_349 = arith.constant 400 : index
          %parallel_loop3A_350 = tpu.vector_load %arg7[%parallel_loop3A_348, %parallel_loop3A_349] {strides = array<i32>} : memref<40x1024xf32, #tpu.memory_space<vmem>>, vector<16xf32>,
          tpu.vector_store %arg7[%parallel_loop3A_348, %parallel_loop3A_349], %parallel_loop3A_347 {strides = array<i32>} : memref<40x1024xf32, #tpu.memory_space<vmem>>, vector<16xf32>,
          %parallel_loop3A_351 = arith.index_cast %parallel_loop3A_116 : i32 to index
          %parallel_loop3A_352 = arith.constant 416 : index
          %parallel_loop3A_353 = tpu.vector_load %arg7[%parallel_loop3A_351, %parallel_loop3A_352] {strides = array<i32>} : memref<40x1024xf32, #tpu.memory_space<vmem>>, vector<16xf32>,
          %parallel_loop3A_354 = arith.constant 6.400000e+01 : f32
          %parallel_loop3A_355 = vector.broadcast %parallel_loop3A_354 : f32 to vector<16xf32>
          %parallel_loop3A_356 = arith.mulf %parallel_loop3A_353, %parallel_loop3A_355 : vector<16xf32>
          %parallel_loop3A_357 = arith.index_cast %parallel_loop3A_116 : i32 to index
          %parallel_loop3A_358 = arith.constant 416 : index
          %parallel_loop3A_359 = tpu.vector_load %arg7[%parallel_loop3A_357, %parallel_loop3A_358] {strides = array<i32>} : memref<40x1024xf32, #tpu.memory_space<vmem>>, vector<16xf32>,
          tpu.vector_store %arg7[%parallel_loop3A_357, %parallel_loop3A_358], %parallel_loop3A_356 {strides = array<i32>} : memref<40x1024xf32, #tpu.memory_space<vmem>>, vector<16xf32>,
          %parallel_loop3A_360 = arith.index_cast %parallel_loop3A_116 : i32 to index
          %parallel_loop3A_361 = arith.constant 432 : index
          %parallel_loop3A_362 = tpu.vector_load %arg7[%parallel_loop3A_360, %parallel_loop3A_361] {strides = array<i32>} : memref<40x1024xf32, #tpu.memory_space<vmem>>, vector<16xf32>,
          %parallel_loop3A_363 = arith.constant 6.400000e+01 : f32
          %parallel_loop3A_364 = vector.broadcast %parallel_loop3A_363 : f32 to vector<16xf32>
          %parallel_loop3A_365 = arith.mulf %parallel_loop3A_362, %parallel_loop3A_364 : vector<16xf32>
          %parallel_loop3A_366 = arith.index_cast %parallel_loop3A_116 : i32 to index
          %parallel_loop3A_367 = arith.constant 432 : index
          %parallel_loop3A_368 = tpu.vector_load %arg7[%parallel_loop3A_366, %parallel_loop3A_367] {strides = array<i32>} : memref<40x1024xf32, #tpu.memory_space<vmem>>, vector<16xf32>,
          tpu.vector_store %arg7[%parallel_loop3A_366, %parallel_loop3A_367], %parallel_loop3A_365 {strides = array<i32>} : memref<40x1024xf32, #tpu.memory_space<vmem>>, vector<16xf32>,
          %parallel_loop3A_369 = arith.index_cast %parallel_loop3A_116 : i32 to index
          %parallel_loop3A_370 = arith.constant 448 : index
          %parallel_loop3A_371 = tpu.vector_load %arg7[%parallel_loop3A_369, %parallel_loop3A_370] {strides = array<i32>} : memref<40x1024xf32, #tpu.memory_space<vmem>>, vector<16xf32>,
          %parallel_loop3A_372 = arith.constant 6.400000e+01 : f32
          %parallel_loop3A_373 = vector.broadcast %parallel_loop3A_372 : f32 to vector<16xf32>
          %parallel_loop3A_374 = arith.mulf %parallel_loop3A_371, %parallel_loop3A_373 : vector<16xf32>
          %parallel_loop3A_375 = arith.index_cast %parallel_loop3A_116 : i32 to index
          %parallel_loop3A_376 = arith.constant 448 : index
          %parallel_loop3A_377 = tpu.vector_load %arg7[%parallel_loop3A_375, %parallel_loop3A_376] {strides = array<i32>} : memref<40x1024xf32, #tpu.memory_space<vmem>>, vector<16xf32>,
          tpu.vector_store %arg7[%parallel_loop3A_375, %parallel_loop3A_376], %parallel_loop3A_374 {strides = array<i32>} : memref<40x1024xf32, #tpu.memory_space<vmem>>, vector<16xf32>,
          %parallel_loop3A_378 = arith.index_cast %parallel_loop3A_116 : i32 to index
          %parallel_loop3A_379 = arith.constant 464 : index
          %parallel_loop3A_380 = tpu.vector_load %arg7[%parallel_loop3A_378, %parallel_loop3A_379] {strides = array<i32>} : memref<40x1024xf32, #tpu.memory_space<vmem>>, vector<16xf32>,
          %parallel_loop3A_381 = arith.constant 6.400000e+01 : f32
          %parallel_loop3A_382 = vector.broadcast %parallel_loop3A_381 : f32 to vector<16xf32>
          %parallel_loop3A_383 = arith.mulf %parallel_loop3A_380, %parallel_loop3A_382 : vector<16xf32>
          %parallel_loop3A_384 = arith.index_cast %parallel_loop3A_116 : i32 to index
          %parallel_loop3A_385 = arith.constant 464 : index
          %parallel_loop3A_386 = tpu.vector_load %arg7[%parallel_loop3A_384, %parallel_loop3A_385] {strides = array<i32>} : memref<40x1024xf32, #tpu.memory_space<vmem>>, vector<16xf32>,
          tpu.vector_store %arg7[%parallel_loop3A_384, %parallel_loop3A_385], %parallel_loop3A_383 {strides = array<i32>} : memref<40x1024xf32, #tpu.memory_space<vmem>>, vector<16xf32>,
          %parallel_loop3A_387 = arith.index_cast %parallel_loop3A_116 : i32 to index
          %parallel_loop3A_388 = arith.constant 480 : index
          %parallel_loop3A_389 = tpu.vector_load %arg7[%parallel_loop3A_387, %parallel_loop3A_388] {strides = array<i32>} : memref<40x1024xf32, #tpu.memory_space<vmem>>, vector<16xf32>,
          %parallel_loop3A_390 = arith.constant 6.400000e+01 : f32
          %parallel_loop3A_391 = vector.broadcast %parallel_loop3A_390 : f32 to vector<16xf32>
          %parallel_loop3A_392 = arith.mulf %parallel_loop3A_389, %parallel_loop3A_391 : vector<16xf32>
          %parallel_loop3A_393 = arith.index_cast %parallel_loop3A_116 : i32 to index
          %parallel_loop3A_394 = arith.constant 480 : index
          %parallel_loop3A_395 = tpu.vector_load %arg7[%parallel_loop3A_393, %parallel_loop3A_394] {strides = array<i32>} : memref<40x1024xf32, #tpu.memory_space<vmem>>, vector<16xf32>,
          tpu.vector_store %arg7[%parallel_loop3A_393, %parallel_loop3A_394], %parallel_loop3A_392 {strides = array<i32>} : memref<40x1024xf32, #tpu.memory_space<vmem>>, vector<16xf32>,
          %parallel_loop3A_396 = arith.index_cast %parallel_loop3A_116 : i32 to index
          %parallel_loop3A_397 = arith.constant 496 : index
          %parallel_loop3A_398 = tpu.vector_load %arg7[%parallel_loop3A_396, %parallel_loop3A_397] {strides = array<i32>} : memref<40x1024xf32, #tpu.memory_space<vmem>>, vector<16xf32>,
          %parallel_loop3A_399 = arith.constant 6.400000e+01 : f32
          %parallel_loop3A_400 = vector.broadcast %parallel_loop3A_399 : f32 to vector<16xf32>
          %parallel_loop3A_401 = arith.mulf %parallel_loop3A_398, %parallel_loop3A_400 : vector<16xf32>
          %parallel_loop3A_402 = arith.index_cast %parallel_loop3A_116 : i32 to index
          %parallel_loop3A_403 = arith.constant 496 : index
          %parallel_loop3A_404 = tpu.vector_load %arg7[%parallel_loop3A_402, %parallel_loop3A_403] {strides = array<i32>} : memref<40x1024xf32, #tpu.memory_space<vmem>>, vector<16xf32>,
          tpu.vector_store %arg7[%parallel_loop3A_402, %parallel_loop3A_403], %parallel_loop3A_401 {strides = array<i32>} : memref<40x1024xf32, #tpu.memory_space<vmem>>, vector<16xf32>,
          %parallel_loop3A_405 = arith.index_cast %parallel_loop3A_116 : i32 to index
          %parallel_loop3A_406 = arith.constant 512 : index
          %parallel_loop3A_407 = tpu.vector_load %arg7[%parallel_loop3A_405, %parallel_loop3A_406] {strides = array<i32>} : memref<40x1024xf32, #tpu.memory_space<vmem>>, vector<16xf32>,
          %parallel_loop3A_408 = arith.constant 6.400000e+01 : f32
          %parallel_loop3A_409 = vector.broadcast %parallel_loop3A_408 : f32 to vector<16xf32>
          %parallel_loop3A_410 = arith.mulf %parallel_loop3A_407, %parallel_loop3A_409 : vector<16xf32>
          %parallel_loop3A_411 = arith.index_cast %parallel_loop3A_116 : i32 to index
          %parallel_loop3A_412 = arith.constant 512 : index
          %parallel_loop3A_413 = tpu.vector_load %arg7[%parallel_loop3A_411, %parallel_loop3A_412] {strides = array<i32>} : memref<40x1024xf32, #tpu.memory_space<vmem>>, vector<16xf32>,
          tpu.vector_store %arg7[%parallel_loop3A_411, %parallel_loop3A_412], %parallel_loop3A_410 {strides = array<i32>} : memref<40x1024xf32, #tpu.memory_space<vmem>>, vector<16xf32>,
          %parallel_loop3A_414 = arith.index_cast %parallel_loop3A_116 : i32 to index
          %parallel_loop3A_415 = arith.constant 528 : index
          %parallel_loop3A_416 = tpu.vector_load %arg7[%parallel_loop3A_414, %parallel_loop3A_415] {strides = array<i32>} : memref<40x1024xf32, #tpu.memory_space<vmem>>, vector<16xf32>,
          %parallel_loop3A_417 = arith.constant 6.400000e+01 : f32
          %parallel_loop3A_418 = vector.broadcast %parallel_loop3A_417 : f32 to vector<16xf32>
          %parallel_loop3A_419 = arith.mulf %parallel_loop3A_416, %parallel_loop3A_418 : vector<16xf32>
          %parallel_loop3A_420 = arith.index_cast %parallel_loop3A_116 : i32 to index
          %parallel_loop3A_421 = arith.constant 528 : index
          %parallel_loop3A_422 = tpu.vector_load %arg7[%parallel_loop3A_420, %parallel_loop3A_421] {strides = array<i32>} : memref<40x1024xf32, #tpu.memory_space<vmem>>, vector<16xf32>,
          tpu.vector_store %arg7[%parallel_loop3A_420, %parallel_loop3A_421], %parallel_loop3A_419 {strides = array<i32>} : memref<40x1024xf32, #tpu.memory_space<vmem>>, vector<16xf32>,
          %parallel_loop3A_423 = arith.index_cast %parallel_loop3A_116 : i32 to index
          %parallel_loop3A_424 = arith.constant 544 : index
          %parallel_loop3A_425 = tpu.vector_load %arg7[%parallel_loop3A_423, %parallel_loop3A_424] {strides = array<i32>} : memref<40x1024xf32, #tpu.memory_space<vmem>>, vector<16xf32>,
          %parallel_loop3A_426 = arith.constant 6.400000e+01 : f32
          %parallel_loop3A_427 = vector.broadcast %parallel_loop3A_426 : f32 to vector<16xf32>
          %parallel_loop3A_428 = arith.mulf %parallel_loop3A_425, %parallel_loop3A_427 : vector<16xf32>
          %parallel_loop3A_429 = arith.index_cast %parallel_loop3A_116 : i32 to index
          %parallel_loop3A_430 = arith.constant 544 : index
          %parallel_loop3A_431 = tpu.vector_load %arg7[%parallel_loop3A_429, %parallel_loop3A_430] {strides = array<i32>} : memref<40x1024xf32, #tpu.memory_space<vmem>>, vector<16xf32>,
          tpu.vector_store %arg7[%parallel_loop3A_429, %parallel_loop3A_430], %parallel_loop3A_428 {strides = array<i32>} : memref<40x1024xf32, #tpu.memory_space<vmem>>, vector<16xf32>,
          %parallel_loop3A_432 = arith.index_cast %parallel_loop3A_116 : i32 to index
          %parallel_loop3A_433 = arith.constant 560 : index
          %parallel_loop3A_434 = tpu.vector_load %arg7[%parallel_loop3A_432, %parallel_loop3A_433] {strides = array<i32>} : memref<40x1024xf32, #tpu.memory_space<vmem>>, vector<16xf32>,
          %parallel_loop3A_435 = arith.constant 6.400000e+01 : f32
          %parallel_loop3A_436 = vector.broadcast %parallel_loop3A_435 : f32 to vector<16xf32>
          %parallel_loop3A_437 = arith.mulf %parallel_loop3A_434, %parallel_loop3A_436 : vector<16xf32>
          %parallel_loop3A_438 = arith.index_cast %parallel_loop3A_116 : i32 to index
          %parallel_loop3A_439 = arith.constant 560 : index
          %parallel_loop3A_440 = tpu.vector_load %arg7[%parallel_loop3A_438, %parallel_loop3A_439] {strides = array<i32>} : memref<40x1024xf32, #tpu.memory_space<vmem>>, vector<16xf32>,
          tpu.vector_store %arg7[%parallel_loop3A_438, %parallel_loop3A_439], %parallel_loop3A_437 {strides = array<i32>} : memref<40x1024xf32, #tpu.memory_space<vmem>>, vector<16xf32>,
          %parallel_loop3A_441 = arith.index_cast %parallel_loop3A_116 : i32 to index
          %parallel_loop3A_442 = arith.constant 576 : index
          %parallel_loop3A_443 = tpu.vector_load %arg7[%parallel_loop3A_441, %parallel_loop3A_442] {strides = array<i32>} : memref<40x1024xf32, #tpu.memory_space<vmem>>, vector<16xf32>,
          %parallel_loop3A_444 = arith.constant 6.400000e+01 : f32
          %parallel_loop3A_445 = vector.broadcast %parallel_loop3A_444 : f32 to vector<16xf32>
          %parallel_loop3A_446 = arith.mulf %parallel_loop3A_443, %parallel_loop3A_445 : vector<16xf32>
          %parallel_loop3A_447 = arith.index_cast %parallel_loop3A_116 : i32 to index
          %parallel_loop3A_448 = arith.constant 576 : index
          %parallel_loop3A_449 = tpu.vector_load %arg7[%parallel_loop3A_447, %parallel_loop3A_448] {strides = array<i32>} : memref<40x1024xf32, #tpu.memory_space<vmem>>, vector<16xf32>,
          tpu.vector_store %arg7[%parallel_loop3A_447, %parallel_loop3A_448], %parallel_loop3A_446 {strides = array<i32>} : memref<40x1024xf32, #tpu.memory_space<vmem>>, vector<16xf32>,
          %parallel_loop3A_450 = arith.index_cast %parallel_loop3A_116 : i32 to index
          %parallel_loop3A_451 = arith.constant 592 : index
          %parallel_loop3A_452 = tpu.vector_load %arg7[%parallel_loop3A_450, %parallel_loop3A_451] {strides = array<i32>} : memref<40x1024xf32, #tpu.memory_space<vmem>>, vector<16xf32>,
          %parallel_loop3A_453 = arith.constant 6.400000e+01 : f32
          %parallel_loop3A_454 = vector.broadcast %parallel_loop3A_453 : f32 to vector<16xf32>
          %parallel_loop3A_455 = arith.mulf %parallel_loop3A_452, %parallel_loop3A_454 : vector<16xf32>
          %parallel_loop3A_456 = arith.index_cast %parallel_loop3A_116 : i32 to index
          %parallel_loop3A_457 = arith.constant 592 : index
          %parallel_loop3A_458 = tpu.vector_load %arg7[%parallel_loop3A_456, %parallel_loop3A_457] {strides = array<i32>} : memref<40x1024xf32, #tpu.memory_space<vmem>>, vector<16xf32>,
          tpu.vector_store %arg7[%parallel_loop3A_456, %parallel_loop3A_457], %parallel_loop3A_455 {strides = array<i32>} : memref<40x1024xf32, #tpu.memory_space<vmem>>, vector<16xf32>,
          %parallel_loop3A_459 = arith.index_cast %parallel_loop3A_116 : i32 to index
          %parallel_loop3A_460 = arith.constant 608 : index
          %parallel_loop3A_461 = tpu.vector_load %arg7[%parallel_loop3A_459, %parallel_loop3A_460] {strides = array<i32>} : memref<40x1024xf32, #tpu.memory_space<vmem>>, vector<16xf32>,
          %parallel_loop3A_462 = arith.constant 6.400000e+01 : f32
          %parallel_loop3A_463 = vector.broadcast %parallel_loop3A_462 : f32 to vector<16xf32>
          %parallel_loop3A_464 = arith.mulf %parallel_loop3A_461, %parallel_loop3A_463 : vector<16xf32>
          %parallel_loop3A_465 = arith.index_cast %parallel_loop3A_116 : i32 to index
          %parallel_loop3A_466 = arith.constant 608 : index
          %parallel_loop3A_467 = tpu.vector_load %arg7[%parallel_loop3A_465, %parallel_loop3A_466] {strides = array<i32>} : memref<40x1024xf32, #tpu.memory_space<vmem>>, vector<16xf32>,
          tpu.vector_store %arg7[%parallel_loop3A_465, %parallel_loop3A_466], %parallel_loop3A_464 {strides = array<i32>} : memref<40x1024xf32, #tpu.memory_space<vmem>>, vector<16xf32>,
          %parallel_loop3A_468 = arith.index_cast %parallel_loop3A_116 : i32 to index
          %parallel_loop3A_469 = arith.constant 624 : index
          %parallel_loop3A_470 = tpu.vector_load %arg7[%parallel_loop3A_468, %parallel_loop3A_469] {strides = array<i32>} : memref<40x1024xf32, #tpu.memory_space<vmem>>, vector<16xf32>,
          %parallel_loop3A_471 = arith.constant 6.400000e+01 : f32
          %parallel_loop3A_472 = vector.broadcast %parallel_loop3A_471 : f32 to vector<16xf32>
          %parallel_loop3A_473 = arith.mulf %parallel_loop3A_470, %parallel_loop3A_472 : vector<16xf32>
          %parallel_loop3A_474 = arith.index_cast %parallel_loop3A_116 : i32 to index
          %parallel_loop3A_475 = arith.constant 624 : index
          %parallel_loop3A_476 = tpu.vector_load %arg7[%parallel_loop3A_474, %parallel_loop3A_475] {strides = array<i32>} : memref<40x1024xf32, #tpu.memory_space<vmem>>, vector<16xf32>,
          tpu.vector_store %arg7[%parallel_loop3A_474, %parallel_loop3A_475], %parallel_loop3A_473 {strides = array<i32>} : memref<40x1024xf32, #tpu.memory_space<vmem>>, vector<16xf32>,
          %parallel_loop3A_477 = arith.index_cast %parallel_loop3A_116 : i32 to index
          %parallel_loop3A_478 = arith.constant 640 : index
          %parallel_loop3A_479 = tpu.vector_load %arg7[%parallel_loop3A_477, %parallel_loop3A_478] {strides = array<i32>} : memref<40x1024xf32, #tpu.memory_space<vmem>>, vector<16xf32>,
          %parallel_loop3A_480 = arith.constant 6.400000e+01 : f32
          %parallel_loop3A_481 = vector.broadcast %parallel_loop3A_480 : f32 to vector<16xf32>
          %parallel_loop3A_482 = arith.mulf %parallel_loop3A_479, %parallel_loop3A_481 : vector<16xf32>
          %parallel_loop3A_483 = arith.index_cast %parallel_loop3A_116 : i32 to index
          %parallel_loop3A_484 = arith.constant 640 : index
          %parallel_loop3A_485 = tpu.vector_load %arg7[%parallel_loop3A_483, %parallel_loop3A_484] {strides = array<i32>} : memref<40x1024xf32, #tpu.memory_space<vmem>>, vector<16xf32>,
          tpu.vector_store %arg7[%parallel_loop3A_483, %parallel_loop3A_484], %parallel_loop3A_482 {strides = array<i32>} : memref<40x1024xf32, #tpu.memory_space<vmem>>, vector<16xf32>,
          %parallel_loop3A_486 = arith.index_cast %parallel_loop3A_116 : i32 to index
          %parallel_loop3A_487 = arith.constant 656 : index
          %parallel_loop3A_488 = tpu.vector_load %arg7[%parallel_loop3A_486, %parallel_loop3A_487] {strides = array<i32>} : memref<40x1024xf32, #tpu.memory_space<vmem>>, vector<16xf32>,
          %parallel_loop3A_489 = arith.constant 6.400000e+01 : f32
          %parallel_loop3A_490 = vector.broadcast %parallel_loop3A_489 : f32 to vector<16xf32>
          %parallel_loop3A_491 = arith.mulf %parallel_loop3A_488, %parallel_loop3A_490 : vector<16xf32>
          %parallel_loop3A_492 = arith.index_cast %parallel_loop3A_116 : i32 to index
          %parallel_loop3A_493 = arith.constant 656 : index
          %parallel_loop3A_494 = tpu.vector_load %arg7[%parallel_loop3A_492, %parallel_loop3A_493] {strides = array<i32>} : memref<40x1024xf32, #tpu.memory_space<vmem>>, vector<16xf32>,
          tpu.vector_store %arg7[%parallel_loop3A_492, %parallel_loop3A_493], %parallel_loop3A_491 {strides = array<i32>} : memref<40x1024xf32, #tpu.memory_space<vmem>>, vector<16xf32>,
          %parallel_loop3A_495 = arith.index_cast %parallel_loop3A_116 : i32 to index
          %parallel_loop3A_496 = arith.constant 672 : index
          %parallel_loop3A_497 = tpu.vector_load %arg7[%parallel_loop3A_495, %parallel_loop3A_496] {strides = array<i32>} : memref<40x1024xf32, #tpu.memory_space<vmem>>, vector<16xf32>,
          %parallel_loop3A_498 = arith.constant 6.400000e+01 : f32
          %parallel_loop3A_499 = vector.broadcast %parallel_loop3A_498 : f32 to vector<16xf32>
          %parallel_loop3A_500 = arith.mulf %parallel_loop3A_497, %parallel_loop3A_499 : vector<16xf32>
          %parallel_loop3A_501 = arith.index_cast %parallel_loop3A_116 : i32 to index
          %parallel_loop3A_502 = arith.constant 672 : index
          %parallel_loop3A_503 = tpu.vector_load %arg7[%parallel_loop3A_501, %parallel_loop3A_502] {strides = array<i32>} : memref<40x1024xf32, #tpu.memory_space<vmem>>, vector<16xf32>,
          tpu.vector_store %arg7[%parallel_loop3A_501, %parallel_loop3A_502], %parallel_loop3A_500 {strides = array<i32>} : memref<40x1024xf32, #tpu.memory_space<vmem>>, vector<16xf32>,
          %parallel_loop3A_504 = arith.index_cast %parallel_loop3A_116 : i32 to index
          %parallel_loop3A_505 = arith.constant 688 : index
          %parallel_loop3A_506 = tpu.vector_load %arg7[%parallel_loop3A_504, %parallel_loop3A_505] {strides = array<i32>} : memref<40x1024xf32, #tpu.memory_space<vmem>>, vector<16xf32>,
          %parallel_loop3A_507 = arith.constant 6.400000e+01 : f32
          %parallel_loop3A_508 = vector.broadcast %parallel_loop3A_507 : f32 to vector<16xf32>
          %parallel_loop3A_509 = arith.mulf %parallel_loop3A_506, %parallel_loop3A_508 : vector<16xf32>
          %parallel_loop3A_510 = arith.index_cast %parallel_loop3A_116 : i32 to index
          %parallel_loop3A_511 = arith.constant 688 : index
          %parallel_loop3A_512 = tpu.vector_load %arg7[%parallel_loop3A_510, %parallel_loop3A_511] {strides = array<i32>} : memref<40x1024xf32, #tpu.memory_space<vmem>>, vector<16xf32>,
          tpu.vector_store %arg7[%parallel_loop3A_510, %parallel_loop3A_511], %parallel_loop3A_509 {strides = array<i32>} : memref<40x1024xf32, #tpu.memory_space<vmem>>, vector<16xf32>,
          %parallel_loop3A_513 = arith.index_cast %parallel_loop3A_116 : i32 to index
          %parallel_loop3A_514 = arith.constant 704 : index
          %parallel_loop3A_515 = tpu.vector_load %arg7[%parallel_loop3A_513, %parallel_loop3A_514] {strides = array<i32>} : memref<40x1024xf32, #tpu.memory_space<vmem>>, vector<16xf32>,
          %parallel_loop3A_516 = arith.constant 6.400000e+01 : f32
          %parallel_loop3A_517 = vector.broadcast %parallel_loop3A_516 : f32 to vector<16xf32>
          %parallel_loop3A_518 = arith.mulf %parallel_loop3A_515, %parallel_loop3A_517 : vector<16xf32>
          %parallel_loop3A_519 = arith.index_cast %parallel_loop3A_116 : i32 to index
          %parallel_loop3A_520 = arith.constant 704 : index
          %parallel_loop3A_521 = tpu.vector_load %arg7[%parallel_loop3A_519, %parallel_loop3A_520] {strides = array<i32>} : memref<40x1024xf32, #tpu.memory_space<vmem>>, vector<16xf32>,
          tpu.vector_store %arg7[%parallel_loop3A_519, %parallel_loop3A_520], %parallel_loop3A_518 {strides = array<i32>} : memref<40x1024xf32, #tpu.memory_space<vmem>>, vector<16xf32>,
          %parallel_loop3A_522 = arith.index_cast %parallel_loop3A_116 : i32 to index
          %parallel_loop3A_523 = arith.constant 720 : index
          %parallel_loop3A_524 = tpu.vector_load %arg7[%parallel_loop3A_522, %parallel_loop3A_523] {strides = array<i32>} : memref<40x1024xf32, #tpu.memory_space<vmem>>, vector<16xf32>,
          %parallel_loop3A_525 = arith.constant 6.400000e+01 : f32
          %parallel_loop3A_526 = vector.broadcast %parallel_loop3A_525 : f32 to vector<16xf32>
          %parallel_loop3A_527 = arith.mulf %parallel_loop3A_524, %parallel_loop3A_526 : vector<16xf32>
          %parallel_loop3A_528 = arith.index_cast %parallel_loop3A_116 : i32 to index
          %parallel_loop3A_529 = arith.constant 720 : index
          %parallel_loop3A_530 = tpu.vector_load %arg7[%parallel_loop3A_528, %parallel_loop3A_529] {strides = array<i32>} : memref<40x1024xf32, #tpu.memory_space<vmem>>, vector<16xf32>,
          tpu.vector_store %arg7[%parallel_loop3A_528, %parallel_loop3A_529], %parallel_loop3A_527 {strides = array<i32>} : memref<40x1024xf32, #tpu.memory_space<vmem>>, vector<16xf32>,
          %parallel_loop3A_531 = arith.index_cast %parallel_loop3A_116 : i32 to index
          %parallel_loop3A_532 = arith.constant 736 : index
          %parallel_loop3A_533 = tpu.vector_load %arg7[%parallel_loop3A_531, %parallel_loop3A_532] {strides = array<i32>} : memref<40x1024xf32, #tpu.memory_space<vmem>>, vector<16xf32>,
          %parallel_loop3A_534 = arith.constant 6.400000e+01 : f32
          %parallel_loop3A_535 = vector.broadcast %parallel_loop3A_534 : f32 to vector<16xf32>
          %parallel_loop3A_536 = arith.mulf %parallel_loop3A_533, %parallel_loop3A_535 : vector<16xf32>
          %parallel_loop3A_537 = arith.index_cast %parallel_loop3A_116 : i32 to index
          %parallel_loop3A_538 = arith.constant 736 : index
          %parallel_loop3A_539 = tpu.vector_load %arg7[%parallel_loop3A_537, %parallel_loop3A_538] {strides = array<i32>} : memref<40x1024xf32, #tpu.memory_space<vmem>>, vector<16xf32>,
          tpu.vector_store %arg7[%parallel_loop3A_537, %parallel_loop3A_538], %parallel_loop3A_536 {strides = array<i32>} : memref<40x1024xf32, #tpu.memory_space<vmem>>, vector<16xf32>,
          %parallel_loop3A_540 = arith.index_cast %parallel_loop3A_116 : i32 to index
          %parallel_loop3A_541 = arith.constant 752 : index
          %parallel_loop3A_542 = tpu.vector_load %arg7[%parallel_loop3A_540, %parallel_loop3A_541] {strides = array<i32>} : memref<40x1024xf32, #tpu.memory_space<vmem>>, vector<16xf32>,
          %parallel_loop3A_543 = arith.constant 6.400000e+01 : f32
          %parallel_loop3A_544 = vector.broadcast %parallel_loop3A_543 : f32 to vector<16xf32>
          %parallel_loop3A_545 = arith.mulf %parallel_loop3A_542, %parallel_loop3A_544 : vector<16xf32>
          %parallel_loop3A_546 = arith.index_cast %parallel_loop3A_116 : i32 to index
          %parallel_loop3A_547 = arith.constant 752 : index
          %parallel_loop3A_548 = tpu.vector_load %arg7[%parallel_loop3A_546, %parallel_loop3A_547] {strides = array<i32>} : memref<40x1024xf32, #tpu.memory_space<vmem>>, vector<16xf32>,
          tpu.vector_store %arg7[%parallel_loop3A_546, %parallel_loop3A_547], %parallel_loop3A_545 {strides = array<i32>} : memref<40x1024xf32, #tpu.memory_space<vmem>>, vector<16xf32>,
          %parallel_loop3A_549 = arith.index_cast %parallel_loop3A_116 : i32 to index
          %parallel_loop3A_550 = arith.constant 768 : index
          %parallel_loop3A_551 = tpu.vector_load %arg7[%parallel_loop3A_549, %parallel_loop3A_550] {strides = array<i32>} : memref<40x1024xf32, #tpu.memory_space<vmem>>, vector<16xf32>,
          %parallel_loop3A_552 = arith.constant 6.400000e+01 : f32
          %parallel_loop3A_553 = vector.broadcast %parallel_loop3A_552 : f32 to vector<16xf32>
          %parallel_loop3A_554 = arith.mulf %parallel_loop3A_551, %parallel_loop3A_553 : vector<16xf32>
          %parallel_loop3A_555 = arith.index_cast %parallel_loop3A_116 : i32 to index
          %parallel_loop3A_556 = arith.constant 768 : index
          %parallel_loop3A_557 = tpu.vector_load %arg7[%parallel_loop3A_555, %parallel_loop3A_556] {strides = array<i32>} : memref<40x1024xf32, #tpu.memory_space<vmem>>, vector<16xf32>,
          tpu.vector_store %arg7[%parallel_loop3A_555, %parallel_loop3A_556], %parallel_loop3A_554 {strides = array<i32>} : memref<40x1024xf32, #tpu.memory_space<vmem>>, vector<16xf32>,
          %parallel_loop3A_558 = arith.index_cast %parallel_loop3A_116 : i32 to index
          %parallel_loop3A_559 = arith.constant 784 : index
          %parallel_loop3A_560 = tpu.vector_load %arg7[%parallel_loop3A_558, %parallel_loop3A_559] {strides = array<i32>} : memref<40x1024xf32, #tpu.memory_space<vmem>>, vector<16xf32>,
          %parallel_loop3A_561 = arith.constant 6.400000e+01 : f32
          %parallel_loop3A_562 = vector.broadcast %parallel_loop3A_561 : f32 to vector<16xf32>
          %parallel_loop3A_563 = arith.mulf %parallel_loop3A_560, %parallel_loop3A_562 : vector<16xf32>
          %parallel_loop3A_564 = arith.index_cast %parallel_loop3A_116 : i32 to index
          %parallel_loop3A_565 = arith.constant 784 : index
          %parallel_loop3A_566 = tpu.vector_load %arg7[%parallel_loop3A_564, %parallel_loop3A_565] {strides = array<i32>} : memref<40x1024xf32, #tpu.memory_space<vmem>>, vector<16xf32>,
          tpu.vector_store %arg7[%parallel_loop3A_564, %parallel_loop3A_565], %parallel_loop3A_563 {strides = array<i32>} : memref<40x1024xf32, #tpu.memory_space<vmem>>, vector<16xf32>,
          %parallel_loop3A_567 = arith.index_cast %parallel_loop3A_116 : i32 to index
          %parallel_loop3A_568 = arith.constant 800 : index
          %parallel_loop3A_569 = tpu.vector_load %arg7[%parallel_loop3A_567, %parallel_loop3A_568] {strides = array<i32>} : memref<40x1024xf32, #tpu.memory_space<vmem>>, vector<16xf32>,
          %parallel_loop3A_570 = arith.constant 6.400000e+01 : f32
          %parallel_loop3A_571 = vector.broadcast %parallel_loop3A_570 : f32 to vector<16xf32>
          %parallel_loop3A_572 = arith.mulf %parallel_loop3A_569, %parallel_loop3A_571 : vector<16xf32>
          %parallel_loop3A_573 = arith.index_cast %parallel_loop3A_116 : i32 to index
          %parallel_loop3A_574 = arith.constant 800 : index
          %parallel_loop3A_575 = tpu.vector_load %arg7[%parallel_loop3A_573, %parallel_loop3A_574] {strides = array<i32>} : memref<40x1024xf32, #tpu.memory_space<vmem>>, vector<16xf32>,
          tpu.vector_store %arg7[%parallel_loop3A_573, %parallel_loop3A_574], %parallel_loop3A_572 {strides = array<i32>} : memref<40x1024xf32, #tpu.memory_space<vmem>>, vector<16xf32>,
          %parallel_loop3A_576 = arith.index_cast %parallel_loop3A_116 : i32 to index
          %parallel_loop3A_577 = arith.constant 816 : index
          %parallel_loop3A_578 = tpu.vector_load %arg7[%parallel_loop3A_576, %parallel_loop3A_577] {strides = array<i32>} : memref<40x1024xf32, #tpu.memory_space<vmem>>, vector<16xf32>,
          %parallel_loop3A_579 = arith.constant 6.400000e+01 : f32
          %parallel_loop3A_580 = vector.broadcast %parallel_loop3A_579 : f32 to vector<16xf32>
          %parallel_loop3A_581 = arith.mulf %parallel_loop3A_578, %parallel_loop3A_580 : vector<16xf32>
          %parallel_loop3A_582 = arith.index_cast %parallel_loop3A_116 : i32 to index
          %parallel_loop3A_583 = arith.constant 816 : index
          %parallel_loop3A_584 = tpu.vector_load %arg7[%parallel_loop3A_582, %parallel_loop3A_583] {strides = array<i32>} : memref<40x1024xf32, #tpu.memory_space<vmem>>, vector<16xf32>,
          tpu.vector_store %arg7[%parallel_loop3A_582, %parallel_loop3A_583], %parallel_loop3A_581 {strides = array<i32>} : memref<40x1024xf32, #tpu.memory_space<vmem>>, vector<16xf32>,
          %parallel_loop3A_585 = arith.index_cast %parallel_loop3A_116 : i32 to index
          %parallel_loop3A_586 = arith.constant 832 : index
          %parallel_loop3A_587 = tpu.vector_load %arg7[%parallel_loop3A_585, %parallel_loop3A_586] {strides = array<i32>} : memref<40x1024xf32, #tpu.memory_space<vmem>>, vector<16xf32>,
          %parallel_loop3A_588 = arith.constant 6.400000e+01 : f32
          %parallel_loop3A_589 = vector.broadcast %parallel_loop3A_588 : f32 to vector<16xf32>
          %parallel_loop3A_590 = arith.mulf %parallel_loop3A_587, %parallel_loop3A_589 : vector<16xf32>
          %parallel_loop3A_591 = arith.index_cast %parallel_loop3A_116 : i32 to index
          %parallel_loop3A_592 = arith.constant 832 : index
          %parallel_loop3A_593 = tpu.vector_load %arg7[%parallel_loop3A_591, %parallel_loop3A_592] {strides = array<i32>} : memref<40x1024xf32, #tpu.memory_space<vmem>>, vector<16xf32>,
          tpu.vector_store %arg7[%parallel_loop3A_591, %parallel_loop3A_592], %parallel_loop3A_590 {strides = array<i32>} : memref<40x1024xf32, #tpu.memory_space<vmem>>, vector<16xf32>,
          %parallel_loop3A_594 = arith.index_cast %parallel_loop3A_116 : i32 to index
          %parallel_loop3A_595 = arith.constant 848 : index
          %parallel_loop3A_596 = tpu.vector_load %arg7[%parallel_loop3A_594, %parallel_loop3A_595] {strides = array<i32>} : memref<40x1024xf32, #tpu.memory_space<vmem>>, vector<16xf32>,
          %parallel_loop3A_597 = arith.constant 6.400000e+01 : f32
          %parallel_loop3A_598 = vector.broadcast %parallel_loop3A_597 : f32 to vector<16xf32>
          %parallel_loop3A_599 = arith.mulf %parallel_loop3A_596, %parallel_loop3A_598 : vector<16xf32>
          %parallel_loop3A_600 = arith.index_cast %parallel_loop3A_116 : i32 to index
          %parallel_loop3A_601 = arith.constant 848 : index
          %parallel_loop3A_602 = tpu.vector_load %arg7[%parallel_loop3A_600, %parallel_loop3A_601] {strides = array<i32>} : memref<40x1024xf32, #tpu.memory_space<vmem>>, vector<16xf32>,
          tpu.vector_store %arg7[%parallel_loop3A_600, %parallel_loop3A_601], %parallel_loop3A_599 {strides = array<i32>} : memref<40x1024xf32, #tpu.memory_space<vmem>>, vector<16xf32>,
          %parallel_loop3A_603 = arith.index_cast %parallel_loop3A_116 : i32 to index
          %parallel_loop3A_604 = arith.constant 864 : index
          %parallel_loop3A_605 = tpu.vector_load %arg7[%parallel_loop3A_603, %parallel_loop3A_604] {strides = array<i32>} : memref<40x1024xf32, #tpu.memory_space<vmem>>, vector<16xf32>,
          %parallel_loop3A_606 = arith.constant 6.400000e+01 : f32
          %parallel_loop3A_607 = vector.broadcast %parallel_loop3A_606 : f32 to vector<16xf32>
          %parallel_loop3A_608 = arith.mulf %parallel_loop3A_605, %parallel_loop3A_607 : vector<16xf32>
          %parallel_loop3A_609 = arith.index_cast %parallel_loop3A_116 : i32 to index
          %parallel_loop3A_610 = arith.constant 864 : index
          %parallel_loop3A_611 = tpu.vector_load %arg7[%parallel_loop3A_609, %parallel_loop3A_610] {strides = array<i32>} : memref<40x1024xf32, #tpu.memory_space<vmem>>, vector<16xf32>,
          tpu.vector_store %arg7[%parallel_loop3A_609, %parallel_loop3A_610], %parallel_loop3A_608 {strides = array<i32>} : memref<40x1024xf32, #tpu.memory_space<vmem>>, vector<16xf32>,
          %parallel_loop3A_612 = arith.index_cast %parallel_loop3A_116 : i32 to index
          %parallel_loop3A_613 = arith.constant 880 : index
          %parallel_loop3A_614 = tpu.vector_load %arg7[%parallel_loop3A_612, %parallel_loop3A_613] {strides = array<i32>} : memref<40x1024xf32, #tpu.memory_space<vmem>>, vector<16xf32>,
          %parallel_loop3A_615 = arith.constant 6.400000e+01 : f32
          %parallel_loop3A_616 = vector.broadcast %parallel_loop3A_615 : f32 to vector<16xf32>
          %parallel_loop3A_617 = arith.mulf %parallel_loop3A_614, %parallel_loop3A_616 : vector<16xf32>
          %parallel_loop3A_618 = arith.index_cast %parallel_loop3A_116 : i32 to index
          %parallel_loop3A_619 = arith.constant 880 : index
          %parallel_loop3A_620 = tpu.vector_load %arg7[%parallel_loop3A_618, %parallel_loop3A_619] {strides = array<i32>} : memref<40x1024xf32, #tpu.memory_space<vmem>>, vector<16xf32>,
          tpu.vector_store %arg7[%parallel_loop3A_618, %parallel_loop3A_619], %parallel_loop3A_617 {strides = array<i32>} : memref<40x1024xf32, #tpu.memory_space<vmem>>, vector<16xf32>,
          %parallel_loop3A_621 = arith.index_cast %parallel_loop3A_116 : i32 to index
          %parallel_loop3A_622 = arith.constant 896 : index
          %parallel_loop3A_623 = tpu.vector_load %arg7[%parallel_loop3A_621, %parallel_loop3A_622] {strides = array<i32>} : memref<40x1024xf32, #tpu.memory_space<vmem>>, vector<16xf32>,
          %parallel_loop3A_624 = arith.constant 6.400000e+01 : f32
          %parallel_loop3A_625 = vector.broadcast %parallel_loop3A_624 : f32 to vector<16xf32>
          %parallel_loop3A_626 = arith.mulf %parallel_loop3A_623, %parallel_loop3A_625 : vector<16xf32>
          %parallel_loop3A_627 = arith.index_cast %parallel_loop3A_116 : i32 to index
          %parallel_loop3A_628 = arith.constant 896 : index
          %parallel_loop3A_629 = tpu.vector_load %arg7[%parallel_loop3A_627, %parallel_loop3A_628] {strides = array<i32>} : memref<40x1024xf32, #tpu.memory_space<vmem>>, vector<16xf32>,
          tpu.vector_store %arg7[%parallel_loop3A_627, %parallel_loop3A_628], %parallel_loop3A_626 {strides = array<i32>} : memref<40x1024xf32, #tpu.memory_space<vmem>>, vector<16xf32>,
          %parallel_loop3A_630 = arith.index_cast %parallel_loop3A_116 : i32 to index
          %parallel_loop3A_631 = arith.constant 912 : index
          %parallel_loop3A_632 = tpu.vector_load %arg7[%parallel_loop3A_630, %parallel_loop3A_631] {strides = array<i32>} : memref<40x1024xf32, #tpu.memory_space<vmem>>, vector<16xf32>,
          %parallel_loop3A_633 = arith.constant 6.400000e+01 : f32
          %parallel_loop3A_634 = vector.broadcast %parallel_loop3A_633 : f32 to vector<16xf32>
          %parallel_loop3A_635 = arith.mulf %parallel_loop3A_632, %parallel_loop3A_634 : vector<16xf32>
          %parallel_loop3A_636 = arith.index_cast %parallel_loop3A_116 : i32 to index
          %parallel_loop3A_637 = arith.constant 912 : index
          %parallel_loop3A_638 = tpu.vector_load %arg7[%parallel_loop3A_636, %parallel_loop3A_637] {strides = array<i32>} : memref<40x1024xf32, #tpu.memory_space<vmem>>, vector<16xf32>,
          tpu.vector_store %arg7[%parallel_loop3A_636, %parallel_loop3A_637], %parallel_loop3A_635 {strides = array<i32>} : memref<40x1024xf32, #tpu.memory_space<vmem>>, vector<16xf32>,
          %parallel_loop3A_639 = arith.index_cast %parallel_loop3A_116 : i32 to index
          %parallel_loop3A_640 = arith.constant 928 : index
          %parallel_loop3A_641 = tpu.vector_load %arg7[%parallel_loop3A_639, %parallel_loop3A_640] {strides = array<i32>} : memref<40x1024xf32, #tpu.memory_space<vmem>>, vector<16xf32>,
          %parallel_loop3A_642 = arith.constant 6.400000e+01 : f32
          %parallel_loop3A_643 = vector.broadcast %parallel_loop3A_642 : f32 to vector<16xf32>
          %parallel_loop3A_644 = arith.mulf %parallel_loop3A_641, %parallel_loop3A_643 : vector<16xf32>
          %parallel_loop3A_645 = arith.index_cast %parallel_loop3A_116 : i32 to index
          %parallel_loop3A_646 = arith.constant 928 : index
          %parallel_loop3A_647 = tpu.vector_load %arg7[%parallel_loop3A_645, %parallel_loop3A_646] {strides = array<i32>} : memref<40x1024xf32, #tpu.memory_space<vmem>>, vector<16xf32>,
          tpu.vector_store %arg7[%parallel_loop3A_645, %parallel_loop3A_646], %parallel_loop3A_644 {strides = array<i32>} : memref<40x1024xf32, #tpu.memory_space<vmem>>, vector<16xf32>,
          %parallel_loop3A_648 = arith.index_cast %parallel_loop3A_116 : i32 to index
          %parallel_loop3A_649 = arith.constant 944 : index
          %parallel_loop3A_650 = tpu.vector_load %arg7[%parallel_loop3A_648, %parallel_loop3A_649] {strides = array<i32>} : memref<40x1024xf32, #tpu.memory_space<vmem>>, vector<16xf32>,
          %parallel_loop3A_651 = arith.constant 6.400000e+01 : f32
          %parallel_loop3A_652 = vector.broadcast %parallel_loop3A_651 : f32 to vector<16xf32>
          %parallel_loop3A_653 = arith.mulf %parallel_loop3A_650, %parallel_loop3A_652 : vector<16xf32>
          %parallel_loop3A_654 = arith.index_cast %parallel_loop3A_116 : i32 to index
          %parallel_loop3A_655 = arith.constant 944 : index
          %parallel_loop3A_656 = tpu.vector_load %arg7[%parallel_loop3A_654, %parallel_loop3A_655] {strides = array<i32>} : memref<40x1024xf32, #tpu.memory_space<vmem>>, vector<16xf32>,
          tpu.vector_store %arg7[%parallel_loop3A_654, %parallel_loop3A_655], %parallel_loop3A_653 {strides = array<i32>} : memref<40x1024xf32, #tpu.memory_space<vmem>>, vector<16xf32>,
          %parallel_loop3A_657 = arith.index_cast %parallel_loop3A_116 : i32 to index
          %parallel_loop3A_658 = arith.constant 960 : index
          %parallel_loop3A_659 = tpu.vector_load %arg7[%parallel_loop3A_657, %parallel_loop3A_658] {strides = array<i32>} : memref<40x1024xf32, #tpu.memory_space<vmem>>, vector<16xf32>,
          %parallel_loop3A_660 = arith.constant 6.400000e+01 : f32
          %parallel_loop3A_661 = vector.broadcast %parallel_loop3A_660 : f32 to vector<16xf32>
          %parallel_loop3A_662 = arith.mulf %parallel_loop3A_659, %parallel_loop3A_661 : vector<16xf32>
          %parallel_loop3A_663 = arith.index_cast %parallel_loop3A_116 : i32 to index
          %parallel_loop3A_664 = arith.constant 960 : index
          %parallel_loop3A_665 = tpu.vector_load %arg7[%parallel_loop3A_663, %parallel_loop3A_664] {strides = array<i32>} : memref<40x1024xf32, #tpu.memory_space<vmem>>, vector<16xf32>,
          tpu.vector_store %arg7[%parallel_loop3A_663, %parallel_loop3A_664], %parallel_loop3A_662 {strides = array<i32>} : memref<40x1024xf32, #tpu.memory_space<vmem>>, vector<16xf32>,
          %parallel_loop3A_666 = arith.index_cast %parallel_loop3A_116 : i32 to index
          %parallel_loop3A_667 = arith.constant 976 : index
          %parallel_loop3A_668 = tpu.vector_load %arg7[%parallel_loop3A_666, %parallel_loop3A_667] {strides = array<i32>} : memref<40x1024xf32, #tpu.memory_space<vmem>>, vector<16xf32>,
          %parallel_loop3A_669 = arith.constant 6.400000e+01 : f32
          %parallel_loop3A_670 = vector.broadcast %parallel_loop3A_669 : f32 to vector<16xf32>
          %parallel_loop3A_671 = arith.mulf %parallel_loop3A_668, %parallel_loop3A_670 : vector<16xf32>
          %parallel_loop3A_672 = arith.index_cast %parallel_loop3A_116 : i32 to index
          %parallel_loop3A_673 = arith.constant 976 : index
          %parallel_loop3A_674 = tpu.vector_load %arg7[%parallel_loop3A_672, %parallel_loop3A_673] {strides = array<i32>} : memref<40x1024xf32, #tpu.memory_space<vmem>>, vector<16xf32>,
          tpu.vector_store %arg7[%parallel_loop3A_672, %parallel_loop3A_673], %parallel_loop3A_671 {strides = array<i32>} : memref<40x1024xf32, #tpu.memory_space<vmem>>, vector<16xf32>,
          %parallel_loop3A_675 = arith.index_cast %parallel_loop3A_116 : i32 to index
          %parallel_loop3A_676 = arith.constant 992 : index
          %parallel_loop3A_677 = tpu.vector_load %arg7[%parallel_loop3A_675, %parallel_loop3A_676] {strides = array<i32>} : memref<40x1024xf32, #tpu.memory_space<vmem>>, vector<16xf32>,
          %parallel_loop3A_678 = arith.constant 6.400000e+01 : f32
          %parallel_loop3A_679 = vector.broadcast %parallel_loop3A_678 : f32 to vector<16xf32>
          %parallel_loop3A_680 = arith.mulf %parallel_loop3A_677, %parallel_loop3A_679 : vector<16xf32>
          %parallel_loop3A_681 = arith.index_cast %parallel_loop3A_116 : i32 to index
          %parallel_loop3A_682 = arith.constant 992 : index
          %parallel_loop3A_683 = tpu.vector_load %arg7[%parallel_loop3A_681, %parallel_loop3A_682] {strides = array<i32>} : memref<40x1024xf32, #tpu.memory_space<vmem>>, vector<16xf32>,
          tpu.vector_store %arg7[%parallel_loop3A_681, %parallel_loop3A_682], %parallel_loop3A_680 {strides = array<i32>} : memref<40x1024xf32, #tpu.memory_space<vmem>>, vector<16xf32>,
          %parallel_loop3A_684 = arith.index_cast %parallel_loop3A_116 : i32 to index
          %parallel_loop3A_685 = arith.constant 1008 : index
          %parallel_loop3A_686 = tpu.vector_load %arg7[%parallel_loop3A_684, %parallel_loop3A_685] {strides = array<i32>} : memref<40x1024xf32, #tpu.memory_space<vmem>>, vector<16xf32>,
          %parallel_loop3A_687 = arith.constant 6.400000e+01 : f32
          %parallel_loop3A_688 = vector.broadcast %parallel_loop3A_687 : f32 to vector<16xf32>
          %parallel_loop3A_689 = arith.mulf %parallel_loop3A_686, %parallel_loop3A_688 : vector<16xf32>
          %parallel_loop3A_690 = arith.index_cast %parallel_loop3A_116 : i32 to index
          %parallel_loop3A_691 = arith.constant 1008 : index
          %parallel_loop3A_692 = tpu.vector_load %arg7[%parallel_loop3A_690, %parallel_loop3A_691] {strides = array<i32>} : memref<40x1024xf32, #tpu.memory_space<vmem>>, vector<16xf32>,
          tpu.vector_store %arg7[%parallel_loop3A_690, %parallel_loop3A_691], %parallel_loop3A_689 {strides = array<i32>} : memref<40x1024xf32, #tpu.memory_space<vmem>>, vector<16xf32>,
        } {sc.loop_unroll_factor = 1 : i64, sc.parallel_access}
        %scan3A_105 = arith.constant 0 : i32
        %scan3A_106 = arith.constant 64 : i32
        %scan3A_107 = arith.addi %scan3A_105, %scan3A_106 : i32
        %scan3A_108 = arith.constant 1 : i32
        scf.for %scan3A_116 = %scan3A_105 to %scan3A_107 step %scan3A_108  : i32 {
          %mul3A_117 = arith.constant 1 : i32
          %mul3A_118 = arith.muli %scan3A_116, %mul3A_117 : i32
          %add3A_119 = arith.constant 0 : i32
          %add3A_120 = arith.addi %add3A_119, %mul3A_118 : i32
          %mul3A_121 = arith.constant 16 : i32
          %mul3A_122 = arith.muli %add3A_120, %mul3A_121 : i32
          %get3A = arith.index_cast %mul3A_122 : i32 to index
          %get3A_123 = tpu.vector_load %arg5[%get3A] {strides = array<i32>} : memref<1024xi32, #tpu.memory_space<vmem>>, vector<16xi32>,
          %sub3A_124 = vector.broadcast %mul3A_102 : i32 to vector<16xi32>
          %sub3A_125 = arith.subi %get3A_123, %sub3A_124 : vector<16xi32>
          %ge3A_126 = arith.constant 0 : i32
          %ge3A_127 = vector.broadcast %ge3A_126 : i32 to vector<16xi32>
          %ge3A_128 = arith.cmpi sge, %sub3A_125, %ge3A_127 : vector<16xi32>
          %lt3A_129 = arith.constant 40 : i32
          %lt3A_130 = vector.broadcast %lt3A_129 : i32 to vector<16xi32>
          %lt3A_131 = arith.cmpi slt, %sub3A_125, %lt3A_130 : vector<16xi32>
          %and3A_132 = arith.andi %ge3A_128, %lt3A_131 : vector<16xi1>
          %all_reduce_population_count3A = tpu.all_reduce %and3A_132 {dim = 0 : i64, kind = #tpu.reduction_kind<sum>} : vector<16xi1> -> vector<16xi32>
          %reduce_max3A = arith.constant true
          %reduce_max3A_133 = vector.broadcast %reduce_max3A : i1 to vector<16xi1>
          %reduce_max3A_134 = arith.constant -2147483648 : i32
          %reduce_max3A_135 = vector.broadcast %reduce_max3A_134 : i32 to vector<16xi32>
          %reduce_max3A_136 = arith.xori %all_reduce_population_count3A, %reduce_max3A_135 : vector<16xi32>
          %reduce_max3A_137 = tpu.scan <max>, %reduce_max3A_136 masked %reduce_max3A_133 : vector<16xi32>, vector<16xi1> -> vector<16xi32>
          %reduce_max3A_138 = arith.xori %reduce_max3A_137, %reduce_max3A_135 : vector<16xi32>
          %reduce_max3A_139 = vector.extract %reduce_max3A_138[15] : i32 from vector<16xi32>
          %gt3A = arith.constant 0 : i32
          %gt3A_140 = arith.cmpi sgt, %reduce_max3A_139, %gt3A : i32
          %convert_element_type3A_141 = arith.extui %gt3A_140 : i1 to i32
          %cond3A_142 = arith.constant 0 : i32
          %cond3A_143 = arith.cmpi ne, %convert_element_type3A_141, %cond3A_142 : i32
          scf.if %cond3A_143 {
            %iota3A = tpu.iota {dimensions = array<i32: 0>} : vector<16xi32>
            %mul3A_144 = arith.constant 16 : i32
            %mul3A_145 = arith.muli %add3A_120, %mul3A_144 : i32
            %add3A_146 = vector.broadcast %mul3A_145 : i32 to vector<16xi32>
            %add3A_147 = arith.addi %iota3A, %add3A_146 : vector<16xi32>
            %max3A = arith.constant 0 : i32
            %max3A_148 = vector.broadcast %max3A : i32 to vector<16xi32>
            %max3A_149 = arith.maxsi %sub3A_125, %max3A_148 : vector<16xi32>
            %min3A_150 = arith.constant 39 : i32
            %min3A_151 = vector.broadcast %min3A_150 : i32 to vector<16xi32>
            %min3A_152 = arith.minsi %max3A_149, %min3A_151 : vector<16xi32>
            %gather3A = tpu.vector_load_idx %arg7[%min3A_152, %add3A_147] masked %and3A_132 : memref<40x1024xf32, #tpu.memory_space<vmem>>[vector<16xi32>, vector<16xi32>], vector<16xf32>, vector<16xi1>
            %mul3A_153 = arith.constant 1.562500e-02 : f32
            %mul3A_154 = vector.broadcast %mul3A_153 : f32 to vector<16xf32>
            %mul3A_155 = arith.mulf %gather3A, %mul3A_154 : vector<16xf32>
            %mul3A_156 = arith.mulf %mul3A_155, %mul3A_155 : vector<16xf32>
            %sub3A_157 = arith.constant 1.000000e+00 : f32
            %sub3A_158 = vector.broadcast %sub3A_157 : f32 to vector<16xf32>
            %sub3A_159 = arith.subf %sub3A_158, %mul3A_156 : vector<16xf32>
            %max3A_160 = arith.constant 9.99999996E-13 : f32
            %max3A_161 = vector.broadcast %max3A_160 : f32 to vector<16xf32>
            %max3A_162 = arith.maximumf %sub3A_159, %max3A_161 : vector<16xf32>
            %bitcast_convert_type3A = tpu.bitcast %max3A_162 : vector<16xf32> -> vector<16xi32>
            %shift_right_arithmetic3A = arith.constant 1 : i32
            %shift_right_arithmetic3A_163 = vector.broadcast %shift_right_arithmetic3A : i32 to vector<16xi32>
            %shift_right_arithmetic3A_164 = arith.shrsi %bitcast_convert_type3A, %shift_right_arithmetic3A_163 : vector<16xi32>
            %add3A_165 = arith.constant 532487669 : i32
            %add3A_166 = vector.broadcast %add3A_165 : i32 to vector<16xi32>
            %add3A_167 = arith.addi %shift_right_arithmetic3A_164, %add3A_166 : vector<16xi32>
            %bitcast_convert_type3A_168 = tpu.bitcast %add3A_167 : vector<16xi32> -> vector<16xf32>
            %div3A = arith.divf %max3A_162, %bitcast_convert_type3A_168 : vector<16xf32>
            %add3A_169 = arith.addf %bitcast_convert_type3A_168, %div3A : vector<16xf32>
            %mul3A_170 = arith.constant 5.000000e-01 : f32
            %mul3A_171 = vector.broadcast %mul3A_170 : f32 to vector<16xf32>
            %mul3A_172 = arith.mulf %mul3A_171, %add3A_169 : vector<16xf32>
            %div3A_173 = arith.divf %max3A_162, %mul3A_172 : vector<16xf32>
            %add3A_174 = arith.addf %mul3A_172, %div3A_173 : vector<16xf32>
            %mul3A_175 = arith.constant 5.000000e-01 : f32
            %mul3A_176 = vector.broadcast %mul3A_175 : f32 to vector<16xf32>
            %mul3A_177 = arith.mulf %mul3A_176, %add3A_174 : vector<16xf32>
            %div3A_178 = arith.divf %max3A_162, %mul3A_177 : vector<16xf32>
            %add3A_179 = arith.addf %mul3A_177, %div3A_178 : vector<16xf32>
            %mul3A_180 = arith.constant 5.000000e-01 : f32
            %mul3A_181 = vector.broadcast %mul3A_180 : f32 to vector<16xf32>
            %mul3A_182 = arith.mulf %mul3A_181, %add3A_179 : vector<16xf32>
            %mul3A_183 = arith.constant 0.87758255 : f32
            %mul3A_184 = vector.broadcast %mul3A_183 : f32 to vector<16xf32>
            %mul3A_185 = arith.mulf %mul3A_155, %mul3A_184 : vector<16xf32>
            %mul3A_186 = arith.constant 0.47942555 : f32
            %mul3A_187 = vector.broadcast %mul3A_186 : f32 to vector<16xf32>
            %mul3A_188 = arith.mulf %mul3A_182, %mul3A_187 : vector<16xf32>
            %sub3A_189 = arith.subf %mul3A_185, %mul3A_188 : vector<16xf32>
            %mul3A_190 = arith.constant 6.400000e+01 : f32
            %mul3A_191 = vector.broadcast %mul3A_190 : f32 to vector<16xf32>
            %mul3A_192 = arith.mulf %mul3A_191, %sub3A_189 : vector<16xf32>
            tpu.vector_store_idx %arg7[%min3A_152, %add3A_147], %mul3A_192 masked %and3A_132 : memref<40x1024xf32, #tpu.memory_space<vmem>>[vector<16xi32>, vector<16xi32>], vector<16xf32>, vector<16xi1>
          } else {
          }
        }
        %scan3A_109 = arith.constant 64 : i32
        %mul3A_110 = arith.constant 40 : i32
        %mul3A_111 = arith.muli %add3A_52, %mul3A_110 : i32
        %dma_start3A_112 = arith.constant 0 : i32
        %dma_start3A_113 = tpu.memref_slice %arg4[%mul3A_111, %dma_start3A_112] : memref<100000x1024xf32, #tpu.memory_space<hbm>> -> memref<40x1024xf32, #tpu.memory_space<hbm>>
        %dma_start3A_114 = arith.constant 0 : i32
        %dma_start3A_115 = tpu.memref_slice %arg4[%mul3A_111, %dma_start3A_114] : memref<100000x1024xf32, #tpu.memory_space<hbm>> -> memref<40x1024xf32, #tpu.memory_space<hbm>>
        tpu.enqueue_dma source(%arg7 : memref<40x1024xf32, #tpu.memory_space<vmem>>) target(%dma_start3A_115 : memref<40x1024xf32, #tpu.memory_space<hbm>>) target_semaphore(%arg13 : memref<!tpu.dma_semaphore, #tpu.memory_space<semaphore_mem>>)
      } else {
      }
      %ge3A_57 = arith.constant 1 : i32
      %ge3A_58 = arith.cmpi sge, %add3A_51, %ge3A_57 : i32
      %sub3A_59 = arith.constant 1 : i32
      %sub3A_60 = arith.subi %add3A_51, %sub3A_59 : i32
      %lt3A_61 = arith.cmpi slt, %sub3A_60, %select_n3A : i32
      %and3A_62 = arith.andi %ge3A_58, %lt3A_61 : i1
      %convert_element_type3A_63 = arith.extui %and3A_62 : i1 to i32
      %cond3A_64 = arith.constant 0 : i32
      %cond3A_65 = arith.cmpi ne, %convert_element_type3A_63, %cond3A_64 : i32
      scf.if %cond3A_65 {
        %sub3A_96 = arith.constant 1 : i32
        %sub3A_97 = arith.subi %add3A_52, %sub3A_96 : i32
        %mul3A_98 = arith.constant 40 : i32
        %mul3A_99 = arith.muli %sub3A_97, %mul3A_98 : i32
        %dma_wait3A = arith.constant 0 : i32
        %dma_wait3A_100 = tpu.memref_slice %arg4[%mul3A_99, %dma_wait3A] : memref<100000x1024xf32, #tpu.memory_space<hbm>> -> memref<40x1024xf32, #tpu.memory_space<hbm>>
        %dma_wait3A_101 = arith.constant 0 : i32
        %dma_wait3A_102 = tpu.memref_slice %arg4[%mul3A_99, %dma_wait3A_101] : memref<100000x1024xf32, #tpu.memory_space<hbm>> -> memref<40x1024xf32, #tpu.memory_space<hbm>>
        tpu.wait_dma2 semaphore(%arg12 : memref<!tpu.dma_semaphore, #tpu.memory_space<semaphore_mem>>) src(%arg6 : memref<40x1024xf32, #tpu.memory_space<vmem>>) dst(%dma_wait3A_102 : memref<40x1024xf32, #tpu.memory_space<hbm>>)
      } else {
      }
      %add3A_66 = arith.constant 2 : i32
      %add3A_67 = arith.addi %add3A_51, %add3A_66 : i32
      %lt3A_68 = arith.cmpi slt, %add3A_67, %select_n3A : i32
      %convert_element_type3A_69 = arith.extui %lt3A_68 : i1 to i32
      %cond3A_70 = arith.constant 0 : i32
      %cond3A_71 = arith.cmpi ne, %convert_element_type3A_69, %cond3A_70 : i32
      scf.if %cond3A_71 {
        %add3A_96 = arith.constant 2 : i32
        %add3A_97 = arith.addi %add3A_52, %add3A_96 : i32
        %mul3A_98 = arith.constant 40 : i32
        %mul3A_99 = arith.muli %add3A_97, %mul3A_98 : i32
        %dma_start3A_100 = arith.constant 0 : i32
        %dma_start3A_101 = tpu.memref_slice %arg2[%mul3A_99, %dma_start3A_100] : memref<100000x1024xf32, #tpu.memory_space<hbm>> -> memref<40x1024xf32, #tpu.memory_space<hbm>>
        %dma_start3A_102 = arith.constant 0 : i32
        %dma_start3A_103 = tpu.memref_slice %arg2[%mul3A_99, %dma_start3A_102] : memref<100000x1024xf32, #tpu.memory_space<hbm>> -> memref<40x1024xf32, #tpu.memory_space<hbm>>
        tpu.enqueue_dma source(%dma_start3A_103 : memref<40x1024xf32, #tpu.memory_space<hbm>>) target(%arg6 : memref<40x1024xf32, #tpu.memory_space<vmem>>) target_semaphore(%arg9 : memref<!tpu.dma_semaphore, #tpu.memory_space<semaphore_mem>>)
      } else {
      }
      %mul3A_72 = arith.constant 3 : i32
      %mul3A_73 = arith.muli %mul3A_72, %add3A_28 : i32
      %add3A_74 = arith.constant 2 : i32
      %add3A_75 = arith.addi %mul3A_73, %add3A_74 : i32
      %add3A_76 = arith.addi %add3A_4, %add3A_75 : i32
      %lt3A_77 = arith.cmpi slt, %add3A_75, %select_n3A : i32
      %convert_element_type3A_78 = arith.extui %lt3A_77 : i1 to i32
      %cond3A_79 = arith.constant 0 : i32
      %cond3A_80 = arith.cmpi ne, %convert_element_type3A_78, %cond3A_79 : i32
      scf.if %cond3A_80 {
        %mul3A_96 = arith.constant 40 : i32
        %mul3A_97 = arith.muli %add3A_76, %mul3A_96 : i32
        %dma_wait3A = arith.constant 0 : i32
        %dma_wait3A_98 = tpu.memref_slice %arg2[%mul3A_97, %dma_wait3A] : memref<100000x1024xf32, #tpu.memory_space<hbm>> -> memref<40x1024xf32, #tpu.memory_space<hbm>>
        %dma_wait3A_99 = arith.constant 0 : i32
        %dma_wait3A_100 = tpu.memref_slice %arg2[%mul3A_97, %dma_wait3A_99] : memref<100000x1024xf32, #tpu.memory_space<hbm>> -> memref<40x1024xf32, #tpu.memory_space<hbm>>
        tpu.wait_dma2 semaphore(%arg11 : memref<!tpu.dma_semaphore, #tpu.memory_space<semaphore_mem>>) src(%dma_wait3A_100 : memref<40x1024xf32, #tpu.memory_space<hbm>>) dst(%arg8 : memref<40x1024xf32, #tpu.memory_space<vmem>>)
        %mul3A_101 = arith.constant 40 : i32
        %mul3A_102 = arith.muli %add3A_76, %mul3A_101 : i32
        %parallel_loop3A = arith.constant 0 : i32
        %parallel_loop3A_103 = arith.constant 40 : i32
        %parallel_loop3A_104 = arith.constant 1 : i32
        scf.for %parallel_loop3A_116 = %parallel_loop3A to %parallel_loop3A_103 step %parallel_loop3A_104  : i32 {
          %parallel_loop3A_117 = arith.index_cast %parallel_loop3A_116 : i32 to index
          %parallel_loop3A_118 = arith.constant 0 : index
          %parallel_loop3A_119 = tpu.vector_load %arg8[%parallel_loop3A_117, %parallel_loop3A_118] {strides = array<i32>} : memref<40x1024xf32, #tpu.memory_space<vmem>>, vector<16xf32>,
          %parallel_loop3A_120 = arith.constant 6.400000e+01 : f32
          %parallel_loop3A_121 = vector.broadcast %parallel_loop3A_120 : f32 to vector<16xf32>
          %parallel_loop3A_122 = arith.mulf %parallel_loop3A_119, %parallel_loop3A_121 : vector<16xf32>
          %parallel_loop3A_123 = arith.index_cast %parallel_loop3A_116 : i32 to index
          %parallel_loop3A_124 = arith.constant 0 : index
          %parallel_loop3A_125 = tpu.vector_load %arg8[%parallel_loop3A_123, %parallel_loop3A_124] {strides = array<i32>} : memref<40x1024xf32, #tpu.memory_space<vmem>>, vector<16xf32>,
          tpu.vector_store %arg8[%parallel_loop3A_123, %parallel_loop3A_124], %parallel_loop3A_122 {strides = array<i32>} : memref<40x1024xf32, #tpu.memory_space<vmem>>, vector<16xf32>,
          %parallel_loop3A_126 = arith.index_cast %parallel_loop3A_116 : i32 to index
          %parallel_loop3A_127 = arith.constant 16 : index
          %parallel_loop3A_128 = tpu.vector_load %arg8[%parallel_loop3A_126, %parallel_loop3A_127] {strides = array<i32>} : memref<40x1024xf32, #tpu.memory_space<vmem>>, vector<16xf32>,
          %parallel_loop3A_129 = arith.constant 6.400000e+01 : f32
          %parallel_loop3A_130 = vector.broadcast %parallel_loop3A_129 : f32 to vector<16xf32>
          %parallel_loop3A_131 = arith.mulf %parallel_loop3A_128, %parallel_loop3A_130 : vector<16xf32>
          %parallel_loop3A_132 = arith.index_cast %parallel_loop3A_116 : i32 to index
          %parallel_loop3A_133 = arith.constant 16 : index
          %parallel_loop3A_134 = tpu.vector_load %arg8[%parallel_loop3A_132, %parallel_loop3A_133] {strides = array<i32>} : memref<40x1024xf32, #tpu.memory_space<vmem>>, vector<16xf32>,
          tpu.vector_store %arg8[%parallel_loop3A_132, %parallel_loop3A_133], %parallel_loop3A_131 {strides = array<i32>} : memref<40x1024xf32, #tpu.memory_space<vmem>>, vector<16xf32>,
          %parallel_loop3A_135 = arith.index_cast %parallel_loop3A_116 : i32 to index
          %parallel_loop3A_136 = arith.constant 32 : index
          %parallel_loop3A_137 = tpu.vector_load %arg8[%parallel_loop3A_135, %parallel_loop3A_136] {strides = array<i32>} : memref<40x1024xf32, #tpu.memory_space<vmem>>, vector<16xf32>,
          %parallel_loop3A_138 = arith.constant 6.400000e+01 : f32
          %parallel_loop3A_139 = vector.broadcast %parallel_loop3A_138 : f32 to vector<16xf32>
          %parallel_loop3A_140 = arith.mulf %parallel_loop3A_137, %parallel_loop3A_139 : vector<16xf32>
          %parallel_loop3A_141 = arith.index_cast %parallel_loop3A_116 : i32 to index
          %parallel_loop3A_142 = arith.constant 32 : index
          %parallel_loop3A_143 = tpu.vector_load %arg8[%parallel_loop3A_141, %parallel_loop3A_142] {strides = array<i32>} : memref<40x1024xf32, #tpu.memory_space<vmem>>, vector<16xf32>,
          tpu.vector_store %arg8[%parallel_loop3A_141, %parallel_loop3A_142], %parallel_loop3A_140 {strides = array<i32>} : memref<40x1024xf32, #tpu.memory_space<vmem>>, vector<16xf32>,
          %parallel_loop3A_144 = arith.index_cast %parallel_loop3A_116 : i32 to index
          %parallel_loop3A_145 = arith.constant 48 : index
          %parallel_loop3A_146 = tpu.vector_load %arg8[%parallel_loop3A_144, %parallel_loop3A_145] {strides = array<i32>} : memref<40x1024xf32, #tpu.memory_space<vmem>>, vector<16xf32>,
          %parallel_loop3A_147 = arith.constant 6.400000e+01 : f32
          %parallel_loop3A_148 = vector.broadcast %parallel_loop3A_147 : f32 to vector<16xf32>
          %parallel_loop3A_149 = arith.mulf %parallel_loop3A_146, %parallel_loop3A_148 : vector<16xf32>
          %parallel_loop3A_150 = arith.index_cast %parallel_loop3A_116 : i32 to index
          %parallel_loop3A_151 = arith.constant 48 : index
          %parallel_loop3A_152 = tpu.vector_load %arg8[%parallel_loop3A_150, %parallel_loop3A_151] {strides = array<i32>} : memref<40x1024xf32, #tpu.memory_space<vmem>>, vector<16xf32>,
          tpu.vector_store %arg8[%parallel_loop3A_150, %parallel_loop3A_151], %parallel_loop3A_149 {strides = array<i32>} : memref<40x1024xf32, #tpu.memory_space<vmem>>, vector<16xf32>,
          %parallel_loop3A_153 = arith.index_cast %parallel_loop3A_116 : i32 to index
          %parallel_loop3A_154 = arith.constant 64 : index
          %parallel_loop3A_155 = tpu.vector_load %arg8[%parallel_loop3A_153, %parallel_loop3A_154] {strides = array<i32>} : memref<40x1024xf32, #tpu.memory_space<vmem>>, vector<16xf32>,
          %parallel_loop3A_156 = arith.constant 6.400000e+01 : f32
          %parallel_loop3A_157 = vector.broadcast %parallel_loop3A_156 : f32 to vector<16xf32>
          %parallel_loop3A_158 = arith.mulf %parallel_loop3A_155, %parallel_loop3A_157 : vector<16xf32>
          %parallel_loop3A_159 = arith.index_cast %parallel_loop3A_116 : i32 to index
          %parallel_loop3A_160 = arith.constant 64 : index
          %parallel_loop3A_161 = tpu.vector_load %arg8[%parallel_loop3A_159, %parallel_loop3A_160] {strides = array<i32>} : memref<40x1024xf32, #tpu.memory_space<vmem>>, vector<16xf32>,
          tpu.vector_store %arg8[%parallel_loop3A_159, %parallel_loop3A_160], %parallel_loop3A_158 {strides = array<i32>} : memref<40x1024xf32, #tpu.memory_space<vmem>>, vector<16xf32>,
          %parallel_loop3A_162 = arith.index_cast %parallel_loop3A_116 : i32 to index
          %parallel_loop3A_163 = arith.constant 80 : index
          %parallel_loop3A_164 = tpu.vector_load %arg8[%parallel_loop3A_162, %parallel_loop3A_163] {strides = array<i32>} : memref<40x1024xf32, #tpu.memory_space<vmem>>, vector<16xf32>,
          %parallel_loop3A_165 = arith.constant 6.400000e+01 : f32
          %parallel_loop3A_166 = vector.broadcast %parallel_loop3A_165 : f32 to vector<16xf32>
          %parallel_loop3A_167 = arith.mulf %parallel_loop3A_164, %parallel_loop3A_166 : vector<16xf32>
          %parallel_loop3A_168 = arith.index_cast %parallel_loop3A_116 : i32 to index
          %parallel_loop3A_169 = arith.constant 80 : index
          %parallel_loop3A_170 = tpu.vector_load %arg8[%parallel_loop3A_168, %parallel_loop3A_169] {strides = array<i32>} : memref<40x1024xf32, #tpu.memory_space<vmem>>, vector<16xf32>,
          tpu.vector_store %arg8[%parallel_loop3A_168, %parallel_loop3A_169], %parallel_loop3A_167 {strides = array<i32>} : memref<40x1024xf32, #tpu.memory_space<vmem>>, vector<16xf32>,
          %parallel_loop3A_171 = arith.index_cast %parallel_loop3A_116 : i32 to index
          %parallel_loop3A_172 = arith.constant 96 : index
          %parallel_loop3A_173 = tpu.vector_load %arg8[%parallel_loop3A_171, %parallel_loop3A_172] {strides = array<i32>} : memref<40x1024xf32, #tpu.memory_space<vmem>>, vector<16xf32>,
          %parallel_loop3A_174 = arith.constant 6.400000e+01 : f32
          %parallel_loop3A_175 = vector.broadcast %parallel_loop3A_174 : f32 to vector<16xf32>
          %parallel_loop3A_176 = arith.mulf %parallel_loop3A_173, %parallel_loop3A_175 : vector<16xf32>
          %parallel_loop3A_177 = arith.index_cast %parallel_loop3A_116 : i32 to index
          %parallel_loop3A_178 = arith.constant 96 : index
          %parallel_loop3A_179 = tpu.vector_load %arg8[%parallel_loop3A_177, %parallel_loop3A_178] {strides = array<i32>} : memref<40x1024xf32, #tpu.memory_space<vmem>>, vector<16xf32>,
          tpu.vector_store %arg8[%parallel_loop3A_177, %parallel_loop3A_178], %parallel_loop3A_176 {strides = array<i32>} : memref<40x1024xf32, #tpu.memory_space<vmem>>, vector<16xf32>,
          %parallel_loop3A_180 = arith.index_cast %parallel_loop3A_116 : i32 to index
          %parallel_loop3A_181 = arith.constant 112 : index
          %parallel_loop3A_182 = tpu.vector_load %arg8[%parallel_loop3A_180, %parallel_loop3A_181] {strides = array<i32>} : memref<40x1024xf32, #tpu.memory_space<vmem>>, vector<16xf32>,
          %parallel_loop3A_183 = arith.constant 6.400000e+01 : f32
          %parallel_loop3A_184 = vector.broadcast %parallel_loop3A_183 : f32 to vector<16xf32>
          %parallel_loop3A_185 = arith.mulf %parallel_loop3A_182, %parallel_loop3A_184 : vector<16xf32>
          %parallel_loop3A_186 = arith.index_cast %parallel_loop3A_116 : i32 to index
          %parallel_loop3A_187 = arith.constant 112 : index
          %parallel_loop3A_188 = tpu.vector_load %arg8[%parallel_loop3A_186, %parallel_loop3A_187] {strides = array<i32>} : memref<40x1024xf32, #tpu.memory_space<vmem>>, vector<16xf32>,
          tpu.vector_store %arg8[%parallel_loop3A_186, %parallel_loop3A_187], %parallel_loop3A_185 {strides = array<i32>} : memref<40x1024xf32, #tpu.memory_space<vmem>>, vector<16xf32>,
          %parallel_loop3A_189 = arith.index_cast %parallel_loop3A_116 : i32 to index
          %parallel_loop3A_190 = arith.constant 128 : index
          %parallel_loop3A_191 = tpu.vector_load %arg8[%parallel_loop3A_189, %parallel_loop3A_190] {strides = array<i32>} : memref<40x1024xf32, #tpu.memory_space<vmem>>, vector<16xf32>,
          %parallel_loop3A_192 = arith.constant 6.400000e+01 : f32
          %parallel_loop3A_193 = vector.broadcast %parallel_loop3A_192 : f32 to vector<16xf32>
          %parallel_loop3A_194 = arith.mulf %parallel_loop3A_191, %parallel_loop3A_193 : vector<16xf32>
          %parallel_loop3A_195 = arith.index_cast %parallel_loop3A_116 : i32 to index
          %parallel_loop3A_196 = arith.constant 128 : index
          %parallel_loop3A_197 = tpu.vector_load %arg8[%parallel_loop3A_195, %parallel_loop3A_196] {strides = array<i32>} : memref<40x1024xf32, #tpu.memory_space<vmem>>, vector<16xf32>,
          tpu.vector_store %arg8[%parallel_loop3A_195, %parallel_loop3A_196], %parallel_loop3A_194 {strides = array<i32>} : memref<40x1024xf32, #tpu.memory_space<vmem>>, vector<16xf32>,
          %parallel_loop3A_198 = arith.index_cast %parallel_loop3A_116 : i32 to index
          %parallel_loop3A_199 = arith.constant 144 : index
          %parallel_loop3A_200 = tpu.vector_load %arg8[%parallel_loop3A_198, %parallel_loop3A_199] {strides = array<i32>} : memref<40x1024xf32, #tpu.memory_space<vmem>>, vector<16xf32>,
          %parallel_loop3A_201 = arith.constant 6.400000e+01 : f32
          %parallel_loop3A_202 = vector.broadcast %parallel_loop3A_201 : f32 to vector<16xf32>
          %parallel_loop3A_203 = arith.mulf %parallel_loop3A_200, %parallel_loop3A_202 : vector<16xf32>
          %parallel_loop3A_204 = arith.index_cast %parallel_loop3A_116 : i32 to index
          %parallel_loop3A_205 = arith.constant 144 : index
          %parallel_loop3A_206 = tpu.vector_load %arg8[%parallel_loop3A_204, %parallel_loop3A_205] {strides = array<i32>} : memref<40x1024xf32, #tpu.memory_space<vmem>>, vector<16xf32>,
          tpu.vector_store %arg8[%parallel_loop3A_204, %parallel_loop3A_205], %parallel_loop3A_203 {strides = array<i32>} : memref<40x1024xf32, #tpu.memory_space<vmem>>, vector<16xf32>,
          %parallel_loop3A_207 = arith.index_cast %parallel_loop3A_116 : i32 to index
          %parallel_loop3A_208 = arith.constant 160 : index
          %parallel_loop3A_209 = tpu.vector_load %arg8[%parallel_loop3A_207, %parallel_loop3A_208] {strides = array<i32>} : memref<40x1024xf32, #tpu.memory_space<vmem>>, vector<16xf32>,
          %parallel_loop3A_210 = arith.constant 6.400000e+01 : f32
          %parallel_loop3A_211 = vector.broadcast %parallel_loop3A_210 : f32 to vector<16xf32>
          %parallel_loop3A_212 = arith.mulf %parallel_loop3A_209, %parallel_loop3A_211 : vector<16xf32>
          %parallel_loop3A_213 = arith.index_cast %parallel_loop3A_116 : i32 to index
          %parallel_loop3A_214 = arith.constant 160 : index
          %parallel_loop3A_215 = tpu.vector_load %arg8[%parallel_loop3A_213, %parallel_loop3A_214] {strides = array<i32>} : memref<40x1024xf32, #tpu.memory_space<vmem>>, vector<16xf32>,
          tpu.vector_store %arg8[%parallel_loop3A_213, %parallel_loop3A_214], %parallel_loop3A_212 {strides = array<i32>} : memref<40x1024xf32, #tpu.memory_space<vmem>>, vector<16xf32>,
          %parallel_loop3A_216 = arith.index_cast %parallel_loop3A_116 : i32 to index
          %parallel_loop3A_217 = arith.constant 176 : index
          %parallel_loop3A_218 = tpu.vector_load %arg8[%parallel_loop3A_216, %parallel_loop3A_217] {strides = array<i32>} : memref<40x1024xf32, #tpu.memory_space<vmem>>, vector<16xf32>,
          %parallel_loop3A_219 = arith.constant 6.400000e+01 : f32
          %parallel_loop3A_220 = vector.broadcast %parallel_loop3A_219 : f32 to vector<16xf32>
          %parallel_loop3A_221 = arith.mulf %parallel_loop3A_218, %parallel_loop3A_220 : vector<16xf32>
          %parallel_loop3A_222 = arith.index_cast %parallel_loop3A_116 : i32 to index
          %parallel_loop3A_223 = arith.constant 176 : index
          %parallel_loop3A_224 = tpu.vector_load %arg8[%parallel_loop3A_222, %parallel_loop3A_223] {strides = array<i32>} : memref<40x1024xf32, #tpu.memory_space<vmem>>, vector<16xf32>,
          tpu.vector_store %arg8[%parallel_loop3A_222, %parallel_loop3A_223], %parallel_loop3A_221 {strides = array<i32>} : memref<40x1024xf32, #tpu.memory_space<vmem>>, vector<16xf32>,
          %parallel_loop3A_225 = arith.index_cast %parallel_loop3A_116 : i32 to index
          %parallel_loop3A_226 = arith.constant 192 : index
          %parallel_loop3A_227 = tpu.vector_load %arg8[%parallel_loop3A_225, %parallel_loop3A_226] {strides = array<i32>} : memref<40x1024xf32, #tpu.memory_space<vmem>>, vector<16xf32>,
          %parallel_loop3A_228 = arith.constant 6.400000e+01 : f32
          %parallel_loop3A_229 = vector.broadcast %parallel_loop3A_228 : f32 to vector<16xf32>
          %parallel_loop3A_230 = arith.mulf %parallel_loop3A_227, %parallel_loop3A_229 : vector<16xf32>
          %parallel_loop3A_231 = arith.index_cast %parallel_loop3A_116 : i32 to index
          %parallel_loop3A_232 = arith.constant 192 : index
          %parallel_loop3A_233 = tpu.vector_load %arg8[%parallel_loop3A_231, %parallel_loop3A_232] {strides = array<i32>} : memref<40x1024xf32, #tpu.memory_space<vmem>>, vector<16xf32>,
          tpu.vector_store %arg8[%parallel_loop3A_231, %parallel_loop3A_232], %parallel_loop3A_230 {strides = array<i32>} : memref<40x1024xf32, #tpu.memory_space<vmem>>, vector<16xf32>,
          %parallel_loop3A_234 = arith.index_cast %parallel_loop3A_116 : i32 to index
          %parallel_loop3A_235 = arith.constant 208 : index
          %parallel_loop3A_236 = tpu.vector_load %arg8[%parallel_loop3A_234, %parallel_loop3A_235] {strides = array<i32>} : memref<40x1024xf32, #tpu.memory_space<vmem>>, vector<16xf32>,
          %parallel_loop3A_237 = arith.constant 6.400000e+01 : f32
          %parallel_loop3A_238 = vector.broadcast %parallel_loop3A_237 : f32 to vector<16xf32>
          %parallel_loop3A_239 = arith.mulf %parallel_loop3A_236, %parallel_loop3A_238 : vector<16xf32>
          %parallel_loop3A_240 = arith.index_cast %parallel_loop3A_116 : i32 to index
          %parallel_loop3A_241 = arith.constant 208 : index
          %parallel_loop3A_242 = tpu.vector_load %arg8[%parallel_loop3A_240, %parallel_loop3A_241] {strides = array<i32>} : memref<40x1024xf32, #tpu.memory_space<vmem>>, vector<16xf32>,
          tpu.vector_store %arg8[%parallel_loop3A_240, %parallel_loop3A_241], %parallel_loop3A_239 {strides = array<i32>} : memref<40x1024xf32, #tpu.memory_space<vmem>>, vector<16xf32>,
          %parallel_loop3A_243 = arith.index_cast %parallel_loop3A_116 : i32 to index
          %parallel_loop3A_244 = arith.constant 224 : index
          %parallel_loop3A_245 = tpu.vector_load %arg8[%parallel_loop3A_243, %parallel_loop3A_244] {strides = array<i32>} : memref<40x1024xf32, #tpu.memory_space<vmem>>, vector<16xf32>,
          %parallel_loop3A_246 = arith.constant 6.400000e+01 : f32
          %parallel_loop3A_247 = vector.broadcast %parallel_loop3A_246 : f32 to vector<16xf32>
          %parallel_loop3A_248 = arith.mulf %parallel_loop3A_245, %parallel_loop3A_247 : vector<16xf32>
          %parallel_loop3A_249 = arith.index_cast %parallel_loop3A_116 : i32 to index
          %parallel_loop3A_250 = arith.constant 224 : index
          %parallel_loop3A_251 = tpu.vector_load %arg8[%parallel_loop3A_249, %parallel_loop3A_250] {strides = array<i32>} : memref<40x1024xf32, #tpu.memory_space<vmem>>, vector<16xf32>,
          tpu.vector_store %arg8[%parallel_loop3A_249, %parallel_loop3A_250], %parallel_loop3A_248 {strides = array<i32>} : memref<40x1024xf32, #tpu.memory_space<vmem>>, vector<16xf32>,
          %parallel_loop3A_252 = arith.index_cast %parallel_loop3A_116 : i32 to index
          %parallel_loop3A_253 = arith.constant 240 : index
          %parallel_loop3A_254 = tpu.vector_load %arg8[%parallel_loop3A_252, %parallel_loop3A_253] {strides = array<i32>} : memref<40x1024xf32, #tpu.memory_space<vmem>>, vector<16xf32>,
          %parallel_loop3A_255 = arith.constant 6.400000e+01 : f32
          %parallel_loop3A_256 = vector.broadcast %parallel_loop3A_255 : f32 to vector<16xf32>
          %parallel_loop3A_257 = arith.mulf %parallel_loop3A_254, %parallel_loop3A_256 : vector<16xf32>
          %parallel_loop3A_258 = arith.index_cast %parallel_loop3A_116 : i32 to index
          %parallel_loop3A_259 = arith.constant 240 : index
          %parallel_loop3A_260 = tpu.vector_load %arg8[%parallel_loop3A_258, %parallel_loop3A_259] {strides = array<i32>} : memref<40x1024xf32, #tpu.memory_space<vmem>>, vector<16xf32>,
          tpu.vector_store %arg8[%parallel_loop3A_258, %parallel_loop3A_259], %parallel_loop3A_257 {strides = array<i32>} : memref<40x1024xf32, #tpu.memory_space<vmem>>, vector<16xf32>,
          %parallel_loop3A_261 = arith.index_cast %parallel_loop3A_116 : i32 to index
          %parallel_loop3A_262 = arith.constant 256 : index
          %parallel_loop3A_263 = tpu.vector_load %arg8[%parallel_loop3A_261, %parallel_loop3A_262] {strides = array<i32>} : memref<40x1024xf32, #tpu.memory_space<vmem>>, vector<16xf32>,
          %parallel_loop3A_264 = arith.constant 6.400000e+01 : f32
          %parallel_loop3A_265 = vector.broadcast %parallel_loop3A_264 : f32 to vector<16xf32>
          %parallel_loop3A_266 = arith.mulf %parallel_loop3A_263, %parallel_loop3A_265 : vector<16xf32>
          %parallel_loop3A_267 = arith.index_cast %parallel_loop3A_116 : i32 to index
          %parallel_loop3A_268 = arith.constant 256 : index
          %parallel_loop3A_269 = tpu.vector_load %arg8[%parallel_loop3A_267, %parallel_loop3A_268] {strides = array<i32>} : memref<40x1024xf32, #tpu.memory_space<vmem>>, vector<16xf32>,
          tpu.vector_store %arg8[%parallel_loop3A_267, %parallel_loop3A_268], %parallel_loop3A_266 {strides = array<i32>} : memref<40x1024xf32, #tpu.memory_space<vmem>>, vector<16xf32>,
          %parallel_loop3A_270 = arith.index_cast %parallel_loop3A_116 : i32 to index
          %parallel_loop3A_271 = arith.constant 272 : index
          %parallel_loop3A_272 = tpu.vector_load %arg8[%parallel_loop3A_270, %parallel_loop3A_271] {strides = array<i32>} : memref<40x1024xf32, #tpu.memory_space<vmem>>, vector<16xf32>,
          %parallel_loop3A_273 = arith.constant 6.400000e+01 : f32
          %parallel_loop3A_274 = vector.broadcast %parallel_loop3A_273 : f32 to vector<16xf32>
          %parallel_loop3A_275 = arith.mulf %parallel_loop3A_272, %parallel_loop3A_274 : vector<16xf32>
          %parallel_loop3A_276 = arith.index_cast %parallel_loop3A_116 : i32 to index
          %parallel_loop3A_277 = arith.constant 272 : index
          %parallel_loop3A_278 = tpu.vector_load %arg8[%parallel_loop3A_276, %parallel_loop3A_277] {strides = array<i32>} : memref<40x1024xf32, #tpu.memory_space<vmem>>, vector<16xf32>,
          tpu.vector_store %arg8[%parallel_loop3A_276, %parallel_loop3A_277], %parallel_loop3A_275 {strides = array<i32>} : memref<40x1024xf32, #tpu.memory_space<vmem>>, vector<16xf32>,
          %parallel_loop3A_279 = arith.index_cast %parallel_loop3A_116 : i32 to index
          %parallel_loop3A_280 = arith.constant 288 : index
          %parallel_loop3A_281 = tpu.vector_load %arg8[%parallel_loop3A_279, %parallel_loop3A_280] {strides = array<i32>} : memref<40x1024xf32, #tpu.memory_space<vmem>>, vector<16xf32>,
          %parallel_loop3A_282 = arith.constant 6.400000e+01 : f32
          %parallel_loop3A_283 = vector.broadcast %parallel_loop3A_282 : f32 to vector<16xf32>
          %parallel_loop3A_284 = arith.mulf %parallel_loop3A_281, %parallel_loop3A_283 : vector<16xf32>
          %parallel_loop3A_285 = arith.index_cast %parallel_loop3A_116 : i32 to index
          %parallel_loop3A_286 = arith.constant 288 : index
          %parallel_loop3A_287 = tpu.vector_load %arg8[%parallel_loop3A_285, %parallel_loop3A_286] {strides = array<i32>} : memref<40x1024xf32, #tpu.memory_space<vmem>>, vector<16xf32>,
          tpu.vector_store %arg8[%parallel_loop3A_285, %parallel_loop3A_286], %parallel_loop3A_284 {strides = array<i32>} : memref<40x1024xf32, #tpu.memory_space<vmem>>, vector<16xf32>,
          %parallel_loop3A_288 = arith.index_cast %parallel_loop3A_116 : i32 to index
          %parallel_loop3A_289 = arith.constant 304 : index
          %parallel_loop3A_290 = tpu.vector_load %arg8[%parallel_loop3A_288, %parallel_loop3A_289] {strides = array<i32>} : memref<40x1024xf32, #tpu.memory_space<vmem>>, vector<16xf32>,
          %parallel_loop3A_291 = arith.constant 6.400000e+01 : f32
          %parallel_loop3A_292 = vector.broadcast %parallel_loop3A_291 : f32 to vector<16xf32>
          %parallel_loop3A_293 = arith.mulf %parallel_loop3A_290, %parallel_loop3A_292 : vector<16xf32>
          %parallel_loop3A_294 = arith.index_cast %parallel_loop3A_116 : i32 to index
          %parallel_loop3A_295 = arith.constant 304 : index
          %parallel_loop3A_296 = tpu.vector_load %arg8[%parallel_loop3A_294, %parallel_loop3A_295] {strides = array<i32>} : memref<40x1024xf32, #tpu.memory_space<vmem>>, vector<16xf32>,
          tpu.vector_store %arg8[%parallel_loop3A_294, %parallel_loop3A_295], %parallel_loop3A_293 {strides = array<i32>} : memref<40x1024xf32, #tpu.memory_space<vmem>>, vector<16xf32>,
          %parallel_loop3A_297 = arith.index_cast %parallel_loop3A_116 : i32 to index
          %parallel_loop3A_298 = arith.constant 320 : index
          %parallel_loop3A_299 = tpu.vector_load %arg8[%parallel_loop3A_297, %parallel_loop3A_298] {strides = array<i32>} : memref<40x1024xf32, #tpu.memory_space<vmem>>, vector<16xf32>,
          %parallel_loop3A_300 = arith.constant 6.400000e+01 : f32
          %parallel_loop3A_301 = vector.broadcast %parallel_loop3A_300 : f32 to vector<16xf32>
          %parallel_loop3A_302 = arith.mulf %parallel_loop3A_299, %parallel_loop3A_301 : vector<16xf32>
          %parallel_loop3A_303 = arith.index_cast %parallel_loop3A_116 : i32 to index
          %parallel_loop3A_304 = arith.constant 320 : index
          %parallel_loop3A_305 = tpu.vector_load %arg8[%parallel_loop3A_303, %parallel_loop3A_304] {strides = array<i32>} : memref<40x1024xf32, #tpu.memory_space<vmem>>, vector<16xf32>,
          tpu.vector_store %arg8[%parallel_loop3A_303, %parallel_loop3A_304], %parallel_loop3A_302 {strides = array<i32>} : memref<40x1024xf32, #tpu.memory_space<vmem>>, vector<16xf32>,
          %parallel_loop3A_306 = arith.index_cast %parallel_loop3A_116 : i32 to index
          %parallel_loop3A_307 = arith.constant 336 : index
          %parallel_loop3A_308 = tpu.vector_load %arg8[%parallel_loop3A_306, %parallel_loop3A_307] {strides = array<i32>} : memref<40x1024xf32, #tpu.memory_space<vmem>>, vector<16xf32>,
          %parallel_loop3A_309 = arith.constant 6.400000e+01 : f32
          %parallel_loop3A_310 = vector.broadcast %parallel_loop3A_309 : f32 to vector<16xf32>
          %parallel_loop3A_311 = arith.mulf %parallel_loop3A_308, %parallel_loop3A_310 : vector<16xf32>
          %parallel_loop3A_312 = arith.index_cast %parallel_loop3A_116 : i32 to index
          %parallel_loop3A_313 = arith.constant 336 : index
          %parallel_loop3A_314 = tpu.vector_load %arg8[%parallel_loop3A_312, %parallel_loop3A_313] {strides = array<i32>} : memref<40x1024xf32, #tpu.memory_space<vmem>>, vector<16xf32>,
          tpu.vector_store %arg8[%parallel_loop3A_312, %parallel_loop3A_313], %parallel_loop3A_311 {strides = array<i32>} : memref<40x1024xf32, #tpu.memory_space<vmem>>, vector<16xf32>,
          %parallel_loop3A_315 = arith.index_cast %parallel_loop3A_116 : i32 to index
          %parallel_loop3A_316 = arith.constant 352 : index
          %parallel_loop3A_317 = tpu.vector_load %arg8[%parallel_loop3A_315, %parallel_loop3A_316] {strides = array<i32>} : memref<40x1024xf32, #tpu.memory_space<vmem>>, vector<16xf32>,
          %parallel_loop3A_318 = arith.constant 6.400000e+01 : f32
          %parallel_loop3A_319 = vector.broadcast %parallel_loop3A_318 : f32 to vector<16xf32>
          %parallel_loop3A_320 = arith.mulf %parallel_loop3A_317, %parallel_loop3A_319 : vector<16xf32>
          %parallel_loop3A_321 = arith.index_cast %parallel_loop3A_116 : i32 to index
          %parallel_loop3A_322 = arith.constant 352 : index
          %parallel_loop3A_323 = tpu.vector_load %arg8[%parallel_loop3A_321, %parallel_loop3A_322] {strides = array<i32>} : memref<40x1024xf32, #tpu.memory_space<vmem>>, vector<16xf32>,
          tpu.vector_store %arg8[%parallel_loop3A_321, %parallel_loop3A_322], %parallel_loop3A_320 {strides = array<i32>} : memref<40x1024xf32, #tpu.memory_space<vmem>>, vector<16xf32>,
          %parallel_loop3A_324 = arith.index_cast %parallel_loop3A_116 : i32 to index
          %parallel_loop3A_325 = arith.constant 368 : index
          %parallel_loop3A_326 = tpu.vector_load %arg8[%parallel_loop3A_324, %parallel_loop3A_325] {strides = array<i32>} : memref<40x1024xf32, #tpu.memory_space<vmem>>, vector<16xf32>,
          %parallel_loop3A_327 = arith.constant 6.400000e+01 : f32
          %parallel_loop3A_328 = vector.broadcast %parallel_loop3A_327 : f32 to vector<16xf32>
          %parallel_loop3A_329 = arith.mulf %parallel_loop3A_326, %parallel_loop3A_328 : vector<16xf32>
          %parallel_loop3A_330 = arith.index_cast %parallel_loop3A_116 : i32 to index
          %parallel_loop3A_331 = arith.constant 368 : index
          %parallel_loop3A_332 = tpu.vector_load %arg8[%parallel_loop3A_330, %parallel_loop3A_331] {strides = array<i32>} : memref<40x1024xf32, #tpu.memory_space<vmem>>, vector<16xf32>,
          tpu.vector_store %arg8[%parallel_loop3A_330, %parallel_loop3A_331], %parallel_loop3A_329 {strides = array<i32>} : memref<40x1024xf32, #tpu.memory_space<vmem>>, vector<16xf32>,
          %parallel_loop3A_333 = arith.index_cast %parallel_loop3A_116 : i32 to index
          %parallel_loop3A_334 = arith.constant 384 : index
          %parallel_loop3A_335 = tpu.vector_load %arg8[%parallel_loop3A_333, %parallel_loop3A_334] {strides = array<i32>} : memref<40x1024xf32, #tpu.memory_space<vmem>>, vector<16xf32>,
          %parallel_loop3A_336 = arith.constant 6.400000e+01 : f32
          %parallel_loop3A_337 = vector.broadcast %parallel_loop3A_336 : f32 to vector<16xf32>
          %parallel_loop3A_338 = arith.mulf %parallel_loop3A_335, %parallel_loop3A_337 : vector<16xf32>
          %parallel_loop3A_339 = arith.index_cast %parallel_loop3A_116 : i32 to index
          %parallel_loop3A_340 = arith.constant 384 : index
          %parallel_loop3A_341 = tpu.vector_load %arg8[%parallel_loop3A_339, %parallel_loop3A_340] {strides = array<i32>} : memref<40x1024xf32, #tpu.memory_space<vmem>>, vector<16xf32>,
          tpu.vector_store %arg8[%parallel_loop3A_339, %parallel_loop3A_340], %parallel_loop3A_338 {strides = array<i32>} : memref<40x1024xf32, #tpu.memory_space<vmem>>, vector<16xf32>,
          %parallel_loop3A_342 = arith.index_cast %parallel_loop3A_116 : i32 to index
          %parallel_loop3A_343 = arith.constant 400 : index
          %parallel_loop3A_344 = tpu.vector_load %arg8[%parallel_loop3A_342, %parallel_loop3A_343] {strides = array<i32>} : memref<40x1024xf32, #tpu.memory_space<vmem>>, vector<16xf32>,
          %parallel_loop3A_345 = arith.constant 6.400000e+01 : f32
          %parallel_loop3A_346 = vector.broadcast %parallel_loop3A_345 : f32 to vector<16xf32>
          %parallel_loop3A_347 = arith.mulf %parallel_loop3A_344, %parallel_loop3A_346 : vector<16xf32>
          %parallel_loop3A_348 = arith.index_cast %parallel_loop3A_116 : i32 to index
          %parallel_loop3A_349 = arith.constant 400 : index
          %parallel_loop3A_350 = tpu.vector_load %arg8[%parallel_loop3A_348, %parallel_loop3A_349] {strides = array<i32>} : memref<40x1024xf32, #tpu.memory_space<vmem>>, vector<16xf32>,
          tpu.vector_store %arg8[%parallel_loop3A_348, %parallel_loop3A_349], %parallel_loop3A_347 {strides = array<i32>} : memref<40x1024xf32, #tpu.memory_space<vmem>>, vector<16xf32>,
          %parallel_loop3A_351 = arith.index_cast %parallel_loop3A_116 : i32 to index
          %parallel_loop3A_352 = arith.constant 416 : index
          %parallel_loop3A_353 = tpu.vector_load %arg8[%parallel_loop3A_351, %parallel_loop3A_352] {strides = array<i32>} : memref<40x1024xf32, #tpu.memory_space<vmem>>, vector<16xf32>,
          %parallel_loop3A_354 = arith.constant 6.400000e+01 : f32
          %parallel_loop3A_355 = vector.broadcast %parallel_loop3A_354 : f32 to vector<16xf32>
          %parallel_loop3A_356 = arith.mulf %parallel_loop3A_353, %parallel_loop3A_355 : vector<16xf32>
          %parallel_loop3A_357 = arith.index_cast %parallel_loop3A_116 : i32 to index
          %parallel_loop3A_358 = arith.constant 416 : index
          %parallel_loop3A_359 = tpu.vector_load %arg8[%parallel_loop3A_357, %parallel_loop3A_358] {strides = array<i32>} : memref<40x1024xf32, #tpu.memory_space<vmem>>, vector<16xf32>,
          tpu.vector_store %arg8[%parallel_loop3A_357, %parallel_loop3A_358], %parallel_loop3A_356 {strides = array<i32>} : memref<40x1024xf32, #tpu.memory_space<vmem>>, vector<16xf32>,
          %parallel_loop3A_360 = arith.index_cast %parallel_loop3A_116 : i32 to index
          %parallel_loop3A_361 = arith.constant 432 : index
          %parallel_loop3A_362 = tpu.vector_load %arg8[%parallel_loop3A_360, %parallel_loop3A_361] {strides = array<i32>} : memref<40x1024xf32, #tpu.memory_space<vmem>>, vector<16xf32>,
          %parallel_loop3A_363 = arith.constant 6.400000e+01 : f32
          %parallel_loop3A_364 = vector.broadcast %parallel_loop3A_363 : f32 to vector<16xf32>
          %parallel_loop3A_365 = arith.mulf %parallel_loop3A_362, %parallel_loop3A_364 : vector<16xf32>
          %parallel_loop3A_366 = arith.index_cast %parallel_loop3A_116 : i32 to index
          %parallel_loop3A_367 = arith.constant 432 : index
          %parallel_loop3A_368 = tpu.vector_load %arg8[%parallel_loop3A_366, %parallel_loop3A_367] {strides = array<i32>} : memref<40x1024xf32, #tpu.memory_space<vmem>>, vector<16xf32>,
          tpu.vector_store %arg8[%parallel_loop3A_366, %parallel_loop3A_367], %parallel_loop3A_365 {strides = array<i32>} : memref<40x1024xf32, #tpu.memory_space<vmem>>, vector<16xf32>,
          %parallel_loop3A_369 = arith.index_cast %parallel_loop3A_116 : i32 to index
          %parallel_loop3A_370 = arith.constant 448 : index
          %parallel_loop3A_371 = tpu.vector_load %arg8[%parallel_loop3A_369, %parallel_loop3A_370] {strides = array<i32>} : memref<40x1024xf32, #tpu.memory_space<vmem>>, vector<16xf32>,
          %parallel_loop3A_372 = arith.constant 6.400000e+01 : f32
          %parallel_loop3A_373 = vector.broadcast %parallel_loop3A_372 : f32 to vector<16xf32>
          %parallel_loop3A_374 = arith.mulf %parallel_loop3A_371, %parallel_loop3A_373 : vector<16xf32>
          %parallel_loop3A_375 = arith.index_cast %parallel_loop3A_116 : i32 to index
          %parallel_loop3A_376 = arith.constant 448 : index
          %parallel_loop3A_377 = tpu.vector_load %arg8[%parallel_loop3A_375, %parallel_loop3A_376] {strides = array<i32>} : memref<40x1024xf32, #tpu.memory_space<vmem>>, vector<16xf32>,
          tpu.vector_store %arg8[%parallel_loop3A_375, %parallel_loop3A_376], %parallel_loop3A_374 {strides = array<i32>} : memref<40x1024xf32, #tpu.memory_space<vmem>>, vector<16xf32>,
          %parallel_loop3A_378 = arith.index_cast %parallel_loop3A_116 : i32 to index
          %parallel_loop3A_379 = arith.constant 464 : index
          %parallel_loop3A_380 = tpu.vector_load %arg8[%parallel_loop3A_378, %parallel_loop3A_379] {strides = array<i32>} : memref<40x1024xf32, #tpu.memory_space<vmem>>, vector<16xf32>,
          %parallel_loop3A_381 = arith.constant 6.400000e+01 : f32
          %parallel_loop3A_382 = vector.broadcast %parallel_loop3A_381 : f32 to vector<16xf32>
          %parallel_loop3A_383 = arith.mulf %parallel_loop3A_380, %parallel_loop3A_382 : vector<16xf32>
          %parallel_loop3A_384 = arith.index_cast %parallel_loop3A_116 : i32 to index
          %parallel_loop3A_385 = arith.constant 464 : index
          %parallel_loop3A_386 = tpu.vector_load %arg8[%parallel_loop3A_384, %parallel_loop3A_385] {strides = array<i32>} : memref<40x1024xf32, #tpu.memory_space<vmem>>, vector<16xf32>,
          tpu.vector_store %arg8[%parallel_loop3A_384, %parallel_loop3A_385], %parallel_loop3A_383 {strides = array<i32>} : memref<40x1024xf32, #tpu.memory_space<vmem>>, vector<16xf32>,
          %parallel_loop3A_387 = arith.index_cast %parallel_loop3A_116 : i32 to index
          %parallel_loop3A_388 = arith.constant 480 : index
          %parallel_loop3A_389 = tpu.vector_load %arg8[%parallel_loop3A_387, %parallel_loop3A_388] {strides = array<i32>} : memref<40x1024xf32, #tpu.memory_space<vmem>>, vector<16xf32>,
          %parallel_loop3A_390 = arith.constant 6.400000e+01 : f32
          %parallel_loop3A_391 = vector.broadcast %parallel_loop3A_390 : f32 to vector<16xf32>
          %parallel_loop3A_392 = arith.mulf %parallel_loop3A_389, %parallel_loop3A_391 : vector<16xf32>
          %parallel_loop3A_393 = arith.index_cast %parallel_loop3A_116 : i32 to index
          %parallel_loop3A_394 = arith.constant 480 : index
          %parallel_loop3A_395 = tpu.vector_load %arg8[%parallel_loop3A_393, %parallel_loop3A_394] {strides = array<i32>} : memref<40x1024xf32, #tpu.memory_space<vmem>>, vector<16xf32>,
          tpu.vector_store %arg8[%parallel_loop3A_393, %parallel_loop3A_394], %parallel_loop3A_392 {strides = array<i32>} : memref<40x1024xf32, #tpu.memory_space<vmem>>, vector<16xf32>,
          %parallel_loop3A_396 = arith.index_cast %parallel_loop3A_116 : i32 to index
          %parallel_loop3A_397 = arith.constant 496 : index
          %parallel_loop3A_398 = tpu.vector_load %arg8[%parallel_loop3A_396, %parallel_loop3A_397] {strides = array<i32>} : memref<40x1024xf32, #tpu.memory_space<vmem>>, vector<16xf32>,
          %parallel_loop3A_399 = arith.constant 6.400000e+01 : f32
          %parallel_loop3A_400 = vector.broadcast %parallel_loop3A_399 : f32 to vector<16xf32>
          %parallel_loop3A_401 = arith.mulf %parallel_loop3A_398, %parallel_loop3A_400 : vector<16xf32>
          %parallel_loop3A_402 = arith.index_cast %parallel_loop3A_116 : i32 to index
          %parallel_loop3A_403 = arith.constant 496 : index
          %parallel_loop3A_404 = tpu.vector_load %arg8[%parallel_loop3A_402, %parallel_loop3A_403] {strides = array<i32>} : memref<40x1024xf32, #tpu.memory_space<vmem>>, vector<16xf32>,
          tpu.vector_store %arg8[%parallel_loop3A_402, %parallel_loop3A_403], %parallel_loop3A_401 {strides = array<i32>} : memref<40x1024xf32, #tpu.memory_space<vmem>>, vector<16xf32>,
          %parallel_loop3A_405 = arith.index_cast %parallel_loop3A_116 : i32 to index
          %parallel_loop3A_406 = arith.constant 512 : index
          %parallel_loop3A_407 = tpu.vector_load %arg8[%parallel_loop3A_405, %parallel_loop3A_406] {strides = array<i32>} : memref<40x1024xf32, #tpu.memory_space<vmem>>, vector<16xf32>,
          %parallel_loop3A_408 = arith.constant 6.400000e+01 : f32
          %parallel_loop3A_409 = vector.broadcast %parallel_loop3A_408 : f32 to vector<16xf32>
          %parallel_loop3A_410 = arith.mulf %parallel_loop3A_407, %parallel_loop3A_409 : vector<16xf32>
          %parallel_loop3A_411 = arith.index_cast %parallel_loop3A_116 : i32 to index
          %parallel_loop3A_412 = arith.constant 512 : index
          %parallel_loop3A_413 = tpu.vector_load %arg8[%parallel_loop3A_411, %parallel_loop3A_412] {strides = array<i32>} : memref<40x1024xf32, #tpu.memory_space<vmem>>, vector<16xf32>,
          tpu.vector_store %arg8[%parallel_loop3A_411, %parallel_loop3A_412], %parallel_loop3A_410 {strides = array<i32>} : memref<40x1024xf32, #tpu.memory_space<vmem>>, vector<16xf32>,
          %parallel_loop3A_414 = arith.index_cast %parallel_loop3A_116 : i32 to index
          %parallel_loop3A_415 = arith.constant 528 : index
          %parallel_loop3A_416 = tpu.vector_load %arg8[%parallel_loop3A_414, %parallel_loop3A_415] {strides = array<i32>} : memref<40x1024xf32, #tpu.memory_space<vmem>>, vector<16xf32>,
          %parallel_loop3A_417 = arith.constant 6.400000e+01 : f32
          %parallel_loop3A_418 = vector.broadcast %parallel_loop3A_417 : f32 to vector<16xf32>
          %parallel_loop3A_419 = arith.mulf %parallel_loop3A_416, %parallel_loop3A_418 : vector<16xf32>
          %parallel_loop3A_420 = arith.index_cast %parallel_loop3A_116 : i32 to index
          %parallel_loop3A_421 = arith.constant 528 : index
          %parallel_loop3A_422 = tpu.vector_load %arg8[%parallel_loop3A_420, %parallel_loop3A_421] {strides = array<i32>} : memref<40x1024xf32, #tpu.memory_space<vmem>>, vector<16xf32>,
          tpu.vector_store %arg8[%parallel_loop3A_420, %parallel_loop3A_421], %parallel_loop3A_419 {strides = array<i32>} : memref<40x1024xf32, #tpu.memory_space<vmem>>, vector<16xf32>,
          %parallel_loop3A_423 = arith.index_cast %parallel_loop3A_116 : i32 to index
          %parallel_loop3A_424 = arith.constant 544 : index
          %parallel_loop3A_425 = tpu.vector_load %arg8[%parallel_loop3A_423, %parallel_loop3A_424] {strides = array<i32>} : memref<40x1024xf32, #tpu.memory_space<vmem>>, vector<16xf32>,
          %parallel_loop3A_426 = arith.constant 6.400000e+01 : f32
          %parallel_loop3A_427 = vector.broadcast %parallel_loop3A_426 : f32 to vector<16xf32>
          %parallel_loop3A_428 = arith.mulf %parallel_loop3A_425, %parallel_loop3A_427 : vector<16xf32>
          %parallel_loop3A_429 = arith.index_cast %parallel_loop3A_116 : i32 to index
          %parallel_loop3A_430 = arith.constant 544 : index
          %parallel_loop3A_431 = tpu.vector_load %arg8[%parallel_loop3A_429, %parallel_loop3A_430] {strides = array<i32>} : memref<40x1024xf32, #tpu.memory_space<vmem>>, vector<16xf32>,
          tpu.vector_store %arg8[%parallel_loop3A_429, %parallel_loop3A_430], %parallel_loop3A_428 {strides = array<i32>} : memref<40x1024xf32, #tpu.memory_space<vmem>>, vector<16xf32>,
          %parallel_loop3A_432 = arith.index_cast %parallel_loop3A_116 : i32 to index
          %parallel_loop3A_433 = arith.constant 560 : index
          %parallel_loop3A_434 = tpu.vector_load %arg8[%parallel_loop3A_432, %parallel_loop3A_433] {strides = array<i32>} : memref<40x1024xf32, #tpu.memory_space<vmem>>, vector<16xf32>,
          %parallel_loop3A_435 = arith.constant 6.400000e+01 : f32
          %parallel_loop3A_436 = vector.broadcast %parallel_loop3A_435 : f32 to vector<16xf32>
          %parallel_loop3A_437 = arith.mulf %parallel_loop3A_434, %parallel_loop3A_436 : vector<16xf32>
          %parallel_loop3A_438 = arith.index_cast %parallel_loop3A_116 : i32 to index
          %parallel_loop3A_439 = arith.constant 560 : index
          %parallel_loop3A_440 = tpu.vector_load %arg8[%parallel_loop3A_438, %parallel_loop3A_439] {strides = array<i32>} : memref<40x1024xf32, #tpu.memory_space<vmem>>, vector<16xf32>,
          tpu.vector_store %arg8[%parallel_loop3A_438, %parallel_loop3A_439], %parallel_loop3A_437 {strides = array<i32>} : memref<40x1024xf32, #tpu.memory_space<vmem>>, vector<16xf32>,
          %parallel_loop3A_441 = arith.index_cast %parallel_loop3A_116 : i32 to index
          %parallel_loop3A_442 = arith.constant 576 : index
          %parallel_loop3A_443 = tpu.vector_load %arg8[%parallel_loop3A_441, %parallel_loop3A_442] {strides = array<i32>} : memref<40x1024xf32, #tpu.memory_space<vmem>>, vector<16xf32>,
          %parallel_loop3A_444 = arith.constant 6.400000e+01 : f32
          %parallel_loop3A_445 = vector.broadcast %parallel_loop3A_444 : f32 to vector<16xf32>
          %parallel_loop3A_446 = arith.mulf %parallel_loop3A_443, %parallel_loop3A_445 : vector<16xf32>
          %parallel_loop3A_447 = arith.index_cast %parallel_loop3A_116 : i32 to index
          %parallel_loop3A_448 = arith.constant 576 : index
          %parallel_loop3A_449 = tpu.vector_load %arg8[%parallel_loop3A_447, %parallel_loop3A_448] {strides = array<i32>} : memref<40x1024xf32, #tpu.memory_space<vmem>>, vector<16xf32>,
          tpu.vector_store %arg8[%parallel_loop3A_447, %parallel_loop3A_448], %parallel_loop3A_446 {strides = array<i32>} : memref<40x1024xf32, #tpu.memory_space<vmem>>, vector<16xf32>,
          %parallel_loop3A_450 = arith.index_cast %parallel_loop3A_116 : i32 to index
          %parallel_loop3A_451 = arith.constant 592 : index
          %parallel_loop3A_452 = tpu.vector_load %arg8[%parallel_loop3A_450, %parallel_loop3A_451] {strides = array<i32>} : memref<40x1024xf32, #tpu.memory_space<vmem>>, vector<16xf32>,
          %parallel_loop3A_453 = arith.constant 6.400000e+01 : f32
          %parallel_loop3A_454 = vector.broadcast %parallel_loop3A_453 : f32 to vector<16xf32>
          %parallel_loop3A_455 = arith.mulf %parallel_loop3A_452, %parallel_loop3A_454 : vector<16xf32>
          %parallel_loop3A_456 = arith.index_cast %parallel_loop3A_116 : i32 to index
          %parallel_loop3A_457 = arith.constant 592 : index
          %parallel_loop3A_458 = tpu.vector_load %arg8[%parallel_loop3A_456, %parallel_loop3A_457] {strides = array<i32>} : memref<40x1024xf32, #tpu.memory_space<vmem>>, vector<16xf32>,
          tpu.vector_store %arg8[%parallel_loop3A_456, %parallel_loop3A_457], %parallel_loop3A_455 {strides = array<i32>} : memref<40x1024xf32, #tpu.memory_space<vmem>>, vector<16xf32>,
          %parallel_loop3A_459 = arith.index_cast %parallel_loop3A_116 : i32 to index
          %parallel_loop3A_460 = arith.constant 608 : index
          %parallel_loop3A_461 = tpu.vector_load %arg8[%parallel_loop3A_459, %parallel_loop3A_460] {strides = array<i32>} : memref<40x1024xf32, #tpu.memory_space<vmem>>, vector<16xf32>,
          %parallel_loop3A_462 = arith.constant 6.400000e+01 : f32
          %parallel_loop3A_463 = vector.broadcast %parallel_loop3A_462 : f32 to vector<16xf32>
          %parallel_loop3A_464 = arith.mulf %parallel_loop3A_461, %parallel_loop3A_463 : vector<16xf32>
          %parallel_loop3A_465 = arith.index_cast %parallel_loop3A_116 : i32 to index
          %parallel_loop3A_466 = arith.constant 608 : index
          %parallel_loop3A_467 = tpu.vector_load %arg8[%parallel_loop3A_465, %parallel_loop3A_466] {strides = array<i32>} : memref<40x1024xf32, #tpu.memory_space<vmem>>, vector<16xf32>,
          tpu.vector_store %arg8[%parallel_loop3A_465, %parallel_loop3A_466], %parallel_loop3A_464 {strides = array<i32>} : memref<40x1024xf32, #tpu.memory_space<vmem>>, vector<16xf32>,
          %parallel_loop3A_468 = arith.index_cast %parallel_loop3A_116 : i32 to index
          %parallel_loop3A_469 = arith.constant 624 : index
          %parallel_loop3A_470 = tpu.vector_load %arg8[%parallel_loop3A_468, %parallel_loop3A_469] {strides = array<i32>} : memref<40x1024xf32, #tpu.memory_space<vmem>>, vector<16xf32>,
          %parallel_loop3A_471 = arith.constant 6.400000e+01 : f32
          %parallel_loop3A_472 = vector.broadcast %parallel_loop3A_471 : f32 to vector<16xf32>
          %parallel_loop3A_473 = arith.mulf %parallel_loop3A_470, %parallel_loop3A_472 : vector<16xf32>
          %parallel_loop3A_474 = arith.index_cast %parallel_loop3A_116 : i32 to index
          %parallel_loop3A_475 = arith.constant 624 : index
          %parallel_loop3A_476 = tpu.vector_load %arg8[%parallel_loop3A_474, %parallel_loop3A_475] {strides = array<i32>} : memref<40x1024xf32, #tpu.memory_space<vmem>>, vector<16xf32>,
          tpu.vector_store %arg8[%parallel_loop3A_474, %parallel_loop3A_475], %parallel_loop3A_473 {strides = array<i32>} : memref<40x1024xf32, #tpu.memory_space<vmem>>, vector<16xf32>,
          %parallel_loop3A_477 = arith.index_cast %parallel_loop3A_116 : i32 to index
          %parallel_loop3A_478 = arith.constant 640 : index
          %parallel_loop3A_479 = tpu.vector_load %arg8[%parallel_loop3A_477, %parallel_loop3A_478] {strides = array<i32>} : memref<40x1024xf32, #tpu.memory_space<vmem>>, vector<16xf32>,
          %parallel_loop3A_480 = arith.constant 6.400000e+01 : f32
          %parallel_loop3A_481 = vector.broadcast %parallel_loop3A_480 : f32 to vector<16xf32>
          %parallel_loop3A_482 = arith.mulf %parallel_loop3A_479, %parallel_loop3A_481 : vector<16xf32>
          %parallel_loop3A_483 = arith.index_cast %parallel_loop3A_116 : i32 to index
          %parallel_loop3A_484 = arith.constant 640 : index
          %parallel_loop3A_485 = tpu.vector_load %arg8[%parallel_loop3A_483, %parallel_loop3A_484] {strides = array<i32>} : memref<40x1024xf32, #tpu.memory_space<vmem>>, vector<16xf32>,
          tpu.vector_store %arg8[%parallel_loop3A_483, %parallel_loop3A_484], %parallel_loop3A_482 {strides = array<i32>} : memref<40x1024xf32, #tpu.memory_space<vmem>>, vector<16xf32>,
          %parallel_loop3A_486 = arith.index_cast %parallel_loop3A_116 : i32 to index
          %parallel_loop3A_487 = arith.constant 656 : index
          %parallel_loop3A_488 = tpu.vector_load %arg8[%parallel_loop3A_486, %parallel_loop3A_487] {strides = array<i32>} : memref<40x1024xf32, #tpu.memory_space<vmem>>, vector<16xf32>,
          %parallel_loop3A_489 = arith.constant 6.400000e+01 : f32
          %parallel_loop3A_490 = vector.broadcast %parallel_loop3A_489 : f32 to vector<16xf32>
          %parallel_loop3A_491 = arith.mulf %parallel_loop3A_488, %parallel_loop3A_490 : vector<16xf32>
          %parallel_loop3A_492 = arith.index_cast %parallel_loop3A_116 : i32 to index
          %parallel_loop3A_493 = arith.constant 656 : index
          %parallel_loop3A_494 = tpu.vector_load %arg8[%parallel_loop3A_492, %parallel_loop3A_493] {strides = array<i32>} : memref<40x1024xf32, #tpu.memory_space<vmem>>, vector<16xf32>,
          tpu.vector_store %arg8[%parallel_loop3A_492, %parallel_loop3A_493], %parallel_loop3A_491 {strides = array<i32>} : memref<40x1024xf32, #tpu.memory_space<vmem>>, vector<16xf32>,
          %parallel_loop3A_495 = arith.index_cast %parallel_loop3A_116 : i32 to index
          %parallel_loop3A_496 = arith.constant 672 : index
          %parallel_loop3A_497 = tpu.vector_load %arg8[%parallel_loop3A_495, %parallel_loop3A_496] {strides = array<i32>} : memref<40x1024xf32, #tpu.memory_space<vmem>>, vector<16xf32>,
          %parallel_loop3A_498 = arith.constant 6.400000e+01 : f32
          %parallel_loop3A_499 = vector.broadcast %parallel_loop3A_498 : f32 to vector<16xf32>
          %parallel_loop3A_500 = arith.mulf %parallel_loop3A_497, %parallel_loop3A_499 : vector<16xf32>
          %parallel_loop3A_501 = arith.index_cast %parallel_loop3A_116 : i32 to index
          %parallel_loop3A_502 = arith.constant 672 : index
          %parallel_loop3A_503 = tpu.vector_load %arg8[%parallel_loop3A_501, %parallel_loop3A_502] {strides = array<i32>} : memref<40x1024xf32, #tpu.memory_space<vmem>>, vector<16xf32>,
          tpu.vector_store %arg8[%parallel_loop3A_501, %parallel_loop3A_502], %parallel_loop3A_500 {strides = array<i32>} : memref<40x1024xf32, #tpu.memory_space<vmem>>, vector<16xf32>,
          %parallel_loop3A_504 = arith.index_cast %parallel_loop3A_116 : i32 to index
          %parallel_loop3A_505 = arith.constant 688 : index
          %parallel_loop3A_506 = tpu.vector_load %arg8[%parallel_loop3A_504, %parallel_loop3A_505] {strides = array<i32>} : memref<40x1024xf32, #tpu.memory_space<vmem>>, vector<16xf32>,
          %parallel_loop3A_507 = arith.constant 6.400000e+01 : f32
          %parallel_loop3A_508 = vector.broadcast %parallel_loop3A_507 : f32 to vector<16xf32>
          %parallel_loop3A_509 = arith.mulf %parallel_loop3A_506, %parallel_loop3A_508 : vector<16xf32>
          %parallel_loop3A_510 = arith.index_cast %parallel_loop3A_116 : i32 to index
          %parallel_loop3A_511 = arith.constant 688 : index
          %parallel_loop3A_512 = tpu.vector_load %arg8[%parallel_loop3A_510, %parallel_loop3A_511] {strides = array<i32>} : memref<40x1024xf32, #tpu.memory_space<vmem>>, vector<16xf32>,
          tpu.vector_store %arg8[%parallel_loop3A_510, %parallel_loop3A_511], %parallel_loop3A_509 {strides = array<i32>} : memref<40x1024xf32, #tpu.memory_space<vmem>>, vector<16xf32>,
          %parallel_loop3A_513 = arith.index_cast %parallel_loop3A_116 : i32 to index
          %parallel_loop3A_514 = arith.constant 704 : index
          %parallel_loop3A_515 = tpu.vector_load %arg8[%parallel_loop3A_513, %parallel_loop3A_514] {strides = array<i32>} : memref<40x1024xf32, #tpu.memory_space<vmem>>, vector<16xf32>,
          %parallel_loop3A_516 = arith.constant 6.400000e+01 : f32
          %parallel_loop3A_517 = vector.broadcast %parallel_loop3A_516 : f32 to vector<16xf32>
          %parallel_loop3A_518 = arith.mulf %parallel_loop3A_515, %parallel_loop3A_517 : vector<16xf32>
          %parallel_loop3A_519 = arith.index_cast %parallel_loop3A_116 : i32 to index
          %parallel_loop3A_520 = arith.constant 704 : index
          %parallel_loop3A_521 = tpu.vector_load %arg8[%parallel_loop3A_519, %parallel_loop3A_520] {strides = array<i32>} : memref<40x1024xf32, #tpu.memory_space<vmem>>, vector<16xf32>,
          tpu.vector_store %arg8[%parallel_loop3A_519, %parallel_loop3A_520], %parallel_loop3A_518 {strides = array<i32>} : memref<40x1024xf32, #tpu.memory_space<vmem>>, vector<16xf32>,
          %parallel_loop3A_522 = arith.index_cast %parallel_loop3A_116 : i32 to index
          %parallel_loop3A_523 = arith.constant 720 : index
          %parallel_loop3A_524 = tpu.vector_load %arg8[%parallel_loop3A_522, %parallel_loop3A_523] {strides = array<i32>} : memref<40x1024xf32, #tpu.memory_space<vmem>>, vector<16xf32>,
          %parallel_loop3A_525 = arith.constant 6.400000e+01 : f32
          %parallel_loop3A_526 = vector.broadcast %parallel_loop3A_525 : f32 to vector<16xf32>
          %parallel_loop3A_527 = arith.mulf %parallel_loop3A_524, %parallel_loop3A_526 : vector<16xf32>
          %parallel_loop3A_528 = arith.index_cast %parallel_loop3A_116 : i32 to index
          %parallel_loop3A_529 = arith.constant 720 : index
          %parallel_loop3A_530 = tpu.vector_load %arg8[%parallel_loop3A_528, %parallel_loop3A_529] {strides = array<i32>} : memref<40x1024xf32, #tpu.memory_space<vmem>>, vector<16xf32>,
          tpu.vector_store %arg8[%parallel_loop3A_528, %parallel_loop3A_529], %parallel_loop3A_527 {strides = array<i32>} : memref<40x1024xf32, #tpu.memory_space<vmem>>, vector<16xf32>,
          %parallel_loop3A_531 = arith.index_cast %parallel_loop3A_116 : i32 to index
          %parallel_loop3A_532 = arith.constant 736 : index
          %parallel_loop3A_533 = tpu.vector_load %arg8[%parallel_loop3A_531, %parallel_loop3A_532] {strides = array<i32>} : memref<40x1024xf32, #tpu.memory_space<vmem>>, vector<16xf32>,
          %parallel_loop3A_534 = arith.constant 6.400000e+01 : f32
          %parallel_loop3A_535 = vector.broadcast %parallel_loop3A_534 : f32 to vector<16xf32>
          %parallel_loop3A_536 = arith.mulf %parallel_loop3A_533, %parallel_loop3A_535 : vector<16xf32>
          %parallel_loop3A_537 = arith.index_cast %parallel_loop3A_116 : i32 to index
          %parallel_loop3A_538 = arith.constant 736 : index
          %parallel_loop3A_539 = tpu.vector_load %arg8[%parallel_loop3A_537, %parallel_loop3A_538] {strides = array<i32>} : memref<40x1024xf32, #tpu.memory_space<vmem>>, vector<16xf32>,
          tpu.vector_store %arg8[%parallel_loop3A_537, %parallel_loop3A_538], %parallel_loop3A_536 {strides = array<i32>} : memref<40x1024xf32, #tpu.memory_space<vmem>>, vector<16xf32>,
          %parallel_loop3A_540 = arith.index_cast %parallel_loop3A_116 : i32 to index
          %parallel_loop3A_541 = arith.constant 752 : index
          %parallel_loop3A_542 = tpu.vector_load %arg8[%parallel_loop3A_540, %parallel_loop3A_541] {strides = array<i32>} : memref<40x1024xf32, #tpu.memory_space<vmem>>, vector<16xf32>,
          %parallel_loop3A_543 = arith.constant 6.400000e+01 : f32
          %parallel_loop3A_544 = vector.broadcast %parallel_loop3A_543 : f32 to vector<16xf32>
          %parallel_loop3A_545 = arith.mulf %parallel_loop3A_542, %parallel_loop3A_544 : vector<16xf32>
          %parallel_loop3A_546 = arith.index_cast %parallel_loop3A_116 : i32 to index
          %parallel_loop3A_547 = arith.constant 752 : index
          %parallel_loop3A_548 = tpu.vector_load %arg8[%parallel_loop3A_546, %parallel_loop3A_547] {strides = array<i32>} : memref<40x1024xf32, #tpu.memory_space<vmem>>, vector<16xf32>,
          tpu.vector_store %arg8[%parallel_loop3A_546, %parallel_loop3A_547], %parallel_loop3A_545 {strides = array<i32>} : memref<40x1024xf32, #tpu.memory_space<vmem>>, vector<16xf32>,
          %parallel_loop3A_549 = arith.index_cast %parallel_loop3A_116 : i32 to index
          %parallel_loop3A_550 = arith.constant 768 : index
          %parallel_loop3A_551 = tpu.vector_load %arg8[%parallel_loop3A_549, %parallel_loop3A_550] {strides = array<i32>} : memref<40x1024xf32, #tpu.memory_space<vmem>>, vector<16xf32>,
          %parallel_loop3A_552 = arith.constant 6.400000e+01 : f32
          %parallel_loop3A_553 = vector.broadcast %parallel_loop3A_552 : f32 to vector<16xf32>
          %parallel_loop3A_554 = arith.mulf %parallel_loop3A_551, %parallel_loop3A_553 : vector<16xf32>
          %parallel_loop3A_555 = arith.index_cast %parallel_loop3A_116 : i32 to index
          %parallel_loop3A_556 = arith.constant 768 : index
          %parallel_loop3A_557 = tpu.vector_load %arg8[%parallel_loop3A_555, %parallel_loop3A_556] {strides = array<i32>} : memref<40x1024xf32, #tpu.memory_space<vmem>>, vector<16xf32>,
          tpu.vector_store %arg8[%parallel_loop3A_555, %parallel_loop3A_556], %parallel_loop3A_554 {strides = array<i32>} : memref<40x1024xf32, #tpu.memory_space<vmem>>, vector<16xf32>,
          %parallel_loop3A_558 = arith.index_cast %parallel_loop3A_116 : i32 to index
          %parallel_loop3A_559 = arith.constant 784 : index
          %parallel_loop3A_560 = tpu.vector_load %arg8[%parallel_loop3A_558, %parallel_loop3A_559] {strides = array<i32>} : memref<40x1024xf32, #tpu.memory_space<vmem>>, vector<16xf32>,
          %parallel_loop3A_561 = arith.constant 6.400000e+01 : f32
          %parallel_loop3A_562 = vector.broadcast %parallel_loop3A_561 : f32 to vector<16xf32>
          %parallel_loop3A_563 = arith.mulf %parallel_loop3A_560, %parallel_loop3A_562 : vector<16xf32>
          %parallel_loop3A_564 = arith.index_cast %parallel_loop3A_116 : i32 to index
          %parallel_loop3A_565 = arith.constant 784 : index
          %parallel_loop3A_566 = tpu.vector_load %arg8[%parallel_loop3A_564, %parallel_loop3A_565] {strides = array<i32>} : memref<40x1024xf32, #tpu.memory_space<vmem>>, vector<16xf32>,
          tpu.vector_store %arg8[%parallel_loop3A_564, %parallel_loop3A_565], %parallel_loop3A_563 {strides = array<i32>} : memref<40x1024xf32, #tpu.memory_space<vmem>>, vector<16xf32>,
          %parallel_loop3A_567 = arith.index_cast %parallel_loop3A_116 : i32 to index
          %parallel_loop3A_568 = arith.constant 800 : index
          %parallel_loop3A_569 = tpu.vector_load %arg8[%parallel_loop3A_567, %parallel_loop3A_568] {strides = array<i32>} : memref<40x1024xf32, #tpu.memory_space<vmem>>, vector<16xf32>,
          %parallel_loop3A_570 = arith.constant 6.400000e+01 : f32
          %parallel_loop3A_571 = vector.broadcast %parallel_loop3A_570 : f32 to vector<16xf32>
          %parallel_loop3A_572 = arith.mulf %parallel_loop3A_569, %parallel_loop3A_571 : vector<16xf32>
          %parallel_loop3A_573 = arith.index_cast %parallel_loop3A_116 : i32 to index
          %parallel_loop3A_574 = arith.constant 800 : index
          %parallel_loop3A_575 = tpu.vector_load %arg8[%parallel_loop3A_573, %parallel_loop3A_574] {strides = array<i32>} : memref<40x1024xf32, #tpu.memory_space<vmem>>, vector<16xf32>,
          tpu.vector_store %arg8[%parallel_loop3A_573, %parallel_loop3A_574], %parallel_loop3A_572 {strides = array<i32>} : memref<40x1024xf32, #tpu.memory_space<vmem>>, vector<16xf32>,
          %parallel_loop3A_576 = arith.index_cast %parallel_loop3A_116 : i32 to index
          %parallel_loop3A_577 = arith.constant 816 : index
          %parallel_loop3A_578 = tpu.vector_load %arg8[%parallel_loop3A_576, %parallel_loop3A_577] {strides = array<i32>} : memref<40x1024xf32, #tpu.memory_space<vmem>>, vector<16xf32>,
          %parallel_loop3A_579 = arith.constant 6.400000e+01 : f32
          %parallel_loop3A_580 = vector.broadcast %parallel_loop3A_579 : f32 to vector<16xf32>
          %parallel_loop3A_581 = arith.mulf %parallel_loop3A_578, %parallel_loop3A_580 : vector<16xf32>
          %parallel_loop3A_582 = arith.index_cast %parallel_loop3A_116 : i32 to index
          %parallel_loop3A_583 = arith.constant 816 : index
          %parallel_loop3A_584 = tpu.vector_load %arg8[%parallel_loop3A_582, %parallel_loop3A_583] {strides = array<i32>} : memref<40x1024xf32, #tpu.memory_space<vmem>>, vector<16xf32>,
          tpu.vector_store %arg8[%parallel_loop3A_582, %parallel_loop3A_583], %parallel_loop3A_581 {strides = array<i32>} : memref<40x1024xf32, #tpu.memory_space<vmem>>, vector<16xf32>,
          %parallel_loop3A_585 = arith.index_cast %parallel_loop3A_116 : i32 to index
          %parallel_loop3A_586 = arith.constant 832 : index
          %parallel_loop3A_587 = tpu.vector_load %arg8[%parallel_loop3A_585, %parallel_loop3A_586] {strides = array<i32>} : memref<40x1024xf32, #tpu.memory_space<vmem>>, vector<16xf32>,
          %parallel_loop3A_588 = arith.constant 6.400000e+01 : f32
          %parallel_loop3A_589 = vector.broadcast %parallel_loop3A_588 : f32 to vector<16xf32>
          %parallel_loop3A_590 = arith.mulf %parallel_loop3A_587, %parallel_loop3A_589 : vector<16xf32>
          %parallel_loop3A_591 = arith.index_cast %parallel_loop3A_116 : i32 to index
          %parallel_loop3A_592 = arith.constant 832 : index
          %parallel_loop3A_593 = tpu.vector_load %arg8[%parallel_loop3A_591, %parallel_loop3A_592] {strides = array<i32>} : memref<40x1024xf32, #tpu.memory_space<vmem>>, vector<16xf32>,
          tpu.vector_store %arg8[%parallel_loop3A_591, %parallel_loop3A_592], %parallel_loop3A_590 {strides = array<i32>} : memref<40x1024xf32, #tpu.memory_space<vmem>>, vector<16xf32>,
          %parallel_loop3A_594 = arith.index_cast %parallel_loop3A_116 : i32 to index
          %parallel_loop3A_595 = arith.constant 848 : index
          %parallel_loop3A_596 = tpu.vector_load %arg8[%parallel_loop3A_594, %parallel_loop3A_595] {strides = array<i32>} : memref<40x1024xf32, #tpu.memory_space<vmem>>, vector<16xf32>,
          %parallel_loop3A_597 = arith.constant 6.400000e+01 : f32
          %parallel_loop3A_598 = vector.broadcast %parallel_loop3A_597 : f32 to vector<16xf32>
          %parallel_loop3A_599 = arith.mulf %parallel_loop3A_596, %parallel_loop3A_598 : vector<16xf32>
          %parallel_loop3A_600 = arith.index_cast %parallel_loop3A_116 : i32 to index
          %parallel_loop3A_601 = arith.constant 848 : index
          %parallel_loop3A_602 = tpu.vector_load %arg8[%parallel_loop3A_600, %parallel_loop3A_601] {strides = array<i32>} : memref<40x1024xf32, #tpu.memory_space<vmem>>, vector<16xf32>,
          tpu.vector_store %arg8[%parallel_loop3A_600, %parallel_loop3A_601], %parallel_loop3A_599 {strides = array<i32>} : memref<40x1024xf32, #tpu.memory_space<vmem>>, vector<16xf32>,
          %parallel_loop3A_603 = arith.index_cast %parallel_loop3A_116 : i32 to index
          %parallel_loop3A_604 = arith.constant 864 : index
          %parallel_loop3A_605 = tpu.vector_load %arg8[%parallel_loop3A_603, %parallel_loop3A_604] {strides = array<i32>} : memref<40x1024xf32, #tpu.memory_space<vmem>>, vector<16xf32>,
          %parallel_loop3A_606 = arith.constant 6.400000e+01 : f32
          %parallel_loop3A_607 = vector.broadcast %parallel_loop3A_606 : f32 to vector<16xf32>
          %parallel_loop3A_608 = arith.mulf %parallel_loop3A_605, %parallel_loop3A_607 : vector<16xf32>
          %parallel_loop3A_609 = arith.index_cast %parallel_loop3A_116 : i32 to index
          %parallel_loop3A_610 = arith.constant 864 : index
          %parallel_loop3A_611 = tpu.vector_load %arg8[%parallel_loop3A_609, %parallel_loop3A_610] {strides = array<i32>} : memref<40x1024xf32, #tpu.memory_space<vmem>>, vector<16xf32>,
          tpu.vector_store %arg8[%parallel_loop3A_609, %parallel_loop3A_610], %parallel_loop3A_608 {strides = array<i32>} : memref<40x1024xf32, #tpu.memory_space<vmem>>, vector<16xf32>,
          %parallel_loop3A_612 = arith.index_cast %parallel_loop3A_116 : i32 to index
          %parallel_loop3A_613 = arith.constant 880 : index
          %parallel_loop3A_614 = tpu.vector_load %arg8[%parallel_loop3A_612, %parallel_loop3A_613] {strides = array<i32>} : memref<40x1024xf32, #tpu.memory_space<vmem>>, vector<16xf32>,
          %parallel_loop3A_615 = arith.constant 6.400000e+01 : f32
          %parallel_loop3A_616 = vector.broadcast %parallel_loop3A_615 : f32 to vector<16xf32>
          %parallel_loop3A_617 = arith.mulf %parallel_loop3A_614, %parallel_loop3A_616 : vector<16xf32>
          %parallel_loop3A_618 = arith.index_cast %parallel_loop3A_116 : i32 to index
          %parallel_loop3A_619 = arith.constant 880 : index
          %parallel_loop3A_620 = tpu.vector_load %arg8[%parallel_loop3A_618, %parallel_loop3A_619] {strides = array<i32>} : memref<40x1024xf32, #tpu.memory_space<vmem>>, vector<16xf32>,
          tpu.vector_store %arg8[%parallel_loop3A_618, %parallel_loop3A_619], %parallel_loop3A_617 {strides = array<i32>} : memref<40x1024xf32, #tpu.memory_space<vmem>>, vector<16xf32>,
          %parallel_loop3A_621 = arith.index_cast %parallel_loop3A_116 : i32 to index
          %parallel_loop3A_622 = arith.constant 896 : index
          %parallel_loop3A_623 = tpu.vector_load %arg8[%parallel_loop3A_621, %parallel_loop3A_622] {strides = array<i32>} : memref<40x1024xf32, #tpu.memory_space<vmem>>, vector<16xf32>,
          %parallel_loop3A_624 = arith.constant 6.400000e+01 : f32
          %parallel_loop3A_625 = vector.broadcast %parallel_loop3A_624 : f32 to vector<16xf32>
          %parallel_loop3A_626 = arith.mulf %parallel_loop3A_623, %parallel_loop3A_625 : vector<16xf32>
          %parallel_loop3A_627 = arith.index_cast %parallel_loop3A_116 : i32 to index
          %parallel_loop3A_628 = arith.constant 896 : index
          %parallel_loop3A_629 = tpu.vector_load %arg8[%parallel_loop3A_627, %parallel_loop3A_628] {strides = array<i32>} : memref<40x1024xf32, #tpu.memory_space<vmem>>, vector<16xf32>,
          tpu.vector_store %arg8[%parallel_loop3A_627, %parallel_loop3A_628], %parallel_loop3A_626 {strides = array<i32>} : memref<40x1024xf32, #tpu.memory_space<vmem>>, vector<16xf32>,
          %parallel_loop3A_630 = arith.index_cast %parallel_loop3A_116 : i32 to index
          %parallel_loop3A_631 = arith.constant 912 : index
          %parallel_loop3A_632 = tpu.vector_load %arg8[%parallel_loop3A_630, %parallel_loop3A_631] {strides = array<i32>} : memref<40x1024xf32, #tpu.memory_space<vmem>>, vector<16xf32>,
          %parallel_loop3A_633 = arith.constant 6.400000e+01 : f32
          %parallel_loop3A_634 = vector.broadcast %parallel_loop3A_633 : f32 to vector<16xf32>
          %parallel_loop3A_635 = arith.mulf %parallel_loop3A_632, %parallel_loop3A_634 : vector<16xf32>
          %parallel_loop3A_636 = arith.index_cast %parallel_loop3A_116 : i32 to index
          %parallel_loop3A_637 = arith.constant 912 : index
          %parallel_loop3A_638 = tpu.vector_load %arg8[%parallel_loop3A_636, %parallel_loop3A_637] {strides = array<i32>} : memref<40x1024xf32, #tpu.memory_space<vmem>>, vector<16xf32>,
          tpu.vector_store %arg8[%parallel_loop3A_636, %parallel_loop3A_637], %parallel_loop3A_635 {strides = array<i32>} : memref<40x1024xf32, #tpu.memory_space<vmem>>, vector<16xf32>,
          %parallel_loop3A_639 = arith.index_cast %parallel_loop3A_116 : i32 to index
          %parallel_loop3A_640 = arith.constant 928 : index
          %parallel_loop3A_641 = tpu.vector_load %arg8[%parallel_loop3A_639, %parallel_loop3A_640] {strides = array<i32>} : memref<40x1024xf32, #tpu.memory_space<vmem>>, vector<16xf32>,
          %parallel_loop3A_642 = arith.constant 6.400000e+01 : f32
          %parallel_loop3A_643 = vector.broadcast %parallel_loop3A_642 : f32 to vector<16xf32>
          %parallel_loop3A_644 = arith.mulf %parallel_loop3A_641, %parallel_loop3A_643 : vector<16xf32>
          %parallel_loop3A_645 = arith.index_cast %parallel_loop3A_116 : i32 to index
          %parallel_loop3A_646 = arith.constant 928 : index
          %parallel_loop3A_647 = tpu.vector_load %arg8[%parallel_loop3A_645, %parallel_loop3A_646] {strides = array<i32>} : memref<40x1024xf32, #tpu.memory_space<vmem>>, vector<16xf32>,
          tpu.vector_store %arg8[%parallel_loop3A_645, %parallel_loop3A_646], %parallel_loop3A_644 {strides = array<i32>} : memref<40x1024xf32, #tpu.memory_space<vmem>>, vector<16xf32>,
          %parallel_loop3A_648 = arith.index_cast %parallel_loop3A_116 : i32 to index
          %parallel_loop3A_649 = arith.constant 944 : index
          %parallel_loop3A_650 = tpu.vector_load %arg8[%parallel_loop3A_648, %parallel_loop3A_649] {strides = array<i32>} : memref<40x1024xf32, #tpu.memory_space<vmem>>, vector<16xf32>,
          %parallel_loop3A_651 = arith.constant 6.400000e+01 : f32
          %parallel_loop3A_652 = vector.broadcast %parallel_loop3A_651 : f32 to vector<16xf32>
          %parallel_loop3A_653 = arith.mulf %parallel_loop3A_650, %parallel_loop3A_652 : vector<16xf32>
          %parallel_loop3A_654 = arith.index_cast %parallel_loop3A_116 : i32 to index
          %parallel_loop3A_655 = arith.constant 944 : index
          %parallel_loop3A_656 = tpu.vector_load %arg8[%parallel_loop3A_654, %parallel_loop3A_655] {strides = array<i32>} : memref<40x1024xf32, #tpu.memory_space<vmem>>, vector<16xf32>,
          tpu.vector_store %arg8[%parallel_loop3A_654, %parallel_loop3A_655], %parallel_loop3A_653 {strides = array<i32>} : memref<40x1024xf32, #tpu.memory_space<vmem>>, vector<16xf32>,
          %parallel_loop3A_657 = arith.index_cast %parallel_loop3A_116 : i32 to index
          %parallel_loop3A_658 = arith.constant 960 : index
          %parallel_loop3A_659 = tpu.vector_load %arg8[%parallel_loop3A_657, %parallel_loop3A_658] {strides = array<i32>} : memref<40x1024xf32, #tpu.memory_space<vmem>>, vector<16xf32>,
          %parallel_loop3A_660 = arith.constant 6.400000e+01 : f32
          %parallel_loop3A_661 = vector.broadcast %parallel_loop3A_660 : f32 to vector<16xf32>
          %parallel_loop3A_662 = arith.mulf %parallel_loop3A_659, %parallel_loop3A_661 : vector<16xf32>
          %parallel_loop3A_663 = arith.index_cast %parallel_loop3A_116 : i32 to index
          %parallel_loop3A_664 = arith.constant 960 : index
          %parallel_loop3A_665 = tpu.vector_load %arg8[%parallel_loop3A_663, %parallel_loop3A_664] {strides = array<i32>} : memref<40x1024xf32, #tpu.memory_space<vmem>>, vector<16xf32>,
          tpu.vector_store %arg8[%parallel_loop3A_663, %parallel_loop3A_664], %parallel_loop3A_662 {strides = array<i32>} : memref<40x1024xf32, #tpu.memory_space<vmem>>, vector<16xf32>,
          %parallel_loop3A_666 = arith.index_cast %parallel_loop3A_116 : i32 to index
          %parallel_loop3A_667 = arith.constant 976 : index
          %parallel_loop3A_668 = tpu.vector_load %arg8[%parallel_loop3A_666, %parallel_loop3A_667] {strides = array<i32>} : memref<40x1024xf32, #tpu.memory_space<vmem>>, vector<16xf32>,
          %parallel_loop3A_669 = arith.constant 6.400000e+01 : f32
          %parallel_loop3A_670 = vector.broadcast %parallel_loop3A_669 : f32 to vector<16xf32>
          %parallel_loop3A_671 = arith.mulf %parallel_loop3A_668, %parallel_loop3A_670 : vector<16xf32>
          %parallel_loop3A_672 = arith.index_cast %parallel_loop3A_116 : i32 to index
          %parallel_loop3A_673 = arith.constant 976 : index
          %parallel_loop3A_674 = tpu.vector_load %arg8[%parallel_loop3A_672, %parallel_loop3A_673] {strides = array<i32>} : memref<40x1024xf32, #tpu.memory_space<vmem>>, vector<16xf32>,
          tpu.vector_store %arg8[%parallel_loop3A_672, %parallel_loop3A_673], %parallel_loop3A_671 {strides = array<i32>} : memref<40x1024xf32, #tpu.memory_space<vmem>>, vector<16xf32>,
          %parallel_loop3A_675 = arith.index_cast %parallel_loop3A_116 : i32 to index
          %parallel_loop3A_676 = arith.constant 992 : index
          %parallel_loop3A_677 = tpu.vector_load %arg8[%parallel_loop3A_675, %parallel_loop3A_676] {strides = array<i32>} : memref<40x1024xf32, #tpu.memory_space<vmem>>, vector<16xf32>,
          %parallel_loop3A_678 = arith.constant 6.400000e+01 : f32
          %parallel_loop3A_679 = vector.broadcast %parallel_loop3A_678 : f32 to vector<16xf32>
          %parallel_loop3A_680 = arith.mulf %parallel_loop3A_677, %parallel_loop3A_679 : vector<16xf32>
          %parallel_loop3A_681 = arith.index_cast %parallel_loop3A_116 : i32 to index
          %parallel_loop3A_682 = arith.constant 992 : index
          %parallel_loop3A_683 = tpu.vector_load %arg8[%parallel_loop3A_681, %parallel_loop3A_682] {strides = array<i32>} : memref<40x1024xf32, #tpu.memory_space<vmem>>, vector<16xf32>,
          tpu.vector_store %arg8[%parallel_loop3A_681, %parallel_loop3A_682], %parallel_loop3A_680 {strides = array<i32>} : memref<40x1024xf32, #tpu.memory_space<vmem>>, vector<16xf32>,
          %parallel_loop3A_684 = arith.index_cast %parallel_loop3A_116 : i32 to index
          %parallel_loop3A_685 = arith.constant 1008 : index
          %parallel_loop3A_686 = tpu.vector_load %arg8[%parallel_loop3A_684, %parallel_loop3A_685] {strides = array<i32>} : memref<40x1024xf32, #tpu.memory_space<vmem>>, vector<16xf32>,
          %parallel_loop3A_687 = arith.constant 6.400000e+01 : f32
          %parallel_loop3A_688 = vector.broadcast %parallel_loop3A_687 : f32 to vector<16xf32>
          %parallel_loop3A_689 = arith.mulf %parallel_loop3A_686, %parallel_loop3A_688 : vector<16xf32>
          %parallel_loop3A_690 = arith.index_cast %parallel_loop3A_116 : i32 to index
          %parallel_loop3A_691 = arith.constant 1008 : index
          %parallel_loop3A_692 = tpu.vector_load %arg8[%parallel_loop3A_690, %parallel_loop3A_691] {strides = array<i32>} : memref<40x1024xf32, #tpu.memory_space<vmem>>, vector<16xf32>,
          tpu.vector_store %arg8[%parallel_loop3A_690, %parallel_loop3A_691], %parallel_loop3A_689 {strides = array<i32>} : memref<40x1024xf32, #tpu.memory_space<vmem>>, vector<16xf32>,
        } {sc.loop_unroll_factor = 1 : i64, sc.parallel_access}
        %scan3A_105 = arith.constant 0 : i32
        %scan3A_106 = arith.constant 64 : i32
        %scan3A_107 = arith.addi %scan3A_105, %scan3A_106 : i32
        %scan3A_108 = arith.constant 1 : i32
        scf.for %scan3A_116 = %scan3A_105 to %scan3A_107 step %scan3A_108  : i32 {
          %mul3A_117 = arith.constant 1 : i32
          %mul3A_118 = arith.muli %scan3A_116, %mul3A_117 : i32
          %add3A_119 = arith.constant 0 : i32
          %add3A_120 = arith.addi %add3A_119, %mul3A_118 : i32
          %mul3A_121 = arith.constant 16 : i32
          %mul3A_122 = arith.muli %add3A_120, %mul3A_121 : i32
          %get3A = arith.index_cast %mul3A_122 : i32 to index
          %get3A_123 = tpu.vector_load %arg5[%get3A] {strides = array<i32>} : memref<1024xi32, #tpu.memory_space<vmem>>, vector<16xi32>,
          %sub3A_124 = vector.broadcast %mul3A_102 : i32 to vector<16xi32>
          %sub3A_125 = arith.subi %get3A_123, %sub3A_124 : vector<16xi32>
          %ge3A_126 = arith.constant 0 : i32
          %ge3A_127 = vector.broadcast %ge3A_126 : i32 to vector<16xi32>
          %ge3A_128 = arith.cmpi sge, %sub3A_125, %ge3A_127 : vector<16xi32>
          %lt3A_129 = arith.constant 40 : i32
          %lt3A_130 = vector.broadcast %lt3A_129 : i32 to vector<16xi32>
          %lt3A_131 = arith.cmpi slt, %sub3A_125, %lt3A_130 : vector<16xi32>
          %and3A_132 = arith.andi %ge3A_128, %lt3A_131 : vector<16xi1>
          %all_reduce_population_count3A = tpu.all_reduce %and3A_132 {dim = 0 : i64, kind = #tpu.reduction_kind<sum>} : vector<16xi1> -> vector<16xi32>
          %reduce_max3A = arith.constant true
          %reduce_max3A_133 = vector.broadcast %reduce_max3A : i1 to vector<16xi1>
          %reduce_max3A_134 = arith.constant -2147483648 : i32
          %reduce_max3A_135 = vector.broadcast %reduce_max3A_134 : i32 to vector<16xi32>
          %reduce_max3A_136 = arith.xori %all_reduce_population_count3A, %reduce_max3A_135 : vector<16xi32>
          %reduce_max3A_137 = tpu.scan <max>, %reduce_max3A_136 masked %reduce_max3A_133 : vector<16xi32>, vector<16xi1> -> vector<16xi32>
          %reduce_max3A_138 = arith.xori %reduce_max3A_137, %reduce_max3A_135 : vector<16xi32>
          %reduce_max3A_139 = vector.extract %reduce_max3A_138[15] : i32 from vector<16xi32>
          %gt3A = arith.constant 0 : i32
          %gt3A_140 = arith.cmpi sgt, %reduce_max3A_139, %gt3A : i32
          %convert_element_type3A_141 = arith.extui %gt3A_140 : i1 to i32
          %cond3A_142 = arith.constant 0 : i32
          %cond3A_143 = arith.cmpi ne, %convert_element_type3A_141, %cond3A_142 : i32
          scf.if %cond3A_143 {
            %iota3A = tpu.iota {dimensions = array<i32: 0>} : vector<16xi32>
            %mul3A_144 = arith.constant 16 : i32
            %mul3A_145 = arith.muli %add3A_120, %mul3A_144 : i32
            %add3A_146 = vector.broadcast %mul3A_145 : i32 to vector<16xi32>
            %add3A_147 = arith.addi %iota3A, %add3A_146 : vector<16xi32>
            %max3A = arith.constant 0 : i32
            %max3A_148 = vector.broadcast %max3A : i32 to vector<16xi32>
            %max3A_149 = arith.maxsi %sub3A_125, %max3A_148 : vector<16xi32>
            %min3A_150 = arith.constant 39 : i32
            %min3A_151 = vector.broadcast %min3A_150 : i32 to vector<16xi32>
            %min3A_152 = arith.minsi %max3A_149, %min3A_151 : vector<16xi32>
            %gather3A = tpu.vector_load_idx %arg8[%min3A_152, %add3A_147] masked %and3A_132 : memref<40x1024xf32, #tpu.memory_space<vmem>>[vector<16xi32>, vector<16xi32>], vector<16xf32>, vector<16xi1>
            %mul3A_153 = arith.constant 1.562500e-02 : f32
            %mul3A_154 = vector.broadcast %mul3A_153 : f32 to vector<16xf32>
            %mul3A_155 = arith.mulf %gather3A, %mul3A_154 : vector<16xf32>
            %mul3A_156 = arith.mulf %mul3A_155, %mul3A_155 : vector<16xf32>
            %sub3A_157 = arith.constant 1.000000e+00 : f32
            %sub3A_158 = vector.broadcast %sub3A_157 : f32 to vector<16xf32>
            %sub3A_159 = arith.subf %sub3A_158, %mul3A_156 : vector<16xf32>
            %max3A_160 = arith.constant 9.99999996E-13 : f32
            %max3A_161 = vector.broadcast %max3A_160 : f32 to vector<16xf32>
            %max3A_162 = arith.maximumf %sub3A_159, %max3A_161 : vector<16xf32>
            %bitcast_convert_type3A = tpu.bitcast %max3A_162 : vector<16xf32> -> vector<16xi32>
            %shift_right_arithmetic3A = arith.constant 1 : i32
            %shift_right_arithmetic3A_163 = vector.broadcast %shift_right_arithmetic3A : i32 to vector<16xi32>
            %shift_right_arithmetic3A_164 = arith.shrsi %bitcast_convert_type3A, %shift_right_arithmetic3A_163 : vector<16xi32>
            %add3A_165 = arith.constant 532487669 : i32
            %add3A_166 = vector.broadcast %add3A_165 : i32 to vector<16xi32>
            %add3A_167 = arith.addi %shift_right_arithmetic3A_164, %add3A_166 : vector<16xi32>
            %bitcast_convert_type3A_168 = tpu.bitcast %add3A_167 : vector<16xi32> -> vector<16xf32>
            %div3A = arith.divf %max3A_162, %bitcast_convert_type3A_168 : vector<16xf32>
            %add3A_169 = arith.addf %bitcast_convert_type3A_168, %div3A : vector<16xf32>
            %mul3A_170 = arith.constant 5.000000e-01 : f32
            %mul3A_171 = vector.broadcast %mul3A_170 : f32 to vector<16xf32>
            %mul3A_172 = arith.mulf %mul3A_171, %add3A_169 : vector<16xf32>
            %div3A_173 = arith.divf %max3A_162, %mul3A_172 : vector<16xf32>
            %add3A_174 = arith.addf %mul3A_172, %div3A_173 : vector<16xf32>
            %mul3A_175 = arith.constant 5.000000e-01 : f32
            %mul3A_176 = vector.broadcast %mul3A_175 : f32 to vector<16xf32>
            %mul3A_177 = arith.mulf %mul3A_176, %add3A_174 : vector<16xf32>
            %div3A_178 = arith.divf %max3A_162, %mul3A_177 : vector<16xf32>
            %add3A_179 = arith.addf %mul3A_177, %div3A_178 : vector<16xf32>
            %mul3A_180 = arith.constant 5.000000e-01 : f32
            %mul3A_181 = vector.broadcast %mul3A_180 : f32 to vector<16xf32>
            %mul3A_182 = arith.mulf %mul3A_181, %add3A_179 : vector<16xf32>
            %mul3A_183 = arith.constant 0.87758255 : f32
            %mul3A_184 = vector.broadcast %mul3A_183 : f32 to vector<16xf32>
            %mul3A_185 = arith.mulf %mul3A_155, %mul3A_184 : vector<16xf32>
            %mul3A_186 = arith.constant 0.47942555 : f32
            %mul3A_187 = vector.broadcast %mul3A_186 : f32 to vector<16xf32>
            %mul3A_188 = arith.mulf %mul3A_182, %mul3A_187 : vector<16xf32>
            %sub3A_189 = arith.subf %mul3A_185, %mul3A_188 : vector<16xf32>
            %mul3A_190 = arith.constant 6.400000e+01 : f32
            %mul3A_191 = vector.broadcast %mul3A_190 : f32 to vector<16xf32>
            %mul3A_192 = arith.mulf %mul3A_191, %sub3A_189 : vector<16xf32>
            tpu.vector_store_idx %arg8[%min3A_152, %add3A_147], %mul3A_192 masked %and3A_132 : memref<40x1024xf32, #tpu.memory_space<vmem>>[vector<16xi32>, vector<16xi32>], vector<16xf32>, vector<16xi1>
          } else {
          }
        }
        %scan3A_109 = arith.constant 64 : i32
        %mul3A_110 = arith.constant 40 : i32
        %mul3A_111 = arith.muli %add3A_76, %mul3A_110 : i32
        %dma_start3A_112 = arith.constant 0 : i32
        %dma_start3A_113 = tpu.memref_slice %arg4[%mul3A_111, %dma_start3A_112] : memref<100000x1024xf32, #tpu.memory_space<hbm>> -> memref<40x1024xf32, #tpu.memory_space<hbm>>
        %dma_start3A_114 = arith.constant 0 : i32
        %dma_start3A_115 = tpu.memref_slice %arg4[%mul3A_111, %dma_start3A_114] : memref<100000x1024xf32, #tpu.memory_space<hbm>> -> memref<40x1024xf32, #tpu.memory_space<hbm>>
        tpu.enqueue_dma source(%arg8 : memref<40x1024xf32, #tpu.memory_space<vmem>>) target(%dma_start3A_115 : memref<40x1024xf32, #tpu.memory_space<hbm>>) target_semaphore(%arg14 : memref<!tpu.dma_semaphore, #tpu.memory_space<semaphore_mem>>)
      } else {
      }
      %ge3A_81 = arith.constant 1 : i32
      %ge3A_82 = arith.cmpi sge, %add3A_75, %ge3A_81 : i32
      %sub3A_83 = arith.constant 1 : i32
      %sub3A_84 = arith.subi %add3A_75, %sub3A_83 : i32
      %lt3A_85 = arith.cmpi slt, %sub3A_84, %select_n3A : i32
      %and3A_86 = arith.andi %ge3A_82, %lt3A_85 : i1
      %convert_element_type3A_87 = arith.extui %and3A_86 : i1 to i32
      %cond3A_88 = arith.constant 0 : i32
      %cond3A_89 = arith.cmpi ne, %convert_element_type3A_87, %cond3A_88 : i32
      scf.if %cond3A_89 {
        %sub3A_96 = arith.constant 1 : i32
        %sub3A_97 = arith.subi %add3A_76, %sub3A_96 : i32
        %mul3A_98 = arith.constant 40 : i32
        %mul3A_99 = arith.muli %sub3A_97, %mul3A_98 : i32
        %dma_wait3A = arith.constant 0 : i32
        %dma_wait3A_100 = tpu.memref_slice %arg4[%mul3A_99, %dma_wait3A] : memref<100000x1024xf32, #tpu.memory_space<hbm>> -> memref<40x1024xf32, #tpu.memory_space<hbm>>
        %dma_wait3A_101 = arith.constant 0 : i32
        %dma_wait3A_102 = tpu.memref_slice %arg4[%mul3A_99, %dma_wait3A_101] : memref<100000x1024xf32, #tpu.memory_space<hbm>> -> memref<40x1024xf32, #tpu.memory_space<hbm>>
        tpu.wait_dma2 semaphore(%arg13 : memref<!tpu.dma_semaphore, #tpu.memory_space<semaphore_mem>>) src(%arg7 : memref<40x1024xf32, #tpu.memory_space<vmem>>) dst(%dma_wait3A_102 : memref<40x1024xf32, #tpu.memory_space<hbm>>)
      } else {
      }
      %add3A_90 = arith.constant 2 : i32
      %add3A_91 = arith.addi %add3A_75, %add3A_90 : i32
      %lt3A_92 = arith.cmpi slt, %add3A_91, %select_n3A : i32
      %convert_element_type3A_93 = arith.extui %lt3A_92 : i1 to i32
      %cond3A_94 = arith.constant 0 : i32
      %cond3A_95 = arith.cmpi ne, %convert_element_type3A_93, %cond3A_94 : i32
      scf.if %cond3A_95 {
        %add3A_96 = arith.constant 2 : i32
        %add3A_97 = arith.addi %add3A_76, %add3A_96 : i32
        %mul3A_98 = arith.constant 40 : i32
        %mul3A_99 = arith.muli %add3A_97, %mul3A_98 : i32
        %dma_start3A_100 = arith.constant 0 : i32
        %dma_start3A_101 = tpu.memref_slice %arg2[%mul3A_99, %dma_start3A_100] : memref<100000x1024xf32, #tpu.memory_space<hbm>> -> memref<40x1024xf32, #tpu.memory_space<hbm>>
        %dma_start3A_102 = arith.constant 0 : i32
        %dma_start3A_103 = tpu.memref_slice %arg2[%mul3A_99, %dma_start3A_102] : memref<100000x1024xf32, #tpu.memory_space<hbm>> -> memref<40x1024xf32, #tpu.memory_space<hbm>>
        tpu.enqueue_dma source(%dma_start3A_103 : memref<40x1024xf32, #tpu.memory_space<hbm>>) target(%arg7 : memref<40x1024xf32, #tpu.memory_space<vmem>>) target_semaphore(%arg10 : memref<!tpu.dma_semaphore, #tpu.memory_space<semaphore_mem>>)
      } else {
      }
    }
    %scan3A_23 = arith.constant 27 : i32
    return
  }
}

</mosaic_0001>

<sc_bundles>
// kernel: kernel.3.cloned.1.call-start
scs
__scs_entry_jumppad:
0x0: {  	(pc) =	sbr.rel $0x88, $3  }
0x1: {  	(tag) =	ssettag $0x0;
	lr =	simm.s32 $0x1  }
0x2: {  	[smem:$0x3F9F] =	sst lr;
	_ =	strace $0xD0000000  }
0x3: {  	_ = 	snop  }
0x4: {  	_ = 	snop  }
0x5: {  	_ = 	snop  }
0x6: {  	_ = 	snop  }
0x7: {  	_ = 	snop  }
__scs_overlays_trampoline_lowered:
0x8: {  	[smem:$0x3FAE] =	sst s0  }
0x9: {  	[smem:$0x3FAF] =	sst s1  }
0xa: {  	[smem:$0x3FB0] =	sst s2  }
0xb: {  	[smem:$0x3FB1] =	sst s3  }
0xc: {  	[smem:$0x3FB2] =	sst s4  }
0xd: {  	[smem:$0x3FB3] =	sst s5  }
0xe: {  	[smem:$0x3FB4] =	sst s6  }
0xf: {  	[smem:$0x3FB5] =	sst s7  }
0x10: {  	[smem:$0x3FB6] =	sst s8  }
0x11: {  	[smem:$0x3FB7] =	sst s9;
	s0 =	simm.s32 @!p0 $0x0  }
0x12: {  	s1 =	sld [smem:$0x3F9D];
	s0 =	simm.s32 @p0 $0x1  }
0x13: {  	[smem:$0x3FB8] =	sst s0;
	s0 =	simm.s32 @!p1 $0x0  }
0x14: {  	s2 =	sld [smem:$0x3F9C];
	s0 =	simm.s32 @p1 $0x1  }
0x15: {  	[smem:$0x3FB9] =	sst s0;
	s0 =	simm.s32 @!p2 $0x0  }
0x16: {  	s3 =	sld [smem:$0x3FDB];
	s0 =	simm.s32 @p2 $0x1  }
0x17: {  	s4 =	simm.s32 $0x1BF5;
	[smem:$0x3FBB] =	sst s0  }
0x18: {  	s0 =	sld [smem:$0x3F9E];
	_ =	swait.ge [sflag:s4], $0x0  }
0x19: {  	s7 =	sld [smem:$0x3F9F]  }
0x1a: {  	s8 =	sadd.s32 $0xFFFFE003, lr  }
0x1b: {  	s9 =	sadd.s32 $0xFFFFFEF7, lr;
	s5 =	simm.s32 $0xFFFFFFFF;
	p2 =	slt.u32 s8, $0xFFFFF086  }
0x1c: {  	p1 =	slt.u32 s9, $0xF7A;
	s5 =	simm.s32 @!p2 $0x0  }
0x1d: {  	s5 =	simm.s32 @p1 $0x1;
	p0 =	seq.s32 s7, s2  }
0x1e: {  	s7 =	smul.u32 @!p0 $0xF7A, s2;
	p2 =	seq.s32 @!p0 s5, $0x0  }
0x1f: {  	s9 =	smul.u32 $0xF7A, s1;
	s8 =	simm.s32 @!p0 $0x1BF5;
	p2 =	por !p2, p0  }
0x20: {  	[sflag:s8] =	ssyncset.s32 @!p0 $0xFFFFF086;
	s6 =	sadd.s32 @!p0 s3, s7;
	s7 =	simm.s32 @!p0 $0x108  }
0x21: {  	s3 =	sadd.s32 s3, s9;
	s6 =	sadd.s32 @!p0 $0x88, s6;
	s7 =	simm.s32 @p2 $0x1082  }
0x22: {  	[simem:s7], [sflag:s8] =	dma.local @!p0 [hbm:s6], $0xF7A  }
0x23: {  	s9 =	sor.u32 $0xD0000000, s2;
	s6 =	simm.s32 $0x108;
	_ =	swait.ge @!p0 [sflag:s8], $0x0  }
0x24: {  	s3 =	sadd.s32 $0x88, s3;
	s6 =	simm.s32 @!p1 $0x1082;
	[sflag:s4] =	ssyncset.s32 $0xFFFFF086  }
0x25: {  	[simem:s6], [sflag:s4] =	dma.local [hbm:s3], $0xF7A  }
0x26: {  	[smem:$0x3F9F] =	sst s1;
	(tag) =	ssettag s2;
	_ =	strace s9  }
0x27: {  	s1 =	sld [smem:$0x3FAF]  }
0x28: {  	s2 =	sld [smem:$0x3FB0]  }
0x29: {  	s4 =	sld [smem:$0x3FB2]  }
0x2a: {  	p0 =	seq.s32 s5, $0x0;
	s5 =	sld [smem:$0x3FB3]  }
0x2b: {  	s6 =	sld [smem:$0x3FB4]  }
0x2c: {  	s7 =	sld [smem:$0x3FB5]  }
0x2d: {  	s3 =	simm.s32 $0x108;
	s8 =	sld [smem:$0x3FB6]  }
0x2e: {  	s3 =	simm.s32 @!p0 $0x1082;
	s9 =	sld [smem:$0x3FB7]  }
0x2f: {  	lr =	sadd.s32 s0, s3;
	s0 =	sld [smem:$0x3FAE]  }
0x30: {  	s3 =	sld [smem:$0x3FB1]  }
0x31: {  	[smem:$0x3FBA] =	sst s10  }
0x32: {  	s10 =	sld [smem:$0x3FB8];
	_ =	sdelay $0x3  }
0x33: {  	p0 =	seq.s32 s10, $0x1;
	s10 =	sld [smem:$0x3FBA];
	_ =	sdelay $0x3  }
0x34: {  	[smem:$0x3FBA] =	sst s10  }
0x35: {  	s10 =	sld [smem:$0x3FB9];
	_ =	sdelay $0x3  }
0x36: {  	p1 =	seq.s32 s10, $0x1;
	s10 =	sld [smem:$0x3FBA];
	_ =	sdelay $0x3  }
0x37: {  	[smem:$0x3FBA] =	sst s10  }
0x38: {  	s10 =	sld [smem:$0x3FBB]  }
0x39: {  	_ = 	snop;
	(pc) =	sbr.ind lr, $3  }
0x3a: {  	_ = 	snop  }
0x3b: {  	_ = 	snop  }
0x3c: {  	p2 =	seq.s32 s10, $0x1;
	s10 =	sld [smem:$0x3FBA]  }
0x3d: {  	_ =	shalt  }
0x3e: {  	_ =	shalt  }
0x3f: {  	_ =	shalt  }
0x40: {  	_ =	shalt  }
0x41: {  	_ =	shalt  }
0x42: {  	_ =	shalt  }
0x43: {  	_ =	shalt  }
0x44: {  	_ =	shalt  }
0x45: {  	_ =	shalt  }
0x46: {  	_ =	shalt  }
0x47: {  	_ =	shalt  }
0x48: {  	_ =	shalt  }
0x49: {  	_ =	shalt  }
0x4a: {  	_ =	shalt  }
0x4b: {  	_ =	shalt  }
0x4c: {  	_ =	shalt  }
0x4d: {  	_ =	shalt  }
0x4e: {  	_ =	shalt  }
0x4f: {  	_ =	shalt  }
0x50: {  	_ =	shalt  }
0x51: {  	_ =	shalt  }
0x52: {  	_ =	shalt  }
0x53: {  	_ =	shalt  }
0x54: {  	_ =	shalt  }
0x55: {  	_ =	shalt  }
0x56: {  	_ =	shalt  }
0x57: {  	_ =	shalt  }
0x58: {  	_ =	shalt  }
0x59: {  	_ =	shalt  }
0x5a: {  	_ =	shalt  }
0x5b: {  	_ =	shalt  }
0x5c: {  	_ =	shalt  }
0x5d: {  	_ =	shalt  }
0x5e: {  	_ =	shalt  }
0x5f: {  	_ =	shalt  }
0x60: {  	_ =	shalt  }
0x61: {  	_ =	shalt  }
0x62: {  	_ =	shalt  }
0x63: {  	_ =	shalt  }
0x64: {  	_ =	shalt  }
0x65: {  	_ =	shalt  }
0x66: {  	_ =	shalt  }
0x67: {  	_ =	shalt  }
0x68: {  	_ =	shalt  }
0x69: {  	_ =	shalt  }
0x6a: {  	_ =	shalt  }
0x6b: {  	_ =	shalt  }
0x6c: {  	_ =	shalt  }
0x6d: {  	_ =	shalt  }
0x6e: {  	_ =	shalt  }
0x6f: {  	_ =	shalt  }
0x70: {  	_ =	shalt  }
0x71: {  	_ =	shalt  }
0x72: {  	_ =	shalt  }
0x73: {  	_ =	shalt  }
0x74: {  	_ =	shalt  }
0x75: {  	_ =	shalt  }
0x76: {  	_ =	shalt  }
0x77: {  	_ =	shalt  }
0x78: {  	_ =	shalt  }
0x79: {  	_ =	shalt  }
0x7a: {  	_ =	shalt  }
0x7b: {  	_ =	shalt  }
0x7c: {  	_ =	shalt  }
0x7d: {  	_ =	shalt  }
0x7e: {  	_ =	shalt  }
0x7f: {  	_ =	shalt  }
0x80: {  	_ =	shalt  }
0x81: {  	_ =	shalt  }
0x82: {  	_ =	shalt  }
0x83: {  	_ =	shalt  }
0x84: {  	_ =	shalt  }
0x85: {  	_ =	shalt  }
0x86: {  	_ =	shalt  }
0x87: {  	_ =	shalt  }
.Lfunc_end0:
.L_simem_size_0:
called_computation_lowered:
.L_overlay_start_0:
0x88: {  	s2 =	sld [smem:$0x3FD9]  }
0x89: {  	s3 =	sld [smem:$0x3FFE];
	_ =	sdelay $0x1  }
0x8a: {  	s1 =	srdreg.scid  }
0x8b: {  	s0 =	sand.u32 $0x1, s1  }
0x8c: {  	s18 =	sshll.u32 s0, $0xA;
	s2 =	sadd.s32 s3, s2  }
0x8d: {  	s2 =	sadd.s32 s2, s18  }
0x8e: {  	[smem:$0x3FC6] =	sst s2  }
0x8f: {  	_ = 	snop  }
0x90: {  	s2 =	sld [smem:$0x3FC9]  }
0x91: {  	s19 =	sld [smem:$0x3FC8]  }
0x92: {  	s4 =	sld [smem:$0x3FD0];
	(tm) =	ssettm $0x1  }
0x93: {  	s5 =	sld [smem:$0x3FFB];
	_ =	sdelay $0x3  }
0x94: {  	_ =	strace s5  }
0x95: {  	s5 =	sld [smem:$0x3FFC];
	_ =	sdelay $0x3  }
0x96: {  	_ =	strace s5  }
0x97: {  	s5 =	sld [smem:$0x3FFD];
	_ =	sdelay $0x3  }
0x98: {  	_ =	strace s5  }
0x99: {  	_ =	strace $0x8FFFFFFF  }
0x9a: {  	s20 =	sld [smem:$0x3FDB];
	_ =	sdelay $0x1  }
0x9b: {  	s6 =	simm.s32 $_scs_section_size  }
0x9c: {  	s7 =	simm.s32 $_size__tile_overlayer_lowered;
	s8 =	simm.s32 $_tile_overlayer_lowered  }
0x9d: {  	s23 =	simm.s32 $0x1BFF;
	s22 =	sshll.u32 s8, $0x1;
	s5 =	sadd.s32 s6, s20  }
0x9e: {  	s9 =	simm.s32 $0x0;
	s21 =	sshll.u32 s7, $0x1;
	s7 =	sadd.s32 s22, s5  }
0x9f: {  	[timem:s9], [sflag:s23] =	dma.local [hbm:s7], s21  }
0xa0: {  	_ =	swait.ge [sflag:s23], s21  }
0xa1: {  	s6 =	ssub.s32 $0x0, s21;
	[sflag:s23] =	ssyncset.done $0x0  }
0xa2: {  	[sflag:s23] =	ssyncadd.s32 s6;
	_ =	sdelay $0x1  }
0xa3: {  	s24 =	simm.s32 $0x1B8B  }
0xa4: {  	_ =	swait.ge [sflag:s24], $0x1  }
0xa5: {  	[sflag:s24] =	ssyncset.done $0x0  }
0xa6: {  	s25 =	simm.s32 $0x1B8E;
	[sflag:s24] =	ssyncadd.s32 $0xFFFFFFFF  }
0xa7: {  	s26 =	simm.s32 $execute0_lowered;
	[smem:$0x3FD2] =	sst s25  }
0xa8: {  	s6 =	sshll.u32 s26, $0x1;
	_ =	strace $0x80000046;
	[dreg:$0x1] =	wrdreg $0xFFFFFFFF  }
0xa9: {  	s28 =	simm.s32 $_size_execute0_lowered;
	s5 =	sadd.s32 s5, s6;
	[dreg:$0x0] =	wrdreg $0x0  }
0xaa: {  	s6 =	sshll.u32 s28, $0x1;
	[dreg:$0x2] =	wrdreg s5  }
0xab: {  	[dreg:$0x3] =	wrdreg s6  }
0xac: {  	[dreg:$0x4] =	wrdreg $0xC0  }
0xad: {  	_ =	task [dreg:s9], $0x5FFFF  }
0xae: {  	[dreg:$0x1] =	wrdreg $0xFFFFFFFF  }
0xaf: {  	[dreg:$0x0] =	wrdreg $0x60  }
0xb0: {  	[dreg:$0x2] =	wrdreg s2  }
0xb1: {  	[dreg:$0x3] =	wrdreg s19  }
0xb2: {  	[dreg:$0x4] =	wrdreg s4  }
0xb3: {  	[dreg:$0x5] =	wrdreg $0x9  }
0xb4: {  	_ =	task.clear_ibuf [dreg:s9], $0x6FFFF;
	_ =	strace $0x90000046  }
0xb5: {  	s29 =	simm.s32 $0x9;
	_ =	strace $0x80000048  }
0xb6: {  	_ =	swait.ge [sflag:s29], $0x1  }
0xb7: {  	[sflag:s29] =	ssyncadd.s32 $0xFFFFFFFF  }
0xb8: {  	_ =	strace $0x90000048  }
0xb9: {  	_ =	sfence  }
0xba: {  	s30 =	sld [smem:$0x0];
	_ =	sdelay $0x2  }
0xbb: {  	s31 =	sshll.u32 s1, $0xD;
	s1 =	sshrl.u32 s1, $0x2  }
0xbc: {  	s3 =	sand.u32 $0x4000, s31;
	s1 =	sadd.s32 s1, s30  }
0xbd: {  	s0 =	sor.u32 s3, s0;
	s1 =	sshll.u32 s1, $0x11  }
0xbe: {  	s0 =	sor.u32 s1, s0  }
0xbf: {  	s0 =	sadd.s32 $0x8F2B, s0  }
0xc0: {  	[sflag:s0] =	ssyncadd.remote.s32 $0x1  }
0xc1: {  	_ =	sfence.sel $0xFFFF  }
0xc2: {  	[dreg:$0x0] =	wrdreg $0xFFFFFFFF;
	(pc) =	sbr.abs _section_cstart, $3  }
0xc3: {  	[dreg:$0x1] =	wrdreg $0xFFFFFFFF  }
0xc4: {  	_ =	task.clear_ibuf [dreg:s9], $0x2FFFF;
	_ =	strace $0x9FFFFFFF  }
0xc5: {  	(tm) =	ssettm $0x7FFFFFFF  }
tec
execute0_lowered:
.L_overlay_start_1:
0x0: {  	(tag) =	ssettag $0x1  }
0x1: {  	s2 =	srdreg.scid;
	s0 =	stileid.u32  }
0x2: {  	s1 =	rddreg [dreg:$0x0];
	s13 =	simm.s32 $0x7;
	s14 =	simm.s32 $0x400  }
0x3: {  	s15 =	simm.s32 $0xA400;
	s2 =	sand.u32 $0x1, s2;
	s4 =	sshll.u32 s0, $0x1  }
0x4: {  	s16 =	simm.s32 $0x1;
	s17 =	simm.s32 $0x2;
	s5 =	sor.u32 s2, s4  }
0x5: {  	s18 =	simm.s32 $0x3;
	s19 =	simm.s32 $0x14400;
	s6 =	smul.u32 $0x4E, s5  }
0x6: {  	s20 =	simm.s32 $0x0;
	p0 =	slt.u32 s0, $0x2;
	s7 =	smin.u32 s5, $0x4  }
0x7: {  	s4 =	rddreg [dreg:$0x2];
	s2 =	ssub.s32 $0x2, s2;
	s6 =	sadd.s32 s7, s6  }
0x8: {  	s5 =	simm.s32 $0x0;
	s29 =	sshrl.u32 s2, $0x1;
	s8 =	smul.u32 $0xA000, s6  }
.Ltmp0:
0x9: {  	[smem:$0x7FF] =	sst s5;
	s2 =	ssub.s32 s2, s29;
	(pc) =	sbr.rel .LBB2_1-.Ltmp0, $4  }
0xa: {  	_ =	strace $0x80000047;
	s7 =	simm.s32 $0x4F;
	s9 =	smul.u32 $0x1400, s6  }
0xb: {  	s12 =	smax.u32 s2, $0x1;
	s7 =	simm.s32 @!p0 $0x4E;
	s10 =	sshrl.u32 s8, $0x3  }
0xc: {  	s11 =	sadd.s32 $0xFFFFFFFC, s7;
	s30 =	sadd.s32 s1, s9;
	s31 =	sadd.s32 s1, s10  }
0xd: {  	[dreg:$0x4] =	wrdreg s30;
	s10 =	sadd.s32 $0xFFFFFFFD, s7;
	s9 =	sadd.s32 $0x1400, s31  }
.LBB2_21:
0xe: {  	s20 =	sadd.s32 $0x1, s20  }
0xf: {  	p0 =	sne.s32 s20, s12  }
.Ltmp1:
0x10: {  	_ = 	snop;
	(pc) =	sbr.rel @!p0 .LBB2_22-.Ltmp1, $1  }
0x11: {  	_ =	sdelay $0x3  }
.LBB2_1:
0x12: {  	s0 =	rddreg [dreg:$0x1]  }
0x13: {  	[tilespmem:s5], [sflag:$0x7] =	stream.linear.gather [hbm4b:s0+s5], $0x400, $0x38;
	[tilespmem:$0x1E400] =	vst v63  }
0x14: {  	_ =	swait.ge [sflag:s13], $0x400  }
.Ltmp2:
0x15: {  	[sflag:s13] =	ssyncset.done $0x0;
	(pc) =	sbr.rel .LBB2_2-.Ltmp2, $4  }
0x16: {  	s31 =	rddreg [dreg:$0x4];
	[sflag:s13] =	ssyncadd.s32 $0xFFFFFC00  }
0x17: {  	[tilespmem:s14], [sflag:$0x1] =	stream.linear.gather [hbm4b:s31+s5], $0xA000, $0x38;
	[tilespmem:$0x1E400] =	vst v63  }
0x18: {  	s21 =	simm.s32 $0x0  }
0x19: {  	[tilespmem:s15], [sflag:$0x2] =	stream.linear.gather [hbm4b:s9+s5], $0xA000, $0x38;
	[tilespmem:$0x1E400] =	vst v63  }
.LBB2_20:
0x1a: {  	p0 =	sge.u32 s22, s11  }
0x1b: {  	s0 =	simm.s32 @!p1 $0x5;
	s2 =	smul.u32 @!p0 $0xA000, s23  }
0x1c: {  	_ =	swait.ge @!p1 [sflag:s0], $0xA000  }
0x1d: {  	[sflag:s0] =	ssyncset.done @!p1 $0x0;
	s2 =	sshrl.u32 @!p0 s2, $0x3  }
0x1e: {  	s21 =	sadd.s32 $0x1, s21;
	[sflag:s0] =	ssyncadd.s32 @!p1 $0xFFFF6000;
	s0 =	sadd.s32 @!p0 s1, s2  }
0x1f: {  	s3 =	simm.s32 @!p0 $0xA400;
	s2 =	simm.s32 @!p0 $0x0;
	s0 =	sadd.s32 @!p0 $0x2800, s0  }
0x20: {  	[tilespmem:s3], [sflag:$0x2] =	stream.linear.gather @!p0 [hbm4b:s0+s2], $0xA000, $0x38;
	[tilespmem:$0x1E400] =	vst v63  }
0x21: {  	p0 =	sne.s32 s21, $0x1B  }
.Ltmp3:
0x22: {  	_ = 	snop;
	(pc) =	sbr.rel @!p0 .LBB2_21-.Ltmp3, $1  }
0x23: {  	_ =	sdelay $0x3  }
.LBB2_2:
0x24: {  	s22 =	smul.u32 $0x3, s21;
	_ =	sdelay $0x1  }
0x25: {  	p0 =	sge.u32 s22, s7  }
.Ltmp4:
0x26: {  	_ = 	snop;
	(pc) =	sbr.rel @p0 .LBB2_8-.Ltmp4, $2  }
0x27: {  	_ =	sdelay $0x2  }
0x28: {  	s24 =	sadd.s32 s6, s22  }
0x29: {  	_ =	swait.ge [sflag:s16], $0xA000;
	s23 =	simm.s32 $0x0;
	s2 =	simm.s32 $0x0  }
0x2a: {  	[sflag:s16] =	ssyncset.done $0x0;
	s2 =	sand.u32 $0xE000, s2;
	s25 =	sand.u32 $0x380, s23  }
0x2b: {  	[sflag:s16] =	ssyncadd.s32 $0xFFFF6000;
	s28 =	sor.u32 s25, s2  }
0x2c: {  	v0 =	vld [tilespmem:s28+$0x400]  }
0x2d: {  	v1 =	vld [tilespmem:s28+$0x410]  }
0x2e: {  	v2 =	vld [tilespmem:s28+$0x420]  }
0x2f: {  	v3 =	vld [tilespmem:s28+$0x430]  }
0x30: {  	v4 =	vld [tilespmem:s28+$0x450]  }
0x31: {  	v5 =	vld [tilespmem:s28+$0x460]  }
0x32: {  	v6 =	vld [tilespmem:s28+$0x470];
	v0 =	vmul.f32 $6.400000000e+01, v0  }
0x33: {  	v7 =	vld [tilespmem:s28+$0x800];
	v1 =	vmul.f32 $6.400000000e+01, v1  }
0x34: {  	s8 =	simm.s32 $0x80;
	s26 =	simm.s32 $0x400;
	v8 =	vld [tilespmem:s28+$0x810];
	[tilespmem:s28+$0x400] =	vst v0;
	v0 =	vmul.f32 $6.400000000e+01, v2  }
0x35: {  	s25 =	sand.u32 $0xE000, s26;
	s2 =	sand.u32 $0x380, s8;
	v9 =	vld [tilespmem:s28+$0x820];
	[tilespmem:s28+$0x410] =	vst v1;
	v1 =	vmul.f32 $6.400000000e+01, v3  }
0x36: {  	v10 =	vld [tilespmem:s28+$0x830];
	s25 =	sor.u32 s2, s25;
	[tilespmem:s28+$0x420] =	vst v0;
	v0 =	vmul.f32 $6.400000000e+01, v4  }
0x37: {  	v59 =	vld [tilespmem:s25+$0x460];
	[tilespmem:s28+$0x430] =	vst v1;
	v1 =	vmul.f32 $6.400000000e+01, v5  }
0x38: {  	v51 =	vld [tilespmem:s28+$0xC50];
	[tilespmem:s28+$0x450] =	vst v0;
	v0 =	vmul.f32 $6.400000000e+01, v6  }
0x39: {  	v2 =	vld [tilespmem:s28+$0x850];
	[tilespmem:s28+$0x460] =	vst v1;
	v1 =	vmul.f32 $6.400000000e+01, v7  }
0x3a: {  	v60 =	vld [tilespmem:s25+$0x470];
	[tilespmem:s28+$0x470] =	vst v0;
	v0 =	vmul.f32 $6.400000000e+01, v8  }
0x3b: {  	v3 =	vld [tilespmem:s28+$0x860];
	[tilespmem:s28+$0x800] =	vst v1;
	v1 =	vmul.f32 $6.400000000e+01, v9  }
0x3c: {  	v4 =	vld [tilespmem:s28+$0x870];
	v9 =	vmul.f32 $6.400000000e+01, v59;
	[tilespmem:s28+$0x810] =	vst v0  }
0x3d: {  	v5 =	vld [tilespmem:s28+$0xC00];
	v0 =	vmul.f32 $6.400000000e+01, v10;
	[tilespmem:s28+$0x820] =	vst v1  }
0x3e: {  	v6 =	vld [tilespmem:s28+$0xC10];
	v1 =	vmul.f32 $6.400000000e+01, v2;
	[tilespmem:s25+$0x460] =	vst v9  }
0x3f: {  	v7 =	vld [tilespmem:s28+$0xC20];
	v10 =	vmul.f32 $6.400000000e+01, v60;
	[tilespmem:s28+$0x830] =	vst v0  }
0x40: {  	v8 =	vld [tilespmem:s28+$0xC30];
	v0 =	vmul.f32 $6.400000000e+01, v3;
	[tilespmem:s28+$0x850] =	vst v1  }
0x41: {  	v52 =	vld [tilespmem:s28+$0xC60];
	v1 =	vmul.f32 $6.400000000e+01, v4;
	[tilespmem:s25+$0x470] =	vst v10  }
0x42: {  	v53 =	vld [tilespmem:s28+$0x1070];
	[tilespmem:s28+$0x860] =	vst v0;
	v0 =	vmul.f32 $6.400000000e+01, v5  }
0x43: {  	v2 =	vld [tilespmem:s28+$0xC70];
	[tilespmem:s28+$0x870] =	vst v1;
	v1 =	vmul.f32 $6.400000000e+01, v6  }
0x44: {  	v3 =	vld [tilespmem:s28+$0x1000];
	[tilespmem:s28+$0xC00] =	vst v0;
	v0 =	vmul.f32 $6.400000000e+01, v7  }
0x45: {  	v4 =	vld [tilespmem:s28+$0x1010];
	[tilespmem:s28+$0xC10] =	vst v1;
	v1 =	vmul.f32 $6.400000000e+01, v8  }
0x46: {  	v5 =	vld [tilespmem:s28+$0x1020];
	[tilespmem:s28+$0xC20] =	vst v0;
	v0 =	vmul.f32 $6.400000000e+01, v51  }
0x47: {  	v6 =	vld [tilespmem:s28+$0x1030];
	[tilespmem:s28+$0xC30] =	vst v1;
	v1 =	vmul.f32 $6.400000000e+01, v52  }
0x48: {  	v7 =	vld [tilespmem:s28+$0x1050];
	[tilespmem:s28+$0xC50] =	vst v0;
	v0 =	vmul.f32 $6.400000000e+01, v2  }
0x49: {  	v8 =	vld [tilespmem:s28+$0x1060];
	[tilespmem:s28+$0xC60] =	vst v1;
	v1 =	vmul.f32 $6.400000000e+01, v3  }
0x4a: {  	v54 =	vld [tilespmem:s28+$0x1400];
	[tilespmem:s28+$0xC70] =	vst v0;
	v0 =	vmul.f32 $6.400000000e+01, v4  }
0x4b: {  	v55 =	vld [tilespmem:s28+$0x1810];
	[tilespmem:s28+$0x1000] =	vst v1;
	v1 =	vmul.f32 $6.400000000e+01, v5  }
0x4c: {  	v2 =	vld [tilespmem:s28+$0x1410];
	[tilespmem:s28+$0x1010] =	vst v0;
	v0 =	vmul.f32 $6.400000000e+01, v6  }
0x4d: {  	v3 =	vld [tilespmem:s28+$0x1420];
	[tilespmem:s28+$0x1020] =	vst v1;
	v1 =	vmul.f32 $6.400000000e+01, v7  }
0x4e: {  	v4 =	vld [tilespmem:s28+$0x1430];
	[tilespmem:s28+$0x1030] =	vst v0;
	v0 =	vmul.f32 $6.400000000e+01, v8  }
0x4f: {  	v5 =	vld [tilespmem:s28+$0x1450];
	[tilespmem:s28+$0x1050] =	vst v1;
	v1 =	vmul.f32 $6.400000000e+01, v53  }
0x50: {  	v6 =	vld [tilespmem:s28+$0x1460];
	[tilespmem:s28+$0x1060] =	vst v0;
	v0 =	vmul.f32 $6.400000000e+01, v54  }
0x51: {  	v7 =	vld [tilespmem:s28+$0x1470];
	[tilespmem:s28+$0x1070] =	vst v1;
	v1 =	vmul.f32 $6.400000000e+01, v2  }
0x52: {  	v8 =	vld [tilespmem:s28+$0x1800];
	[tilespmem:s28+$0x1400] =	vst v0;
	v0 =	vmul.f32 $6.400000000e+01, v3  }
0x53: {  	v56 =	vld [tilespmem:s28+$0x1820];
	[tilespmem:s28+$0x1410] =	vst v1;
	v1 =	vmul.f32 $6.400000000e+01, v4  }
0x54: {  	v61 =	vld [tilespmem:s28+$0x840];
	[tilespmem:s28+$0x1420] =	vst v0;
	v0 =	vmul.f32 $6.400000000e+01, v5  }
0x55: {  	v5 =	vld [tilespmem:s28+$0x1870];
	[tilespmem:s28+$0x1430] =	vst v1;
	v1 =	vmul.f32 $6.400000000e+01, v6  }
0x56: {  	v2 =	vld [tilespmem:s28+$0x1830];
	[tilespmem:s28+$0x1450] =	vst v0;
	v0 =	vmul.f32 $6.400000000e+01, v7  }
0x57: {  	v3 =	vld [tilespmem:s28+$0x1850];
	[tilespmem:s28+$0x1460] =	vst v1;
	v1 =	vmul.f32 $6.400000000e+01, v8  }
0x58: {  	v6 =	vld [tilespmem:s28+$0x1C00];
	[tilespmem:s28+$0x1470] =	vst v0;
	v0 =	vmul.f32 $6.400000000e+01, v55  }
0x59: {  	v7 =	vld [tilespmem:s28+$0x1C10];
	[tilespmem:s28+$0x1800] =	vst v1;
	v1 =	vmul.f32 $6.400000000e+01, v56  }
0x5a: {  	v8 =	vld [tilespmem:s28+$0x1C20];
	v5 =	vmul.f32 $6.400000000e+01, v5;
	[tilespmem:s28+$0x1810] =	vst v0  }
0x5b: {  	v4 =	vld [tilespmem:s28+$0x1860];
	v0 =	vmul.f32 $6.400000000e+01, v2;
	[tilespmem:s28+$0x1820] =	vst v1  }
0x5c: {  	v57 =	vld [tilespmem:s25+$0x400];
	v1 =	vmul.f32 $6.400000000e+01, v3;
	[tilespmem:s28+$0x1870] =	vst v5  }
0x5d: {  	v58 =	vld [tilespmem:s25+$0x410];
	v5 =	vmul.f32 $6.400000000e+01, v6;
	[tilespmem:s28+$0x1830] =	vst v0  }
0x5e: {  	v2 =	vld [tilespmem:s25+$0x420];
	v7 =	vmul.f32 $6.400000000e+01, v7;
	[tilespmem:s28+$0x1850] =	vst v1  }
0x5f: {  	v3 =	vld [tilespmem:s25+$0x430];
	v8 =	vmul.f32 $6.400000000e+01, v8;
	[tilespmem:s28+$0x1C00] =	vst v5  }
0x60: {  	v0 =	vmul.f32 $6.400000000e+01, v4;
	v4 =	vld [tilespmem:s25+$0x450];
	[tilespmem:s28+$0x1C10] =	vst v7  }
0x61: {  	v1 =	vmul.f32 $6.400000000e+01, v57;
	v7 =	vld [tilespmem:s25+$0x820];
	[tilespmem:s28+$0x1C20] =	vst v8  }
0x62: {  	v8 =	vld [tilespmem:s25+$0x830];
	[tilespmem:s28+$0x1860] =	vst v0;
	v0 =	vmul.f32 $6.400000000e+01, v58  }
0x63: {  	[tilespmem:s25+$0x400] =	vst v1;
	v1 =	vld [tilespmem:s28+$0x1C30];
	v2 =	vmul.f32 $6.400000000e+01, v2  }
0x64: {  	v3 =	vmul.f32 $6.400000000e+01, v3;
	[tilespmem:s25+$0x410] =	vst v0;
	v0 =	vld [tilespmem:s28+$0x1C50]  }
0x65: {  	[tilespmem:s25+$0x420] =	vst v2;
	v2 =	vld [tilespmem:s28+$0x1C60];
	v4 =	vmul.f32 $6.400000000e+01, v4  }
0x66: {  	[tilespmem:s25+$0x430] =	vst v3;
	v3 =	vld [tilespmem:s28+$0x1C70];
	v7 =	vmul.f32 $6.400000000e+01, v7  }
0x67: {  	v6 =	vld [tilespmem:s25+$0x800];
	v8 =	vmul.f32 $6.400000000e+01, v8;
	[tilespmem:s25+$0x450] =	vst v4  }
0x68: {  	v5 =	vld [tilespmem:s25+$0x810];
	v1 =	vmul.f32 $6.400000000e+01, v1;
	[tilespmem:s25+$0x820] =	vst v7  }
0x69: {  	v4 =	vld [tilespmem:s28+$0x440];
	[tilespmem:s25+$0x830] =	vst v8;
	v0 =	vmul.f32 $6.400000000e+01, v0  }
0x6a: {  	[tilespmem:s28+$0x1C30] =	vst v1;
	v1 =	vld [tilespmem:s25+$0x850];
	v2 =	vmul.f32 $6.400000000e+01, v2  }
0x6b: {  	v62 =	vld [tilespmem:s28+$0xC40];
	v3 =	vmul.f32 $6.400000000e+01, v3;
	[tilespmem:s28+$0x1C50] =	vst v0  }
0x6c: {  	v0 =	vmul.f32 $6.400000000e+01, v6;
	v6 =	vld [tilespmem:s25+$0x860];
	[tilespmem:s28+$0x1C60] =	vst v2  }
0x6d: {  	v7 =	vld [tilespmem:s28+$0x1840];
	v2 =	vmul.f32 $6.400000000e+01, v5;
	[tilespmem:s28+$0x1C70] =	vst v3  }
0x6e: {  	s0 =	sand.u32 $0x7, s23;
	v5 =	vld [tilespmem:s25+$0x870];
	v4 =	vmul.f32 $6.400000000e+01, v4;
	[tilespmem:s25+$0x800] =	vst v0  }
0x6f: {  	s2 =	sshll.u32 s0, $0x7;
	v0 =	vld [tilespmem:s28+$0x1040];
	[tilespmem:s25+$0x810] =	vst v2;
	v1 =	vmul.f32 $6.400000000e+01, v1  }
0x70: {  	s26 =	sadd.s32 $0x0, s2;
	v9 =	vmul.f32 $6.400000000e+01, v61;
	v2 =	vld [tilespmem:s28+$0x1440];
	[tilespmem:s28+$0x440] =	vst v4  }
0x71: {  	s2 =	sor.u32 $0x1C00, s26;
	v4 =	vld [tilespmem:s25+$0xC10];
	[tilespmem:s25+$0x850] =	vst v1;
	v1 =	vmul.f32 $6.400000000e+01, v6  }
0x72: {  	v10 =	vmul.f32 $6.400000000e+01, v62;
	v8 =	vld [tilespmem:s2+$0x400];
	[tilespmem:s28+$0x840] =	vst v9  }
0x73: {  	v5 =	vmul.f32 $6.400000000e+01, v5;
	[tilespmem:s25+$0x860] =	vst v1;
	v1 =	vld [tilespmem:s28+$0x1C40]  }
0x74: {  	[tilespmem:s28+$0xC40] =	vst v10;
	v0 =	vmul.f32 $6.400000000e+01, v0  }
0x75: {  	v2 =	vmul.f32 $6.400000000e+01, v2;
	[tilespmem:s25+$0x870] =	vst v5  }
0x76: {  	v5 =	vmul.f32 $6.400000000e+01, v7;
	[tilespmem:s28+$0x1040] =	vst v0  }
0x77: {  	v4 =	vmul.f32 $6.400000000e+01, v4;
	[tilespmem:s28+$0x1440] =	vst v2  }
0x78: {  	[tilespmem:s28+$0x1840] =	vst v5;
	v1 =	vmul.f32 $6.400000000e+01, v1  }
0x79: {  	v3 =	vld [tilespmem:s25+$0xC00];
	[tilespmem:s25+$0xC10] =	vst v4;
	v4 =	vmul.f32 $6.400000000e+01, v8  }
0x7a: {  	[tilespmem:s28+$0x1C40] =	vst v1  }
0x7b: {  	s3 =	sor.u32 $0x1C10, s26;
	v0 =	vld [tilespmem:s25+$0xC50];
	[tilespmem:s2+$0x400] =	vst v4  }
0x7c: {  	v4 =	vld [tilespmem:s3+$0x400]  }
0x7d: {  	v1 =	vld [tilespmem:s25+$0x1000]  }
0x7e: {  	v2 =	vmul.f32 $6.400000000e+01, v3;
	v3 =	vld [tilespmem:s25+$0xC60];
	_ =	sdelay $0x1  }
0x7f: {  	v0 =	vmul.f32 $6.400000000e+01, v0  }
0x80: {  	v4 =	vmul.f32 $6.400000000e+01, v4  }
0x81: {  	[tilespmem:s25+$0xC50] =	vst v0;
	v0 =	vld [tilespmem:s25+$0x1030];
	v1 =	vmul.f32 $6.400000000e+01, v1  }
0x82: {  	v63 =	vld [tilespmem:s25+$0xC20];
	s8 =	sor.u32 $0x1C20, s26;
	v3 =	vmul.f32 $6.400000000e+01, v3;
	[tilespmem:s3+$0x400] =	vst v4  }
0x83: {  	[tilespmem:s25+$0x1000] =	vst v1;
	v1 =	vld [tilespmem:s8+$0x400]  }
0x84: {  	[tilespmem:s25+$0xC60] =	vst v3;
	v3 =	vld [tilespmem:s25+$0x1050];
	_ =	sdelay $0x1  }
0x85: {  	v0 =	vmul.f32 $6.400000000e+01, v0  }
0x86: {  	[tilespmem:s25+$0xC00] =	vst v2;
	v2 =	vmul.f32 $6.400000000e+01, v63  }
0x87: {  	v6 =	vld [tilespmem:s25+$0xC30];
	[tilespmem:s25+$0x1030] =	vst v0;
	v0 =	vmul.f32 $6.400000000e+01, v1  }
0x88: {  	v5 =	vld [tilespmem:s25+$0xC70];
	[tilespmem:s25+$0xC20] =	vst v2;
	v3 =	vmul.f32 $6.400000000e+01, v3  }
0x89: {  	s0 =	sor.u32 $0x1C30, s26;
	v2 =	vld [tilespmem:s25+$0x1010];
	[tilespmem:s8+$0x400] =	vst v0  }
0x8a: {  	[tilespmem:s25+$0x1050] =	vst v3;
	v3 =	vld [tilespmem:s0+$0x400];
	_ =	sdelay $0x1  }
0x8b: {  	v6 =	vmul.f32 $6.400000000e+01, v6;
	v4 =	vld [tilespmem:s25+$0x1070]  }
0x8c: {  	v5 =	vmul.f32 $6.400000000e+01, v5  }
0x8d: {  	[tilespmem:s25+$0xC30] =	vst v6;
	v2 =	vmul.f32 $6.400000000e+01, v2  }
0x8e: {  	v6 =	vld [tilespmem:s25+$0x1020];
	[tilespmem:s25+$0xC70] =	vst v5;
	v3 =	vmul.f32 $6.400000000e+01, v3  }
0x8f: {  	v5 =	vld [tilespmem:s25+$0x1060];
	[tilespmem:s25+$0x1010] =	vst v2  }
0x90: {  	v2 =	vld [tilespmem:s25+$0x1400];
	s3 =	sor.u32 $0x1C40, s26;
	v4 =	vmul.f32 $6.400000000e+01, v4;
	[tilespmem:s0+$0x400] =	vst v3  }
0x91: {  	v3 =	vld [tilespmem:s3+$0x400]  }
0x92: {  	[tilespmem:s25+$0x1070] =	vst v4;
	v4 =	vld [tilespmem:s25+$0x1460]  }
0x93: {  	v6 =	vmul.f32 $6.400000000e+01, v6;
	v0 =	vld [tilespmem:s25+$0x1430]  }
0x94: {  	v5 =	vmul.f32 $6.400000000e+01, v5;
	v1 =	vld [tilespmem:s25+$0x1420]  }
0x95: {  	[tilespmem:s25+$0x1020] =	vst v6;
	v6 =	vld [tilespmem:s25+$0x1410];
	v2 =	vmul.f32 $6.400000000e+01, v2  }
0x96: {  	[tilespmem:s25+$0x1060] =	vst v5;
	v5 =	vld [tilespmem:s25+$0x1450];
	v3 =	vmul.f32 $6.400000000e+01, v3  }
0x97: {  	[tilespmem:s25+$0x1400] =	vst v2;
	v2 =	vld [tilespmem:s25+$0x1800];
	v4 =	vmul.f32 $6.400000000e+01, v4  }
0x98: {  	v7 =	vld [tilespmem:s25+$0x1470];
	s8 =	sor.u32 $0x1C50, s26;
	v0 =	vmul.f32 $6.400000000e+01, v0;
	[tilespmem:s3+$0x400] =	vst v3  }
0x99: {  	v1 =	vmul.f32 $6.400000000e+01, v1;
	[tilespmem:s25+$0x1460] =	vst v4;
	v4 =	vld [tilespmem:s8+$0x400]  }
0x9a: {  	v6 =	vmul.f32 $6.400000000e+01, v6;
	[tilespmem:s25+$0x1430] =	vst v0;
	v0 =	vld [tilespmem:s25+$0x1820]  }
0x9b: {  	v5 =	vmul.f32 $6.400000000e+01, v5;
	[tilespmem:s25+$0x1420] =	vst v1;
	v1 =	vld [tilespmem:s25+$0x1810]  }
0x9c: {  	[tilespmem:s25+$0x1410] =	vst v6;
	v2 =	vmul.f32 $6.400000000e+01, v2  }
0x9d: {  	v6 =	vmul.f32 $6.400000000e+01, v7;
	[tilespmem:s25+$0x1450] =	vst v5;
	v5 =	vld [tilespmem:s25+$0x1830]  }
0x9e: {  	[tilespmem:s25+$0x1800] =	vst v2;
	v3 =	vld [tilespmem:s25+$0x1850];
	v2 =	vmul.f32 $6.400000000e+01, v4  }
0x9f: {  	[tilespmem:s25+$0x1470] =	vst v6;
	v6 =	vld [tilespmem:s25+$0x1860];
	v0 =	vmul.f32 $6.400000000e+01, v0  }
0xa0: {  	s31 =	sor.u32 $0x1C60, s26;
	v7 =	vld [tilespmem:s25+$0x1870];
	v1 =	vmul.f32 $6.400000000e+01, v1;
	[tilespmem:s8+$0x400] =	vst v2  }
0xa1: {  	[tilespmem:s25+$0x1820] =	vst v0;
	v0 =	vld [tilespmem:s31+$0x400]  }
0xa2: {  	[tilespmem:s25+$0x1810] =	vst v1;
	v1 =	vld [tilespmem:s25+$0x1C00];
	v4 =	vmul.f32 $6.400000000e+01, v5  }
0xa3: {  	v5 =	vld [tilespmem:s25+$0x1C10];
	v2 =	vmul.f32 $6.400000000e+01, v3  }
0xa4: {  	[tilespmem:s25+$0x1830] =	vst v4;
	v4 =	vld [tilespmem:s25+$0x1C20];
	v3 =	vmul.f32 $6.400000000e+01, v6  }
0xa5: {  	v6 =	vmul.f32 $6.400000000e+01, v7;
	[tilespmem:s25+$0x1850] =	vst v2;
	v2 =	vld [tilespmem:s25+$0x1C30]  }
0xa6: {  	s29 =	simm.s32 $0xFFFF6400;
	s30 =	simm.s32 $0x100;
	s28 =	simm.s32 $0x0;
	[tilespmem:s25+$0x1860] =	vst v3;
	v3 =	vld [tilespmem:s25+$0x1C50];
	v0 =	vmul.f32 $6.400000000e+01, v0  }
.LBB2_4:
0xa7: {  	p1 =	seq.s32 s30, $0x1380;
	[tilespmem:s25+$0x1870] =	vst v6;
	v1 =	vmul.f32 $6.400000000e+01, v1;
	v6 =	vld [tilespmem:s25+$0x1C60]  }
0xa8: {  	s2 =	sor.u32 $0x1C70, s26;
	v5 =	vmul.f32 $6.400000000e+01, v5;
	v7 =	vld [tilespmem:s25+$0x1C70];
	[tilespmem:s31+$0x400] =	vst v0  }
0xa9: {  	[tilespmem:s25+$0x1C00] =	vst v1;
	v0 =	vmul.f32 $6.400000000e+01, v4;
	v1 =	vld [tilespmem:s2+$0x400]  }
0xaa: {  	v4 =	vld [tilespmem:s25+$0x440];
	[tilespmem:s25+$0x1C10] =	vst v5;
	v2 =	vmul.f32 $6.400000000e+01, v2  }
0xab: {  	v5 =	vld [tilespmem:s25+$0x840];
	[tilespmem:s25+$0x1C20] =	vst v0;
	v0 =	vmul.f32 $6.400000000e+01, v3  }
0xac: {  	s23 =	sadd.s32 $0x1, s23;
	v3 =	vld [tilespmem:s25+$0xC40];
	[tilespmem:s25+$0x1C30] =	vst v2;
	v2 =	vmul.f32 $6.400000000e+01, v6  }
0xad: {  	s26 =	sand.u32 $0x7, s23;
	v6 =	vld [tilespmem:s25+$0x1040];
	[tilespmem:s25+$0x1C50] =	vst v0;
	v0 =	vmul.f32 $6.400000000e+01, v7  }
0xae: {  	s29 =	sadd.s32 $0x400, s29;
	s28 =	sadd.s32 $0x400, s28;
	s26 =	sshll.u32 s26, $0x7;
	v7 =	vld [tilespmem:s25+$0x1440];
	[tilespmem:s25+$0x1C60] =	vst v2;
	v1 =	vmul.f32 $6.400000000e+01, v1  }
0xaf: {  	s31 =	sadd.s32 $0xA000, s29;
	s26 =	sadd.s32 s26, s28;
	v2 =	vmul.f32 $6.400000000e+01, v4;
	v4 =	vld [tilespmem:s25+$0x1840];
	[tilespmem:s25+$0x1C70] =	vst v0  }
0xb0: {  	s0 =	sand.u32 $0x380, s30;
	s31 =	sand.u32 $0xE000, s31;
	s3 =	sor.u32 $0x1C00, s26;
	v0 =	vmul.f32 $6.400000000e+01, v5;
	v5 =	vld [tilespmem:s25+$0x1C40];
	[tilespmem:s2+$0x400] =	vst v1  }
0xb1: {  	s0 =	sor.u32 s0, s31;
	[tilespmem:s25+$0x440] =	vst v2;
	v1 =	vmul.f32 $6.400000000e+01, v3;
	v2 =	vld [tilespmem:s3+$0x400]  }
0xb2: {  	v3 =	vld [tilespmem:s0+$0x400];
	[tilespmem:s25+$0x840] =	vst v0;
	v0 =	vmul.f32 $6.400000000e+01, v6  }
0xb3: {  	v6 =	vld [tilespmem:s0+$0x410];
	[tilespmem:s25+$0xC40] =	vst v1;
	v1 =	vmul.f32 $6.400000000e+01, v7  }
0xb4: {  	v7 =	vld [tilespmem:s0+$0x420];
	[tilespmem:s25+$0x1040] =	vst v0;
	v0 =	vmul.f32 $6.400000000e+01, v4  }
0xb5: {  	v4 =	vld [tilespmem:s0+$0x430];
	[tilespmem:s25+$0x1440] =	vst v1;
	v1 =	vmul.f32 $6.400000000e+01, v5  }
0xb6: {  	v5 =	vld [tilespmem:s0+$0x450];
	[tilespmem:s25+$0x1840] =	vst v0;
	v0 =	vmul.f32 $6.400000000e+01, v2  }
0xb7: {  	v2 =	vmul.f32 $6.400000000e+01, v3;
	v3 =	vld [tilespmem:s0+$0x460];
	[tilespmem:s25+$0x1C40] =	vst v1;
	s25 =	smov.u32 s0  }
0xb8: {  	s0 =	sor.u32 $0x1C10, s26;
	v1 =	vmul.f32 $6.400000000e+01, v6;
	v6 =	vld [tilespmem:s25+$0x470];
	[tilespmem:s3+$0x400] =	vst v0  }
0xb9: {  	[tilespmem:s25+$0x400] =	vst v2;
	v0 =	vmul.f32 $6.400000000e+01, v7;
	v2 =	vld [tilespmem:s0+$0x400]  }
0xba: {  	[tilespmem:s25+$0x410] =	vst v1;
	v1 =	vmul.f32 $6.400000000e+01, v4;
	v4 =	vld [tilespmem:s25+$0x800]  }
0xbb: {  	[tilespmem:s25+$0x420] =	vst v0;
	v0 =	vmul.f32 $6.400000000e+01, v5;
	v5 =	vld [tilespmem:s25+$0x810]  }
0xbc: {  	[tilespmem:s25+$0x430] =	vst v1;
	v1 =	vmul.f32 $6.400000000e+01, v3;
	v3 =	vld [tilespmem:s25+$0x820]  }
0xbd: {  	[tilespmem:s25+$0x450] =	vst v0;
	v0 =	vmul.f32 $6.400000000e+01, v6;
	v6 =	vld [tilespmem:s25+$0x830]  }
0xbe: {  	[tilespmem:s25+$0x460] =	vst v1;
	v1 =	vld [tilespmem:s25+$0x850];
	v2 =	vmul.f32 $6.400000000e+01, v2  }
0xbf: {  	[tilespmem:s25+$0x470] =	vst v0;
	v0 =	vmul.f32 $6.400000000e+01, v4;
	v4 =	vld [tilespmem:s25+$0x860]  }
0xc0: {  	v5 =	vmul.f32 $6.400000000e+01, v5;
	v7 =	vld [tilespmem:s25+$0x870];
	[tilespmem:s0+$0x400] =	vst v2;
	s0 =	sor.u32 $0x1C20, s26  }
0xc1: {  	[tilespmem:s25+$0x800] =	vst v0;
	v0 =	vmul.f32 $6.400000000e+01, v3;
	v2 =	vld [tilespmem:s0+$0x400]  }
0xc2: {  	[tilespmem:s25+$0x810] =	vst v5;
	v3 =	vmul.f32 $6.400000000e+01, v6;
	v5 =	vld [tilespmem:s25+$0xC00]  }
0xc3: {  	[tilespmem:s25+$0x820] =	vst v0;
	v0 =	vmul.f32 $6.400000000e+01, v1;
	v1 =	vld [tilespmem:s25+$0xC10]  }
0xc4: {  	[tilespmem:s25+$0x830] =	vst v3;
	v3 =	vmul.f32 $6.400000000e+01, v4;
	v4 =	vld [tilespmem:s25+$0xC20]  }
0xc5: {  	[tilespmem:s25+$0x850] =	vst v0;
	v0 =	vmul.f32 $6.400000000e+01, v7;
	v6 =	vld [tilespmem:s25+$0xC30]  }
0xc6: {  	[tilespmem:s25+$0x860] =	vst v3;
	v3 =	vld [tilespmem:s25+$0xC50];
	v2 =	vmul.f32 $6.400000000e+01, v2  }
0xc7: {  	[tilespmem:s25+$0x870] =	vst v0;
	v0 =	vmul.f32 $6.400000000e+01, v5;
	v5 =	vld [tilespmem:s25+$0xC60]  }
0xc8: {  	v1 =	vmul.f32 $6.400000000e+01, v1;
	v7 =	vld [tilespmem:s25+$0xC70];
	[tilespmem:s0+$0x400] =	vst v2;
	s0 =	sor.u32 $0x1C30, s26  }
0xc9: {  	[tilespmem:s25+$0xC00] =	vst v0;
	v0 =	vmul.f32 $6.400000000e+01, v4;
	v2 =	vld [tilespmem:s0+$0x400]  }
0xca: {  	[tilespmem:s25+$0xC10] =	vst v1;
	v1 =	vmul.f32 $6.400000000e+01, v6;
	v4 =	vld [tilespmem:s25+$0x1000]  }
0xcb: {  	[tilespmem:s25+$0xC20] =	vst v0;
	v0 =	vmul.f32 $6.400000000e+01, v3;
	v3 =	vld [tilespmem:s25+$0x1010]  }
0xcc: {  	[tilespmem:s25+$0xC30] =	vst v1;
	v1 =	vmul.f32 $6.400000000e+01, v5;
	v5 =	vld [tilespmem:s25+$0x1020]  }
0xcd: {  	[tilespmem:s25+$0xC50] =	vst v0;
	v0 =	vmul.f32 $6.400000000e+01, v7;
	v6 =	vld [tilespmem:s25+$0x1030]  }
0xce: {  	[tilespmem:s25+$0xC60] =	vst v1;
	v1 =	vld [tilespmem:s25+$0x1050];
	v2 =	vmul.f32 $6.400000000e+01, v2  }
0xcf: {  	[tilespmem:s25+$0xC70] =	vst v0;
	v0 =	vmul.f32 $6.400000000e+01, v4;
	v4 =	vld [tilespmem:s25+$0x1060]  }
0xd0: {  	v3 =	vmul.f32 $6.400000000e+01, v3;
	v7 =	vld [tilespmem:s25+$0x1070];
	[tilespmem:s0+$0x400] =	vst v2;
	s0 =	sor.u32 $0x1C40, s26  }
0xd1: {  	[tilespmem:s25+$0x1000] =	vst v0;
	v0 =	vmul.f32 $6.400000000e+01, v5;
	v2 =	vld [tilespmem:s0+$0x400]  }
0xd2: {  	[tilespmem:s25+$0x1010] =	vst v3;
	v3 =	vmul.f32 $6.400000000e+01, v6;
	v5 =	vld [tilespmem:s25+$0x1400]  }
0xd3: {  	[tilespmem:s25+$0x1020] =	vst v0;
	v0 =	vmul.f32 $6.400000000e+01, v1;
	v1 =	vld [tilespmem:s25+$0x1410]  }
0xd4: {  	[tilespmem:s25+$0x1030] =	vst v3;
	v3 =	vmul.f32 $6.400000000e+01, v4;
	v4 =	vld [tilespmem:s25+$0x1420]  }
0xd5: {  	[tilespmem:s25+$0x1050] =	vst v0;
	v0 =	vmul.f32 $6.400000000e+01, v7;
	v6 =	vld [tilespmem:s25+$0x1430]  }
0xd6: {  	[tilespmem:s25+$0x1060] =	vst v3;
	v3 =	vld [tilespmem:s25+$0x1450];
	v2 =	vmul.f32 $6.400000000e+01, v2  }
0xd7: {  	[tilespmem:s25+$0x1070] =	vst v0;
	v0 =	vmul.f32 $6.400000000e+01, v5;
	v5 =	vld [tilespmem:s25+$0x1460]  }
0xd8: {  	v1 =	vmul.f32 $6.400000000e+01, v1;
	v7 =	vld [tilespmem:s25+$0x1470];
	[tilespmem:s0+$0x400] =	vst v2;
	s0 =	sor.u32 $0x1C50, s26  }
0xd9: {  	[tilespmem:s25+$0x1400] =	vst v0;
	v0 =	vmul.f32 $6.400000000e+01, v4;
	v2 =	vld [tilespmem:s0+$0x400]  }
0xda: {  	[tilespmem:s25+$0x1410] =	vst v1;
	v1 =	vmul.f32 $6.400000000e+01, v6;
	v4 =	vld [tilespmem:s25+$0x1800]  }
0xdb: {  	[tilespmem:s25+$0x1420] =	vst v0;
	v0 =	vmul.f32 $6.400000000e+01, v3;
	v3 =	vld [tilespmem:s25+$0x1810]  }
0xdc: {  	[tilespmem:s25+$0x1430] =	vst v1;
	v1 =	vmul.f32 $6.400000000e+01, v5;
	v5 =	vld [tilespmem:s25+$0x1820]  }
0xdd: {  	[tilespmem:s25+$0x1450] =	vst v0;
	v0 =	vmul.f32 $6.400000000e+01, v7;
	v6 =	vld [tilespmem:s25+$0x1830]  }
0xde: {  	[tilespmem:s25+$0x1460] =	vst v1;
	v7 =	vld [tilespmem:s25+$0x1850];
	v1 =	vmul.f32 $6.400000000e+01, v2  }
0xdf: {  	[tilespmem:s25+$0x1470] =	vst v0;
	v0 =	vmul.f32 $6.400000000e+01, v4;
	v2 =	vld [tilespmem:s25+$0x1860]  }
0xe0: {  	s31 =	sor.u32 $0x1C60, s26;
	v3 =	vmul.f32 $6.400000000e+01, v3;
	v8 =	vld [tilespmem:s25+$0x1870];
	[tilespmem:s0+$0x400] =	vst v1  }
0xe1: {  	[tilespmem:s25+$0x1800] =	vst v0;
	v0 =	vmul.f32 $6.400000000e+01, v5;
	v9 =	vld [tilespmem:s31+$0x400]  }
.Ltmp5:
0xe2: {  	[tilespmem:s25+$0x1810] =	vst v3;
	v3 =	vmul.f32 $6.400000000e+01, v6;
	v1 =	vld [tilespmem:s25+$0x1C00];
	(pc) =	sbr.rel @!p1 .LBB2_4-.Ltmp5, $4  }
0xe3: {  	[tilespmem:s25+$0x1820] =	vst v0;
	v0 =	vmul.f32 $6.400000000e+01, v7;
	v5 =	vld [tilespmem:s25+$0x1C10]  }
0xe4: {  	[tilespmem:s25+$0x1830] =	vst v3;
	v3 =	vmul.f32 $6.400000000e+01, v2;
	v4 =	vld [tilespmem:s25+$0x1C20]  }
0xe5: {  	[tilespmem:s25+$0x1850] =	vst v0;
	v6 =	vmul.f32 $6.400000000e+01, v8;
	v2 =	vld [tilespmem:s25+$0x1C30]  }
0xe6: {  	s30 =	sadd.s32 $0x80, s30;
	[tilespmem:s25+$0x1860] =	vst v3;
	v3 =	vld [tilespmem:s25+$0x1C50];
	v0 =	vmul.f32 $6.400000000e+01, v9  }
0xe7: {  	v1 =	vmul.f32 $6.400000000e+01, v1;
	v58 =	vld [tilespmem:s25+$0x1C60]  }
0xe8: {  	[tilespmem:s25+$0x1870] =	vst v6;
	v7 =	vld [tilespmem:s25+$0x1C70];
	v5 =	vmul.f32 $6.400000000e+01, v5  }
0xe9: {  	[tilespmem:s25+$0x1C00] =	vst v1;
	v1 =	vld [tilespmem:s25+$0x440];
	v4 =	vmul.f32 $6.400000000e+01, v4  }
0xea: {  	[tilespmem:s25+$0x1C10] =	vst v5;
	v2 =	vmul.f32 $6.400000000e+01, v2  }
0xeb: {  	v59 =	vld [tilespmem:s25+$0x840];
	[tilespmem:s25+$0x1C20] =	vst v4;
	v3 =	vmul.f32 $6.400000000e+01, v3  }
0xec: {  	v60 =	vld [tilespmem:s25+$0xC40];
	s0 =	sadd.s32 $0x1, s23;
	[tilespmem:s25+$0x1C30] =	vst v2;
	v6 =	vmul.f32 $6.400000000e+01, v58  }
0xed: {  	s0 =	sand.u32 $0x7, s0;
	v2 =	vld [tilespmem:s25+$0x1040];
	v7 =	vmul.f32 $6.400000000e+01, v7;
	[tilespmem:s25+$0x1C50] =	vst v3  }
0xee: {  	s2 =	sadd.s32 $0x400, s28;
	s0 =	sshll.u32 s0, $0x7;
	v3 =	vld [tilespmem:s25+$0x1440];
	[tilespmem:s25+$0x1C60] =	vst v6;
	v1 =	vmul.f32 $6.400000000e+01, v1  }
0xef: {  	v61 =	vld [tilespmem:s25+$0x1840];
	s0 =	sadd.s32 s0, s2;
	[tilespmem:s25+$0x1C70] =	vst v7  }
0xf0: {  	v62 =	vld [tilespmem:s25+$0x1C40];
	s2 =	sor.u32 $0x1C00, s0;
	v5 =	vmul.f32 $6.400000000e+01, v59;
	[tilespmem:s25+$0x440] =	vst v1  }
0xf1: {  	v1 =	vmul.f32 $6.400000000e+01, v60;
	v63 =	vld [tilespmem:s2+$0x400]  }
0xf2: {  	[tilespmem:s25+$0x840] =	vst v5;
	v2 =	vmul.f32 $6.400000000e+01, v2  }
0xf3: {  	[tilespmem:s25+$0xC40] =	vst v1;
	v1 =	vmul.f32 $6.400000000e+01, v3  }
0xf4: {  	[tilespmem:s25+$0x1040] =	vst v2;
	v2 =	vmul.f32 $6.400000000e+01, v61  }
0xf5: {  	[tilespmem:s25+$0x1440] =	vst v1;
	v1 =	vmul.f32 $6.400000000e+01, v62  }
0xf6: {  	[tilespmem:s25+$0x1840] =	vst v2;
	v2 =	vmul.f32 $6.400000000e+01, v63  }
0xf7: {  	[tilespmem:s25+$0x1C40] =	vst v1  }
0xf8: {  	s3 =	sor.u32 $0x1C10, s0;
	[tilespmem:s2+$0x400] =	vst v2  }
0xf9: {  	v1 =	vld [tilespmem:s3+$0x400];
	_ =	sdelay $0x4  }
0xfa: {  	v1 =	vmul.f32 $6.400000000e+01, v1;
	_ =	sdelay $0x1  }
0xfb: {  	s8 =	sor.u32 $0x1C20, s0;
	[tilespmem:s3+$0x400] =	vst v1  }
0xfc: {  	v1 =	vld [tilespmem:s8+$0x400];
	_ =	sdelay $0x4  }
0xfd: {  	v1 =	vmul.f32 $6.400000000e+01, v1;
	_ =	sdelay $0x1  }
0xfe: {  	s23 =	sor.u32 $0x1C30, s0;
	[tilespmem:s8+$0x400] =	vst v1  }
0xff: {  	v1 =	vld [tilespmem:s23+$0x400];
	_ =	sdelay $0x4  }
0x100: {  	v1 =	vmul.f32 $6.400000000e+01, v1;
	_ =	sdelay $0x1  }
0x101: {  	s25 =	sor.u32 $0x1C40, s0;
	[tilespmem:s23+$0x400] =	vst v1  }
0x102: {  	v1 =	vld [tilespmem:s25+$0x400];
	_ =	sdelay $0x4  }
0x103: {  	v1 =	vmul.f32 $6.400000000e+01, v1;
	_ =	sdelay $0x1  }
0x104: {  	s28 =	sor.u32 $0x1C50, s0;
	[tilespmem:s25+$0x400] =	vst v1  }
0x105: {  	v1 =	vld [tilespmem:s28+$0x400];
	_ =	sdelay $0x4  }
0x106: {  	v1 =	vmul.f32 $6.400000000e+01, v1;
	_ =	sdelay $0x1  }
0x107: {  	s29 =	sor.u32 $0x1C60, s0;
	[tilespmem:s28+$0x400] =	vst v1  }
0x108: {  	v1 =	vld [tilespmem:s29+$0x400];
	_ =	sdelay $0x4  }
0x109: {  	v1 =	vmul.f32 $6.400000000e+01, v1  }
0x10a: {  	[tilespmem:s31+$0x400] =	vst v0;
	s3 =	sor.u32 $0x1C70, s26  }
0x10b: {  	s0 =	sor.u32 $0x1C70, s0;
	v0 =	vld [tilespmem:s3+$0x400];
	[tilespmem:s29+$0x400] =	vst v1  }
0x10c: {  	v1 =	vld [tilespmem:s0+$0x400];
	_ =	sdelay $0x3  }
0x10d: {  	v0 =	vmul.f32 $6.400000000e+01, v0  }
0x10e: {  	v1 =	vmul.f32 $6.400000000e+01, v1  }
0x10f: {  	[tilespmem:s3+$0x400] =	vst v0  }
0x110: {  	s23 =	simm.s32 $0x0;
	[tilespmem:s0+$0x400] =	vst v1  }
0x111: {  	v1 =	vld [tilespmem:s23+$0x0];
	_ =	sdelay $0x1  }
0x112: {  	s30 =	smul.u32 $0xFFFFFFD8, s24;
	_ =	sdelay $0x1  }
0x113: {  	v0 =	vmov s30  }
0x114: {  	v1 =	vadd.s32 v0, v1  }
0x115: {  	vm0 =	vlt.u32 v1, $0x28  }
0x116: {  	v2 =	vmpcnt.ones.xlane vm0;
	_ =	sdelay $0x1  }
0x117: {  	v2 =	vxor.u32 $0x80000000, v2  }
0x118: {  	(xrf0) =	vmax.scan.msk.u32 $0xffff, v2;
	_ =	sdelay $0x5  }
0x119: {  	v2, _, _ =	vpop (xrf0)  }
0x11a: {  	(v2sf) =	vpush v2, $0xF;
	_ =	sdelay $0xe  }
0x11b: {  	s31 =	spop (v2sf)  }
0x11c: {  	p1 =	slt.u32 s31, $0x80000001  }
0x11d: {  	vm0 =	vgt.s32 @!p1 v1, $0x0  }
0x11e: {  	v2 =	vmov @!p1 s23;
	v3 =	vlaneseq.u32 @!p1;
	v4 =	vnsel @!p1 vm0, $0x0, v1  }
0x11f: {  	v3 =	vor.u32 @!p1 s23, v3;
	v2 =	vshll.u32 @!p1 v2, $0x3;
	v4 =	vmin.u32 @!p1 v4, $0x27  }
0x120: {  	v3 =	vand.u32 @!p1 $0x7F, v3;
	v2 =	vand.u32 @!p1 $0x1C00, v2;
	v5 =	vshll.u32 @!p1 v4, $0xA  }
0x121: {  	v4 =	vshll.u32 @!p1 v4, $0x7;
	v2 =	vor.u32 @!p1 v2, v3;
	v3 =	vand.u32 @!p1 $0xE000, v5  }
0x122: {  	vm0 =	vlt.u32 @!p1 v1, $0x28;
	v4 =	vand.u32 @!p1 $0x380, v4;
	v1 =	vor.u32 @!p1 v3, v2  }
0x123: {  	v1 =	vor.u32 @!p1 v4, v1;
	_ =	sdelay $0x3  }
0x124: {  	s26 =	simm.s32 @!p1 $0x400  }
0x125: {  	v2 =	vld.idx.msk @!p1 [tilespmem:v1+s26+$0x0], vm0;
	_ =	sdelay $0x4  }
0x126: {  	v2 =	vmul.f32 @!p1 $1.562500000e-02, v2;
	_ =	sdelay $0x1  }
0x127: {  	v3 =	vmul.f32 @!p1 v2, v2;
	_ =	sdelay $0x1  }
0x128: {  	v3 =	vsub.f32 @!p1 $1.000000000e+00, v3;
	_ =	sdelay $0x1  }
0x129: {  	v3 =	vmax.f32 @!p1 v3, $9.999999960e-13  }
0x12a: {  	v4 =	vshra.s32 @!p1 v3, $0x1  }
0x12b: {  	v4 =	vadd.s32 @!p1 $0x1FBD1DF5, v4  }
0x12c: {  	(erf) = vrcp.f32 @!p1 v4;
	_ =	sdelay $0x8  }
0x12d: {  	v5 =	vpop @!p1 (erf)  }
0x12e: {  	v5 =	vmul.f32 @!p1 v5, v3;
	_ =	sdelay $0x1  }
0x12f: {  	v4 =	vadd.f32 @!p1 v4, v5;
	_ =	sdelay $0x1  }
0x130: {  	v4 =	vmul.f32 @!p1 $5.000000000e-01, v4;
	_ =	sdelay $0x1  }
0x131: {  	(erf) = vrcp.f32 @!p1 v4;
	_ =	sdelay $0x8  }
0x132: {  	v5 =	vpop @!p1 (erf)  }
0x133: {  	v5 =	vmul.f32 @!p1 v5, v3;
	_ =	sdelay $0x1  }
0x134: {  	v4 =	vadd.f32 @!p1 v5, v4;
	_ =	sdelay $0x1  }
0x135: {  	v4 =	vmul.f32 @!p1 $5.000000000e-01, v4;
	_ =	sdelay $0x1  }
0x136: {  	(erf) = vrcp.f32 @!p1 v4;
	_ =	sdelay $0x8  }
0x137: {  	v5 =	vpop @!p1 (erf)  }
0x138: {  	v3 =	vmul.f32 @!p1 v5, v3;
	_ =	sdelay $0x1  }
0x139: {  	v3 =	vadd.f32 @!p1 v3, v4;
	_ =	sdelay $0x1  }
0x13a: {  	v3 =	vmul.f32 @!p1 $5.000000000e-01, v3;
	_ =	sdelay $0x1  }
0x13b: {  	v2 =	vmul.f32 @!p1 $8.775825500e-01, v2;
	v3 =	vmul.f32 @!p1 $-4.794255500e-01, v3;
	_ =	sdelay $0x1  }
0x13c: {  	v2 =	vadd.f32 @!p1 v3, v2;
	_ =	sdelay $0x1  }
0x13d: {  	s25 =	simm.s32 $0x10;
	v2 =	vmul.f32 @!p1 $6.400000000e+01, v2  }
.LBB2_6:
0x13e: {  	_ = 	snop  }
0x13f: {  	s23 =	sadd.s32 $0x10, s23;
	s0 =	smov.u32 s25;
	s25 =	sadd.s32 $0x10, s25;
	[tilespmem:v1+s26+$0x0] =	vst.idx.msk @!p1 vm0, v2  }
0x140: {  	p2 =	sne.s32 s25, $0x400;
	v1 =	vld [tilespmem:s23+$0x0];
	_ =	sdelay $0x4  }
0x141: {  	v1 =	vadd.s32 v0, v1  }
0x142: {  	vm0 =	vlt.u32 v1, $0x28  }
0x143: {  	v2 =	vmpcnt.ones.xlane vm0;
	_ =	sdelay $0x1  }
0x144: {  	v2 =	vxor.u32 $0x80000000, v2  }
0x145: {  	(xrf0) =	vmax.scan.msk.u32 $0xffff, v2;
	_ =	sdelay $0x5  }
0x146: {  	v2, _, _ =	vpop (xrf0)  }
0x147: {  	(v2sf) =	vpush v2, $0xF;
	_ =	sdelay $0xe  }
0x148: {  	s2 =	spop (v2sf)  }
0x149: {  	p1 =	slt.u32 s2, $0x80000001  }
0x14a: {  	v2 =	vmov @!p1 s0;
	v3 =	vlaneseq.u32 @!p1;
	vm0 =	vgt.s32 @!p1 v1, $0x0  }
0x14b: {  	v3 =	vor.u32 @!p1 s0, v3;
	v4 =	vnsel @!p1 vm0, $0x0, v1;
	v2 =	vshll.u32 @!p1 v2, $0x3  }
0x14c: {  	v4 =	vmin.u32 @!p1 v4, $0x27;
	v3 =	vand.u32 @!p1 $0x7F, v3;
	v2 =	vand.u32 @!p1 $0x1C00, v2  }
0x14d: {  	v5 =	vshll.u32 @!p1 v4, $0xA;
	v4 =	vshll.u32 @!p1 v4, $0x7;
	v2 =	vor.u32 @!p1 v2, v3  }
0x14e: {  	v3 =	vand.u32 @!p1 $0xE000, v5;
	v4 =	vand.u32 @!p1 $0x380, v4  }
0x14f: {  	vm0 =	vlt.u32 @!p1 v1, $0x28;
	v1 =	vor.u32 @!p1 v3, v2  }
0x150: {  	v1 =	vor.u32 @!p1 v4, v1;
	_ =	sdelay $0x3  }
0x151: {  	s26 =	simm.s32 @!p1 $0x400  }
0x152: {  	v2 =	vld.idx.msk @!p1 [tilespmem:v1+s26+$0x0], vm0;
	_ =	sdelay $0x5  }
0x153: {  	v2 =	vmul.f32 @!p1 $1.562500000e-02, v2;
	_ =	sdelay $0x1  }
0x154: {  	v3 =	vmul.f32 @!p1 v2, v2;
	v2 =	vmul.f32 @!p1 $8.775825500e-01, v2;
	_ =	sdelay $0x1  }
0x155: {  	v3 =	vsub.f32 @!p1 $1.000000000e+00, v3;
	_ =	sdelay $0x1  }
0x156: {  	v3 =	vmax.f32 @!p1 v3, $9.999999960e-13  }
0x157: {  	v4 =	vshra.s32 @!p1 v3, $0x1  }
0x158: {  	v4 =	vadd.s32 @!p1 $0x1FBD1DF5, v4  }
0x159: {  	(erf) = vrcp.f32 @!p1 v4;
	_ =	sdelay $0x8  }
0x15a: {  	v5 =	vpop @!p1 (erf)  }
0x15b: {  	v5 =	vmul.f32 @!p1 v5, v3;
	_ =	sdelay $0x1  }
0x15c: {  	v4 =	vadd.f32 @!p1 v4, v5;
	_ =	sdelay $0x1  }
0x15d: {  	v4 =	vmul.f32 @!p1 $5.000000000e-01, v4;
	_ =	sdelay $0x1  }
0x15e: {  	(erf) = vrcp.f32 @!p1 v4;
	_ =	sdelay $0x8  }
0x15f: {  	v5 =	vpop @!p1 (erf)  }
0x160: {  	v5 =	vmul.f32 @!p1 v5, v3;
	_ =	sdelay $0x1  }
0x161: {  	v4 =	vadd.f32 @!p1 v5, v4;
	_ =	sdelay $0x1  }
0x162: {  	v4 =	vmul.f32 @!p1 $5.000000000e-01, v4;
	_ =	sdelay $0x1  }
0x163: {  	(erf) = vrcp.f32 @!p1 v4;
	_ =	sdelay $0x8  }
0x164: {  	v5 =	vpop @!p1 (erf)  }
0x165: {  	v3 =	vmul.f32 @!p1 v5, v3;
	_ =	sdelay $0x1  }
0x166: {  	v3 =	vadd.f32 @!p1 v3, v4;
	_ =	sdelay $0x1  }
0x167: {  	v3 =	vmul.f32 @!p1 $5.000000000e-01, v3;
	_ =	sdelay $0x1  }
.Ltmp6:
0x168: {  	v3 =	vmul.f32 @!p1 $-4.794255500e-01, v3;
	(pc) =	sbr.rel @p2 .LBB2_6-.Ltmp6, $3  }
0x169: {  	_ = 	snop  }
0x16a: {  	v2 =	vadd.f32 @!p1 v3, v2;
	_ =	sdelay $0x1  }
0x16b: {  	v2 =	vmul.f32 @!p1 $6.400000000e+01, v2  }
0x16c: {  	_ =	sdelay $0x2  }
0x16d: {  	s0 =	smul.u32 $0x1400, s24;
	_ =	sdelay $0x1  }
0x16e: {  	[tilespmem:v1+s26+$0x0] =	vst.idx.msk @!p1 vm0, v2;
	s0 =	sadd.s32 s4, s0  }
0x16f: {  	[hbm4b:s0+s5] =	stream.linear.scatter [tilespmem:s14], [sflag:$0x4], $0xA000, $0x38;
	[tilespmem:$0x1E400] =	vst v63  }
.LBB2_8:
0x170: {  	p1 =	seq.s32 s21, $0x0  }
0x171: {  	s0 =	simm.s32 @!p1 $0x6  }
0x172: {  	s23 =	sadd.s32 $0x2, s22;
	_ =	swait.ge @!p1 [sflag:s0], $0xA000  }
0x173: {  	s31 =	sadd.s32 $0x1, s22;
	p2 =	sge.u32 s23, s7;
	[sflag:s0] =	ssyncset.done @!p1 $0x0  }
0x174: {  	s2 =	smul.u32 @!p2 $0xA000, s24;
	[sflag:s0] =	ssyncadd.s32 @!p1 $0xFFFF6000;
	p1 =	sge.u32 s31, s7  }
.Ltmp7:
0x175: {  	_ = 	snop;
	(pc) =	sbr.rel @p1 .LBB2_14-.Ltmp7, $4  }
0x176: {  	s2 =	sshrl.u32 @!p2 s2, $0x3  }
0x177: {  	s3 =	simm.s32 @!p2 $0x14400;
	s0 =	sadd.s32 @!p2 s1, s2  }
0x178: {  	s24 =	sadd.s32 s6, s31;
	s2 =	simm.s32 @!p2 $0x0;
	s0 =	sadd.s32 @!p2 $0x2800, s0  }
0x179: {  	[tilespmem:s3], [sflag:$0x3] =	stream.linear.gather @!p2 [hbm4b:s0+s2], $0xA000, $0x38;
	[tilespmem:$0x1E400] =	vst v63  }
0x17a: {  	_ =	swait.ge [sflag:s17], $0xA000;
	s25 =	simm.s32 $0x0;
	s0 =	simm.s32 $0x0  }
0x17b: {  	[sflag:s17] =	ssyncset.done $0x0;
	s0 =	sand.u32 $0xE000, s0;
	s2 =	sand.u32 $0x380, s25  }
0x17c: {  	[sflag:s17] =	ssyncadd.s32 $0xFFFF6000;
	s29 =	sor.u32 s2, s0  }
0x17d: {  	v0 =	vld [tilespmem:s29+$0xA400]  }
0x17e: {  	v1 =	vld [tilespmem:s29+$0xA410]  }
0x17f: {  	v2 =	vld [tilespmem:s29+$0xA420]  }
0x180: {  	v3 =	vld [tilespmem:s29+$0xA430]  }
0x181: {  	v4 =	vld [tilespmem:s29+$0xA450]  }
0x182: {  	v5 =	vld [tilespmem:s29+$0xA460]  }
0x183: {  	v6 =	vld [tilespmem:s29+$0xA470];
	v0 =	vmul.f32 $6.400000000e+01, v0  }
0x184: {  	v7 =	vld [tilespmem:s29+$0xA800];
	v1 =	vmul.f32 $6.400000000e+01, v1  }
0x185: {  	s8 =	simm.s32 $0x80;
	s26 =	simm.s32 $0x400;
	v8 =	vld [tilespmem:s29+$0xA810];
	[tilespmem:s29+$0xA400] =	vst v0;
	v0 =	vmul.f32 $6.400000000e+01, v2  }
0x186: {  	s2 =	sand.u32 $0xE000, s26;
	s0 =	sand.u32 $0x380, s8;
	v9 =	vld [tilespmem:s29+$0xA820];
	[tilespmem:s29+$0xA410] =	vst v1;
	v1 =	vmul.f32 $6.400000000e+01, v3  }
0x187: {  	v10 =	vld [tilespmem:s29+$0xA830];
	s26 =	sor.u32 s0, s2;
	[tilespmem:s29+$0xA420] =	vst v0;
	v0 =	vmul.f32 $6.400000000e+01, v4  }
0x188: {  	v59 =	vld [tilespmem:s26+$0xA460];
	[tilespmem:s29+$0xA430] =	vst v1;
	v1 =	vmul.f32 $6.400000000e+01, v5  }
0x189: {  	v51 =	vld [tilespmem:s29+$0xAC50];
	[tilespmem:s29+$0xA450] =	vst v0;
	v0 =	vmul.f32 $6.400000000e+01, v6  }
0x18a: {  	v2 =	vld [tilespmem:s29+$0xA850];
	[tilespmem:s29+$0xA460] =	vst v1;
	v1 =	vmul.f32 $6.400000000e+01, v7  }
0x18b: {  	v60 =	vld [tilespmem:s26+$0xA470];
	[tilespmem:s29+$0xA470] =	vst v0;
	v0 =	vmul.f32 $6.400000000e+01, v8  }
0x18c: {  	v3 =	vld [tilespmem:s29+$0xA860];
	[tilespmem:s29+$0xA800] =	vst v1;
	v1 =	vmul.f32 $6.400000000e+01, v9  }
0x18d: {  	v4 =	vld [tilespmem:s29+$0xA870];
	v9 =	vmul.f32 $6.400000000e+01, v59;
	[tilespmem:s29+$0xA810] =	vst v0  }
0x18e: {  	v5 =	vld [tilespmem:s29+$0xAC00];
	v0 =	vmul.f32 $6.400000000e+01, v10;
	[tilespmem:s29+$0xA820] =	vst v1  }
0x18f: {  	v6 =	vld [tilespmem:s29+$0xAC10];
	v1 =	vmul.f32 $6.400000000e+01, v2;
	[tilespmem:s26+$0xA460] =	vst v9  }
0x190: {  	v7 =	vld [tilespmem:s29+$0xAC20];
	v10 =	vmul.f32 $6.400000000e+01, v60;
	[tilespmem:s29+$0xA830] =	vst v0  }
0x191: {  	v8 =	vld [tilespmem:s29+$0xAC30];
	v0 =	vmul.f32 $6.400000000e+01, v3;
	[tilespmem:s29+$0xA850] =	vst v1  }
0x192: {  	v52 =	vld [tilespmem:s29+$0xAC60];
	v1 =	vmul.f32 $6.400000000e+01, v4;
	[tilespmem:s26+$0xA470] =	vst v10  }
0x193: {  	v53 =	vld [tilespmem:s29+$0xB070];
	[tilespmem:s29+$0xA860] =	vst v0;
	v0 =	vmul.f32 $6.400000000e+01, v5  }
0x194: {  	v2 =	vld [tilespmem:s29+$0xAC70];
	[tilespmem:s29+$0xA870] =	vst v1;
	v1 =	vmul.f32 $6.400000000e+01, v6  }
0x195: {  	v3 =	vld [tilespmem:s29+$0xB000];
	[tilespmem:s29+$0xAC00] =	vst v0;
	v0 =	vmul.f32 $6.400000000e+01, v7  }
0x196: {  	v4 =	vld [tilespmem:s29+$0xB010];
	[tilespmem:s29+$0xAC10] =	vst v1;
	v1 =	vmul.f32 $6.400000000e+01, v8  }
0x197: {  	v5 =	vld [tilespmem:s29+$0xB020];
	[tilespmem:s29+$0xAC20] =	vst v0;
	v0 =	vmul.f32 $6.400000000e+01, v51  }
0x198: {  	v6 =	vld [tilespmem:s29+$0xB030];
	[tilespmem:s29+$0xAC30] =	vst v1;
	v1 =	vmul.f32 $6.400000000e+01, v52  }
0x199: {  	v7 =	vld [tilespmem:s29+$0xB050];
	[tilespmem:s29+$0xAC50] =	vst v0;
	v0 =	vmul.f32 $6.400000000e+01, v2  }
0x19a: {  	v8 =	vld [tilespmem:s29+$0xB060];
	[tilespmem:s29+$0xAC60] =	vst v1;
	v1 =	vmul.f32 $6.400000000e+01, v3  }
0x19b: {  	v54 =	vld [tilespmem:s29+$0xB400];
	[tilespmem:s29+$0xAC70] =	vst v0;
	v0 =	vmul.f32 $6.400000000e+01, v4  }
0x19c: {  	v55 =	vld [tilespmem:s29+$0xB810];
	[tilespmem:s29+$0xB000] =	vst v1;
	v1 =	vmul.f32 $6.400000000e+01, v5  }
0x19d: {  	v2 =	vld [tilespmem:s29+$0xB410];
	[tilespmem:s29+$0xB010] =	vst v0;
	v0 =	vmul.f32 $6.400000000e+01, v6  }
0x19e: {  	v3 =	vld [tilespmem:s29+$0xB420];
	[tilespmem:s29+$0xB020] =	vst v1;
	v1 =	vmul.f32 $6.400000000e+01, v7  }
0x19f: {  	v4 =	vld [tilespmem:s29+$0xB430];
	[tilespmem:s29+$0xB030] =	vst v0;
	v0 =	vmul.f32 $6.400000000e+01, v8  }
0x1a0: {  	v5 =	vld [tilespmem:s29+$0xB450];
	[tilespmem:s29+$0xB050] =	vst v1;
	v1 =	vmul.f32 $6.400000000e+01, v53  }
0x1a1: {  	v6 =	vld [tilespmem:s29+$0xB460];
	[tilespmem:s29+$0xB060] =	vst v0;
	v0 =	vmul.f32 $6.400000000e+01, v54  }
0x1a2: {  	v7 =	vld [tilespmem:s29+$0xB470];
	[tilespmem:s29+$0xB070] =	vst v1;
	v1 =	vmul.f32 $6.400000000e+01, v2  }
0x1a3: {  	v8 =	vld [tilespmem:s29+$0xB800];
	[tilespmem:s29+$0xB400] =	vst v0;
	v0 =	vmul.f32 $6.400000000e+01, v3  }
0x1a4: {  	v56 =	vld [tilespmem:s29+$0xB820];
	[tilespmem:s29+$0xB410] =	vst v1;
	v1 =	vmul.f32 $6.400000000e+01, v4  }
0x1a5: {  	v61 =	vld [tilespmem:s29+$0xA840];
	[tilespmem:s29+$0xB420] =	vst v0;
	v0 =	vmul.f32 $6.400000000e+01, v5  }
0x1a6: {  	v5 =	vld [tilespmem:s29+$0xB870];
	[tilespmem:s29+$0xB430] =	vst v1;
	v1 =	vmul.f32 $6.400000000e+01, v6  }
0x1a7: {  	v2 =	vld [tilespmem:s29+$0xB830];
	[tilespmem:s29+$0xB450] =	vst v0;
	v0 =	vmul.f32 $6.400000000e+01, v7  }
0x1a8: {  	v3 =	vld [tilespmem:s29+$0xB850];
	[tilespmem:s29+$0xB460] =	vst v1;
	v1 =	vmul.f32 $6.400000000e+01, v8  }
0x1a9: {  	v6 =	vld [tilespmem:s29+$0xBC00];
	[tilespmem:s29+$0xB470] =	vst v0;
	v0 =	vmul.f32 $6.400000000e+01, v55  }
0x1aa: {  	v7 =	vld [tilespmem:s29+$0xBC10];
	[tilespmem:s29+$0xB800] =	vst v1;
	v1 =	vmul.f32 $6.400000000e+01, v56  }
0x1ab: {  	v8 =	vld [tilespmem:s29+$0xBC20];
	v5 =	vmul.f32 $6.400000000e+01, v5;
	[tilespmem:s29+$0xB810] =	vst v0  }
0x1ac: {  	v4 =	vld [tilespmem:s29+$0xB860];
	v0 =	vmul.f32 $6.400000000e+01, v2;
	[tilespmem:s29+$0xB820] =	vst v1  }
0x1ad: {  	v57 =	vld [tilespmem:s26+$0xA400];
	v1 =	vmul.f32 $6.400000000e+01, v3;
	[tilespmem:s29+$0xB870] =	vst v5  }
0x1ae: {  	v58 =	vld [tilespmem:s26+$0xA410];
	v5 =	vmul.f32 $6.400000000e+01, v6;
	[tilespmem:s29+$0xB830] =	vst v0  }
0x1af: {  	v2 =	vld [tilespmem:s26+$0xA420];
	v7 =	vmul.f32 $6.400000000e+01, v7;
	[tilespmem:s29+$0xB850] =	vst v1  }
0x1b0: {  	v3 =	vld [tilespmem:s26+$0xA430];
	v8 =	vmul.f32 $6.400000000e+01, v8;
	[tilespmem:s29+$0xBC00] =	vst v5  }
0x1b1: {  	v0 =	vmul.f32 $6.400000000e+01, v4;
	v4 =	vld [tilespmem:s26+$0xA450];
	[tilespmem:s29+$0xBC10] =	vst v7  }
0x1b2: {  	v1 =	vmul.f32 $6.400000000e+01, v57;
	v7 =	vld [tilespmem:s26+$0xA820];
	[tilespmem:s29+$0xBC20] =	vst v8  }
0x1b3: {  	v8 =	vld [tilespmem:s26+$0xA830];
	[tilespmem:s29+$0xB860] =	vst v0;
	v0 =	vmul.f32 $6.400000000e+01, v58  }
0x1b4: {  	[tilespmem:s26+$0xA400] =	vst v1;
	v1 =	vld [tilespmem:s29+$0xBC30];
	v2 =	vmul.f32 $6.400000000e+01, v2  }
0x1b5: {  	v3 =	vmul.f32 $6.400000000e+01, v3;
	[tilespmem:s26+$0xA410] =	vst v0;
	v0 =	vld [tilespmem:s29+$0xBC50]  }
0x1b6: {  	[tilespmem:s26+$0xA420] =	vst v2;
	v2 =	vld [tilespmem:s29+$0xBC60];
	v4 =	vmul.f32 $6.400000000e+01, v4  }
0x1b7: {  	[tilespmem:s26+$0xA430] =	vst v3;
	v3 =	vld [tilespmem:s29+$0xBC70];
	v7 =	vmul.f32 $6.400000000e+01, v7  }
0x1b8: {  	v6 =	vld [tilespmem:s26+$0xA800];
	v8 =	vmul.f32 $6.400000000e+01, v8;
	[tilespmem:s26+$0xA450] =	vst v4  }
0x1b9: {  	v5 =	vld [tilespmem:s26+$0xA810];
	v1 =	vmul.f32 $6.400000000e+01, v1;
	[tilespmem:s26+$0xA820] =	vst v7  }
0x1ba: {  	v4 =	vld [tilespmem:s29+$0xA440];
	[tilespmem:s26+$0xA830] =	vst v8;
	v0 =	vmul.f32 $6.400000000e+01, v0  }
0x1bb: {  	[tilespmem:s29+$0xBC30] =	vst v1;
	v1 =	vld [tilespmem:s26+$0xA850];
	v2 =	vmul.f32 $6.400000000e+01, v2  }
0x1bc: {  	v62 =	vld [tilespmem:s29+$0xAC40];
	v3 =	vmul.f32 $6.400000000e+01, v3;
	[tilespmem:s29+$0xBC50] =	vst v0  }
0x1bd: {  	v0 =	vmul.f32 $6.400000000e+01, v6;
	v6 =	vld [tilespmem:s26+$0xA860];
	[tilespmem:s29+$0xBC60] =	vst v2  }
0x1be: {  	v7 =	vld [tilespmem:s29+$0xB840];
	v2 =	vmul.f32 $6.400000000e+01, v5;
	[tilespmem:s29+$0xBC70] =	vst v3  }
0x1bf: {  	s2 =	sand.u32 $0x7, s25;
	v5 =	vld [tilespmem:s26+$0xA870];
	v4 =	vmul.f32 $6.400000000e+01, v4;
	[tilespmem:s26+$0xA800] =	vst v0  }
0x1c0: {  	s0 =	sshll.u32 s2, $0x7;
	v0 =	vld [tilespmem:s29+$0xB040];
	[tilespmem:s26+$0xA810] =	vst v2;
	v1 =	vmul.f32 $6.400000000e+01, v1  }
0x1c1: {  	s28 =	sadd.s32 $0x0, s0;
	v9 =	vmul.f32 $6.400000000e+01, v61;
	v2 =	vld [tilespmem:s29+$0xB440];
	[tilespmem:s29+$0xA440] =	vst v4  }
0x1c2: {  	s0 =	sor.u32 $0x1C00, s28;
	v4 =	vld [tilespmem:s26+$0xAC10];
	[tilespmem:s26+$0xA850] =	vst v1;
	v1 =	vmul.f32 $6.400000000e+01, v6  }
0x1c3: {  	v10 =	vmul.f32 $6.400000000e+01, v62;
	v8 =	vld [tilespmem:s0+$0xA400];
	[tilespmem:s29+$0xA840] =	vst v9  }
0x1c4: {  	v5 =	vmul.f32 $6.400000000e+01, v5;
	[tilespmem:s26+$0xA860] =	vst v1;
	v1 =	vld [tilespmem:s29+$0xBC40]  }
0x1c5: {  	[tilespmem:s29+$0xAC40] =	vst v10;
	v0 =	vmul.f32 $6.400000000e+01, v0  }
0x1c6: {  	v2 =	vmul.f32 $6.400000000e+01, v2;
	[tilespmem:s26+$0xA870] =	vst v5  }
0x1c7: {  	v5 =	vmul.f32 $6.400000000e+01, v7;
	[tilespmem:s29+$0xB040] =	vst v0  }
0x1c8: {  	v4 =	vmul.f32 $6.400000000e+01, v4;
	[tilespmem:s29+$0xB440] =	vst v2  }
0x1c9: {  	[tilespmem:s29+$0xB840] =	vst v5;
	v1 =	vmul.f32 $6.400000000e+01, v1  }
0x1ca: {  	v3 =	vld [tilespmem:s26+$0xAC00];
	[tilespmem:s26+$0xAC10] =	vst v4;
	v4 =	vmul.f32 $6.400000000e+01, v8  }
0x1cb: {  	[tilespmem:s29+$0xBC40] =	vst v1  }
0x1cc: {  	s3 =	sor.u32 $0x1C10, s28;
	v0 =	vld [tilespmem:s26+$0xAC50];
	[tilespmem:s0+$0xA400] =	vst v4  }
0x1cd: {  	v4 =	vld [tilespmem:s3+$0xA400]  }
0x1ce: {  	v1 =	vld [tilespmem:s26+$0xB000]  }
0x1cf: {  	v2 =	vmul.f32 $6.400000000e+01, v3;
	v3 =	vld [tilespmem:s26+$0xAC60];
	_ =	sdelay $0x1  }
0x1d0: {  	v0 =	vmul.f32 $6.400000000e+01, v0  }
0x1d1: {  	v4 =	vmul.f32 $6.400000000e+01, v4  }
0x1d2: {  	[tilespmem:s26+$0xAC50] =	vst v0;
	v0 =	vld [tilespmem:s26+$0xB030];
	v1 =	vmul.f32 $6.400000000e+01, v1  }
0x1d3: {  	v63 =	vld [tilespmem:s26+$0xAC20];
	s8 =	sor.u32 $0x1C20, s28;
	v3 =	vmul.f32 $6.400000000e+01, v3;
	[tilespmem:s3+$0xA400] =	vst v4  }
0x1d4: {  	[tilespmem:s26+$0xB000] =	vst v1;
	v1 =	vld [tilespmem:s8+$0xA400]  }
0x1d5: {  	[tilespmem:s26+$0xAC60] =	vst v3;
	v3 =	vld [tilespmem:s26+$0xB050];
	_ =	sdelay $0x1  }
0x1d6: {  	v0 =	vmul.f32 $6.400000000e+01, v0  }
0x1d7: {  	[tilespmem:s26+$0xAC00] =	vst v2;
	v2 =	vmul.f32 $6.400000000e+01, v63  }
0x1d8: {  	v6 =	vld [tilespmem:s26+$0xAC30];
	[tilespmem:s26+$0xB030] =	vst v0;
	v0 =	vmul.f32 $6.400000000e+01, v1  }
0x1d9: {  	v5 =	vld [tilespmem:s26+$0xAC70];
	[tilespmem:s26+$0xAC20] =	vst v2;
	v3 =	vmul.f32 $6.400000000e+01, v3  }
0x1da: {  	s2 =	sor.u32 $0x1C30, s28;
	v2 =	vld [tilespmem:s26+$0xB010];
	[tilespmem:s8+$0xA400] =	vst v0  }
0x1db: {  	[tilespmem:s26+$0xB050] =	vst v3;
	v3 =	vld [tilespmem:s2+$0xA400];
	_ =	sdelay $0x1  }
0x1dc: {  	v6 =	vmul.f32 $6.400000000e+01, v6;
	v4 =	vld [tilespmem:s26+$0xB070]  }
0x1dd: {  	v5 =	vmul.f32 $6.400000000e+01, v5  }
0x1de: {  	[tilespmem:s26+$0xAC30] =	vst v6;
	v2 =	vmul.f32 $6.400000000e+01, v2  }
0x1df: {  	v6 =	vld [tilespmem:s26+$0xB020];
	[tilespmem:s26+$0xAC70] =	vst v5;
	v3 =	vmul.f32 $6.400000000e+01, v3  }
0x1e0: {  	v5 =	vld [tilespmem:s26+$0xB060];
	[tilespmem:s26+$0xB010] =	vst v2  }
0x1e1: {  	v2 =	vld [tilespmem:s26+$0xB400];
	s3 =	sor.u32 $0x1C40, s28;
	v4 =	vmul.f32 $6.400000000e+01, v4;
	[tilespmem:s2+$0xA400] =	vst v3  }
0x1e2: {  	v3 =	vld [tilespmem:s3+$0xA400]  }
0x1e3: {  	[tilespmem:s26+$0xB070] =	vst v4;
	v4 =	vld [tilespmem:s26+$0xB460]  }
0x1e4: {  	v6 =	vmul.f32 $6.400000000e+01, v6;
	v0 =	vld [tilespmem:s26+$0xB430]  }
0x1e5: {  	v5 =	vmul.f32 $6.400000000e+01, v5;
	v1 =	vld [tilespmem:s26+$0xB420]  }
0x1e6: {  	[tilespmem:s26+$0xB020] =	vst v6;
	v6 =	vld [tilespmem:s26+$0xB410];
	v2 =	vmul.f32 $6.400000000e+01, v2  }
0x1e7: {  	[tilespmem:s26+$0xB060] =	vst v5;
	v5 =	vld [tilespmem:s26+$0xB450];
	v3 =	vmul.f32 $6.400000000e+01, v3  }
0x1e8: {  	[tilespmem:s26+$0xB400] =	vst v2;
	v2 =	vld [tilespmem:s26+$0xB800];
	v4 =	vmul.f32 $6.400000000e+01, v4  }
0x1e9: {  	v7 =	vld [tilespmem:s26+$0xB470];
	s8 =	sor.u32 $0x1C50, s28;
	v0 =	vmul.f32 $6.400000000e+01, v0;
	[tilespmem:s3+$0xA400] =	vst v3  }
0x1ea: {  	v1 =	vmul.f32 $6.400000000e+01, v1;
	[tilespmem:s26+$0xB460] =	vst v4;
	v4 =	vld [tilespmem:s8+$0xA400]  }
0x1eb: {  	v6 =	vmul.f32 $6.400000000e+01, v6;
	[tilespmem:s26+$0xB430] =	vst v0;
	v0 =	vld [tilespmem:s26+$0xB820]  }
0x1ec: {  	v5 =	vmul.f32 $6.400000000e+01, v5;
	[tilespmem:s26+$0xB420] =	vst v1;
	v1 =	vld [tilespmem:s26+$0xB810]  }
0x1ed: {  	[tilespmem:s26+$0xB410] =	vst v6;
	v2 =	vmul.f32 $6.400000000e+01, v2  }
0x1ee: {  	v6 =	vmul.f32 $6.400000000e+01, v7;
	[tilespmem:s26+$0xB450] =	vst v5;
	v5 =	vld [tilespmem:s26+$0xB830]  }
0x1ef: {  	[tilespmem:s26+$0xB800] =	vst v2;
	v3 =	vld [tilespmem:s26+$0xB850];
	v2 =	vmul.f32 $6.400000000e+01, v4  }
0x1f0: {  	[tilespmem:s26+$0xB470] =	vst v6;
	v6 =	vld [tilespmem:s26+$0xB860];
	v0 =	vmul.f32 $6.400000000e+01, v0  }
0x1f1: {  	v7 =	vld [tilespmem:s26+$0xB870];
	s2 =	sor.u32 $0x1C60, s28;
	v1 =	vmul.f32 $6.400000000e+01, v1;
	[tilespmem:s8+$0xA400] =	vst v2  }
0x1f2: {  	[tilespmem:s26+$0xB820] =	vst v0;
	v0 =	vld [tilespmem:s2+$0xA400]  }
0x1f3: {  	[tilespmem:s26+$0xB810] =	vst v1;
	v1 =	vld [tilespmem:s26+$0xBC00];
	v4 =	vmul.f32 $6.400000000e+01, v5  }
0x1f4: {  	v5 =	vld [tilespmem:s26+$0xBC10];
	v2 =	vmul.f32 $6.400000000e+01, v3  }
0x1f5: {  	[tilespmem:s26+$0xB830] =	vst v4;
	v4 =	vld [tilespmem:s26+$0xBC20];
	v3 =	vmul.f32 $6.400000000e+01, v6  }
0x1f6: {  	v6 =	vmul.f32 $6.400000000e+01, v7;
	[tilespmem:s26+$0xB850] =	vst v2;
	v2 =	vld [tilespmem:s26+$0xBC30]  }
0x1f7: {  	s30 =	simm.s32 $0xFFFF6400;
	s31 =	simm.s32 $0x100;
	s29 =	simm.s32 $0x0;
	[tilespmem:s26+$0xB860] =	vst v3;
	v3 =	vld [tilespmem:s26+$0xBC50];
	v0 =	vmul.f32 $6.400000000e+01, v0  }
.LBB2_10:
0x1f8: {  	p3 =	seq.s32 s31, $0x1380;
	[tilespmem:s26+$0xB870] =	vst v6;
	v1 =	vmul.f32 $6.400000000e+01, v1;
	v6 =	vld [tilespmem:s26+$0xBC60]  }
0x1f9: {  	s0 =	sor.u32 $0x1C70, s28;
	v5 =	vmul.f32 $6.400000000e+01, v5;
	v7 =	vld [tilespmem:s26+$0xBC70];
	[tilespmem:s2+$0xA400] =	vst v0  }
0x1fa: {  	[tilespmem:s26+$0xBC00] =	vst v1;
	v0 =	vmul.f32 $6.400000000e+01, v4;
	v1 =	vld [tilespmem:s0+$0xA400]  }
0x1fb: {  	v4 =	vld [tilespmem:s26+$0xA440];
	[tilespmem:s26+$0xBC10] =	vst v5;
	v2 =	vmul.f32 $6.400000000e+01, v2  }
0x1fc: {  	v5 =	vld [tilespmem:s26+$0xA840];
	[tilespmem:s26+$0xBC20] =	vst v0;
	v0 =	vmul.f32 $6.400000000e+01, v3  }
0x1fd: {  	s25 =	sadd.s32 $0x1, s25;
	v3 =	vld [tilespmem:s26+$0xAC40];
	[tilespmem:s26+$0xBC30] =	vst v2;
	v2 =	vmul.f32 $6.400000000e+01, v6  }
0x1fe: {  	s2 =	sand.u32 $0x7, s25;
	v6 =	vld [tilespmem:s26+$0xB040];
	[tilespmem:s26+$0xBC50] =	vst v0;
	v0 =	vmul.f32 $6.400000000e+01, v7  }
0x1ff: {  	s30 =	sadd.s32 $0x400, s30;
	s29 =	sadd.s32 $0x400, s29;
	s2 =	sshll.u32 s2, $0x7;
	v7 =	vld [tilespmem:s26+$0xB440];
	[tilespmem:s26+$0xBC60] =	vst v2;
	v1 =	vmul.f32 $6.400000000e+01, v1  }
0x200: {  	s3 =	sadd.s32 $0xA000, s30;
	s28 =	sadd.s32 s2, s29;
	v2 =	vmul.f32 $6.400000000e+01, v4;
	v4 =	vld [tilespmem:s26+$0xB840];
	[tilespmem:s26+$0xBC70] =	vst v0  }
0x201: {  	s2 =	sand.u32 $0xE000, s3;
	s3 =	sand.u32 $0x380, s31;
	s8 =	sor.u32 $0x1C00, s28;
	v0 =	vmul.f32 $6.400000000e+01, v5;
	v5 =	vld [tilespmem:s26+$0xBC40];
	[tilespmem:s0+$0xA400] =	vst v1  }
0x202: {  	s0 =	sor.u32 s3, s2;
	[tilespmem:s26+$0xA440] =	vst v2;
	v1 =	vmul.f32 $6.400000000e+01, v3;
	v2 =	vld [tilespmem:s8+$0xA400]  }
0x203: {  	v3 =	vld [tilespmem:s0+$0xA400];
	[tilespmem:s26+$0xA840] =	vst v0;
	v0 =	vmul.f32 $6.400000000e+01, v6  }
0x204: {  	v6 =	vld [tilespmem:s0+$0xA410];
	[tilespmem:s26+$0xAC40] =	vst v1;
	v1 =	vmul.f32 $6.400000000e+01, v7  }
0x205: {  	v7 =	vld [tilespmem:s0+$0xA420];
	[tilespmem:s26+$0xB040] =	vst v0;
	v0 =	vmul.f32 $6.400000000e+01, v4  }
0x206: {  	v4 =	vld [tilespmem:s0+$0xA430];
	[tilespmem:s26+$0xB440] =	vst v1;
	v1 =	vmul.f32 $6.400000000e+01, v5  }
0x207: {  	v5 =	vld [tilespmem:s0+$0xA450];
	[tilespmem:s26+$0xB840] =	vst v0;
	v0 =	vmul.f32 $6.400000000e+01, v2  }
0x208: {  	v2 =	vmul.f32 $6.400000000e+01, v3;
	v3 =	vld [tilespmem:s0+$0xA460];
	[tilespmem:s26+$0xBC40] =	vst v1;
	s26 =	smov.u32 s0  }
0x209: {  	s0 =	sor.u32 $0x1C10, s28;
	v1 =	vmul.f32 $6.400000000e+01, v6;
	v6 =	vld [tilespmem:s26+$0xA470];
	[tilespmem:s8+$0xA400] =	vst v0  }
0x20a: {  	[tilespmem:s26+$0xA400] =	vst v2;
	v0 =	vmul.f32 $6.400000000e+01, v7;
	v2 =	vld [tilespmem:s0+$0xA400]  }
0x20b: {  	[tilespmem:s26+$0xA410] =	vst v1;
	v1 =	vmul.f32 $6.400000000e+01, v4;
	v4 =	vld [tilespmem:s26+$0xA800]  }
0x20c: {  	[tilespmem:s26+$0xA420] =	vst v0;
	v0 =	vmul.f32 $6.400000000e+01, v5;
	v5 =	vld [tilespmem:s26+$0xA810]  }
0x20d: {  	[tilespmem:s26+$0xA430] =	vst v1;
	v1 =	vmul.f32 $6.400000000e+01, v3;
	v3 =	vld [tilespmem:s26+$0xA820]  }
0x20e: {  	[tilespmem:s26+$0xA450] =	vst v0;
	v0 =	vmul.f32 $6.400000000e+01, v6;
	v6 =	vld [tilespmem:s26+$0xA830]  }
0x20f: {  	[tilespmem:s26+$0xA460] =	vst v1;
	v1 =	vld [tilespmem:s26+$0xA850];
	v2 =	vmul.f32 $6.400000000e+01, v2  }
0x210: {  	[tilespmem:s26+$0xA470] =	vst v0;
	v0 =	vmul.f32 $6.400000000e+01, v4;
	v4 =	vld [tilespmem:s26+$0xA860]  }
0x211: {  	v5 =	vmul.f32 $6.400000000e+01, v5;
	v7 =	vld [tilespmem:s26+$0xA870];
	[tilespmem:s0+$0xA400] =	vst v2;
	s0 =	sor.u32 $0x1C20, s28  }
0x212: {  	[tilespmem:s26+$0xA800] =	vst v0;
	v0 =	vmul.f32 $6.400000000e+01, v3;
	v2 =	vld [tilespmem:s0+$0xA400]  }
0x213: {  	[tilespmem:s26+$0xA810] =	vst v5;
	v3 =	vmul.f32 $6.400000000e+01, v6;
	v5 =	vld [tilespmem:s26+$0xAC00]  }
0x214: {  	[tilespmem:s26+$0xA820] =	vst v0;
	v0 =	vmul.f32 $6.400000000e+01, v1;
	v1 =	vld [tilespmem:s26+$0xAC10]  }
0x215: {  	[tilespmem:s26+$0xA830] =	vst v3;
	v3 =	vmul.f32 $6.400000000e+01, v4;
	v4 =	vld [tilespmem:s26+$0xAC20]  }
0x216: {  	[tilespmem:s26+$0xA850] =	vst v0;
	v0 =	vmul.f32 $6.400000000e+01, v7;
	v6 =	vld [tilespmem:s26+$0xAC30]  }
0x217: {  	[tilespmem:s26+$0xA860] =	vst v3;
	v3 =	vld [tilespmem:s26+$0xAC50];
	v2 =	vmul.f32 $6.400000000e+01, v2  }
0x218: {  	[tilespmem:s26+$0xA870] =	vst v0;
	v0 =	vmul.f32 $6.400000000e+01, v5;
	v5 =	vld [tilespmem:s26+$0xAC60]  }
0x219: {  	v1 =	vmul.f32 $6.400000000e+01, v1;
	v7 =	vld [tilespmem:s26+$0xAC70];
	[tilespmem:s0+$0xA400] =	vst v2;
	s0 =	sor.u32 $0x1C30, s28  }
0x21a: {  	[tilespmem:s26+$0xAC00] =	vst v0;
	v0 =	vmul.f32 $6.400000000e+01, v4;
	v2 =	vld [tilespmem:s0+$0xA400]  }
0x21b: {  	[tilespmem:s26+$0xAC10] =	vst v1;
	v1 =	vmul.f32 $6.400000000e+01, v6;
	v4 =	vld [tilespmem:s26+$0xB000]  }
0x21c: {  	[tilespmem:s26+$0xAC20] =	vst v0;
	v0 =	vmul.f32 $6.400000000e+01, v3;
	v3 =	vld [tilespmem:s26+$0xB010]  }
0x21d: {  	[tilespmem:s26+$0xAC30] =	vst v1;
	v1 =	vmul.f32 $6.400000000e+01, v5;
	v5 =	vld [tilespmem:s26+$0xB020]  }
0x21e: {  	[tilespmem:s26+$0xAC50] =	vst v0;
	v0 =	vmul.f32 $6.400000000e+01, v7;
	v6 =	vld [tilespmem:s26+$0xB030]  }
0x21f: {  	[tilespmem:s26+$0xAC60] =	vst v1;
	v1 =	vld [tilespmem:s26+$0xB050];
	v2 =	vmul.f32 $6.400000000e+01, v2  }
0x220: {  	[tilespmem:s26+$0xAC70] =	vst v0;
	v0 =	vmul.f32 $6.400000000e+01, v4;
	v4 =	vld [tilespmem:s26+$0xB060]  }
0x221: {  	v3 =	vmul.f32 $6.400000000e+01, v3;
	v7 =	vld [tilespmem:s26+$0xB070];
	[tilespmem:s0+$0xA400] =	vst v2;
	s0 =	sor.u32 $0x1C40, s28  }
0x222: {  	[tilespmem:s26+$0xB000] =	vst v0;
	v0 =	vmul.f32 $6.400000000e+01, v5;
	v2 =	vld [tilespmem:s0+$0xA400]  }
0x223: {  	[tilespmem:s26+$0xB010] =	vst v3;
	v3 =	vmul.f32 $6.400000000e+01, v6;
	v5 =	vld [tilespmem:s26+$0xB400]  }
0x224: {  	[tilespmem:s26+$0xB020] =	vst v0;
	v0 =	vmul.f32 $6.400000000e+01, v1;
	v1 =	vld [tilespmem:s26+$0xB410]  }
0x225: {  	[tilespmem:s26+$0xB030] =	vst v3;
	v3 =	vmul.f32 $6.400000000e+01, v4;
	v4 =	vld [tilespmem:s26+$0xB420]  }
0x226: {  	[tilespmem:s26+$0xB050] =	vst v0;
	v0 =	vmul.f32 $6.400000000e+01, v7;
	v6 =	vld [tilespmem:s26+$0xB430]  }
0x227: {  	[tilespmem:s26+$0xB060] =	vst v3;
	v3 =	vld [tilespmem:s26+$0xB450];
	v2 =	vmul.f32 $6.400000000e+01, v2  }
0x228: {  	[tilespmem:s26+$0xB070] =	vst v0;
	v0 =	vmul.f32 $6.400000000e+01, v5;
	v5 =	vld [tilespmem:s26+$0xB460]  }
0x229: {  	v1 =	vmul.f32 $6.400000000e+01, v1;
	v7 =	vld [tilespmem:s26+$0xB470];
	[tilespmem:s0+$0xA400] =	vst v2;
	s0 =	sor.u32 $0x1C50, s28  }
0x22a: {  	[tilespmem:s26+$0xB400] =	vst v0;
	v0 =	vmul.f32 $6.400000000e+01, v4;
	v2 =	vld [tilespmem:s0+$0xA400]  }
0x22b: {  	[tilespmem:s26+$0xB410] =	vst v1;
	v1 =	vmul.f32 $6.400000000e+01, v6;
	v4 =	vld [tilespmem:s26+$0xB800]  }
0x22c: {  	[tilespmem:s26+$0xB420] =	vst v0;
	v0 =	vmul.f32 $6.400000000e+01, v3;
	v3 =	vld [tilespmem:s26+$0xB810]  }
0x22d: {  	[tilespmem:s26+$0xB430] =	vst v1;
	v1 =	vmul.f32 $6.400000000e+01, v5;
	v5 =	vld [tilespmem:s26+$0xB820]  }
0x22e: {  	[tilespmem:s26+$0xB450] =	vst v0;
	v0 =	vmul.f32 $6.400000000e+01, v7;
	v6 =	vld [tilespmem:s26+$0xB830]  }
0x22f: {  	[tilespmem:s26+$0xB460] =	vst v1;
	v7 =	vld [tilespmem:s26+$0xB850];
	v1 =	vmul.f32 $6.400000000e+01, v2  }
0x230: {  	[tilespmem:s26+$0xB470] =	vst v0;
	v0 =	vmul.f32 $6.400000000e+01, v4;
	v2 =	vld [tilespmem:s26+$0xB860]  }
0x231: {  	s2 =	sor.u32 $0x1C60, s28;
	v3 =	vmul.f32 $6.400000000e+01, v3;
	v8 =	vld [tilespmem:s26+$0xB870];
	[tilespmem:s0+$0xA400] =	vst v1  }
0x232: {  	[tilespmem:s26+$0xB800] =	vst v0;
	v0 =	vmul.f32 $6.400000000e+01, v5;
	v9 =	vld [tilespmem:s2+$0xA400]  }
.Ltmp8:
0x233: {  	[tilespmem:s26+$0xB810] =	vst v3;
	v3 =	vmul.f32 $6.400000000e+01, v6;
	v1 =	vld [tilespmem:s26+$0xBC00];
	(pc) =	sbr.rel @!p3 .LBB2_10-.Ltmp8, $4  }
0x234: {  	[tilespmem:s26+$0xB820] =	vst v0;
	v0 =	vmul.f32 $6.400000000e+01, v7;
	v5 =	vld [tilespmem:s26+$0xBC10]  }
0x235: {  	[tilespmem:s26+$0xB830] =	vst v3;
	v3 =	vmul.f32 $6.400000000e+01, v2;
	v4 =	vld [tilespmem:s26+$0xBC20]  }
0x236: {  	[tilespmem:s26+$0xB850] =	vst v0;
	v6 =	vmul.f32 $6.400000000e+01, v8;
	v2 =	vld [tilespmem:s26+$0xBC30]  }
0x237: {  	s31 =	sadd.s32 $0x80, s31;
	[tilespmem:s26+$0xB860] =	vst v3;
	v3 =	vld [tilespmem:s26+$0xBC50];
	v0 =	vmul.f32 $6.400000000e+01, v9  }
0x238: {  	v1 =	vmul.f32 $6.400000000e+01, v1;
	v58 =	vld [tilespmem:s26+$0xBC60]  }
0x239: {  	[tilespmem:s26+$0xB870] =	vst v6;
	v7 =	vld [tilespmem:s26+$0xBC70];
	v5 =	vmul.f32 $6.400000000e+01, v5  }
0x23a: {  	[tilespmem:s26+$0xBC00] =	vst v1;
	v1 =	vld [tilespmem:s26+$0xA440];
	v4 =	vmul.f32 $6.400000000e+01, v4  }
0x23b: {  	[tilespmem:s26+$0xBC10] =	vst v5;
	v2 =	vmul.f32 $6.400000000e+01, v2  }
0x23c: {  	v59 =	vld [tilespmem:s26+$0xA840];
	[tilespmem:s26+$0xBC20] =	vst v4;
	v3 =	vmul.f32 $6.400000000e+01, v3  }
0x23d: {  	v60 =	vld [tilespmem:s26+$0xAC40];
	s0 =	sadd.s32 $0x1, s25;
	[tilespmem:s26+$0xBC30] =	vst v2;
	v6 =	vmul.f32 $6.400000000e+01, v58  }
0x23e: {  	s0 =	sand.u32 $0x7, s0;
	v2 =	vld [tilespmem:s26+$0xB040];
	v7 =	vmul.f32 $6.400000000e+01, v7;
	[tilespmem:s26+$0xBC50] =	vst v3  }
0x23f: {  	s3 =	sadd.s32 $0x400, s29;
	s0 =	sshll.u32 s0, $0x7;
	v3 =	vld [tilespmem:s26+$0xB440];
	[tilespmem:s26+$0xBC60] =	vst v6;
	v1 =	vmul.f32 $6.400000000e+01, v1  }
0x240: {  	v61 =	vld [tilespmem:s26+$0xB840];
	s0 =	sadd.s32 s0, s3;
	[tilespmem:s26+$0xBC70] =	vst v7  }
0x241: {  	v62 =	vld [tilespmem:s26+$0xBC40];
	s3 =	sor.u32 $0x1C00, s0;
	v5 =	vmul.f32 $6.400000000e+01, v59;
	[tilespmem:s26+$0xA440] =	vst v1  }
0x242: {  	v1 =	vmul.f32 $6.400000000e+01, v60;
	v63 =	vld [tilespmem:s3+$0xA400]  }
0x243: {  	[tilespmem:s26+$0xA840] =	vst v5;
	v2 =	vmul.f32 $6.400000000e+01, v2  }
0x244: {  	[tilespmem:s26+$0xAC40] =	vst v1;
	v1 =	vmul.f32 $6.400000000e+01, v3  }
0x245: {  	[tilespmem:s26+$0xB040] =	vst v2;
	v2 =	vmul.f32 $6.400000000e+01, v61  }
0x246: {  	[tilespmem:s26+$0xB440] =	vst v1;
	v1 =	vmul.f32 $6.400000000e+01, v62  }
0x247: {  	[tilespmem:s26+$0xB840] =	vst v2;
	v2 =	vmul.f32 $6.400000000e+01, v63  }
0x248: {  	[tilespmem:s26+$0xBC40] =	vst v1  }
0x249: {  	s29 =	sor.u32 $0x1C10, s0;
	[tilespmem:s3+$0xA400] =	vst v2  }
0x24a: {  	v1 =	vld [tilespmem:s29+$0xA400];
	_ =	sdelay $0x4  }
0x24b: {  	v1 =	vmul.f32 $6.400000000e+01, v1;
	_ =	sdelay $0x1  }
0x24c: {  	s30 =	sor.u32 $0x1C20, s0;
	[tilespmem:s29+$0xA400] =	vst v1  }
0x24d: {  	v1 =	vld [tilespmem:s30+$0xA400];
	_ =	sdelay $0x4  }
0x24e: {  	v1 =	vmul.f32 $6.400000000e+01, v1;
	_ =	sdelay $0x1  }
0x24f: {  	s31 =	sor.u32 $0x1C30, s0;
	[tilespmem:s30+$0xA400] =	vst v1  }
0x250: {  	v1 =	vld [tilespmem:s31+$0xA400];
	_ =	sdelay $0x4  }
0x251: {  	v1 =	vmul.f32 $6.400000000e+01, v1;
	_ =	sdelay $0x1  }
0x252: {  	s8 =	sor.u32 $0x1C40, s0;
	[tilespmem:s31+$0xA400] =	vst v1  }
0x253: {  	v1 =	vld [tilespmem:s8+$0xA400];
	_ =	sdelay $0x4  }
0x254: {  	v1 =	vmul.f32 $6.400000000e+01, v1;
	_ =	sdelay $0x1  }
0x255: {  	s25 =	sor.u32 $0x1C50, s0;
	[tilespmem:s8+$0xA400] =	vst v1  }
0x256: {  	v1 =	vld [tilespmem:s25+$0xA400];
	_ =	sdelay $0x4  }
0x257: {  	v1 =	vmul.f32 $6.400000000e+01, v1;
	_ =	sdelay $0x1  }
0x258: {  	s26 =	sor.u32 $0x1C60, s0;
	[tilespmem:s25+$0xA400] =	vst v1  }
0x259: {  	v1 =	vld [tilespmem:s26+$0xA400];
	_ =	sdelay $0x4  }
0x25a: {  	v1 =	vmul.f32 $6.400000000e+01, v1  }
0x25b: {  	[tilespmem:s2+$0xA400] =	vst v0;
	s29 =	sor.u32 $0x1C70, s28  }
0x25c: {  	s0 =	sor.u32 $0x1C70, s0;
	v0 =	vld [tilespmem:s29+$0xA400];
	[tilespmem:s26+$0xA400] =	vst v1  }
0x25d: {  	v1 =	vld [tilespmem:s0+$0xA400];
	_ =	sdelay $0x3  }
0x25e: {  	v0 =	vmul.f32 $6.400000000e+01, v0  }
0x25f: {  	v1 =	vmul.f32 $6.400000000e+01, v1  }
0x260: {  	[tilespmem:s29+$0xA400] =	vst v0  }
0x261: {  	s25 =	simm.s32 $0x0;
	[tilespmem:s0+$0xA400] =	vst v1  }
0x262: {  	v1 =	vld [tilespmem:s25+$0x0];
	_ =	sdelay $0x1  }
0x263: {  	s30 =	smul.u32 $0xFFFFFFD8, s24;
	_ =	sdelay $0x1  }
0x264: {  	v0 =	vmov s30  }
0x265: {  	v1 =	vadd.s32 v0, v1  }
0x266: {  	vm0 =	vlt.u32 v1, $0x28  }
0x267: {  	v2 =	vmpcnt.ones.xlane vm0;
	_ =	sdelay $0x1  }
0x268: {  	v2 =	vxor.u32 $0x80000000, v2  }
0x269: {  	(xrf0) =	vmax.scan.msk.u32 $0xffff, v2;
	_ =	sdelay $0x5  }
0x26a: {  	v2, _, _ =	vpop (xrf0)  }
0x26b: {  	(v2sf) =	vpush v2, $0xF;
	_ =	sdelay $0xe  }
0x26c: {  	s31 =	spop (v2sf)  }
0x26d: {  	p3 =	slt.u32 s31, $0x80000001  }
0x26e: {  	vm0 =	vgt.s32 @!p3 v1, $0x0  }
0x26f: {  	v2 =	vmov @!p3 s25;
	v3 =	vlaneseq.u32 @!p3;
	v4 =	vnsel @!p3 vm0, $0x0, v1  }
0x270: {  	v3 =	vor.u32 @!p3 s25, v3;
	v2 =	vshll.u32 @!p3 v2, $0x3;
	v4 =	vmin.u32 @!p3 v4, $0x27  }
0x271: {  	v3 =	vand.u32 @!p3 $0x7F, v3;
	v2 =	vand.u32 @!p3 $0x1C00, v2;
	v5 =	vshll.u32 @!p3 v4, $0xA  }
0x272: {  	v4 =	vshll.u32 @!p3 v4, $0x7;
	v2 =	vor.u32 @!p3 v2, v3;
	v3 =	vand.u32 @!p3 $0xE000, v5  }
0x273: {  	vm0 =	vlt.u32 @!p3 v1, $0x28;
	v4 =	vand.u32 @!p3 $0x380, v4;
	v1 =	vor.u32 @!p3 v3, v2  }
0x274: {  	v1 =	vor.u32 @!p3 v4, v1;
	_ =	sdelay $0x3  }
0x275: {  	s28 =	simm.s32 @!p3 $0xA400  }
0x276: {  	v2 =	vld.idx.msk @!p3 [tilespmem:v1+s28+$0x0], vm0;
	_ =	sdelay $0x4  }
0x277: {  	v2 =	vmul.f32 @!p3 $1.562500000e-02, v2;
	_ =	sdelay $0x1  }
0x278: {  	v3 =	vmul.f32 @!p3 v2, v2;
	_ =	sdelay $0x1  }
0x279: {  	v3 =	vsub.f32 @!p3 $1.000000000e+00, v3;
	_ =	sdelay $0x1  }
0x27a: {  	v3 =	vmax.f32 @!p3 v3, $9.999999960e-13  }
0x27b: {  	v4 =	vshra.s32 @!p3 v3, $0x1  }
0x27c: {  	v4 =	vadd.s32 @!p3 $0x1FBD1DF5, v4  }
0x27d: {  	(erf) = vrcp.f32 @!p3 v4;
	_ =	sdelay $0x8  }
0x27e: {  	v5 =	vpop @!p3 (erf)  }
0x27f: {  	v5 =	vmul.f32 @!p3 v5, v3;
	_ =	sdelay $0x1  }
0x280: {  	v4 =	vadd.f32 @!p3 v4, v5;
	_ =	sdelay $0x1  }
0x281: {  	v4 =	vmul.f32 @!p3 $5.000000000e-01, v4;
	_ =	sdelay $0x1  }
0x282: {  	(erf) = vrcp.f32 @!p3 v4;
	_ =	sdelay $0x8  }
0x283: {  	v5 =	vpop @!p3 (erf)  }
0x284: {  	v5 =	vmul.f32 @!p3 v5, v3;
	_ =	sdelay $0x1  }
0x285: {  	v4 =	vadd.f32 @!p3 v5, v4;
	_ =	sdelay $0x1  }
0x286: {  	v4 =	vmul.f32 @!p3 $5.000000000e-01, v4;
	_ =	sdelay $0x1  }
0x287: {  	(erf) = vrcp.f32 @!p3 v4;
	_ =	sdelay $0x8  }
0x288: {  	v5 =	vpop @!p3 (erf)  }
0x289: {  	v3 =	vmul.f32 @!p3 v5, v3;
	_ =	sdelay $0x1  }
0x28a: {  	v3 =	vadd.f32 @!p3 v3, v4;
	_ =	sdelay $0x1  }
0x28b: {  	v3 =	vmul.f32 @!p3 $5.000000000e-01, v3;
	_ =	sdelay $0x1  }
0x28c: {  	v2 =	vmul.f32 @!p3 $8.775825500e-01, v2;
	v3 =	vmul.f32 @!p3 $-4.794255500e-01, v3;
	_ =	sdelay $0x1  }
0x28d: {  	v2 =	vadd.f32 @!p3 v3, v2;
	_ =	sdelay $0x1  }
0x28e: {  	s26 =	simm.s32 $0x10;
	v2 =	vmul.f32 @!p3 $6.400000000e+01, v2  }
.LBB2_12:
0x28f: {  	_ = 	snop  }
0x290: {  	s25 =	sadd.s32 $0x10, s25;
	s0 =	smov.u32 s26;
	s26 =	sadd.s32 $0x10, s26;
	[tilespmem:v1+s28+$0x0] =	vst.idx.msk @!p3 vm0, v2  }
0x291: {  	p4 =	sne.s32 s26, $0x400;
	v1 =	vld [tilespmem:s25+$0x0];
	_ =	sdelay $0x4  }
0x292: {  	v1 =	vadd.s32 v0, v1  }
0x293: {  	vm0 =	vlt.u32 v1, $0x28  }
0x294: {  	v2 =	vmpcnt.ones.xlane vm0;
	_ =	sdelay $0x1  }
0x295: {  	v2 =	vxor.u32 $0x80000000, v2  }
0x296: {  	(xrf0) =	vmax.scan.msk.u32 $0xffff, v2;
	_ =	sdelay $0x5  }
0x297: {  	v2, _, _ =	vpop (xrf0)  }
0x298: {  	(v2sf) =	vpush v2, $0xF;
	_ =	sdelay $0xe  }
0x299: {  	s2 =	spop (v2sf)  }
0x29a: {  	p3 =	slt.u32 s2, $0x80000001  }
0x29b: {  	v2 =	vmov @!p3 s0;
	v3 =	vlaneseq.u32 @!p3;
	vm0 =	vgt.s32 @!p3 v1, $0x0  }
0x29c: {  	v3 =	vor.u32 @!p3 s0, v3;
	v4 =	vnsel @!p3 vm0, $0x0, v1;
	v2 =	vshll.u32 @!p3 v2, $0x3  }
0x29d: {  	v4 =	vmin.u32 @!p3 v4, $0x27;
	v3 =	vand.u32 @!p3 $0x7F, v3;
	v2 =	vand.u32 @!p3 $0x1C00, v2  }
0x29e: {  	v5 =	vshll.u32 @!p3 v4, $0xA;
	v4 =	vshll.u32 @!p3 v4, $0x7;
	v2 =	vor.u32 @!p3 v2, v3  }
0x29f: {  	v3 =	vand.u32 @!p3 $0xE000, v5;
	v4 =	vand.u32 @!p3 $0x380, v4  }
0x2a0: {  	vm0 =	vlt.u32 @!p3 v1, $0x28;
	v1 =	vor.u32 @!p3 v3, v2  }
0x2a1: {  	v1 =	vor.u32 @!p3 v4, v1;
	_ =	sdelay $0x3  }
0x2a2: {  	s28 =	simm.s32 @!p3 $0xA400  }
0x2a3: {  	v2 =	vld.idx.msk @!p3 [tilespmem:v1+s28+$0x0], vm0;
	_ =	sdelay $0x5  }
0x2a4: {  	v2 =	vmul.f32 @!p3 $1.562500000e-02, v2;
	_ =	sdelay $0x1  }
0x2a5: {  	v3 =	vmul.f32 @!p3 v2, v2;
	v2 =	vmul.f32 @!p3 $8.775825500e-01, v2;
	_ =	sdelay $0x1  }
0x2a6: {  	v3 =	vsub.f32 @!p3 $1.000000000e+00, v3;
	_ =	sdelay $0x1  }
0x2a7: {  	v3 =	vmax.f32 @!p3 v3, $9.999999960e-13  }
0x2a8: {  	v4 =	vshra.s32 @!p3 v3, $0x1  }
0x2a9: {  	v4 =	vadd.s32 @!p3 $0x1FBD1DF5, v4  }
0x2aa: {  	(erf) = vrcp.f32 @!p3 v4;
	_ =	sdelay $0x8  }
0x2ab: {  	v5 =	vpop @!p3 (erf)  }
0x2ac: {  	v5 =	vmul.f32 @!p3 v5, v3;
	_ =	sdelay $0x1  }
0x2ad: {  	v4 =	vadd.f32 @!p3 v4, v5;
	_ =	sdelay $0x1  }
0x2ae: {  	v4 =	vmul.f32 @!p3 $5.000000000e-01, v4;
	_ =	sdelay $0x1  }
0x2af: {  	(erf) = vrcp.f32 @!p3 v4;
	_ =	sdelay $0x8  }
0x2b0: {  	v5 =	vpop @!p3 (erf)  }
0x2b1: {  	v5 =	vmul.f32 @!p3 v5, v3;
	_ =	sdelay $0x1  }
0x2b2: {  	v4 =	vadd.f32 @!p3 v5, v4;
	_ =	sdelay $0x1  }
0x2b3: {  	v4 =	vmul.f32 @!p3 $5.000000000e-01, v4;
	_ =	sdelay $0x1  }
0x2b4: {  	(erf) = vrcp.f32 @!p3 v4;
	_ =	sdelay $0x8  }
0x2b5: {  	v5 =	vpop @!p3 (erf)  }
0x2b6: {  	v3 =	vmul.f32 @!p3 v5, v3;
	_ =	sdelay $0x1  }
0x2b7: {  	v3 =	vadd.f32 @!p3 v3, v4;
	_ =	sdelay $0x1  }
0x2b8: {  	v3 =	vmul.f32 @!p3 $5.000000000e-01, v3;
	_ =	sdelay $0x1  }
.Ltmp9:
0x2b9: {  	v3 =	vmul.f32 @!p3 $-4.794255500e-01, v3;
	(pc) =	sbr.rel @p4 .LBB2_12-.Ltmp9, $3  }
0x2ba: {  	_ = 	snop  }
0x2bb: {  	v2 =	vadd.f32 @!p3 v3, v2;
	_ =	sdelay $0x1  }
0x2bc: {  	v2 =	vmul.f32 @!p3 $6.400000000e+01, v2  }
0x2bd: {  	_ =	sdelay $0x2  }
0x2be: {  	s0 =	smul.u32 $0x1400, s24;
	_ =	sdelay $0x1  }
0x2bf: {  	[tilespmem:v1+s28+$0x0] =	vst.idx.msk @!p3 vm0, v2;
	s0 =	sadd.s32 s4, s0  }
0x2c0: {  	[hbm4b:s0+s5] =	stream.linear.scatter [tilespmem:s15], [sflag:$0x5], $0xA000, $0x38;
	[tilespmem:$0x1E400] =	vst v63  }
.LBB2_14:
0x2c1: {  	p3 =	sge.u32 s22, s10  }
0x2c2: {  	s0 =	simm.s32 @!p0 $0x4;
	s2 =	smul.u32 @!p3 $0xA000, s24  }
.Ltmp10:
0x2c3: {  	_ =	swait.ge @!p0 [sflag:s0], $0xA000;
	(pc) =	sbr.rel @p2 .LBB2_20-.Ltmp10, $4  }
0x2c4: {  	[sflag:s0] =	ssyncset.done @!p0 $0x0;
	s2 =	sshrl.u32 @!p3 s2, $0x3  }
0x2c5: {  	s23 =	sadd.s32 s6, s23;
	[sflag:s0] =	ssyncadd.s32 @!p0 $0xFFFF6000;
	s0 =	sadd.s32 @!p3 s1, s2  }
0x2c6: {  	s3 =	simm.s32 @!p3 $0x400;
	s2 =	simm.s32 @!p3 $0x0;
	s0 =	sadd.s32 @!p3 $0x2800, s0  }
0x2c7: {  	[tilespmem:s3], [sflag:$0x1] =	stream.linear.gather @!p3 [hbm4b:s0+s2], $0xA000, $0x38;
	[tilespmem:$0x1E400] =	vst v63  }
0x2c8: {  	_ =	swait.ge [sflag:s18], $0xA000;
	s24 =	simm.s32 $0x0;
	s0 =	simm.s32 $0x0  }
0x2c9: {  	[sflag:s18] =	ssyncset.done $0x0;
	s0 =	sand.u32 $0xE000, s0;
	s2 =	sand.u32 $0x380, s24  }
0x2ca: {  	[sflag:s18] =	ssyncadd.s32 $0xFFFF6000;
	s0 =	sor.u32 s2, s0  }
0x2cb: {  	v0 =	vld [tilespmem:s0+$0x14400]  }
0x2cc: {  	s28 =	sadd.s32 $0x14400, s0  }
0x2cd: {  	v1 =	vld [tilespmem:s28+$0x50]  }
0x2ce: {  	v2 =	vld [tilespmem:s28+$0x60]  }
0x2cf: {  	v3 =	vld [tilespmem:s28+$0x70]  }
0x2d0: {  	v4 =	vld [tilespmem:s28+$0x400];
	v0 =	vmul.f32 $6.400000000e+01, v0  }
0x2d1: {  	v5 =	vld [tilespmem:s28+$0x410]  }
0x2d2: {  	v6 =	vld [tilespmem:s28+$0x420];
	[tilespmem:s0+$0x14400] =	vst v0  }
0x2d3: {  	v1 =	vmul.f32 $6.400000000e+01, v1;
	v0 =	vld [tilespmem:s28+$0x430]  }
0x2d4: {  	v2 =	vmul.f32 $6.400000000e+01, v2;
	v7 =	vld [tilespmem:s28+$0x450]  }
0x2d5: {  	v8 =	vld [tilespmem:s28+$0x460];
	[tilespmem:s28+$0x50] =	vst v1;
	v1 =	vmul.f32 $6.400000000e+01, v3  }
0x2d6: {  	v9 =	vld [tilespmem:s28+$0x470];
	[tilespmem:s28+$0x60] =	vst v2;
	v2 =	vmul.f32 $6.400000000e+01, v4  }
0x2d7: {  	v3 =	vld [tilespmem:s28+$0x800];
	[tilespmem:s28+$0x70] =	vst v1;
	v1 =	vmul.f32 $6.400000000e+01, v5  }
0x2d8: {  	v4 =	vld [tilespmem:s28+$0x810];
	[tilespmem:s28+$0x400] =	vst v2;
	v2 =	vmul.f32 $6.400000000e+01, v6  }
0x2d9: {  	v57 =	vld [tilespmem:s28+$0xC00];
	[tilespmem:s28+$0x410] =	vst v1;
	v0 =	vmul.f32 $6.400000000e+01, v0  }
0x2da: {  	v5 =	vld [tilespmem:s28+$0x820];
	[tilespmem:s28+$0x420] =	vst v2;
	v2 =	vmul.f32 $6.400000000e+01, v7  }
0x2db: {  	v6 =	vld [tilespmem:s28+$0x830];
	[tilespmem:s28+$0x430] =	vst v0;
	v0 =	vmul.f32 $6.400000000e+01, v8  }
0x2dc: {  	v1 =	vld [tilespmem:s28+$0x850];
	[tilespmem:s28+$0x450] =	vst v2;
	v2 =	vmul.f32 $6.400000000e+01, v9  }
0x2dd: {  	v7 =	vld [tilespmem:s28+$0x860];
	[tilespmem:s28+$0x460] =	vst v0;
	v0 =	vmul.f32 $6.400000000e+01, v3  }
0x2de: {  	v8 =	vld [tilespmem:s28+$0x870];
	[tilespmem:s28+$0x470] =	vst v2;
	v2 =	vmul.f32 $6.400000000e+01, v4  }
0x2df: {  	v58 =	vld [tilespmem:s28+$0x1010];
	[tilespmem:s28+$0x800] =	vst v0;
	v0 =	vmul.f32 $6.400000000e+01, v5  }
0x2e0: {  	v3 =	vld [tilespmem:s28+$0xC10];
	[tilespmem:s28+$0x810] =	vst v2;
	v2 =	vmul.f32 $6.400000000e+01, v6  }
0x2e1: {  	v4 =	vld [tilespmem:s28+$0xC20];
	[tilespmem:s28+$0x820] =	vst v0;
	v0 =	vmul.f32 $6.400000000e+01, v1  }
0x2e2: {  	v5 =	vld [tilespmem:s28+$0xC30];
	[tilespmem:s28+$0x830] =	vst v2;
	v2 =	vmul.f32 $6.400000000e+01, v7  }
0x2e3: {  	v6 =	vld [tilespmem:s28+$0xC50];
	[tilespmem:s28+$0x850] =	vst v0;
	v0 =	vmul.f32 $6.400000000e+01, v8  }
0x2e4: {  	v1 =	vld [tilespmem:s28+$0xC60];
	[tilespmem:s28+$0x860] =	vst v2;
	v2 =	vmul.f32 $6.400000000e+01, v57  }
0x2e5: {  	v7 =	vld [tilespmem:s28+$0xC70];
	[tilespmem:s28+$0x870] =	vst v0;
	v0 =	vmul.f32 $6.400000000e+01, v3  }
0x2e6: {  	v8 =	vld [tilespmem:s28+$0x1000];
	[tilespmem:s28+$0xC00] =	vst v2;
	v2 =	vmul.f32 $6.400000000e+01, v4  }
0x2e7: {  	v59 =	vld [tilespmem:s28+$0x1420];
	[tilespmem:s28+$0xC10] =	vst v0;
	v0 =	vmul.f32 $6.400000000e+01, v5  }
0x2e8: {  	v3 =	vld [tilespmem:s28+$0x1020];
	[tilespmem:s28+$0xC20] =	vst v2;
	v2 =	vmul.f32 $6.400000000e+01, v6  }
0x2e9: {  	v4 =	vld [tilespmem:s28+$0x1030];
	[tilespmem:s28+$0xC30] =	vst v0;
	v0 =	vmul.f32 $6.400000000e+01, v1  }
0x2ea: {  	v5 =	vld [tilespmem:s28+$0x1050];
	[tilespmem:s28+$0xC50] =	vst v2;
	v2 =	vmul.f32 $6.400000000e+01, v7  }
0x2eb: {  	v6 =	vld [tilespmem:s28+$0x1060];
	[tilespmem:s28+$0xC60] =	vst v0;
	v0 =	vmul.f32 $6.400000000e+01, v8  }
0x2ec: {  	v1 =	vld [tilespmem:s28+$0x1070];
	[tilespmem:s28+$0xC70] =	vst v2;
	v2 =	vmul.f32 $6.400000000e+01, v58  }
0x2ed: {  	v7 =	vld [tilespmem:s28+$0x1400];
	[tilespmem:s28+$0x1000] =	vst v0;
	v0 =	vmul.f32 $6.400000000e+01, v3  }
0x2ee: {  	v8 =	vld [tilespmem:s28+$0x1410];
	[tilespmem:s28+$0x1010] =	vst v2;
	v2 =	vmul.f32 $6.400000000e+01, v4  }
0x2ef: {  	v60 =	vld [tilespmem:s28+$0x1830];
	[tilespmem:s28+$0x1020] =	vst v0;
	v0 =	vmul.f32 $6.400000000e+01, v5  }
0x2f0: {  	v3 =	vld [tilespmem:s28+$0x1430];
	[tilespmem:s28+$0x1030] =	vst v2;
	v2 =	vmul.f32 $6.400000000e+01, v6  }
0x2f1: {  	v4 =	vld [tilespmem:s28+$0x1450];
	[tilespmem:s28+$0x1050] =	vst v0;
	v0 =	vmul.f32 $6.400000000e+01, v1  }
0x2f2: {  	v5 =	vld [tilespmem:s28+$0x1460];
	[tilespmem:s28+$0x1060] =	vst v2;
	v2 =	vmul.f32 $6.400000000e+01, v7  }
0x2f3: {  	v6 =	vld [tilespmem:s28+$0x1470];
	[tilespmem:s28+$0x1070] =	vst v0;
	v0 =	vmul.f32 $6.400000000e+01, v8  }
0x2f4: {  	v1 =	vld [tilespmem:s28+$0x1800];
	[tilespmem:s28+$0x1400] =	vst v2;
	v2 =	vmul.f32 $6.400000000e+01, v59  }
0x2f5: {  	s25 =	simm.s32 $0x80;
	s26 =	simm.s32 $0x400;
	v7 =	vld [tilespmem:s28+$0x1810];
	[tilespmem:s28+$0x1410] =	vst v0;
	v0 =	vmul.f32 $6.400000000e+01, v3  }
0x2f6: {  	s2 =	sand.u32 $0xE000, s26;
	s0 =	sand.u32 $0x380, s25;
	v3 =	vld [tilespmem:s28+$0x1850];
	[tilespmem:s28+$0x1420] =	vst v2;
	v2 =	vmul.f32 $6.400000000e+01, v4  }
0x2f7: {  	s0 =	sor.u32 s0, s2;
	v4 =	vld [tilespmem:s28+$0x1860];
	[tilespmem:s28+$0x1430] =	vst v0;
	v0 =	vmul.f32 $6.400000000e+01, v5  }
0x2f8: {  	s25 =	sadd.s32 $0x14400, s0;
	v8 =	vld [tilespmem:s28+$0x1820];
	[tilespmem:s28+$0x1450] =	vst v2;
	v2 =	vmul.f32 $6.400000000e+01, v6  }
0x2f9: {  	v61 =	vld [tilespmem:s25+$0x400];
	[tilespmem:s28+$0x1460] =	vst v0;
	v0 =	vmul.f32 $6.400000000e+01, v1  }
0x2fa: {  	v6 =	vld [tilespmem:s0+$0x14400];
	[tilespmem:s28+$0x1470] =	vst v2;
	v2 =	vmul.f32 $6.400000000e+01, v7  }
0x2fb: {  	v5 =	vld [tilespmem:s28+$0x1870];
	v3 =	vmul.f32 $6.400000000e+01, v3;
	[tilespmem:s28+$0x1800] =	vst v0  }
0x2fc: {  	v1 =	vld [tilespmem:s25+$0x50];
	v4 =	vmul.f32 $6.400000000e+01, v4;
	[tilespmem:s28+$0x1810] =	vst v2  }
0x2fd: {  	v7 =	vld [tilespmem:s25+$0x60];
	v0 =	vmul.f32 $6.400000000e+01, v8;
	[tilespmem:s28+$0x1850] =	vst v3  }
0x2fe: {  	v8 =	vld [tilespmem:s25+$0x70];
	v2 =	vmul.f32 $6.400000000e+01, v60;
	[tilespmem:s28+$0x1860] =	vst v4  }
0x2ff: {  	[tilespmem:s28+$0x1820] =	vst v0;
	v0 =	vmul.f32 $6.400000000e+01, v6;
	v6 =	vld [tilespmem:s25+$0x410]  }
0x300: {  	v5 =	vmul.f32 $6.400000000e+01, v5;
	[tilespmem:s28+$0x1830] =	vst v2;
	v2 =	vld [tilespmem:s25+$0x420]  }
0x301: {  	v1 =	vmul.f32 $6.400000000e+01, v1;
	[tilespmem:s0+$0x14400] =	vst v0;
	v0 =	vld [tilespmem:s28+$0x10]  }
0x302: {  	v7 =	vmul.f32 $6.400000000e+01, v7;
	[tilespmem:s28+$0x1870] =	vst v5  }
0x303: {  	v9 =	vmul.f32 $6.400000000e+01, v61;
	[tilespmem:s25+$0x50] =	vst v1;
	v1 =	vld [tilespmem:s28+$0x20]  }
0x304: {  	[tilespmem:s25+$0x60] =	vst v7;
	v7 =	vld [tilespmem:s28+$0x30];
	v8 =	vmul.f32 $6.400000000e+01, v8  }
0x305: {  	v3 =	vld [tilespmem:s25+$0x430];
	[tilespmem:s25+$0x400] =	vst v9;
	v6 =	vmul.f32 $6.400000000e+01, v6  }
0x306: {  	v5 =	vld [tilespmem:s25+$0x460];
	[tilespmem:s25+$0x70] =	vst v8;
	v0 =	vmul.f32 $6.400000000e+01, v0  }
0x307: {  	v8 =	vld [tilespmem:s28+$0x40];
	v2 =	vmul.f32 $6.400000000e+01, v2;
	[tilespmem:s25+$0x410] =	vst v6  }
0x308: {  	v1 =	vmul.f32 $6.400000000e+01, v1;
	[tilespmem:s28+$0x10] =	vst v0;
	v0 =	vld [tilespmem:s25+$0x470]  }
0x309: {  	v4 =	vld [tilespmem:s25+$0x450];
	[tilespmem:s25+$0x420] =	vst v2;
	v7 =	vmul.f32 $6.400000000e+01, v7  }
0x30a: {  	v62 =	vld [tilespmem:s28+$0x440];
	v3 =	vmul.f32 $6.400000000e+01, v3;
	[tilespmem:s28+$0x20] =	vst v1  }
0x30b: {  	v6 =	vld [tilespmem:s28+$0x840];
	v5 =	vmul.f32 $6.400000000e+01, v5;
	[tilespmem:s28+$0x30] =	vst v7  }
0x30c: {  	s3 =	sand.u32 $0x7, s24;
	v2 =	vld [tilespmem:s28+$0xC40];
	v8 =	vmul.f32 $6.400000000e+01, v8;
	[tilespmem:s25+$0x430] =	vst v3  }
0x30d: {  	s0 =	sshll.u32 s3, $0x7;
	v3 =	vld [tilespmem:s28+$0x1040];
	[tilespmem:s25+$0x460] =	vst v5;
	v0 =	vmul.f32 $6.400000000e+01, v0  }
0x30e: {  	s26 =	sadd.s32 $0x0, s0;
	v4 =	vmul.f32 $6.400000000e+01, v4;
	v5 =	vld [tilespmem:s28+$0x1440];
	[tilespmem:s28+$0x40] =	vst v8  }
0x30f: {  	v9 =	vmul.f32 $6.400000000e+01, v62;
	s0 =	sor.u32 $0x1C00, s26;
	[tilespmem:s25+$0x470] =	vst v0;
	v0 =	vld [tilespmem:s28+$0x1840]  }
0x310: {  	[tilespmem:s25+$0x450] =	vst v4;
	v6 =	vmul.f32 $6.400000000e+01, v6;
	v4 =	vld [tilespmem:s0+$0x14400]  }
0x311: {  	v63 =	vld [tilespmem:s25+$0x830];
	v2 =	vmul.f32 $6.400000000e+01, v2;
	[tilespmem:s28+$0x440] =	vst v9  }
0x312: {  	[tilespmem:s28+$0x840] =	vst v6;
	v3 =	vmul.f32 $6.400000000e+01, v3  }
0x313: {  	v1 =	vld [tilespmem:s25+$0x800];
	[tilespmem:s28+$0xC40] =	vst v2;
	v5 =	vmul.f32 $6.400000000e+01, v5  }
0x314: {  	[tilespmem:s28+$0x1040] =	vst v3;
	v0 =	vmul.f32 $6.400000000e+01, v0  }
0x315: {  	v7 =	vld [tilespmem:s25+$0x810];
	[tilespmem:s28+$0x1440] =	vst v5;
	v4 =	vmul.f32 $6.400000000e+01, v4  }
0x316: {  	[tilespmem:s28+$0x1840] =	vst v0;
	v0 =	vmul.f32 $6.400000000e+01, v63  }
0x317: {  	s8 =	sor.u32 $0x1C10, s26;
	v8 =	vld [tilespmem:s25+$0x820];
	[tilespmem:s0+$0x14400] =	vst v4  }
0x318: {  	v1 =	vmul.f32 $6.400000000e+01, v1;
	[tilespmem:s25+$0x830] =	vst v0;
	v0 =	vld [tilespmem:s8+$0x14400]  }
0x319: {  	v5 =	vld [tilespmem:s25+$0xC00]  }
0x31a: {  	v6 =	vld [tilespmem:s25+$0x850];
	[tilespmem:s25+$0x800] =	vst v1;
	v1 =	vmul.f32 $6.400000000e+01, v7;
	_ =	sdelay $0x1  }
0x31b: {  	[tilespmem:s25+$0x810] =	vst v1;
	v1 =	vmul.f32 $6.400000000e+01, v8  }
0x31c: {  	v0 =	vmul.f32 $6.400000000e+01, v0  }
0x31d: {  	v2 =	vld [tilespmem:s25+$0x860];
	[tilespmem:s25+$0x820] =	vst v1;
	v5 =	vmul.f32 $6.400000000e+01, v5  }
0x31e: {  	s2 =	sor.u32 $0x1C20, s26;
	v1 =	vld [tilespmem:s25+$0xC10];
	v4 =	vmul.f32 $6.400000000e+01, v6;
	[tilespmem:s8+$0x14400] =	vst v0  }
0x31f: {  	[tilespmem:s25+$0xC00] =	vst v5;
	v5 =	vld [tilespmem:s2+$0x14400]  }
0x320: {  	[tilespmem:s25+$0x850] =	vst v4;
	v4 =	vld [tilespmem:s25+$0xC30];
	_ =	sdelay $0x1  }
0x321: {  	v2 =	vmul.f32 $6.400000000e+01, v2  }
0x322: {  	v3 =	vld [tilespmem:s25+$0x870];
	v1 =	vmul.f32 $6.400000000e+01, v1  }
0x323: {  	[tilespmem:s25+$0x860] =	vst v2;
	v6 =	vld [tilespmem:s25+$0xC20];
	v5 =	vmul.f32 $6.400000000e+01, v5  }
0x324: {  	[tilespmem:s25+$0xC10] =	vst v1;
	v1 =	vld [tilespmem:s25+$0x1000];
	v4 =	vmul.f32 $6.400000000e+01, v4  }
0x325: {  	s3 =	sor.u32 $0x1C30, s26;
	v2 =	vld [tilespmem:s25+$0xC50];
	[tilespmem:s2+$0x14400] =	vst v5  }
0x326: {  	[tilespmem:s25+$0xC30] =	vst v4;
	v4 =	vld [tilespmem:s3+$0x14400]  }
0x327: {  	v3 =	vmul.f32 $6.400000000e+01, v3  }
0x328: {  	v6 =	vmul.f32 $6.400000000e+01, v6;
	v0 =	vld [tilespmem:s25+$0xC70]  }
0x329: {  	[tilespmem:s25+$0x870] =	vst v3;
	v3 =	vld [tilespmem:s25+$0xC60];
	v1 =	vmul.f32 $6.400000000e+01, v1  }
0x32a: {  	v7 =	vld [tilespmem:s25+$0x1020];
	v2 =	vmul.f32 $6.400000000e+01, v2;
	[tilespmem:s25+$0xC20] =	vst v6  }
0x32b: {  	v6 =	vld [tilespmem:s25+$0x1010];
	[tilespmem:s25+$0x1000] =	vst v1;
	v1 =	vmul.f32 $6.400000000e+01, v4  }
0x32c: {  	[tilespmem:s25+$0xC50] =	vst v2;
	v2 =	vld [tilespmem:s25+$0x1030]  }
0x32d: {  	s8 =	sor.u32 $0x1C40, s26;
	v0 =	vmul.f32 $6.400000000e+01, v0;
	[tilespmem:s3+$0x14400] =	vst v1  }
0x32e: {  	v3 =	vmul.f32 $6.400000000e+01, v3;
	v1 =	vld [tilespmem:s8+$0x14400]  }
0x32f: {  	[tilespmem:s25+$0xC70] =	vst v0;
	v0 =	vld [tilespmem:s25+$0x1060]  }
0x330: {  	[tilespmem:s25+$0xC60] =	vst v3;
	v3 =	vld [tilespmem:s25+$0x1050];
	v5 =	vmul.f32 $6.400000000e+01, v6;
	v6 =	vmul.f32 $6.400000000e+01, v7  }
0x331: {  	v2 =	vmul.f32 $6.400000000e+01, v2  }
0x332: {  	[tilespmem:s25+$0x1020] =	vst v6;
	v6 =	vld [tilespmem:s25+$0x1410]  }
0x333: {  	[tilespmem:s25+$0x1030] =	vst v2;
	v4 =	vld [tilespmem:s25+$0x1070];
	v2 =	vmul.f32 $6.400000000e+01, v1  }
0x334: {  	v7 =	vld [tilespmem:s25+$0x1400];
	v0 =	vmul.f32 $6.400000000e+01, v0  }
0x335: {  	s31 =	sor.u32 $0x1C50, s26;
	v8 =	vld [tilespmem:s25+$0x1420];
	v3 =	vmul.f32 $6.400000000e+01, v3;
	[tilespmem:s8+$0x14400] =	vst v2  }
0x336: {  	[tilespmem:s25+$0x1060] =	vst v0;
	v0 =	vld [tilespmem:s31+$0x14400]  }
0x337: {  	[tilespmem:s25+$0x1050] =	vst v3;
	v6 =	vmul.f32 $6.400000000e+01, v6;
	v1 =	vld [tilespmem:s25+$0x1430]  }
0x338: {  	[tilespmem:s25+$0x1010] =	vst v5;
	v5 =	vld [tilespmem:s25+$0x1450];
	v3 =	vmul.f32 $6.400000000e+01, v4  }
0x339: {  	[tilespmem:s25+$0x1410] =	vst v6;
	v4 =	vmul.f32 $6.400000000e+01, v7;
	v2 =	vld [tilespmem:s25+$0x1460]  }
0x33a: {  	v6 =	vmul.f32 $6.400000000e+01, v8;
	[tilespmem:s25+$0x1070] =	vst v3;
	v3 =	vld [tilespmem:s25+$0x1470]  }
0x33b: {  	s29 =	simm.s32 $0xFFFF6400;
	s30 =	simm.s32 $0x100;
	s28 =	simm.s32 $0x0;
	[tilespmem:s25+$0x1400] =	vst v4;
	v4 =	vld [tilespmem:s25+$0x1800];
	v0 =	vmul.f32 $6.400000000e+01, v0  }
.LBB2_16:
0x33c: {  	p0 =	seq.s32 s30, $0x1380;
	[tilespmem:s25+$0x1420] =	vst v6;
	v1 =	vmul.f32 $6.400000000e+01, v1;
	v6 =	vld [tilespmem:s25+$0x1810]  }
0x33d: {  	s0 =	sor.u32 $0x1C60, s26;
	v5 =	vmul.f32 $6.400000000e+01, v5;
	v7 =	vld [tilespmem:s25+$0x1820];
	[tilespmem:s31+$0x14400] =	vst v0  }
0x33e: {  	[tilespmem:s25+$0x1430] =	vst v1;
	v0 =	vmul.f32 $6.400000000e+01, v2;
	v1 =	vld [tilespmem:s0+$0x14400]  }
0x33f: {  	[tilespmem:s25+$0x1450] =	vst v5;
	v2 =	vmul.f32 $6.400000000e+01, v3;
	v3 =	vld [tilespmem:s25+$0x1830]  }
0x340: {  	[tilespmem:s25+$0x1460] =	vst v0;
	v0 =	vmul.f32 $6.400000000e+01, v4;
	v4 =	vld [tilespmem:s25+$0x1850]  }
0x341: {  	[tilespmem:s25+$0x1470] =	vst v2;
	v2 =	vmul.f32 $6.400000000e+01, v6;
	v5 =	vld [tilespmem:s25+$0x1860]  }
0x342: {  	[tilespmem:s25+$0x1800] =	vst v0;
	v0 =	vmul.f32 $6.400000000e+01, v7;
	v6 =	vld [tilespmem:s25+$0x1870]  }
0x343: {  	v7 =	vld [tilespmem:s25+$0x10];
	[tilespmem:s25+$0x1810] =	vst v2;
	v1 =	vmul.f32 $6.400000000e+01, v1  }
0x344: {  	v2 =	vld [tilespmem:s25+$0x20];
	[tilespmem:s25+$0x1820] =	vst v0;
	v0 =	vmul.f32 $6.400000000e+01, v3  }
0x345: {  	v3 =	vld [tilespmem:s25+$0x30];
	v4 =	vmul.f32 $6.400000000e+01, v4;
	[tilespmem:s0+$0x14400] =	vst v1;
	s0 =	sor.u32 $0x1C70, s26  }
0x346: {  	[tilespmem:s25+$0x1830] =	vst v0;
	v0 =	vmul.f32 $6.400000000e+01, v5;
	v1 =	vld [tilespmem:s0+$0x14400]  }
0x347: {  	v5 =	vld [tilespmem:s25+$0x40];
	[tilespmem:s25+$0x1850] =	vst v4;
	v4 =	vmul.f32 $6.400000000e+01, v6  }
0x348: {  	v6 =	vmul.f32 $6.400000000e+01, v7;
	v7 =	vld [tilespmem:s25+$0x440];
	[tilespmem:s25+$0x1860] =	vst v0  }
0x349: {  	s24 =	sadd.s32 $0x1, s24;
	v0 =	vmul.f32 $6.400000000e+01, v2;
	v2 =	vld [tilespmem:s25+$0x840];
	[tilespmem:s25+$0x1870] =	vst v4  }
0x34a: {  	s2 =	sand.u32 $0x7, s24;
	[tilespmem:s25+$0x10] =	vst v6;
	v3 =	vmul.f32 $6.400000000e+01, v3;
	v4 =	vld [tilespmem:s25+$0xC40]  }
0x34b: {  	s29 =	sadd.s32 $0x400, s29;
	s28 =	sadd.s32 $0x400, s28;
	s2 =	sshll.u32 s2, $0x7;
	[tilespmem:s25+$0x20] =	vst v0;
	v0 =	vld [tilespmem:s25+$0x1040];
	v1 =	vmul.f32 $6.400000000e+01, v1  }
0x34c: {  	s3 =	sadd.s32 $0xA000, s29;
	s26 =	sadd.s32 s2, s28;
	[tilespmem:s25+$0x30] =	vst v3;
	v3 =	vmul.f32 $6.400000000e+01, v5;
	v5 =	vld [tilespmem:s25+$0x1440]  }
0x34d: {  	s2 =	sand.u32 $0xE000, s3;
	s3 =	sand.u32 $0x380, s30;
	s8 =	sor.u32 $0x1C00, s26;
	v6 =	vmul.f32 $6.400000000e+01, v7;
	v7 =	vld [tilespmem:s25+$0x1840];
	[tilespmem:s0+$0x14400] =	vst v1  }
0x34e: {  	s0 =	sor.u32 s3, s2;
	[tilespmem:s25+$0x40] =	vst v3;
	v1 =	vmul.f32 $6.400000000e+01, v2;
	v2 =	vld [tilespmem:s8+$0x14400]  }
0x34f: {  	s2 =	sadd.s32 $0x14400, s0;
	v3 =	vld [tilespmem:s0+$0x14400];
	[tilespmem:s25+$0x440] =	vst v6;
	v4 =	vmul.f32 $6.400000000e+01, v4  }
0x350: {  	v6 =	vld [tilespmem:s2+$0x50];
	[tilespmem:s25+$0x840] =	vst v1;
	v0 =	vmul.f32 $6.400000000e+01, v0  }
0x351: {  	v1 =	vld [tilespmem:s2+$0x60];
	[tilespmem:s25+$0xC40] =	vst v4;
	v4 =	vmul.f32 $6.400000000e+01, v5  }
0x352: {  	v5 =	vld [tilespmem:s2+$0x70];
	[tilespmem:s25+$0x1040] =	vst v0;
	v0 =	vmul.f32 $6.400000000e+01, v7  }
0x353: {  	v7 =	vld [tilespmem:s2+$0x400];
	[tilespmem:s25+$0x1440] =	vst v4;
	v2 =	vmul.f32 $6.400000000e+01, v2  }
0x354: {  	v3 =	vmul.f32 $6.400000000e+01, v3;
	v4 =	vld [tilespmem:s2+$0x410];
	[tilespmem:s25+$0x1840] =	vst v0;
	s25 =	smov.u32 s2  }
0x355: {  	s2 =	sor.u32 $0x1C10, s26;
	v0 =	vmul.f32 $6.400000000e+01, v6;
	v6 =	vld [tilespmem:s25+$0x420];
	[tilespmem:s8+$0x14400] =	vst v2  }
0x356: {  	[tilespmem:s0+$0x14400] =	vst v3;
	v1 =	vmul.f32 $6.400000000e+01, v1;
	v2 =	vld [tilespmem:s2+$0x14400]  }
0x357: {  	[tilespmem:s25+$0x50] =	vst v0;
	v0 =	vmul.f32 $6.400000000e+01, v5;
	v3 =	vld [tilespmem:s25+$0x430]  }
0x358: {  	[tilespmem:s25+$0x60] =	vst v1;
	v1 =	vmul.f32 $6.400000000e+01, v7;
	v5 =	vld [tilespmem:s25+$0x450]  }
0x359: {  	[tilespmem:s25+$0x70] =	vst v0;
	v0 =	vmul.f32 $6.400000000e+01, v4;
	v4 =	vld [tilespmem:s25+$0x460]  }
0x35a: {  	[tilespmem:s25+$0x400] =	vst v1;
	v1 =	vmul.f32 $6.400000000e+01, v6;
	v6 =	vld [tilespmem:s25+$0x470]  }
0x35b: {  	[tilespmem:s25+$0x410] =	vst v0;
	v0 =	vld [tilespmem:s25+$0x800];
	v2 =	vmul.f32 $6.400000000e+01, v2  }
0x35c: {  	[tilespmem:s25+$0x420] =	vst v1;
	v1 =	vmul.f32 $6.400000000e+01, v3;
	v3 =	vld [tilespmem:s25+$0x810]  }
0x35d: {  	s0 =	sor.u32 $0x1C20, s26;
	v5 =	vmul.f32 $6.400000000e+01, v5;
	v7 =	vld [tilespmem:s25+$0x820];
	[tilespmem:s2+$0x14400] =	vst v2  }
0x35e: {  	[tilespmem:s25+$0x430] =	vst v1;
	v1 =	vmul.f32 $6.400000000e+01, v4;
	v2 =	vld [tilespmem:s0+$0x14400]  }
0x35f: {  	[tilespmem:s25+$0x450] =	vst v5;
	v4 =	vmul.f32 $6.400000000e+01, v6;
	v5 =	vld [tilespmem:s25+$0x830]  }
0x360: {  	[tilespmem:s25+$0x460] =	vst v1;
	v0 =	vmul.f32 $6.400000000e+01, v0;
	v1 =	vld [tilespmem:s25+$0x850]  }
0x361: {  	[tilespmem:s25+$0x470] =	vst v4;
	v3 =	vmul.f32 $6.400000000e+01, v3;
	v4 =	vld [tilespmem:s25+$0x860]  }
0x362: {  	[tilespmem:s25+$0x800] =	vst v0;
	v0 =	vmul.f32 $6.400000000e+01, v7;
	v6 =	vld [tilespmem:s25+$0x870]  }
0x363: {  	[tilespmem:s25+$0x810] =	vst v3;
	v3 =	vld [tilespmem:s25+$0xC00];
	v2 =	vmul.f32 $6.400000000e+01, v2  }
0x364: {  	[tilespmem:s25+$0x820] =	vst v0;
	v0 =	vmul.f32 $6.400000000e+01, v5;
	v5 =	vld [tilespmem:s25+$0xC10]  }
0x365: {  	v1 =	vmul.f32 $6.400000000e+01, v1;
	v7 =	vld [tilespmem:s25+$0xC20];
	[tilespmem:s0+$0x14400] =	vst v2;
	s0 =	sor.u32 $0x1C30, s26  }
0x366: {  	[tilespmem:s25+$0x830] =	vst v0;
	v0 =	vmul.f32 $6.400000000e+01, v4;
	v2 =	vld [tilespmem:s0+$0x14400]  }
0x367: {  	[tilespmem:s25+$0x850] =	vst v1;
	v1 =	vmul.f32 $6.400000000e+01, v6;
	v4 =	vld [tilespmem:s25+$0xC30]  }
0x368: {  	[tilespmem:s25+$0x860] =	vst v0;
	v0 =	vmul.f32 $6.400000000e+01, v3;
	v3 =	vld [tilespmem:s25+$0xC50]  }
0x369: {  	[tilespmem:s25+$0x870] =	vst v1;
	v1 =	vmul.f32 $6.400000000e+01, v5;
	v5 =	vld [tilespmem:s25+$0xC60]  }
0x36a: {  	[tilespmem:s25+$0xC00] =	vst v0;
	v0 =	vmul.f32 $6.400000000e+01, v7;
	v6 =	vld [tilespmem:s25+$0xC70]  }
0x36b: {  	[tilespmem:s25+$0xC10] =	vst v1;
	v1 =	vld [tilespmem:s25+$0x1000];
	v2 =	vmul.f32 $6.400000000e+01, v2  }
0x36c: {  	[tilespmem:s25+$0xC20] =	vst v0;
	v0 =	vmul.f32 $6.400000000e+01, v4;
	v4 =	vld [tilespmem:s25+$0x1010]  }
0x36d: {  	v3 =	vmul.f32 $6.400000000e+01, v3;
	v7 =	vld [tilespmem:s25+$0x1020];
	[tilespmem:s0+$0x14400] =	vst v2;
	s0 =	sor.u32 $0x1C40, s26  }
0x36e: {  	[tilespmem:s25+$0xC30] =	vst v0;
	v0 =	vmul.f32 $6.400000000e+01, v5;
	v2 =	vld [tilespmem:s0+$0x14400]  }
0x36f: {  	[tilespmem:s25+$0xC50] =	vst v3;
	v3 =	vmul.f32 $6.400000000e+01, v6;
	v5 =	vld [tilespmem:s25+$0x1030]  }
0x370: {  	[tilespmem:s25+$0xC60] =	vst v0;
	v0 =	vmul.f32 $6.400000000e+01, v1;
	v1 =	vld [tilespmem:s25+$0x1050]  }
0x371: {  	[tilespmem:s25+$0xC70] =	vst v3;
	v3 =	vmul.f32 $6.400000000e+01, v4;
	v4 =	vld [tilespmem:s25+$0x1060]  }
0x372: {  	[tilespmem:s25+$0x1000] =	vst v0;
	v0 =	vmul.f32 $6.400000000e+01, v7;
	v6 =	vld [tilespmem:s25+$0x1070]  }
0x373: {  	[tilespmem:s25+$0x1010] =	vst v3;
	v3 =	vld [tilespmem:s25+$0x1400];
	v2 =	vmul.f32 $6.400000000e+01, v2  }
0x374: {  	[tilespmem:s25+$0x1020] =	vst v0;
	v0 =	vmul.f32 $6.400000000e+01, v5;
	v7 =	vld [tilespmem:s25+$0x1410]  }
0x375: {  	s31 =	sor.u32 $0x1C50, s26;
	v1 =	vmul.f32 $6.400000000e+01, v1;
	v8 =	vld [tilespmem:s25+$0x1420];
	[tilespmem:s0+$0x14400] =	vst v2  }
0x376: {  	[tilespmem:s25+$0x1030] =	vst v0;
	v0 =	vmul.f32 $6.400000000e+01, v4;
	v9 =	vld [tilespmem:s31+$0x14400]  }
.Ltmp11:
0x377: {  	[tilespmem:s25+$0x1050] =	vst v1;
	v2 =	vmul.f32 $6.400000000e+01, v6;
	v1 =	vld [tilespmem:s25+$0x1430];
	(pc) =	sbr.rel @!p0 .LBB2_16-.Ltmp11, $4  }
0x378: {  	[tilespmem:s25+$0x1060] =	vst v0;
	v0 =	vmul.f32 $6.400000000e+01, v3;
	v5 =	vld [tilespmem:s25+$0x1450]  }
0x379: {  	[tilespmem:s25+$0x1070] =	vst v2;
	v4 =	vmul.f32 $6.400000000e+01, v7;
	v2 =	vld [tilespmem:s25+$0x1460]  }
0x37a: {  	[tilespmem:s25+$0x1400] =	vst v0;
	v6 =	vmul.f32 $6.400000000e+01, v8;
	v3 =	vld [tilespmem:s25+$0x1470]  }
0x37b: {  	s30 =	sadd.s32 $0x80, s30;
	[tilespmem:s25+$0x1410] =	vst v4;
	v4 =	vld [tilespmem:s25+$0x1800];
	v0 =	vmul.f32 $6.400000000e+01, v9  }
0x37c: {  	v1 =	vmul.f32 $6.400000000e+01, v1  }
0x37d: {  	v52 =	vld [tilespmem:s25+$0x1810]  }
0x37e: {  	v7 =	vld [tilespmem:s25+$0x1820];
	[tilespmem:s25+$0x1430] =	vst v1;
	v1 =	vmul.f32 $6.400000000e+01, v2  }
0x37f: {  	[tilespmem:s25+$0x1420] =	vst v6;
	v2 =	vld [tilespmem:s25+$0x1830];
	v3 =	vmul.f32 $6.400000000e+01, v3  }
0x380: {  	v5 =	vmul.f32 $6.400000000e+01, v5;
	[tilespmem:s25+$0x1460] =	vst v1;
	v1 =	vld [tilespmem:s25+$0x1850]  }
0x381: {  	v4 =	vmul.f32 $6.400000000e+01, v4;
	[tilespmem:s25+$0x1470] =	vst v3;
	v3 =	vld [tilespmem:s25+$0x1860]  }
0x382: {  	v54 =	vld [tilespmem:s25+$0x1870];
	[tilespmem:s25+$0x1450] =	vst v5;
	v53 =	vmul.f32 $6.400000000e+01, v52  }
0x383: {  	v55 =	vld [tilespmem:s25+$0x10];
	v7 =	vmul.f32 $6.400000000e+01, v7;
	[tilespmem:s25+$0x1800] =	vst v4  }
0x384: {  	v57 =	vld [tilespmem:s25+$0x30];
	[tilespmem:s25+$0x1810] =	vst v53;
	v2 =	vmul.f32 $6.400000000e+01, v2  }
0x385: {  	v56 =	vld [tilespmem:s25+$0x20];
	[tilespmem:s25+$0x1820] =	vst v7;
	v1 =	vmul.f32 $6.400000000e+01, v1  }
0x386: {  	[tilespmem:s25+$0x1830] =	vst v2;
	v2 =	vld [tilespmem:s25+$0x40];
	v3 =	vmul.f32 $6.400000000e+01, v3  }
0x387: {  	v5 =	vmul.f32 $6.400000000e+01, v54;
	[tilespmem:s25+$0x1850] =	vst v1  }
0x388: {  	v1 =	vld [tilespmem:s25+$0x440];
	[tilespmem:s25+$0x1860] =	vst v3;
	v3 =	vmul.f32 $6.400000000e+01, v55  }
0x389: {  	v58 =	vld [tilespmem:s25+$0x840];
	s0 =	sadd.s32 $0x1, s24;
	v59 =	vmul.f32 $6.400000000e+01, v57;
	[tilespmem:s25+$0x1870] =	vst v5  }
0x38a: {  	s0 =	sand.u32 $0x7, s0;
	v4 =	vmul.f32 $6.400000000e+01, v56;
	[tilespmem:s25+$0x10] =	vst v3;
	v3 =	vld [tilespmem:s25+$0xC40]  }
0x38b: {  	v60 =	vld [tilespmem:s25+$0x1040];
	s2 =	sadd.s32 $0x400, s28;
	s0 =	sshll.u32 s0, $0x7;
	[tilespmem:s25+$0x30] =	vst v59;
	v2 =	vmul.f32 $6.400000000e+01, v2  }
0x38c: {  	v61 =	vld [tilespmem:s25+$0x1440];
	s0 =	sadd.s32 s0, s2;
	[tilespmem:s25+$0x20] =	vst v4  }
0x38d: {  	v62 =	vld [tilespmem:s25+$0x1840];
	s2 =	sor.u32 $0x1C00, s0;
	v1 =	vmul.f32 $6.400000000e+01, v1;
	[tilespmem:s25+$0x40] =	vst v2  }
0x38e: {  	v2 =	vmul.f32 $6.400000000e+01, v58;
	v63 =	vld [tilespmem:s2+$0x14400]  }
0x38f: {  	[tilespmem:s25+$0x440] =	vst v1;
	v1 =	vmul.f32 $6.400000000e+01, v3  }
0x390: {  	[tilespmem:s25+$0x840] =	vst v2;
	v2 =	vmul.f32 $6.400000000e+01, v60  }
0x391: {  	[tilespmem:s25+$0xC40] =	vst v1;
	v1 =	vmul.f32 $6.400000000e+01, v61  }
0x392: {  	[tilespmem:s25+$0x1040] =	vst v2;
	v2 =	vmul.f32 $6.400000000e+01, v62  }
0x393: {  	[tilespmem:s25+$0x1440] =	vst v1;
	v1 =	vmul.f32 $6.400000000e+01, v63  }
0x394: {  	[tilespmem:s25+$0x1840] =	vst v2  }
0x395: {  	s30 =	sor.u32 $0x1C10, s0;
	[tilespmem:s2+$0x14400] =	vst v1  }
0x396: {  	v1 =	vld [tilespmem:s30+$0x14400];
	_ =	sdelay $0x4  }
0x397: {  	v1 =	vmul.f32 $6.400000000e+01, v1;
	_ =	sdelay $0x1  }
0x398: {  	s3 =	sor.u32 $0x1C20, s0;
	[tilespmem:s30+$0x14400] =	vst v1  }
0x399: {  	v1 =	vld [tilespmem:s3+$0x14400];
	_ =	sdelay $0x4  }
0x39a: {  	v1 =	vmul.f32 $6.400000000e+01, v1;
	_ =	sdelay $0x1  }
0x39b: {  	s8 =	sor.u32 $0x1C30, s0;
	[tilespmem:s3+$0x14400] =	vst v1  }
0x39c: {  	v1 =	vld [tilespmem:s8+$0x14400];
	_ =	sdelay $0x4  }
0x39d: {  	v1 =	vmul.f32 $6.400000000e+01, v1;
	_ =	sdelay $0x1  }
0x39e: {  	s24 =	sor.u32 $0x1C40, s0;
	[tilespmem:s8+$0x14400] =	vst v1  }
0x39f: {  	v1 =	vld [tilespmem:s24+$0x14400];
	_ =	sdelay $0x4  }
0x3a0: {  	v1 =	vmul.f32 $6.400000000e+01, v1;
	_ =	sdelay $0x1  }
0x3a1: {  	s25 =	sor.u32 $0x1C50, s0;
	[tilespmem:s24+$0x14400] =	vst v1  }
0x3a2: {  	v1 =	vld [tilespmem:s25+$0x14400];
	_ =	sdelay $0x4  }
0x3a3: {  	v1 =	vmul.f32 $6.400000000e+01, v1  }
0x3a4: {  	[tilespmem:s31+$0x14400] =	vst v0;
	s3 =	sor.u32 $0x1C60, s26  }
0x3a5: {  	s28 =	sor.u32 $0x1C60, s0;
	v0 =	vld [tilespmem:s3+$0x14400];
	[tilespmem:s25+$0x14400] =	vst v1  }
0x3a6: {  	v1 =	vld [tilespmem:s28+$0x14400];
	_ =	sdelay $0x3  }
0x3a7: {  	v0 =	vmul.f32 $6.400000000e+01, v0  }
0x3a8: {  	v1 =	vmul.f32 $6.400000000e+01, v1  }
0x3a9: {  	s29 =	sor.u32 $0x1C70, s26;
	[tilespmem:s3+$0x14400] =	vst v0  }
0x3aa: {  	s0 =	sor.u32 $0x1C70, s0;
	v0 =	vld [tilespmem:s29+$0x14400];
	[tilespmem:s28+$0x14400] =	vst v1  }
0x3ab: {  	v1 =	vld [tilespmem:s0+$0x14400];
	_ =	sdelay $0x3  }
0x3ac: {  	v0 =	vmul.f32 $6.400000000e+01, v0  }
0x3ad: {  	v1 =	vmul.f32 $6.400000000e+01, v1  }
0x3ae: {  	[tilespmem:s29+$0x14400] =	vst v0  }
0x3af: {  	s24 =	simm.s32 $0x0;
	[tilespmem:s0+$0x14400] =	vst v1  }
0x3b0: {  	v1 =	vld [tilespmem:s24+$0x0];
	_ =	sdelay $0x1  }
0x3b1: {  	s30 =	smul.u32 $0xFFFFFFD8, s23;
	_ =	sdelay $0x1  }
0x3b2: {  	v0 =	vmov s30  }
0x3b3: {  	v1 =	vadd.s32 v0, v1  }
0x3b4: {  	vm0 =	vlt.u32 v1, $0x28  }
0x3b5: {  	v2 =	vmpcnt.ones.xlane vm0;
	_ =	sdelay $0x1  }
0x3b6: {  	v2 =	vxor.u32 $0x80000000, v2  }
0x3b7: {  	(xrf0) =	vmax.scan.msk.u32 $0xffff, v2;
	_ =	sdelay $0x5  }
0x3b8: {  	v2, _, _ =	vpop (xrf0)  }
0x3b9: {  	(v2sf) =	vpush v2, $0xF;
	_ =	sdelay $0xe  }
0x3ba: {  	s31 =	spop (v2sf)  }
0x3bb: {  	p0 =	slt.u32 s31, $0x80000001  }
0x3bc: {  	vm0 =	vgt.s32 @!p0 v1, $0x0  }
0x3bd: {  	v2 =	vmov @!p0 s24;
	v3 =	vlaneseq.u32 @!p0;
	v4 =	vnsel @!p0 vm0, $0x0, v1  }
0x3be: {  	v3 =	vor.u32 @!p0 s24, v3;
	v2 =	vshll.u32 @!p0 v2, $0x3;
	v4 =	vmin.u32 @!p0 v4, $0x27  }
0x3bf: {  	v3 =	vand.u32 @!p0 $0x7F, v3;
	v2 =	vand.u32 @!p0 $0x1C00, v2;
	v5 =	vshll.u32 @!p0 v4, $0xA  }
0x3c0: {  	v4 =	vshll.u32 @!p0 v4, $0x7;
	v2 =	vor.u32 @!p0 v2, v3;
	v3 =	vand.u32 @!p0 $0xE000, v5  }
0x3c1: {  	vm0 =	vlt.u32 @!p0 v1, $0x28;
	v4 =	vand.u32 @!p0 $0x380, v4;
	v1 =	vor.u32 @!p0 v3, v2  }
0x3c2: {  	v1 =	vor.u32 @!p0 v4, v1;
	_ =	sdelay $0x3  }
0x3c3: {  	s26 =	simm.s32 @!p0 $0x14400  }
0x3c4: {  	v2 =	vld.idx.msk @!p0 [tilespmem:v1+s26+$0x0], vm0;
	_ =	sdelay $0x4  }
0x3c5: {  	v2 =	vmul.f32 @!p0 $1.562500000e-02, v2;
	_ =	sdelay $0x1  }
0x3c6: {  	v3 =	vmul.f32 @!p0 v2, v2;
	_ =	sdelay $0x1  }
0x3c7: {  	v3 =	vsub.f32 @!p0 $1.000000000e+00, v3;
	_ =	sdelay $0x1  }
0x3c8: {  	v3 =	vmax.f32 @!p0 v3, $9.999999960e-13  }
0x3c9: {  	v4 =	vshra.s32 @!p0 v3, $0x1  }
0x3ca: {  	v4 =	vadd.s32 @!p0 $0x1FBD1DF5, v4  }
0x3cb: {  	(erf) = vrcp.f32 @!p0 v4;
	_ =	sdelay $0x8  }
0x3cc: {  	v5 =	vpop @!p0 (erf)  }
0x3cd: {  	v5 =	vmul.f32 @!p0 v5, v3;
	_ =	sdelay $0x1  }
0x3ce: {  	v4 =	vadd.f32 @!p0 v4, v5;
	_ =	sdelay $0x1  }
0x3cf: {  	v4 =	vmul.f32 @!p0 $5.000000000e-01, v4;
	_ =	sdelay $0x1  }
0x3d0: {  	(erf) = vrcp.f32 @!p0 v4;
	_ =	sdelay $0x8  }
0x3d1: {  	v5 =	vpop @!p0 (erf)  }
0x3d2: {  	v5 =	vmul.f32 @!p0 v5, v3;
	_ =	sdelay $0x1  }
0x3d3: {  	v4 =	vadd.f32 @!p0 v5, v4;
	_ =	sdelay $0x1  }
0x3d4: {  	v4 =	vmul.f32 @!p0 $5.000000000e-01, v4;
	_ =	sdelay $0x1  }
0x3d5: {  	(erf) = vrcp.f32 @!p0 v4;
	_ =	sdelay $0x8  }
0x3d6: {  	v5 =	vpop @!p0 (erf)  }
0x3d7: {  	v3 =	vmul.f32 @!p0 v5, v3;
	_ =	sdelay $0x1  }
0x3d8: {  	v3 =	vadd.f32 @!p0 v3, v4;
	_ =	sdelay $0x1  }
0x3d9: {  	v3 =	vmul.f32 @!p0 $5.000000000e-01, v3;
	_ =	sdelay $0x1  }
0x3da: {  	v2 =	vmul.f32 @!p0 $8.775825500e-01, v2;
	v3 =	vmul.f32 @!p0 $-4.794255500e-01, v3;
	_ =	sdelay $0x1  }
0x3db: {  	v2 =	vadd.f32 @!p0 v3, v2;
	_ =	sdelay $0x1  }
0x3dc: {  	s25 =	simm.s32 $0x10;
	v2 =	vmul.f32 @!p0 $6.400000000e+01, v2  }
.LBB2_18:
0x3dd: {  	_ = 	snop  }
0x3de: {  	s24 =	sadd.s32 $0x10, s24;
	s0 =	smov.u32 s25;
	s25 =	sadd.s32 $0x10, s25;
	[tilespmem:v1+s26+$0x0] =	vst.idx.msk @!p0 vm0, v2  }
0x3df: {  	p2 =	sne.s32 s25, $0x400;
	v1 =	vld [tilespmem:s24+$0x0];
	_ =	sdelay $0x4  }
0x3e0: {  	v1 =	vadd.s32 v0, v1  }
0x3e1: {  	vm0 =	vlt.u32 v1, $0x28  }
0x3e2: {  	v2 =	vmpcnt.ones.xlane vm0;
	_ =	sdelay $0x1  }
0x3e3: {  	v2 =	vxor.u32 $0x80000000, v2  }
0x3e4: {  	(xrf0) =	vmax.scan.msk.u32 $0xffff, v2;
	_ =	sdelay $0x5  }
0x3e5: {  	v2, _, _ =	vpop (xrf0)  }
0x3e6: {  	(v2sf) =	vpush v2, $0xF;
	_ =	sdelay $0xe  }
0x3e7: {  	s2 =	spop (v2sf)  }
0x3e8: {  	p0 =	slt.u32 s2, $0x80000001  }
0x3e9: {  	v2 =	vmov @!p0 s0;
	v3 =	vlaneseq.u32 @!p0;
	vm0 =	vgt.s32 @!p0 v1, $0x0  }
0x3ea: {  	v3 =	vor.u32 @!p0 s0, v3;
	v4 =	vnsel @!p0 vm0, $0x0, v1;
	v2 =	vshll.u32 @!p0 v2, $0x3  }
0x3eb: {  	v4 =	vmin.u32 @!p0 v4, $0x27;
	v3 =	vand.u32 @!p0 $0x7F, v3;
	v2 =	vand.u32 @!p0 $0x1C00, v2  }
0x3ec: {  	v5 =	vshll.u32 @!p0 v4, $0xA;
	v4 =	vshll.u32 @!p0 v4, $0x7;
	v2 =	vor.u32 @!p0 v2, v3  }
0x3ed: {  	v3 =	vand.u32 @!p0 $0xE000, v5;
	v4 =	vand.u32 @!p0 $0x380, v4  }
0x3ee: {  	vm0 =	vlt.u32 @!p0 v1, $0x28;
	v1 =	vor.u32 @!p0 v3, v2  }
0x3ef: {  	v1 =	vor.u32 @!p0 v4, v1;
	_ =	sdelay $0x3  }
0x3f0: {  	s26 =	simm.s32 @!p0 $0x14400  }
0x3f1: {  	v2 =	vld.idx.msk @!p0 [tilespmem:v1+s26+$0x0], vm0;
	_ =	sdelay $0x5  }
0x3f2: {  	v2 =	vmul.f32 @!p0 $1.562500000e-02, v2;
	_ =	sdelay $0x1  }
0x3f3: {  	v3 =	vmul.f32 @!p0 v2, v2;
	v2 =	vmul.f32 @!p0 $8.775825500e-01, v2;
	_ =	sdelay $0x1  }
0x3f4: {  	v3 =	vsub.f32 @!p0 $1.000000000e+00, v3;
	_ =	sdelay $0x1  }
0x3f5: {  	v3 =	vmax.f32 @!p0 v3, $9.999999960e-13  }
0x3f6: {  	v4 =	vshra.s32 @!p0 v3, $0x1  }
0x3f7: {  	v4 =	vadd.s32 @!p0 $0x1FBD1DF5, v4  }
0x3f8: {  	(erf) = vrcp.f32 @!p0 v4;
	_ =	sdelay $0x8  }
0x3f9: {  	v5 =	vpop @!p0 (erf)  }
0x3fa: {  	v5 =	vmul.f32 @!p0 v5, v3;
	_ =	sdelay $0x1  }
0x3fb: {  	v4 =	vadd.f32 @!p0 v4, v5;
	_ =	sdelay $0x1  }
0x3fc: {  	v4 =	vmul.f32 @!p0 $5.000000000e-01, v4;
	_ =	sdelay $0x1  }
0x3fd: {  	(erf) = vrcp.f32 @!p0 v4;
	_ =	sdelay $0x8  }
0x3fe: {  	v5 =	vpop @!p0 (erf)  }
0x3ff: {  	v5 =	vmul.f32 @!p0 v5, v3;
	_ =	sdelay $0x1  }
0x400: {  	v4 =	vadd.f32 @!p0 v5, v4;
	_ =	sdelay $0x1  }
0x401: {  	v4 =	vmul.f32 @!p0 $5.000000000e-01, v4;
	_ =	sdelay $0x1  }
0x402: {  	(erf) = vrcp.f32 @!p0 v4;
	_ =	sdelay $0x8  }
0x403: {  	v5 =	vpop @!p0 (erf)  }
0x404: {  	v3 =	vmul.f32 @!p0 v5, v3;
	_ =	sdelay $0x1  }
0x405: {  	v3 =	vadd.f32 @!p0 v3, v4;
	_ =	sdelay $0x1  }
0x406: {  	v3 =	vmul.f32 @!p0 $5.000000000e-01, v3;
	_ =	sdelay $0x1  }
.Ltmp12:
0x407: {  	v3 =	vmul.f32 @!p0 $-4.794255500e-01, v3;
	(pc) =	sbr.rel @p2 .LBB2_18-.Ltmp12, $3  }
0x408: {  	_ = 	snop  }
0x409: {  	v2 =	vadd.f32 @!p0 v3, v2;
	_ =	sdelay $0x1  }
0x40a: {  	v2 =	vmul.f32 @!p0 $6.400000000e+01, v2  }
0x40b: {  	_ =	sdelay $0x1  }
.Ltmp13:
0x40c: {  	_ = 	snop;
	(pc) =	sbr.rel .LBB2_20-.Ltmp13, $3  }
0x40d: {  	s0 =	smul.u32 $0x1400, s23;
	_ =	sdelay $0x1  }
0x40e: {  	[tilespmem:v1+s26+$0x0] =	vst.idx.msk @!p0 vm0, v2;
	s0 =	sadd.s32 s4, s0  }
0x40f: {  	[hbm4b:s0+s5] =	stream.linear.scatter [tilespmem:s19], [sflag:$0x6], $0xA000, $0x38;
	[tilespmem:$0x1E400] =	vst v63  }
.LBB2_22:
0x410: {  	_ =	sfence.sel $0x180000  }
0x411: {  	[bflag:$0x0] =	sbarrier.arrive $0xFFFF  }
0x412: {  	_ =	strace $0x90000047  }
0x413: {  	s0 =	stileid.u32;
	[bflag:$0x2] =	sbarrier.arrive $0xFFFF  }
0x414: {  	p0 =	sne.s32 s0, $0x0;
	s0 =	rddreg [dreg:$0x3]  }
0x415: {  	s0 =	sadd.s32 @!p0 $0x100000, s0  }
0x416: {  	[sflag:s0] =	ssyncadd.tile.s32 @!p0 $0x1;
	_ =	shalt  }
.Lfunc_end2:
_tile_overlayer_lowered:
.L_overlay_start_2:
0x417: {  	(tag) =	ssettag $0x2  }
0x418: {  	s0 =	rddreg [dreg:$0x0];
	s2 =	stileid.u32  }
0x419: {  	s1 =	rddreg [dreg:$0x1];
	p0 =	sne.s32 s2, $0x0  }
0x41a: {  	s3 =	rddreg [dreg:$0x2];
	[bflag:$0x3] =	sbarrier.arrive $0xFFFF;
	s2 =	simm.s32 @!p0 $0x1C07  }
0x41b: {  	[timem:s3], [sflag:s2] =	dma.local @!p0 [hbm:s0], s1  }
0x41c: {  	s0 =	simm.s32 @!p0 $0x7  }
0x41d: {  	_ =	swait.ge @!p0 [sflag:s0], s1  }
0x41e: {  	s1 =	ssub.s32 @!p0 $0x0, s1;
	[sflag:s0] =	ssyncset.done @!p0 $0x0  }
0x41f: {  	[sflag:s0] =	ssyncadd.s32 @!p0 s1  }
0x420: {  	[bflag:$0x3] =	sbarrier.arrive $0xFFFF  }
0x421: {  	_ =	shalt  }

</sc_bundles>
